<compile_context>
chip_gen: v7x
topology: tpu7x:2x2x1
jax: 0.10.2.dev20260603
libtpu: 0.0.44.dev20260713+nightly
codegen_flags: <defaults>
</compile_context>

<pallas_src>
import functools

import jax
import jax.numpy as jnp
from jax import lax
from jax.experimental import pallas as pl
from jax.experimental.pallas import tpu as pltpu
from jax.experimental.pallas import tpu_sc as plsc

K = 16
CHUNK = 16384


def _sc_kernel(rows, length, nw):
    chunks_per_row = length // CHUNK
    rows_per_w = rows // nw
    n_chunks = rows_per_w * chunks_per_row
    n_pairs = n_chunks // 2
    win_per_chunk = CHUNK // K
    mesh = plsc.VectorSubcoreMesh(core_axis_name="c", subcore_axis_name="s")

    @functools.partial(
        pl.kernel,
        out_type=jax.ShapeDtypeStruct((rows, length), jnp.float32),
        mesh=mesh,
        scratch_types=[
            pltpu.VMEM((CHUNK,), jnp.float32),
            pltpu.VMEM((CHUNK,), jnp.float32),
            pltpu.VMEM((CHUNK,), jnp.float32),
            pltpu.VMEM((CHUNK,), jnp.float32),
            pltpu.SemaphoreType.DMA,
            pltpu.SemaphoreType.DMA,
            pltpu.SemaphoreType.DMA,
            pltpu.SemaphoreType.DMA,
        ],
    )
    def k(x_hbm, o_hbm, in0, in1, ou0, ou1, si0, si1, so0, so1):
        wid = lax.axis_index("s") * 2 + lax.axis_index("c")
        iota = lax.iota(jnp.int32, K)
        rots = [(iota + s) & (K - 1) for s in (1, 2, 4, 8)]

        def coords(i):
            row = wid * rows_per_w + i // chunks_per_row
            c0 = (i % chunks_per_row) * CHUNK
            return row, c0

        def start_in(i, buf, sem):
            row, c0 = coords(i)
            pltpu.async_copy(x_hbm.at[row, pl.ds(c0, CHUNK)], buf, sem)

        def wait_in(i, buf, sem):
            row, c0 = coords(i)
            pltpu.make_async_copy(
                x_hbm.at[row, pl.ds(c0, CHUNK)], buf, sem).wait()

        def start_out(i, buf, sem):
            row, c0 = coords(i)
            pltpu.async_copy(buf, o_hbm.at[row, pl.ds(c0, CHUNK)], sem)

        def wait_out(i, buf, sem):
            row, c0 = coords(i)
            pltpu.make_async_copy(
                buf, o_hbm.at[row, pl.ds(c0, CHUNK)], sem).wait()

        def compute(src, dst):
            def win_body(w, _):
                v = src[pl.ds(w * K, K)]
                a = jnp.abs(v)
                m = a
                for r in rots:
                    m = jnp.maximum(m, m.at[r].get(mode="promise_in_bounds"))
                ci = jnp.where(a >= m, iota, K)
                for r in rots:
                    ci = jnp.minimum(ci,
                                     ci.at[r].get(mode="promise_in_bounds"))
                dst[pl.ds(w * K, K)] = jnp.where(iota == ci, v, 0.0)
                return 0

            lax.fori_loop(0, win_per_chunk, win_body, 0, unroll=16)

        start_in(0, in0, si0)
        start_in(1, in1, si1)

        def pair_body(p, _):
            for b in (0, 1):
                ib, ob, sib, sob = ((in0, ou0, si0, so0),
                                    (in1, ou1, si1, so1))[b]
                i = 2 * p + b
                wait_in(i, ib, sib)

                @pl.when(p > 0)
                def _():
                    wait_out(i - 2, ob, sob)

                compute(ib, ob)
                start_out(i, ob, sob)

                @pl.when(p < n_pairs - 1)
                def _():
                    start_in(i + 2, ib, sib)
            return 0

        lax.fori_loop(0, n_pairs, pair_body, 0)
        wait_out(n_chunks - 2, ou0, so0)
        wait_out(n_chunks - 1, ou1, so1)

    return k


def kernel(input_):
    b, c, l = input_.shape
    rows = b * c
    info = plsc.get_sparse_core_info()
    nw = info.num_cores * info.num_subcores
    x2 = input_.reshape(rows, l)
    out = _sc_kernel(rows, l, nw)(x2)
    return out.reshape(b, c, l)

# --- scband reference (transcript-rebuilt; emitter-appended) ---
"""Pipeline reference for scband-extrema-pool-indices1-d-74079595922019 (READ-ONLY COPY).

The authoritative reference and input builder live on the scoring server;
editing this copy changes nothing except your own understanding.
"""

import jax, jax.numpy as jnp
import numpy as np

K = 16

def setup_inputs(seed: int = 0) -> dict:
    key = jax.random.key(seed)
    input_ = jax.random.normal(key, (16, 64, 32768), dtype=jnp.float32)
    return {"input_": input_}

def _extrema_pool_indices_1d(x, k):
    # Faithful translation of:
    #   _, idx = F.max_pool1d_with_indices(abs(x), k)   (stride = k by default)
    #   out = zeros_like(x).scatter(-1, idx, x.gather(-1, idx))
    B, C, L = x.shape
    n = L // k
    xr = x[..., : n * k].reshape(B, C, n, k)
    idx_in_window = jnp.argmax(jnp.abs(xr), axis=-1)                 # [B, C, n]
    extrema_indices = idx_in_window + jnp.arange(n, dtype=idx_in_window.dtype) * k  # [B, C, n]
    vals = jnp.take_along_axis(x, extrema_indices, axis=-1)          # gather(-1, idx)
    row_offsets = (jnp.arange(B * C, dtype=extrema_indices.dtype) * L).reshape(B, C, 1)
    flat_idx = (extrema_indices + row_offsets).reshape(-1)
    out = jnp.zeros(B * C * L, dtype=x.dtype).at[flat_idx].set(vals.reshape(-1))
    return out.reshape(B, C, L)

def reference(input_):
    return _extrema_pool_indices_1d(input_, K)

if __name__ == "__main__":
    import jax
    _d = setup_inputs()
    print(jax.jit(kernel)(*tuple(_d.values())))

</pallas_src>

<mosaic_0001>
#map = affine_map<(d0, d1) -> (0, 0)>
module attributes {stable_mosaic.version = 14 : i64} {
  func.func @k(%arg0: i32, %arg1: i32, %arg2: memref<1024x32768xf32, #tpu.memory_space<hbm>>, %arg3: memref<1024x32768xf32, #tpu.memory_space<hbm>>, %arg4: memref<16384xf32, #tpu.memory_space<vmem>>, %arg5: memref<16384xf32, #tpu.memory_space<vmem>>, %arg6: memref<16384xf32, #tpu.memory_space<vmem>>, %arg7: memref<16384xf32, #tpu.memory_space<vmem>>, %arg8: memref<!tpu.dma_semaphore, #tpu.memory_space<semaphore_mem>>, %arg9: memref<!tpu.dma_semaphore, #tpu.memory_space<semaphore_mem>>, %arg10: memref<!tpu.dma_semaphore, #tpu.memory_space<semaphore_mem>>, %arg11: memref<!tpu.dma_semaphore, #tpu.memory_space<semaphore_mem>>) attributes {dimension_semantics = [#tpu.dimension_semantics<core_parallel>, #tpu.dimension_semantics<subcore_parallel>], iteration_bounds = array<i64: 2, 16>, scalar_prefetch = 0 : i64, scratch_operands = 8 : i64, tpu.core_type = #tpu.core_type<sc_vector_subcore>, window_params = [{transform_indices = #map}, {transform_indices = #map}]} {
    %mul3A = arith.constant 2 : i32
    %mul3A_0 = arith.muli %arg1, %mul3A : i32
    %add3A = arith.addi %mul3A_0, %arg0 : i32
    %iota3A = tpu.iota {dimensions = array<i32: 0>} : vector<16xi32>
    %add3A_1 = arith.constant 1 : i32
    %add3A_2 = vector.broadcast %add3A_1 : i32 to vector<16xi32>
    %add3A_3 = arith.addi %iota3A, %add3A_2 : vector<16xi32>
    %and3A = arith.constant 15 : i32
    %and3A_4 = vector.broadcast %and3A : i32 to vector<16xi32>
    %and3A_5 = arith.andi %add3A_3, %and3A_4 : vector<16xi32>
    %add3A_6 = arith.constant 2 : i32
    %add3A_7 = vector.broadcast %add3A_6 : i32 to vector<16xi32>
    %add3A_8 = arith.addi %iota3A, %add3A_7 : vector<16xi32>
    %and3A_9 = arith.constant 15 : i32
    %and3A_10 = vector.broadcast %and3A_9 : i32 to vector<16xi32>
    %and3A_11 = arith.andi %add3A_8, %and3A_10 : vector<16xi32>
    %add3A_12 = arith.constant 4 : i32
    %add3A_13 = vector.broadcast %add3A_12 : i32 to vector<16xi32>
    %add3A_14 = arith.addi %iota3A, %add3A_13 : vector<16xi32>
    %and3A_15 = arith.constant 15 : i32
    %and3A_16 = vector.broadcast %and3A_15 : i32 to vector<16xi32>
    %and3A_17 = arith.andi %add3A_14, %and3A_16 : vector<16xi32>
    %add3A_18 = arith.constant 8 : i32
    %add3A_19 = vector.broadcast %add3A_18 : i32 to vector<16xi32>
    %add3A_20 = arith.addi %iota3A, %add3A_19 : vector<16xi32>
    %and3A_21 = arith.constant 15 : i32
    %and3A_22 = vector.broadcast %and3A_21 : i32 to vector<16xi32>
    %and3A_23 = arith.andi %add3A_20, %and3A_22 : vector<16xi32>
    %mul3A_24 = arith.constant 32 : i32
    %mul3A_25 = arith.muli %add3A, %mul3A_24 : i32
    %add3A_26 = arith.constant 0 : i32
    %add3A_27 = arith.addi %mul3A_25, %add3A_26 : i32
    %dma_start3A = arith.constant 0 : i32
    %dma_start3A_28 = tpu.memref_slice %arg2[%add3A_27, %dma_start3A] : memref<1024x32768xf32, #tpu.memory_space<hbm>> -> memref<1x16384xf32, #tpu.memory_space<hbm>>
    %dma_start3A_29 = tpu.memref_squeeze %dma_start3A_28 : memref<1x16384xf32, #tpu.memory_space<hbm>> -> memref<16384xf32, #tpu.memory_space<hbm>>
    %dma_start3A_30 = arith.constant 0 : i32
    %dma_start3A_31 = tpu.memref_slice %arg2[%add3A_27, %dma_start3A_30] : memref<1024x32768xf32, #tpu.memory_space<hbm>> -> memref<1x16384xf32, #tpu.memory_space<hbm>>
    %dma_start3A_32 = tpu.memref_squeeze %dma_start3A_31 : memref<1x16384xf32, #tpu.memory_space<hbm>> -> memref<16384xf32, #tpu.memory_space<hbm>>
    tpu.enqueue_dma source(%dma_start3A_32 : memref<16384xf32, #tpu.memory_space<hbm>>) target(%arg4 : memref<16384xf32, #tpu.memory_space<vmem>>) target_semaphore(%arg8 : memref<!tpu.dma_semaphore, #tpu.memory_space<semaphore_mem>>)
    %mul3A_33 = arith.constant 32 : i32
    %mul3A_34 = arith.muli %add3A, %mul3A_33 : i32
    %add3A_35 = arith.constant 0 : i32
    %add3A_36 = arith.addi %mul3A_34, %add3A_35 : i32
    %dma_start3A_37 = arith.constant 16384 : i32
    %dma_start3A_38 = tpu.memref_slice %arg2[%add3A_36, %dma_start3A_37] : memref<1024x32768xf32, #tpu.memory_space<hbm>> -> memref<1x16384xf32, #tpu.memory_space<hbm>>
    %dma_start3A_39 = tpu.memref_squeeze %dma_start3A_38 : memref<1x16384xf32, #tpu.memory_space<hbm>> -> memref<16384xf32, #tpu.memory_space<hbm>>
    %dma_start3A_40 = arith.constant 16384 : i32
    %dma_start3A_41 = tpu.memref_slice %arg2[%add3A_36, %dma_start3A_40] : memref<1024x32768xf32, #tpu.memory_space<hbm>> -> memref<1x16384xf32, #tpu.memory_space<hbm>>
    %dma_start3A_42 = tpu.memref_squeeze %dma_start3A_41 : memref<1x16384xf32, #tpu.memory_space<hbm>> -> memref<16384xf32, #tpu.memory_space<hbm>>
    tpu.enqueue_dma source(%dma_start3A_42 : memref<16384xf32, #tpu.memory_space<hbm>>) target(%arg5 : memref<16384xf32, #tpu.memory_space<vmem>>) target_semaphore(%arg9 : memref<!tpu.dma_semaphore, #tpu.memory_space<semaphore_mem>>)
    %scan3A = arith.constant 0 : i32
    %scan3A_43 = arith.constant 0 : i32
    %scan3A_44 = arith.constant 32 : i32
    %scan3A_45 = arith.addi %scan3A_43, %scan3A_44 : i32
    %scan3A_46 = arith.constant 1 : i32
    %scan3A_47 = scf.for %scan3A_68 = %scan3A_43 to %scan3A_45 step %scan3A_46 iter_args(%scan3A_69 = %scan3A) -> (i32)  : i32 {
      %mul3A_70 = arith.constant 2 : i32
      %mul3A_71 = arith.muli %mul3A_70, %scan3A_68 : i32
      %add3A_72 = arith.constant 0 : i32
      %add3A_73 = arith.addi %mul3A_71, %add3A_72 : i32
      %mul3A_74 = arith.constant 32 : i32
      %mul3A_75 = arith.muli %add3A, %mul3A_74 : i32
      %jit3A = arith.constant 2 : i32
      %div3A = arith.divsi %add3A_73, %jit3A : i32
      %sign3A = arith.constant 0 : i32
      %sign3A_76 = arith.cmpi sgt, %add3A_73, %sign3A : i32
      %sign3A_77 = arith.extui %sign3A_76 : i1 to i32
      %sign3A_78 = arith.constant 0 : i32
      %sign3A_79 = arith.cmpi slt, %add3A_73, %sign3A_78 : i32
      %sign3A_80 = arith.extui %sign3A_79 : i1 to i32
      %sign3A_81 = arith.subi %sign3A_77, %sign3A_80 : i32
      %sign3A_82 = arith.constant 0 : i32
      %sign3A_83 = arith.cmpi sgt, %jit3A, %sign3A_82 : i32
      %sign3A_84 = arith.extui %sign3A_83 : i1 to i32
      %sign3A_85 = arith.constant 0 : i32
      %sign3A_86 = arith.cmpi slt, %jit3A, %sign3A_85 : i32
      %sign3A_87 = arith.extui %sign3A_86 : i1 to i32
      %sign3A_88 = arith.subi %sign3A_84, %sign3A_87 : i32
      %ne3A = arith.cmpi ne, %sign3A_81, %sign3A_88 : i32
      %rem3A = arith.remsi %add3A_73, %jit3A : i32
      %ne3A_89 = arith.constant 0 : i32
      %ne3A_90 = arith.cmpi ne, %rem3A, %ne3A_89 : i32
      %and3A_91 = arith.andi %ne3A, %ne3A_90 : i1
      %sub3A = arith.constant 1 : i32
      %sub3A_92 = arith.subi %div3A, %sub3A : i32
      %select_n3A = arith.select %and3A_91, %sub3A_92, %div3A : i32
      %add3A_93 = arith.addi %mul3A_75, %select_n3A : i32
      %jit3A_94 = arith.constant 2 : i32
      %eq3A = arith.constant 0 : i32
      %eq3A_95 = arith.cmpi eq, %jit3A_94, %eq3A : i32
      %jit3A_96 = arith.constant 1 : i32
      %select_n3A_97 = arith.select %eq3A_95, %jit3A_96, %jit3A_94 : i32
      %rem3A_98 = arith.remsi %add3A_73, %select_n3A_97 : i32
      %ne3A_99 = arith.constant 0 : i32
      %ne3A_100 = arith.cmpi ne, %rem3A_98, %ne3A_99 : i32
      %lt3A = arith.constant 0 : i32
      %lt3A_101 = arith.cmpi slt, %rem3A_98, %lt3A : i32
      %lt3A_102 = arith.constant 0 : i32
      %lt3A_103 = arith.cmpi slt, %select_n3A_97, %lt3A_102 : i32
      %ne3A_104 = arith.xori %lt3A_101, %lt3A_103 : i1
      %and3A_105 = arith.andi %ne3A_104, %ne3A_100 : i1
      %add3A_106 = arith.addi %rem3A_98, %select_n3A_97 : i32
      %select_n3A_107 = arith.select %and3A_105, %add3A_106, %rem3A_98 : i32
      %mul3A_108 = arith.constant 16384 : i32
      %mul3A_109 = arith.muli %select_n3A_107, %mul3A_108 : i32
      %dma_wait3A_110 = tpu.memref_slice %arg2[%add3A_93, %mul3A_109] : memref<1024x32768xf32, #tpu.memory_space<hbm>> -> memref<1x16384xf32, #tpu.memory_space<hbm>>
      %dma_wait3A_111 = tpu.memref_squeeze %dma_wait3A_110 : memref<1x16384xf32, #tpu.memory_space<hbm>> -> memref<16384xf32, #tpu.memory_space<hbm>>
      %dma_wait3A_112 = tpu.memref_slice %arg2[%add3A_93, %mul3A_109] : memref<1024x32768xf32, #tpu.memory_space<hbm>> -> memref<1x16384xf32, #tpu.memory_space<hbm>>
      %dma_wait3A_113 = tpu.memref_squeeze %dma_wait3A_112 : memref<1x16384xf32, #tpu.memory_space<hbm>> -> memref<16384xf32, #tpu.memory_space<hbm>>
      tpu.wait_dma2 semaphore(%arg8 : memref<!tpu.dma_semaphore, #tpu.memory_space<semaphore_mem>>) src(%dma_wait3A_113 : memref<16384xf32, #tpu.memory_space<hbm>>) dst(%arg4 : memref<16384xf32, #tpu.memory_space<vmem>>)
      %gt3A = arith.constant 0 : i32
      %gt3A_114 = arith.cmpi sgt, %scan3A_68, %gt3A : i32
      %convert_element_type3A = arith.extui %gt3A_114 : i1 to i32
      %cond3A = arith.constant 0 : i32
      %cond3A_115 = arith.cmpi ne, %convert_element_type3A, %cond3A : i32
      scf.if %cond3A_115 {
        %sub3A_297 = arith.constant 2 : i32
        %sub3A_298 = arith.subi %add3A_73, %sub3A_297 : i32
        %mul3A_299 = arith.constant 32 : i32
        %mul3A_300 = arith.muli %add3A, %mul3A_299 : i32
        %jit3A_301 = arith.constant 2 : i32
        %div3A_302 = arith.divsi %sub3A_298, %jit3A_301 : i32
        %sign3A_303 = arith.constant 0 : i32
        %sign3A_304 = arith.cmpi sgt, %sub3A_298, %sign3A_303 : i32
        %sign3A_305 = arith.extui %sign3A_304 : i1 to i32
        %sign3A_306 = arith.constant 0 : i32
        %sign3A_307 = arith.cmpi slt, %sub3A_298, %sign3A_306 : i32
        %sign3A_308 = arith.extui %sign3A_307 : i1 to i32
        %sign3A_309 = arith.subi %sign3A_305, %sign3A_308 : i32
        %sign3A_310 = arith.constant 0 : i32
        %sign3A_311 = arith.cmpi sgt, %jit3A_301, %sign3A_310 : i32
        %sign3A_312 = arith.extui %sign3A_311 : i1 to i32
        %sign3A_313 = arith.constant 0 : i32
        %sign3A_314 = arith.cmpi slt, %jit3A_301, %sign3A_313 : i32
        %sign3A_315 = arith.extui %sign3A_314 : i1 to i32
        %sign3A_316 = arith.subi %sign3A_312, %sign3A_315 : i32
        %ne3A_317 = arith.cmpi ne, %sign3A_309, %sign3A_316 : i32
        %rem3A_318 = arith.remsi %sub3A_298, %jit3A_301 : i32
        %ne3A_319 = arith.constant 0 : i32
        %ne3A_320 = arith.cmpi ne, %rem3A_318, %ne3A_319 : i32
        %and3A_321 = arith.andi %ne3A_317, %ne3A_320 : i1
        %sub3A_322 = arith.constant 1 : i32
        %sub3A_323 = arith.subi %div3A_302, %sub3A_322 : i32
        %select_n3A_324 = arith.select %and3A_321, %sub3A_323, %div3A_302 : i32
        %add3A_325 = arith.addi %mul3A_300, %select_n3A_324 : i32
        %jit3A_326 = arith.constant 2 : i32
        %eq3A_327 = arith.constant 0 : i32
        %eq3A_328 = arith.cmpi eq, %jit3A_326, %eq3A_327 : i32
        %jit3A_329 = arith.constant 1 : i32
        %select_n3A_330 = arith.select %eq3A_328, %jit3A_329, %jit3A_326 : i32
        %rem3A_331 = arith.remsi %sub3A_298, %select_n3A_330 : i32
        %ne3A_332 = arith.constant 0 : i32
        %ne3A_333 = arith.cmpi ne, %rem3A_331, %ne3A_332 : i32
        %lt3A_334 = arith.constant 0 : i32
        %lt3A_335 = arith.cmpi slt, %rem3A_331, %lt3A_334 : i32
        %lt3A_336 = arith.constant 0 : i32
        %lt3A_337 = arith.cmpi slt, %select_n3A_330, %lt3A_336 : i32
        %ne3A_338 = arith.xori %lt3A_335, %lt3A_337 : i1
        %and3A_339 = arith.andi %ne3A_338, %ne3A_333 : i1
        %add3A_340 = arith.addi %rem3A_331, %select_n3A_330 : i32
        %select_n3A_341 = arith.select %and3A_339, %add3A_340, %rem3A_331 : i32
        %mul3A_342 = arith.constant 16384 : i32
        %mul3A_343 = arith.muli %select_n3A_341, %mul3A_342 : i32
        %dma_wait3A_344 = tpu.memref_slice %arg3[%add3A_325, %mul3A_343] : memref<1024x32768xf32, #tpu.memory_space<hbm>> -> memref<1x16384xf32, #tpu.memory_space<hbm>>
        %dma_wait3A_345 = tpu.memref_squeeze %dma_wait3A_344 : memref<1x16384xf32, #tpu.memory_space<hbm>> -> memref<16384xf32, #tpu.memory_space<hbm>>
        %dma_wait3A_346 = tpu.memref_slice %arg3[%add3A_325, %mul3A_343] : memref<1024x32768xf32, #tpu.memory_space<hbm>> -> memref<1x16384xf32, #tpu.memory_space<hbm>>
        %dma_wait3A_347 = tpu.memref_squeeze %dma_wait3A_346 : memref<1x16384xf32, #tpu.memory_space<hbm>> -> memref<16384xf32, #tpu.memory_space<hbm>>
        tpu.wait_dma2 semaphore(%arg10 : memref<!tpu.dma_semaphore, #tpu.memory_space<semaphore_mem>>) src(%arg6 : memref<16384xf32, #tpu.memory_space<vmem>>) dst(%dma_wait3A_347 : memref<16384xf32, #tpu.memory_space<hbm>>)
      } else {
      }
      %scan3A_116 = arith.constant 0 : i32
      %scan3A_117 = arith.constant 0 : i32
      %scan3A_118 = arith.constant 1024 : i32
      %scan3A_119 = arith.addi %scan3A_117, %scan3A_118 : i32
      %scan3A_120 = arith.constant 16 : i32
      %scan3A_121 = scf.for %scan3A_297 = %scan3A_117 to %scan3A_119 step %scan3A_120 iter_args(%scan3A_298 = %scan3A_116) -> (i32)  : i32 {
        %mul3A_299 = arith.constant 16 : i32
        %mul3A_300 = arith.muli %scan3A_297, %mul3A_299 : i32
        %get3A = arith.index_cast %mul3A_300 : i32 to index
        %get3A_301 = tpu.vector_load %arg4[%get3A] {strides = array<i32>} : memref<16384xf32, #tpu.memory_space<vmem>>, vector<16xf32>,
        %get3A_302 = vector.shape_cast %get3A_301 : vector<16xf32> to vector<16xf32>
        %abs3A = math.absf %get3A_302 : vector<16xf32>
        %lt3A_303 = arith.constant 0 : i32
        %lt3A_304 = vector.broadcast %lt3A_303 : i32 to vector<16xi32>
        %lt3A_305 = arith.cmpi slt, %and3A_5, %lt3A_304 : vector<16xi32>
        %add3A_306 = arith.constant 16 : i32
        %add3A_307 = vector.broadcast %add3A_306 : i32 to vector<16xi32>
        %add3A_308 = arith.addi %and3A_5, %add3A_307 : vector<16xi32>
        %select_n3A_309 = arith.select %lt3A_305, %add3A_308, %and3A_5 : vector<16xi1>, vector<16xi32>
        %broadcast_in_dim3A = vector.shape_cast %select_n3A_309 : vector<16xi32> to vector<16x1xi32>
        %gather3A = vector.shape_cast %broadcast_in_dim3A : vector<16x1xi32> to vector<16xi32>
        %gather3A_310 = tpu.dynamic_gather %abs3A[%gather3A] in [0] : vector<16xf32>, vector<16xi32> -> vector<16xf32>
        %max3A = arith.maximumf %abs3A, %gather3A_310 : vector<16xf32>
        %lt3A_311 = arith.constant 0 : i32
        %lt3A_312 = vector.broadcast %lt3A_311 : i32 to vector<16xi32>
        %lt3A_313 = arith.cmpi slt, %and3A_11, %lt3A_312 : vector<16xi32>
        %add3A_314 = arith.constant 16 : i32
        %add3A_315 = vector.broadcast %add3A_314 : i32 to vector<16xi32>
        %add3A_316 = arith.addi %and3A_11, %add3A_315 : vector<16xi32>
        %select_n3A_317 = arith.select %lt3A_313, %add3A_316, %and3A_11 : vector<16xi1>, vector<16xi32>
        %broadcast_in_dim3A_318 = vector.shape_cast %select_n3A_317 : vector<16xi32> to vector<16x1xi32>
        %gather3A_319 = vector.shape_cast %broadcast_in_dim3A_318 : vector<16x1xi32> to vector<16xi32>
        %gather3A_320 = tpu.dynamic_gather %max3A[%gather3A_319] in [0] : vector<16xf32>, vector<16xi32> -> vector<16xf32>
        %max3A_321 = arith.maximumf %max3A, %gather3A_320 : vector<16xf32>
        %lt3A_322 = arith.constant 0 : i32
        %lt3A_323 = vector.broadcast %lt3A_322 : i32 to vector<16xi32>
        %lt3A_324 = arith.cmpi slt, %and3A_17, %lt3A_323 : vector<16xi32>
        %add3A_325 = arith.constant 16 : i32
        %add3A_326 = vector.broadcast %add3A_325 : i32 to vector<16xi32>
        %add3A_327 = arith.addi %and3A_17, %add3A_326 : vector<16xi32>
        %select_n3A_328 = arith.select %lt3A_324, %add3A_327, %and3A_17 : vector<16xi1>, vector<16xi32>
        %broadcast_in_dim3A_329 = vector.shape_cast %select_n3A_328 : vector<16xi32> to vector<16x1xi32>
        %gather3A_330 = vector.shape_cast %broadcast_in_dim3A_329 : vector<16x1xi32> to vector<16xi32>
        %gather3A_331 = tpu.dynamic_gather %max3A_321[%gather3A_330] in [0] : vector<16xf32>, vector<16xi32> -> vector<16xf32>
        %max3A_332 = arith.maximumf %max3A_321, %gather3A_331 : vector<16xf32>
        %lt3A_333 = arith.constant 0 : i32
        %lt3A_334 = vector.broadcast %lt3A_333 : i32 to vector<16xi32>
        %lt3A_335 = arith.cmpi slt, %and3A_23, %lt3A_334 : vector<16xi32>
        %add3A_336 = arith.constant 16 : i32
        %add3A_337 = vector.broadcast %add3A_336 : i32 to vector<16xi32>
        %add3A_338 = arith.addi %and3A_23, %add3A_337 : vector<16xi32>
        %select_n3A_339 = arith.select %lt3A_335, %add3A_338, %and3A_23 : vector<16xi1>, vector<16xi32>
        %broadcast_in_dim3A_340 = vector.shape_cast %select_n3A_339 : vector<16xi32> to vector<16x1xi32>
        %gather3A_341 = vector.shape_cast %broadcast_in_dim3A_340 : vector<16x1xi32> to vector<16xi32>
        %gather3A_342 = tpu.dynamic_gather %max3A_332[%gather3A_341] in [0] : vector<16xf32>, vector<16xi32> -> vector<16xf32>
        %max3A_343 = arith.maximumf %max3A_332, %gather3A_342 : vector<16xf32>
        %ge3A = arith.cmpf oge, %abs3A, %max3A_343 : vector<16xf32>
        %jit3A_344 = arith.constant 16 : i32
        %broadcast_in_dim3A_345 = vector.broadcast %jit3A_344 : i32 to vector<16xi32>
        %select_n3A_346 = arith.select %ge3A, %iota3A, %broadcast_in_dim3A_345 : vector<16xi1>, vector<16xi32>
        %lt3A_347 = arith.constant 0 : i32
        %lt3A_348 = vector.broadcast %lt3A_347 : i32 to vector<16xi32>
        %lt3A_349 = arith.cmpi slt, %and3A_5, %lt3A_348 : vector<16xi32>
        %add3A_350 = arith.constant 16 : i32
        %add3A_351 = vector.broadcast %add3A_350 : i32 to vector<16xi32>
        %add3A_352 = arith.addi %and3A_5, %add3A_351 : vector<16xi32>
        %select_n3A_353 = arith.select %lt3A_349, %add3A_352, %and3A_5 : vector<16xi1>, vector<16xi32>
        %broadcast_in_dim3A_354 = vector.shape_cast %select_n3A_353 : vector<16xi32> to vector<16x1xi32>
        %gather3A_355 = vector.shape_cast %broadcast_in_dim3A_354 : vector<16x1xi32> to vector<16xi32>
        %gather3A_356 = tpu.dynamic_gather %select_n3A_346[%gather3A_355] in [0] : vector<16xi32>, vector<16xi32> -> vector<16xi32>
        %min3A = arith.minsi %select_n3A_346, %gather3A_356 : vector<16xi32>
        %lt3A_357 = arith.constant 0 : i32
        %lt3A_358 = vector.broadcast %lt3A_357 : i32 to vector<16xi32>
        %lt3A_359 = arith.cmpi slt, %and3A_11, %lt3A_358 : vector<16xi32>
        %add3A_360 = arith.constant 16 : i32
        %add3A_361 = vector.broadcast %add3A_360 : i32 to vector<16xi32>
        %add3A_362 = arith.addi %and3A_11, %add3A_361 : vector<16xi32>
        %select_n3A_363 = arith.select %lt3A_359, %add3A_362, %and3A_11 : vector<16xi1>, vector<16xi32>
        %broadcast_in_dim3A_364 = vector.shape_cast %select_n3A_363 : vector<16xi32> to vector<16x1xi32>
        %gather3A_365 = vector.shape_cast %broadcast_in_dim3A_364 : vector<16x1xi32> to vector<16xi32>
        %gather3A_366 = tpu.dynamic_gather %min3A[%gather3A_365] in [0] : vector<16xi32>, vector<16xi32> -> vector<16xi32>
        %min3A_367 = arith.minsi %min3A, %gather3A_366 : vector<16xi32>
        %lt3A_368 = arith.constant 0 : i32
        %lt3A_369 = vector.broadcast %lt3A_368 : i32 to vector<16xi32>
        %lt3A_370 = arith.cmpi slt, %and3A_17, %lt3A_369 : vector<16xi32>
        %add3A_371 = arith.constant 16 : i32
        %add3A_372 = vector.broadcast %add3A_371 : i32 to vector<16xi32>
        %add3A_373 = arith.addi %and3A_17, %add3A_372 : vector<16xi32>
        %select_n3A_374 = arith.select %lt3A_370, %add3A_373, %and3A_17 : vector<16xi1>, vector<16xi32>
        %broadcast_in_dim3A_375 = vector.shape_cast %select_n3A_374 : vector<16xi32> to vector<16x1xi32>
        %gather3A_376 = vector.shape_cast %broadcast_in_dim3A_375 : vector<16x1xi32> to vector<16xi32>
        %gather3A_377 = tpu.dynamic_gather %min3A_367[%gather3A_376] in [0] : vector<16xi32>, vector<16xi32> -> vector<16xi32>
        %min3A_378 = arith.minsi %min3A_367, %gather3A_377 : vector<16xi32>
        %lt3A_379 = arith.constant 0 : i32
        %lt3A_380 = vector.broadcast %lt3A_379 : i32 to vector<16xi32>
        %lt3A_381 = arith.cmpi slt, %and3A_23, %lt3A_380 : vector<16xi32>
        %add3A_382 = arith.constant 16 : i32
        %add3A_383 = vector.broadcast %add3A_382 : i32 to vector<16xi32>
        %add3A_384 = arith.addi %and3A_23, %add3A_383 : vector<16xi32>
        %select_n3A_385 = arith.select %lt3A_381, %add3A_384, %and3A_23 : vector<16xi1>, vector<16xi32>
        %broadcast_in_dim3A_386 = vector.shape_cast %select_n3A_385 : vector<16xi32> to vector<16x1xi32>
        %gather3A_387 = vector.shape_cast %broadcast_in_dim3A_386 : vector<16x1xi32> to vector<16xi32>
        %gather3A_388 = tpu.dynamic_gather %min3A_378[%gather3A_387] in [0] : vector<16xi32>, vector<16xi32> -> vector<16xi32>
        %min3A_389 = arith.minsi %min3A_378, %gather3A_388 : vector<16xi32>
        %eq3A_390 = arith.cmpi eq, %iota3A, %min3A_389 : vector<16xi32>
        %jit3A_391 = arith.constant 0.000000e+00 : f32
        %broadcast_in_dim3A_392 = vector.broadcast %jit3A_391 : f32 to vector<16xf32>
        %select_n3A_393 = arith.select %eq3A_390, %get3A_302, %broadcast_in_dim3A_392 : vector<16xi1>, vector<16xf32>
        %mul3A_394 = arith.constant 16 : i32
        %mul3A_395 = arith.muli %scan3A_297, %mul3A_394 : i32
        %swap3A = arith.index_cast %mul3A_395 : i32 to index
        %swap3A_396 = tpu.vector_load %arg6[%swap3A] {strides = array<i32>} : memref<16384xf32, #tpu.memory_space<vmem>>, vector<16xf32>,
        %swap3A_397 = vector.shape_cast %swap3A_396 : vector<16xf32> to vector<16xf32>
        %swap3A_398 = vector.shape_cast %select_n3A_393 : vector<16xf32> to vector<16xf32>
        tpu.vector_store %arg6[%swap3A], %swap3A_398 {strides = array<i32>} : memref<16384xf32, #tpu.memory_space<vmem>>, vector<16xf32>,
        %scan3A_399 = arith.constant 0 : i32
        %scan3A_400 = arith.constant 1 : i32
        %scan3A_401 = arith.addi %scan3A_297, %scan3A_400 : i32
        %mul3A_402 = arith.constant 16 : i32
        %mul3A_403 = arith.muli %scan3A_401, %mul3A_402 : i32
        %get3A_404 = arith.index_cast %mul3A_403 : i32 to index
        %get3A_405 = tpu.vector_load %arg4[%get3A_404] {strides = array<i32>} : memref<16384xf32, #tpu.memory_space<vmem>>, vector<16xf32>,
        %get3A_406 = vector.shape_cast %get3A_405 : vector<16xf32> to vector<16xf32>
        %abs3A_407 = math.absf %get3A_406 : vector<16xf32>
        %lt3A_408 = arith.constant 0 : i32
        %lt3A_409 = vector.broadcast %lt3A_408 : i32 to vector<16xi32>
        %lt3A_410 = arith.cmpi slt, %and3A_5, %lt3A_409 : vector<16xi32>
        %add3A_411 = arith.constant 16 : i32
        %add3A_412 = vector.broadcast %add3A_411 : i32 to vector<16xi32>
        %add3A_413 = arith.addi %and3A_5, %add3A_412 : vector<16xi32>
        %select_n3A_414 = arith.select %lt3A_410, %add3A_413, %and3A_5 : vector<16xi1>, vector<16xi32>
        %broadcast_in_dim3A_415 = vector.shape_cast %select_n3A_414 : vector<16xi32> to vector<16x1xi32>
        %gather3A_416 = vector.shape_cast %broadcast_in_dim3A_415 : vector<16x1xi32> to vector<16xi32>
        %gather3A_417 = tpu.dynamic_gather %abs3A_407[%gather3A_416] in [0] : vector<16xf32>, vector<16xi32> -> vector<16xf32>
        %max3A_418 = arith.maximumf %abs3A_407, %gather3A_417 : vector<16xf32>
        %lt3A_419 = arith.constant 0 : i32
        %lt3A_420 = vector.broadcast %lt3A_419 : i32 to vector<16xi32>
        %lt3A_421 = arith.cmpi slt, %and3A_11, %lt3A_420 : vector<16xi32>
        %add3A_422 = arith.constant 16 : i32
        %add3A_423 = vector.broadcast %add3A_422 : i32 to vector<16xi32>
        %add3A_424 = arith.addi %and3A_11, %add3A_423 : vector<16xi32>
        %select_n3A_425 = arith.select %lt3A_421, %add3A_424, %and3A_11 : vector<16xi1>, vector<16xi32>
        %broadcast_in_dim3A_426 = vector.shape_cast %select_n3A_425 : vector<16xi32> to vector<16x1xi32>
        %gather3A_427 = vector.shape_cast %broadcast_in_dim3A_426 : vector<16x1xi32> to vector<16xi32>
        %gather3A_428 = tpu.dynamic_gather %max3A_418[%gather3A_427] in [0] : vector<16xf32>, vector<16xi32> -> vector<16xf32>
        %max3A_429 = arith.maximumf %max3A_418, %gather3A_428 : vector<16xf32>
        %lt3A_430 = arith.constant 0 : i32
        %lt3A_431 = vector.broadcast %lt3A_430 : i32 to vector<16xi32>
        %lt3A_432 = arith.cmpi slt, %and3A_17, %lt3A_431 : vector<16xi32>
        %add3A_433 = arith.constant 16 : i32
        %add3A_434 = vector.broadcast %add3A_433 : i32 to vector<16xi32>
        %add3A_435 = arith.addi %and3A_17, %add3A_434 : vector<16xi32>
        %select_n3A_436 = arith.select %lt3A_432, %add3A_435, %and3A_17 : vector<16xi1>, vector<16xi32>
        %broadcast_in_dim3A_437 = vector.shape_cast %select_n3A_436 : vector<16xi32> to vector<16x1xi32>
        %gather3A_438 = vector.shape_cast %broadcast_in_dim3A_437 : vector<16x1xi32> to vector<16xi32>
        %gather3A_439 = tpu.dynamic_gather %max3A_429[%gather3A_438] in [0] : vector<16xf32>, vector<16xi32> -> vector<16xf32>
        %max3A_440 = arith.maximumf %max3A_429, %gather3A_439 : vector<16xf32>
        %lt3A_441 = arith.constant 0 : i32
        %lt3A_442 = vector.broadcast %lt3A_441 : i32 to vector<16xi32>
        %lt3A_443 = arith.cmpi slt, %and3A_23, %lt3A_442 : vector<16xi32>
        %add3A_444 = arith.constant 16 : i32
        %add3A_445 = vector.broadcast %add3A_444 : i32 to vector<16xi32>
        %add3A_446 = arith.addi %and3A_23, %add3A_445 : vector<16xi32>
        %select_n3A_447 = arith.select %lt3A_443, %add3A_446, %and3A_23 : vector<16xi1>, vector<16xi32>
        %broadcast_in_dim3A_448 = vector.shape_cast %select_n3A_447 : vector<16xi32> to vector<16x1xi32>
        %gather3A_449 = vector.shape_cast %broadcast_in_dim3A_448 : vector<16x1xi32> to vector<16xi32>
        %gather3A_450 = tpu.dynamic_gather %max3A_440[%gather3A_449] in [0] : vector<16xf32>, vector<16xi32> -> vector<16xf32>
        %max3A_451 = arith.maximumf %max3A_440, %gather3A_450 : vector<16xf32>
        %ge3A_452 = arith.cmpf oge, %abs3A_407, %max3A_451 : vector<16xf32>
        %jit3A_453 = arith.constant 16 : i32
        %broadcast_in_dim3A_454 = vector.broadcast %jit3A_453 : i32 to vector<16xi32>
        %select_n3A_455 = arith.select %ge3A_452, %iota3A, %broadcast_in_dim3A_454 : vector<16xi1>, vector<16xi32>
        %lt3A_456 = arith.constant 0 : i32
        %lt3A_457 = vector.broadcast %lt3A_456 : i32 to vector<16xi32>
        %lt3A_458 = arith.cmpi slt, %and3A_5, %lt3A_457 : vector<16xi32>
        %add3A_459 = arith.constant 16 : i32
        %add3A_460 = vector.broadcast %add3A_459 : i32 to vector<16xi32>
        %add3A_461 = arith.addi %and3A_5, %add3A_460 : vector<16xi32>
        %select_n3A_462 = arith.select %lt3A_458, %add3A_461, %and3A_5 : vector<16xi1>, vector<16xi32>
        %broadcast_in_dim3A_463 = vector.shape_cast %select_n3A_462 : vector<16xi32> to vector<16x1xi32>
        %gather3A_464 = vector.shape_cast %broadcast_in_dim3A_463 : vector<16x1xi32> to vector<16xi32>
        %gather3A_465 = tpu.dynamic_gather %select_n3A_455[%gather3A_464] in [0] : vector<16xi32>, vector<16xi32> -> vector<16xi32>
        %min3A_466 = arith.minsi %select_n3A_455, %gather3A_465 : vector<16xi32>
        %lt3A_467 = arith.constant 0 : i32
        %lt3A_468 = vector.broadcast %lt3A_467 : i32 to vector<16xi32>
        %lt3A_469 = arith.cmpi slt, %and3A_11, %lt3A_468 : vector<16xi32>
        %add3A_470 = arith.constant 16 : i32
        %add3A_471 = vector.broadcast %add3A_470 : i32 to vector<16xi32>
        %add3A_472 = arith.addi %and3A_11, %add3A_471 : vector<16xi32>
        %select_n3A_473 = arith.select %lt3A_469, %add3A_472, %and3A_11 : vector<16xi1>, vector<16xi32>
        %broadcast_in_dim3A_474 = vector.shape_cast %select_n3A_473 : vector<16xi32> to vector<16x1xi32>
        %gather3A_475 = vector.shape_cast %broadcast_in_dim3A_474 : vector<16x1xi32> to vector<16xi32>
        %gather3A_476 = tpu.dynamic_gather %min3A_466[%gather3A_475] in [0] : vector<16xi32>, vector<16xi32> -> vector<16xi32>
        %min3A_477 = arith.minsi %min3A_466, %gather3A_476 : vector<16xi32>
        %lt3A_478 = arith.constant 0 : i32
        %lt3A_479 = vector.broadcast %lt3A_478 : i32 to vector<16xi32>
        %lt3A_480 = arith.cmpi slt, %and3A_17, %lt3A_479 : vector<16xi32>
        %add3A_481 = arith.constant 16 : i32
        %add3A_482 = vector.broadcast %add3A_481 : i32 to vector<16xi32>
        %add3A_483 = arith.addi %and3A_17, %add3A_482 : vector<16xi32>
        %select_n3A_484 = arith.select %lt3A_480, %add3A_483, %and3A_17 : vector<16xi1>, vector<16xi32>
        %broadcast_in_dim3A_485 = vector.shape_cast %select_n3A_484 : vector<16xi32> to vector<16x1xi32>
        %gather3A_486 = vector.shape_cast %broadcast_in_dim3A_485 : vector<16x1xi32> to vector<16xi32>
        %gather3A_487 = tpu.dynamic_gather %min3A_477[%gather3A_486] in [0] : vector<16xi32>, vector<16xi32> -> vector<16xi32>
        %min3A_488 = arith.minsi %min3A_477, %gather3A_487 : vector<16xi32>
        %lt3A_489 = arith.constant 0 : i32
        %lt3A_490 = vector.broadcast %lt3A_489 : i32 to vector<16xi32>
        %lt3A_491 = arith.cmpi slt, %and3A_23, %lt3A_490 : vector<16xi32>
        %add3A_492 = arith.constant 16 : i32
        %add3A_493 = vector.broadcast %add3A_492 : i32 to vector<16xi32>
        %add3A_494 = arith.addi %and3A_23, %add3A_493 : vector<16xi32>
        %select_n3A_495 = arith.select %lt3A_491, %add3A_494, %and3A_23 : vector<16xi1>, vector<16xi32>
        %broadcast_in_dim3A_496 = vector.shape_cast %select_n3A_495 : vector<16xi32> to vector<16x1xi32>
        %gather3A_497 = vector.shape_cast %broadcast_in_dim3A_496 : vector<16x1xi32> to vector<16xi32>
        %gather3A_498 = tpu.dynamic_gather %min3A_488[%gather3A_497] in [0] : vector<16xi32>, vector<16xi32> -> vector<16xi32>
        %min3A_499 = arith.minsi %min3A_488, %gather3A_498 : vector<16xi32>
        %eq3A_500 = arith.cmpi eq, %iota3A, %min3A_499 : vector<16xi32>
        %jit3A_501 = arith.constant 0.000000e+00 : f32
        %broadcast_in_dim3A_502 = vector.broadcast %jit3A_501 : f32 to vector<16xf32>
        %select_n3A_503 = arith.select %eq3A_500, %get3A_406, %broadcast_in_dim3A_502 : vector<16xi1>, vector<16xf32>
        %mul3A_504 = arith.constant 16 : i32
        %mul3A_505 = arith.muli %scan3A_401, %mul3A_504 : i32
        %swap3A_506 = arith.index_cast %mul3A_505 : i32 to index
        %swap3A_507 = tpu.vector_load %arg6[%swap3A_506] {strides = array<i32>} : memref<16384xf32, #tpu.memory_space<vmem>>, vector<16xf32>,
        %swap3A_508 = vector.shape_cast %swap3A_507 : vector<16xf32> to vector<16xf32>
        %swap3A_509 = vector.shape_cast %select_n3A_503 : vector<16xf32> to vector<16xf32>
        tpu.vector_store %arg6[%swap3A_506], %swap3A_509 {strides = array<i32>} : memref<16384xf32, #tpu.memory_space<vmem>>, vector<16xf32>,
        %scan3A_510 = arith.constant 0 : i32
        %scan3A_511 = arith.constant 2 : i32
        %scan3A_512 = arith.addi %scan3A_297, %scan3A_511 : i32
        %mul3A_513 = arith.constant 16 : i32
        %mul3A_514 = arith.muli %scan3A_512, %mul3A_513 : i32
        %get3A_515 = arith.index_cast %mul3A_514 : i32 to index
        %get3A_516 = tpu.vector_load %arg4[%get3A_515] {strides = array<i32>} : memref<16384xf32, #tpu.memory_space<vmem>>, vector<16xf32>,
        %get3A_517 = vector.shape_cast %get3A_516 : vector<16xf32> to vector<16xf32>
        %abs3A_518 = math.absf %get3A_517 : vector<16xf32>
        %lt3A_519 = arith.constant 0 : i32
        %lt3A_520 = vector.broadcast %lt3A_519 : i32 to vector<16xi32>
        %lt3A_521 = arith.cmpi slt, %and3A_5, %lt3A_520 : vector<16xi32>
        %add3A_522 = arith.constant 16 : i32
        %add3A_523 = vector.broadcast %add3A_522 : i32 to vector<16xi32>
        %add3A_524 = arith.addi %and3A_5, %add3A_523 : vector<16xi32>
        %select_n3A_525 = arith.select %lt3A_521, %add3A_524, %and3A_5 : vector<16xi1>, vector<16xi32>
        %broadcast_in_dim3A_526 = vector.shape_cast %select_n3A_525 : vector<16xi32> to vector<16x1xi32>
        %gather3A_527 = vector.shape_cast %broadcast_in_dim3A_526 : vector<16x1xi32> to vector<16xi32>
        %gather3A_528 = tpu.dynamic_gather %abs3A_518[%gather3A_527] in [0] : vector<16xf32>, vector<16xi32> -> vector<16xf32>
        %max3A_529 = arith.maximumf %abs3A_518, %gather3A_528 : vector<16xf32>
        %lt3A_530 = arith.constant 0 : i32
        %lt3A_531 = vector.broadcast %lt3A_530 : i32 to vector<16xi32>
        %lt3A_532 = arith.cmpi slt, %and3A_11, %lt3A_531 : vector<16xi32>
        %add3A_533 = arith.constant 16 : i32
        %add3A_534 = vector.broadcast %add3A_533 : i32 to vector<16xi32>
        %add3A_535 = arith.addi %and3A_11, %add3A_534 : vector<16xi32>
        %select_n3A_536 = arith.select %lt3A_532, %add3A_535, %and3A_11 : vector<16xi1>, vector<16xi32>
        %broadcast_in_dim3A_537 = vector.shape_cast %select_n3A_536 : vector<16xi32> to vector<16x1xi32>
        %gather3A_538 = vector.shape_cast %broadcast_in_dim3A_537 : vector<16x1xi32> to vector<16xi32>
        %gather3A_539 = tpu.dynamic_gather %max3A_529[%gather3A_538] in [0] : vector<16xf32>, vector<16xi32> -> vector<16xf32>
        %max3A_540 = arith.maximumf %max3A_529, %gather3A_539 : vector<16xf32>
        %lt3A_541 = arith.constant 0 : i32
        %lt3A_542 = vector.broadcast %lt3A_541 : i32 to vector<16xi32>
        %lt3A_543 = arith.cmpi slt, %and3A_17, %lt3A_542 : vector<16xi32>
        %add3A_544 = arith.constant 16 : i32
        %add3A_545 = vector.broadcast %add3A_544 : i32 to vector<16xi32>
        %add3A_546 = arith.addi %and3A_17, %add3A_545 : vector<16xi32>
        %select_n3A_547 = arith.select %lt3A_543, %add3A_546, %and3A_17 : vector<16xi1>, vector<16xi32>
        %broadcast_in_dim3A_548 = vector.shape_cast %select_n3A_547 : vector<16xi32> to vector<16x1xi32>
        %gather3A_549 = vector.shape_cast %broadcast_in_dim3A_548 : vector<16x1xi32> to vector<16xi32>
        %gather3A_550 = tpu.dynamic_gather %max3A_540[%gather3A_549] in [0] : vector<16xf32>, vector<16xi32> -> vector<16xf32>
        %max3A_551 = arith.maximumf %max3A_540, %gather3A_550 : vector<16xf32>
        %lt3A_552 = arith.constant 0 : i32
        %lt3A_553 = vector.broadcast %lt3A_552 : i32 to vector<16xi32>
        %lt3A_554 = arith.cmpi slt, %and3A_23, %lt3A_553 : vector<16xi32>
        %add3A_555 = arith.constant 16 : i32
        %add3A_556 = vector.broadcast %add3A_555 : i32 to vector<16xi32>
        %add3A_557 = arith.addi %and3A_23, %add3A_556 : vector<16xi32>
        %select_n3A_558 = arith.select %lt3A_554, %add3A_557, %and3A_23 : vector<16xi1>, vector<16xi32>
        %broadcast_in_dim3A_559 = vector.shape_cast %select_n3A_558 : vector<16xi32> to vector<16x1xi32>
        %gather3A_560 = vector.shape_cast %broadcast_in_dim3A_559 : vector<16x1xi32> to vector<16xi32>
        %gather3A_561 = tpu.dynamic_gather %max3A_551[%gather3A_560] in [0] : vector<16xf32>, vector<16xi32> -> vector<16xf32>
        %max3A_562 = arith.maximumf %max3A_551, %gather3A_561 : vector<16xf32>
        %ge3A_563 = arith.cmpf oge, %abs3A_518, %max3A_562 : vector<16xf32>
        %jit3A_564 = arith.constant 16 : i32
        %broadcast_in_dim3A_565 = vector.broadcast %jit3A_564 : i32 to vector<16xi32>
        %select_n3A_566 = arith.select %ge3A_563, %iota3A, %broadcast_in_dim3A_565 : vector<16xi1>, vector<16xi32>
        %lt3A_567 = arith.constant 0 : i32
        %lt3A_568 = vector.broadcast %lt3A_567 : i32 to vector<16xi32>
        %lt3A_569 = arith.cmpi slt, %and3A_5, %lt3A_568 : vector<16xi32>
        %add3A_570 = arith.constant 16 : i32
        %add3A_571 = vector.broadcast %add3A_570 : i32 to vector<16xi32>
        %add3A_572 = arith.addi %and3A_5, %add3A_571 : vector<16xi32>
        %select_n3A_573 = arith.select %lt3A_569, %add3A_572, %and3A_5 : vector<16xi1>, vector<16xi32>
        %broadcast_in_dim3A_574 = vector.shape_cast %select_n3A_573 : vector<16xi32> to vector<16x1xi32>
        %gather3A_575 = vector.shape_cast %broadcast_in_dim3A_574 : vector<16x1xi32> to vector<16xi32>
        %gather3A_576 = tpu.dynamic_gather %select_n3A_566[%gather3A_575] in [0] : vector<16xi32>, vector<16xi32> -> vector<16xi32>
        %min3A_577 = arith.minsi %select_n3A_566, %gather3A_576 : vector<16xi32>
        %lt3A_578 = arith.constant 0 : i32
        %lt3A_579 = vector.broadcast %lt3A_578 : i32 to vector<16xi32>
        %lt3A_580 = arith.cmpi slt, %and3A_11, %lt3A_579 : vector<16xi32>
        %add3A_581 = arith.constant 16 : i32
        %add3A_582 = vector.broadcast %add3A_581 : i32 to vector<16xi32>
        %add3A_583 = arith.addi %and3A_11, %add3A_582 : vector<16xi32>
        %select_n3A_584 = arith.select %lt3A_580, %add3A_583, %and3A_11 : vector<16xi1>, vector<16xi32>
        %broadcast_in_dim3A_585 = vector.shape_cast %select_n3A_584 : vector<16xi32> to vector<16x1xi32>
        %gather3A_586 = vector.shape_cast %broadcast_in_dim3A_585 : vector<16x1xi32> to vector<16xi32>
        %gather3A_587 = tpu.dynamic_gather %min3A_577[%gather3A_586] in [0] : vector<16xi32>, vector<16xi32> -> vector<16xi32>
        %min3A_588 = arith.minsi %min3A_577, %gather3A_587 : vector<16xi32>
        %lt3A_589 = arith.constant 0 : i32
        %lt3A_590 = vector.broadcast %lt3A_589 : i32 to vector<16xi32>
        %lt3A_591 = arith.cmpi slt, %and3A_17, %lt3A_590 : vector<16xi32>
        %add3A_592 = arith.constant 16 : i32
        %add3A_593 = vector.broadcast %add3A_592 : i32 to vector<16xi32>
        %add3A_594 = arith.addi %and3A_17, %add3A_593 : vector<16xi32>
        %select_n3A_595 = arith.select %lt3A_591, %add3A_594, %and3A_17 : vector<16xi1>, vector<16xi32>
        %broadcast_in_dim3A_596 = vector.shape_cast %select_n3A_595 : vector<16xi32> to vector<16x1xi32>
        %gather3A_597 = vector.shape_cast %broadcast_in_dim3A_596 : vector<16x1xi32> to vector<16xi32>
        %gather3A_598 = tpu.dynamic_gather %min3A_588[%gather3A_597] in [0] : vector<16xi32>, vector<16xi32> -> vector<16xi32>
        %min3A_599 = arith.minsi %min3A_588, %gather3A_598 : vector<16xi32>
        %lt3A_600 = arith.constant 0 : i32
        %lt3A_601 = vector.broadcast %lt3A_600 : i32 to vector<16xi32>
        %lt3A_602 = arith.cmpi slt, %and3A_23, %lt3A_601 : vector<16xi32>
        %add3A_603 = arith.constant 16 : i32
        %add3A_604 = vector.broadcast %add3A_603 : i32 to vector<16xi32>
        %add3A_605 = arith.addi %and3A_23, %add3A_604 : vector<16xi32>
        %select_n3A_606 = arith.select %lt3A_602, %add3A_605, %and3A_23 : vector<16xi1>, vector<16xi32>
        %broadcast_in_dim3A_607 = vector.shape_cast %select_n3A_606 : vector<16xi32> to vector<16x1xi32>
        %gather3A_608 = vector.shape_cast %broadcast_in_dim3A_607 : vector<16x1xi32> to vector<16xi32>
        %gather3A_609 = tpu.dynamic_gather %min3A_599[%gather3A_608] in [0] : vector<16xi32>, vector<16xi32> -> vector<16xi32>
        %min3A_610 = arith.minsi %min3A_599, %gather3A_609 : vector<16xi32>
        %eq3A_611 = arith.cmpi eq, %iota3A, %min3A_610 : vector<16xi32>
        %jit3A_612 = arith.constant 0.000000e+00 : f32
        %broadcast_in_dim3A_613 = vector.broadcast %jit3A_612 : f32 to vector<16xf32>
        %select_n3A_614 = arith.select %eq3A_611, %get3A_517, %broadcast_in_dim3A_613 : vector<16xi1>, vector<16xf32>
        %mul3A_615 = arith.constant 16 : i32
        %mul3A_616 = arith.muli %scan3A_512, %mul3A_615 : i32
        %swap3A_617 = arith.index_cast %mul3A_616 : i32 to index
        %swap3A_618 = tpu.vector_load %arg6[%swap3A_617] {strides = array<i32>} : memref<16384xf32, #tpu.memory_space<vmem>>, vector<16xf32>,
        %swap3A_619 = vector.shape_cast %swap3A_618 : vector<16xf32> to vector<16xf32>
        %swap3A_620 = vector.shape_cast %select_n3A_614 : vector<16xf32> to vector<16xf32>
        tpu.vector_store %arg6[%swap3A_617], %swap3A_620 {strides = array<i32>} : memref<16384xf32, #tpu.memory_space<vmem>>, vector<16xf32>,
        %scan3A_621 = arith.constant 0 : i32
        %scan3A_622 = arith.constant 3 : i32
        %scan3A_623 = arith.addi %scan3A_297, %scan3A_622 : i32
        %mul3A_624 = arith.constant 16 : i32
        %mul3A_625 = arith.muli %scan3A_623, %mul3A_624 : i32
        %get3A_626 = arith.index_cast %mul3A_625 : i32 to index
        %get3A_627 = tpu.vector_load %arg4[%get3A_626] {strides = array<i32>} : memref<16384xf32, #tpu.memory_space<vmem>>, vector<16xf32>,
        %get3A_628 = vector.shape_cast %get3A_627 : vector<16xf32> to vector<16xf32>
        %abs3A_629 = math.absf %get3A_628 : vector<16xf32>
        %lt3A_630 = arith.constant 0 : i32
        %lt3A_631 = vector.broadcast %lt3A_630 : i32 to vector<16xi32>
        %lt3A_632 = arith.cmpi slt, %and3A_5, %lt3A_631 : vector<16xi32>
        %add3A_633 = arith.constant 16 : i32
        %add3A_634 = vector.broadcast %add3A_633 : i32 to vector<16xi32>
        %add3A_635 = arith.addi %and3A_5, %add3A_634 : vector<16xi32>
        %select_n3A_636 = arith.select %lt3A_632, %add3A_635, %and3A_5 : vector<16xi1>, vector<16xi32>
        %broadcast_in_dim3A_637 = vector.shape_cast %select_n3A_636 : vector<16xi32> to vector<16x1xi32>
        %gather3A_638 = vector.shape_cast %broadcast_in_dim3A_637 : vector<16x1xi32> to vector<16xi32>
        %gather3A_639 = tpu.dynamic_gather %abs3A_629[%gather3A_638] in [0] : vector<16xf32>, vector<16xi32> -> vector<16xf32>
        %max3A_640 = arith.maximumf %abs3A_629, %gather3A_639 : vector<16xf32>
        %lt3A_641 = arith.constant 0 : i32
        %lt3A_642 = vector.broadcast %lt3A_641 : i32 to vector<16xi32>
        %lt3A_643 = arith.cmpi slt, %and3A_11, %lt3A_642 : vector<16xi32>
        %add3A_644 = arith.constant 16 : i32
        %add3A_645 = vector.broadcast %add3A_644 : i32 to vector<16xi32>
        %add3A_646 = arith.addi %and3A_11, %add3A_645 : vector<16xi32>
        %select_n3A_647 = arith.select %lt3A_643, %add3A_646, %and3A_11 : vector<16xi1>, vector<16xi32>
        %broadcast_in_dim3A_648 = vector.shape_cast %select_n3A_647 : vector<16xi32> to vector<16x1xi32>
        %gather3A_649 = vector.shape_cast %broadcast_in_dim3A_648 : vector<16x1xi32> to vector<16xi32>
        %gather3A_650 = tpu.dynamic_gather %max3A_640[%gather3A_649] in [0] : vector<16xf32>, vector<16xi32> -> vector<16xf32>
        %max3A_651 = arith.maximumf %max3A_640, %gather3A_650 : vector<16xf32>
        %lt3A_652 = arith.constant 0 : i32
        %lt3A_653 = vector.broadcast %lt3A_652 : i32 to vector<16xi32>
        %lt3A_654 = arith.cmpi slt, %and3A_17, %lt3A_653 : vector<16xi32>
        %add3A_655 = arith.constant 16 : i32
        %add3A_656 = vector.broadcast %add3A_655 : i32 to vector<16xi32>
        %add3A_657 = arith.addi %and3A_17, %add3A_656 : vector<16xi32>
        %select_n3A_658 = arith.select %lt3A_654, %add3A_657, %and3A_17 : vector<16xi1>, vector<16xi32>
        %broadcast_in_dim3A_659 = vector.shape_cast %select_n3A_658 : vector<16xi32> to vector<16x1xi32>
        %gather3A_660 = vector.shape_cast %broadcast_in_dim3A_659 : vector<16x1xi32> to vector<16xi32>
        %gather3A_661 = tpu.dynamic_gather %max3A_651[%gather3A_660] in [0] : vector<16xf32>, vector<16xi32> -> vector<16xf32>
        %max3A_662 = arith.maximumf %max3A_651, %gather3A_661 : vector<16xf32>
        %lt3A_663 = arith.constant 0 : i32
        %lt3A_664 = vector.broadcast %lt3A_663 : i32 to vector<16xi32>
        %lt3A_665 = arith.cmpi slt, %and3A_23, %lt3A_664 : vector<16xi32>
        %add3A_666 = arith.constant 16 : i32
        %add3A_667 = vector.broadcast %add3A_666 : i32 to vector<16xi32>
        %add3A_668 = arith.addi %and3A_23, %add3A_667 : vector<16xi32>
        %select_n3A_669 = arith.select %lt3A_665, %add3A_668, %and3A_23 : vector<16xi1>, vector<16xi32>
        %broadcast_in_dim3A_670 = vector.shape_cast %select_n3A_669 : vector<16xi32> to vector<16x1xi32>
        %gather3A_671 = vector.shape_cast %broadcast_in_dim3A_670 : vector<16x1xi32> to vector<16xi32>
        %gather3A_672 = tpu.dynamic_gather %max3A_662[%gather3A_671] in [0] : vector<16xf32>, vector<16xi32> -> vector<16xf32>
        %max3A_673 = arith.maximumf %max3A_662, %gather3A_672 : vector<16xf32>
        %ge3A_674 = arith.cmpf oge, %abs3A_629, %max3A_673 : vector<16xf32>
        %jit3A_675 = arith.constant 16 : i32
        %broadcast_in_dim3A_676 = vector.broadcast %jit3A_675 : i32 to vector<16xi32>
        %select_n3A_677 = arith.select %ge3A_674, %iota3A, %broadcast_in_dim3A_676 : vector<16xi1>, vector<16xi32>
        %lt3A_678 = arith.constant 0 : i32
        %lt3A_679 = vector.broadcast %lt3A_678 : i32 to vector<16xi32>
        %lt3A_680 = arith.cmpi slt, %and3A_5, %lt3A_679 : vector<16xi32>
        %add3A_681 = arith.constant 16 : i32
        %add3A_682 = vector.broadcast %add3A_681 : i32 to vector<16xi32>
        %add3A_683 = arith.addi %and3A_5, %add3A_682 : vector<16xi32>
        %select_n3A_684 = arith.select %lt3A_680, %add3A_683, %and3A_5 : vector<16xi1>, vector<16xi32>
        %broadcast_in_dim3A_685 = vector.shape_cast %select_n3A_684 : vector<16xi32> to vector<16x1xi32>
        %gather3A_686 = vector.shape_cast %broadcast_in_dim3A_685 : vector<16x1xi32> to vector<16xi32>
        %gather3A_687 = tpu.dynamic_gather %select_n3A_677[%gather3A_686] in [0] : vector<16xi32>, vector<16xi32> -> vector<16xi32>
        %min3A_688 = arith.minsi %select_n3A_677, %gather3A_687 : vector<16xi32>
        %lt3A_689 = arith.constant 0 : i32
        %lt3A_690 = vector.broadcast %lt3A_689 : i32 to vector<16xi32>
        %lt3A_691 = arith.cmpi slt, %and3A_11, %lt3A_690 : vector<16xi32>
        %add3A_692 = arith.constant 16 : i32
        %add3A_693 = vector.broadcast %add3A_692 : i32 to vector<16xi32>
        %add3A_694 = arith.addi %and3A_11, %add3A_693 : vector<16xi32>
        %select_n3A_695 = arith.select %lt3A_691, %add3A_694, %and3A_11 : vector<16xi1>, vector<16xi32>
        %broadcast_in_dim3A_696 = vector.shape_cast %select_n3A_695 : vector<16xi32> to vector<16x1xi32>
        %gather3A_697 = vector.shape_cast %broadcast_in_dim3A_696 : vector<16x1xi32> to vector<16xi32>
        %gather3A_698 = tpu.dynamic_gather %min3A_688[%gather3A_697] in [0] : vector<16xi32>, vector<16xi32> -> vector<16xi32>
        %min3A_699 = arith.minsi %min3A_688, %gather3A_698 : vector<16xi32>
        %lt3A_700 = arith.constant 0 : i32
        %lt3A_701 = vector.broadcast %lt3A_700 : i32 to vector<16xi32>
        %lt3A_702 = arith.cmpi slt, %and3A_17, %lt3A_701 : vector<16xi32>
        %add3A_703 = arith.constant 16 : i32
        %add3A_704 = vector.broadcast %add3A_703 : i32 to vector<16xi32>
        %add3A_705 = arith.addi %and3A_17, %add3A_704 : vector<16xi32>
        %select_n3A_706 = arith.select %lt3A_702, %add3A_705, %and3A_17 : vector<16xi1>, vector<16xi32>
        %broadcast_in_dim3A_707 = vector.shape_cast %select_n3A_706 : vector<16xi32> to vector<16x1xi32>
        %gather3A_708 = vector.shape_cast %broadcast_in_dim3A_707 : vector<16x1xi32> to vector<16xi32>
        %gather3A_709 = tpu.dynamic_gather %min3A_699[%gather3A_708] in [0] : vector<16xi32>, vector<16xi32> -> vector<16xi32>
        %min3A_710 = arith.minsi %min3A_699, %gather3A_709 : vector<16xi32>
        %lt3A_711 = arith.constant 0 : i32
        %lt3A_712 = vector.broadcast %lt3A_711 : i32 to vector<16xi32>
        %lt3A_713 = arith.cmpi slt, %and3A_23, %lt3A_712 : vector<16xi32>
        %add3A_714 = arith.constant 16 : i32
        %add3A_715 = vector.broadcast %add3A_714 : i32 to vector<16xi32>
        %add3A_716 = arith.addi %and3A_23, %add3A_715 : vector<16xi32>
        %select_n3A_717 = arith.select %lt3A_713, %add3A_716, %and3A_23 : vector<16xi1>, vector<16xi32>
        %broadcast_in_dim3A_718 = vector.shape_cast %select_n3A_717 : vector<16xi32> to vector<16x1xi32>
        %gather3A_719 = vector.shape_cast %broadcast_in_dim3A_718 : vector<16x1xi32> to vector<16xi32>
        %gather3A_720 = tpu.dynamic_gather %min3A_710[%gather3A_719] in [0] : vector<16xi32>, vector<16xi32> -> vector<16xi32>
        %min3A_721 = arith.minsi %min3A_710, %gather3A_720 : vector<16xi32>
        %eq3A_722 = arith.cmpi eq, %iota3A, %min3A_721 : vector<16xi32>
        %jit3A_723 = arith.constant 0.000000e+00 : f32
        %broadcast_in_dim3A_724 = vector.broadcast %jit3A_723 : f32 to vector<16xf32>
        %select_n3A_725 = arith.select %eq3A_722, %get3A_628, %broadcast_in_dim3A_724 : vector<16xi1>, vector<16xf32>
        %mul3A_726 = arith.constant 16 : i32
        %mul3A_727 = arith.muli %scan3A_623, %mul3A_726 : i32
        %swap3A_728 = arith.index_cast %mul3A_727 : i32 to index
        %swap3A_729 = tpu.vector_load %arg6[%swap3A_728] {strides = array<i32>} : memref<16384xf32, #tpu.memory_space<vmem>>, vector<16xf32>,
        %swap3A_730 = vector.shape_cast %swap3A_729 : vector<16xf32> to vector<16xf32>
        %swap3A_731 = vector.shape_cast %select_n3A_725 : vector<16xf32> to vector<16xf32>
        tpu.vector_store %arg6[%swap3A_728], %swap3A_731 {strides = array<i32>} : memref<16384xf32, #tpu.memory_space<vmem>>, vector<16xf32>,
        %scan3A_732 = arith.constant 0 : i32
        %scan3A_733 = arith.constant 4 : i32
        %scan3A_734 = arith.addi %scan3A_297, %scan3A_733 : i32
        %mul3A_735 = arith.constant 16 : i32
        %mul3A_736 = arith.muli %scan3A_734, %mul3A_735 : i32
        %get3A_737 = arith.index_cast %mul3A_736 : i32 to index
        %get3A_738 = tpu.vector_load %arg4[%get3A_737] {strides = array<i32>} : memref<16384xf32, #tpu.memory_space<vmem>>, vector<16xf32>,
        %get3A_739 = vector.shape_cast %get3A_738 : vector<16xf32> to vector<16xf32>
        %abs3A_740 = math.absf %get3A_739 : vector<16xf32>
        %lt3A_741 = arith.constant 0 : i32
        %lt3A_742 = vector.broadcast %lt3A_741 : i32 to vector<16xi32>
        %lt3A_743 = arith.cmpi slt, %and3A_5, %lt3A_742 : vector<16xi32>
        %add3A_744 = arith.constant 16 : i32
        %add3A_745 = vector.broadcast %add3A_744 : i32 to vector<16xi32>
        %add3A_746 = arith.addi %and3A_5, %add3A_745 : vector<16xi32>
        %select_n3A_747 = arith.select %lt3A_743, %add3A_746, %and3A_5 : vector<16xi1>, vector<16xi32>
        %broadcast_in_dim3A_748 = vector.shape_cast %select_n3A_747 : vector<16xi32> to vector<16x1xi32>
        %gather3A_749 = vector.shape_cast %broadcast_in_dim3A_748 : vector<16x1xi32> to vector<16xi32>
        %gather3A_750 = tpu.dynamic_gather %abs3A_740[%gather3A_749] in [0] : vector<16xf32>, vector<16xi32> -> vector<16xf32>
        %max3A_751 = arith.maximumf %abs3A_740, %gather3A_750 : vector<16xf32>
        %lt3A_752 = arith.constant 0 : i32
        %lt3A_753 = vector.broadcast %lt3A_752 : i32 to vector<16xi32>
        %lt3A_754 = arith.cmpi slt, %and3A_11, %lt3A_753 : vector<16xi32>
        %add3A_755 = arith.constant 16 : i32
        %add3A_756 = vector.broadcast %add3A_755 : i32 to vector<16xi32>
        %add3A_757 = arith.addi %and3A_11, %add3A_756 : vector<16xi32>
        %select_n3A_758 = arith.select %lt3A_754, %add3A_757, %and3A_11 : vector<16xi1>, vector<16xi32>
        %broadcast_in_dim3A_759 = vector.shape_cast %select_n3A_758 : vector<16xi32> to vector<16x1xi32>
        %gather3A_760 = vector.shape_cast %broadcast_in_dim3A_759 : vector<16x1xi32> to vector<16xi32>
        %gather3A_761 = tpu.dynamic_gather %max3A_751[%gather3A_760] in [0] : vector<16xf32>, vector<16xi32> -> vector<16xf32>
        %max3A_762 = arith.maximumf %max3A_751, %gather3A_761 : vector<16xf32>
        %lt3A_763 = arith.constant 0 : i32
        %lt3A_764 = vector.broadcast %lt3A_763 : i32 to vector<16xi32>
        %lt3A_765 = arith.cmpi slt, %and3A_17, %lt3A_764 : vector<16xi32>
        %add3A_766 = arith.constant 16 : i32
        %add3A_767 = vector.broadcast %add3A_766 : i32 to vector<16xi32>
        %add3A_768 = arith.addi %and3A_17, %add3A_767 : vector<16xi32>
        %select_n3A_769 = arith.select %lt3A_765, %add3A_768, %and3A_17 : vector<16xi1>, vector<16xi32>
        %broadcast_in_dim3A_770 = vector.shape_cast %select_n3A_769 : vector<16xi32> to vector<16x1xi32>
        %gather3A_771 = vector.shape_cast %broadcast_in_dim3A_770 : vector<16x1xi32> to vector<16xi32>
        %gather3A_772 = tpu.dynamic_gather %max3A_762[%gather3A_771] in [0] : vector<16xf32>, vector<16xi32> -> vector<16xf32>
        %max3A_773 = arith.maximumf %max3A_762, %gather3A_772 : vector<16xf32>
        %lt3A_774 = arith.constant 0 : i32
        %lt3A_775 = vector.broadcast %lt3A_774 : i32 to vector<16xi32>
        %lt3A_776 = arith.cmpi slt, %and3A_23, %lt3A_775 : vector<16xi32>
        %add3A_777 = arith.constant 16 : i32
        %add3A_778 = vector.broadcast %add3A_777 : i32 to vector<16xi32>
        %add3A_779 = arith.addi %and3A_23, %add3A_778 : vector<16xi32>
        %select_n3A_780 = arith.select %lt3A_776, %add3A_779, %and3A_23 : vector<16xi1>, vector<16xi32>
        %broadcast_in_dim3A_781 = vector.shape_cast %select_n3A_780 : vector<16xi32> to vector<16x1xi32>
        %gather3A_782 = vector.shape_cast %broadcast_in_dim3A_781 : vector<16x1xi32> to vector<16xi32>
        %gather3A_783 = tpu.dynamic_gather %max3A_773[%gather3A_782] in [0] : vector<16xf32>, vector<16xi32> -> vector<16xf32>
        %max3A_784 = arith.maximumf %max3A_773, %gather3A_783 : vector<16xf32>
        %ge3A_785 = arith.cmpf oge, %abs3A_740, %max3A_784 : vector<16xf32>
        %jit3A_786 = arith.constant 16 : i32
        %broadcast_in_dim3A_787 = vector.broadcast %jit3A_786 : i32 to vector<16xi32>
        %select_n3A_788 = arith.select %ge3A_785, %iota3A, %broadcast_in_dim3A_787 : vector<16xi1>, vector<16xi32>
        %lt3A_789 = arith.constant 0 : i32
        %lt3A_790 = vector.broadcast %lt3A_789 : i32 to vector<16xi32>
        %lt3A_791 = arith.cmpi slt, %and3A_5, %lt3A_790 : vector<16xi32>
        %add3A_792 = arith.constant 16 : i32
        %add3A_793 = vector.broadcast %add3A_792 : i32 to vector<16xi32>
        %add3A_794 = arith.addi %and3A_5, %add3A_793 : vector<16xi32>
        %select_n3A_795 = arith.select %lt3A_791, %add3A_794, %and3A_5 : vector<16xi1>, vector<16xi32>
        %broadcast_in_dim3A_796 = vector.shape_cast %select_n3A_795 : vector<16xi32> to vector<16x1xi32>
        %gather3A_797 = vector.shape_cast %broadcast_in_dim3A_796 : vector<16x1xi32> to vector<16xi32>
        %gather3A_798 = tpu.dynamic_gather %select_n3A_788[%gather3A_797] in [0] : vector<16xi32>, vector<16xi32> -> vector<16xi32>
        %min3A_799 = arith.minsi %select_n3A_788, %gather3A_798 : vector<16xi32>
        %lt3A_800 = arith.constant 0 : i32
        %lt3A_801 = vector.broadcast %lt3A_800 : i32 to vector<16xi32>
        %lt3A_802 = arith.cmpi slt, %and3A_11, %lt3A_801 : vector<16xi32>
        %add3A_803 = arith.constant 16 : i32
        %add3A_804 = vector.broadcast %add3A_803 : i32 to vector<16xi32>
        %add3A_805 = arith.addi %and3A_11, %add3A_804 : vector<16xi32>
        %select_n3A_806 = arith.select %lt3A_802, %add3A_805, %and3A_11 : vector<16xi1>, vector<16xi32>
        %broadcast_in_dim3A_807 = vector.shape_cast %select_n3A_806 : vector<16xi32> to vector<16x1xi32>
        %gather3A_808 = vector.shape_cast %broadcast_in_dim3A_807 : vector<16x1xi32> to vector<16xi32>
        %gather3A_809 = tpu.dynamic_gather %min3A_799[%gather3A_808] in [0] : vector<16xi32>, vector<16xi32> -> vector<16xi32>
        %min3A_810 = arith.minsi %min3A_799, %gather3A_809 : vector<16xi32>
        %lt3A_811 = arith.constant 0 : i32
        %lt3A_812 = vector.broadcast %lt3A_811 : i32 to vector<16xi32>
        %lt3A_813 = arith.cmpi slt, %and3A_17, %lt3A_812 : vector<16xi32>
        %add3A_814 = arith.constant 16 : i32
        %add3A_815 = vector.broadcast %add3A_814 : i32 to vector<16xi32>
        %add3A_816 = arith.addi %and3A_17, %add3A_815 : vector<16xi32>
        %select_n3A_817 = arith.select %lt3A_813, %add3A_816, %and3A_17 : vector<16xi1>, vector<16xi32>
        %broadcast_in_dim3A_818 = vector.shape_cast %select_n3A_817 : vector<16xi32> to vector<16x1xi32>
        %gather3A_819 = vector.shape_cast %broadcast_in_dim3A_818 : vector<16x1xi32> to vector<16xi32>
        %gather3A_820 = tpu.dynamic_gather %min3A_810[%gather3A_819] in [0] : vector<16xi32>, vector<16xi32> -> vector<16xi32>
        %min3A_821 = arith.minsi %min3A_810, %gather3A_820 : vector<16xi32>
        %lt3A_822 = arith.constant 0 : i32
        %lt3A_823 = vector.broadcast %lt3A_822 : i32 to vector<16xi32>
        %lt3A_824 = arith.cmpi slt, %and3A_23, %lt3A_823 : vector<16xi32>
        %add3A_825 = arith.constant 16 : i32
        %add3A_826 = vector.broadcast %add3A_825 : i32 to vector<16xi32>
        %add3A_827 = arith.addi %and3A_23, %add3A_826 : vector<16xi32>
        %select_n3A_828 = arith.select %lt3A_824, %add3A_827, %and3A_23 : vector<16xi1>, vector<16xi32>
        %broadcast_in_dim3A_829 = vector.shape_cast %select_n3A_828 : vector<16xi32> to vector<16x1xi32>
        %gather3A_830 = vector.shape_cast %broadcast_in_dim3A_829 : vector<16x1xi32> to vector<16xi32>
        %gather3A_831 = tpu.dynamic_gather %min3A_821[%gather3A_830] in [0] : vector<16xi32>, vector<16xi32> -> vector<16xi32>
        %min3A_832 = arith.minsi %min3A_821, %gather3A_831 : vector<16xi32>
        %eq3A_833 = arith.cmpi eq, %iota3A, %min3A_832 : vector<16xi32>
        %jit3A_834 = arith.constant 0.000000e+00 : f32
        %broadcast_in_dim3A_835 = vector.broadcast %jit3A_834 : f32 to vector<16xf32>
        %select_n3A_836 = arith.select %eq3A_833, %get3A_739, %broadcast_in_dim3A_835 : vector<16xi1>, vector<16xf32>
        %mul3A_837 = arith.constant 16 : i32
        %mul3A_838 = arith.muli %scan3A_734, %mul3A_837 : i32
        %swap3A_839 = arith.index_cast %mul3A_838 : i32 to index
        %swap3A_840 = tpu.vector_load %arg6[%swap3A_839] {strides = array<i32>} : memref<16384xf32, #tpu.memory_space<vmem>>, vector<16xf32>,
        %swap3A_841 = vector.shape_cast %swap3A_840 : vector<16xf32> to vector<16xf32>
        %swap3A_842 = vector.shape_cast %select_n3A_836 : vector<16xf32> to vector<16xf32>
        tpu.vector_store %arg6[%swap3A_839], %swap3A_842 {strides = array<i32>} : memref<16384xf32, #tpu.memory_space<vmem>>, vector<16xf32>,
        %scan3A_843 = arith.constant 0 : i32
        %scan3A_844 = arith.constant 5 : i32
        %scan3A_845 = arith.addi %scan3A_297, %scan3A_844 : i32
        %mul3A_846 = arith.constant 16 : i32
        %mul3A_847 = arith.muli %scan3A_845, %mul3A_846 : i32
        %get3A_848 = arith.index_cast %mul3A_847 : i32 to index
        %get3A_849 = tpu.vector_load %arg4[%get3A_848] {strides = array<i32>} : memref<16384xf32, #tpu.memory_space<vmem>>, vector<16xf32>,
        %get3A_850 = vector.shape_cast %get3A_849 : vector<16xf32> to vector<16xf32>
        %abs3A_851 = math.absf %get3A_850 : vector<16xf32>
        %lt3A_852 = arith.constant 0 : i32
        %lt3A_853 = vector.broadcast %lt3A_852 : i32 to vector<16xi32>
        %lt3A_854 = arith.cmpi slt, %and3A_5, %lt3A_853 : vector<16xi32>
        %add3A_855 = arith.constant 16 : i32
        %add3A_856 = vector.broadcast %add3A_855 : i32 to vector<16xi32>
        %add3A_857 = arith.addi %and3A_5, %add3A_856 : vector<16xi32>
        %select_n3A_858 = arith.select %lt3A_854, %add3A_857, %and3A_5 : vector<16xi1>, vector<16xi32>
        %broadcast_in_dim3A_859 = vector.shape_cast %select_n3A_858 : vector<16xi32> to vector<16x1xi32>
        %gather3A_860 = vector.shape_cast %broadcast_in_dim3A_859 : vector<16x1xi32> to vector<16xi32>
        %gather3A_861 = tpu.dynamic_gather %abs3A_851[%gather3A_860] in [0] : vector<16xf32>, vector<16xi32> -> vector<16xf32>
        %max3A_862 = arith.maximumf %abs3A_851, %gather3A_861 : vector<16xf32>
        %lt3A_863 = arith.constant 0 : i32
        %lt3A_864 = vector.broadcast %lt3A_863 : i32 to vector<16xi32>
        %lt3A_865 = arith.cmpi slt, %and3A_11, %lt3A_864 : vector<16xi32>
        %add3A_866 = arith.constant 16 : i32
        %add3A_867 = vector.broadcast %add3A_866 : i32 to vector<16xi32>
        %add3A_868 = arith.addi %and3A_11, %add3A_867 : vector<16xi32>
        %select_n3A_869 = arith.select %lt3A_865, %add3A_868, %and3A_11 : vector<16xi1>, vector<16xi32>
        %broadcast_in_dim3A_870 = vector.shape_cast %select_n3A_869 : vector<16xi32> to vector<16x1xi32>
        %gather3A_871 = vector.shape_cast %broadcast_in_dim3A_870 : vector<16x1xi32> to vector<16xi32>
        %gather3A_872 = tpu.dynamic_gather %max3A_862[%gather3A_871] in [0] : vector<16xf32>, vector<16xi32> -> vector<16xf32>
        %max3A_873 = arith.maximumf %max3A_862, %gather3A_872 : vector<16xf32>
        %lt3A_874 = arith.constant 0 : i32
        %lt3A_875 = vector.broadcast %lt3A_874 : i32 to vector<16xi32>
        %lt3A_876 = arith.cmpi slt, %and3A_17, %lt3A_875 : vector<16xi32>
        %add3A_877 = arith.constant 16 : i32
        %add3A_878 = vector.broadcast %add3A_877 : i32 to vector<16xi32>
        %add3A_879 = arith.addi %and3A_17, %add3A_878 : vector<16xi32>
        %select_n3A_880 = arith.select %lt3A_876, %add3A_879, %and3A_17 : vector<16xi1>, vector<16xi32>
        %broadcast_in_dim3A_881 = vector.shape_cast %select_n3A_880 : vector<16xi32> to vector<16x1xi32>
        %gather3A_882 = vector.shape_cast %broadcast_in_dim3A_881 : vector<16x1xi32> to vector<16xi32>
        %gather3A_883 = tpu.dynamic_gather %max3A_873[%gather3A_882] in [0] : vector<16xf32>, vector<16xi32> -> vector<16xf32>
        %max3A_884 = arith.maximumf %max3A_873, %gather3A_883 : vector<16xf32>
        %lt3A_885 = arith.constant 0 : i32
        %lt3A_886 = vector.broadcast %lt3A_885 : i32 to vector<16xi32>
        %lt3A_887 = arith.cmpi slt, %and3A_23, %lt3A_886 : vector<16xi32>
        %add3A_888 = arith.constant 16 : i32
        %add3A_889 = vector.broadcast %add3A_888 : i32 to vector<16xi32>
        %add3A_890 = arith.addi %and3A_23, %add3A_889 : vector<16xi32>
        %select_n3A_891 = arith.select %lt3A_887, %add3A_890, %and3A_23 : vector<16xi1>, vector<16xi32>
        %broadcast_in_dim3A_892 = vector.shape_cast %select_n3A_891 : vector<16xi32> to vector<16x1xi32>
        %gather3A_893 = vector.shape_cast %broadcast_in_dim3A_892 : vector<16x1xi32> to vector<16xi32>
        %gather3A_894 = tpu.dynamic_gather %max3A_884[%gather3A_893] in [0] : vector<16xf32>, vector<16xi32> -> vector<16xf32>
        %max3A_895 = arith.maximumf %max3A_884, %gather3A_894 : vector<16xf32>
        %ge3A_896 = arith.cmpf oge, %abs3A_851, %max3A_895 : vector<16xf32>
        %jit3A_897 = arith.constant 16 : i32
        %broadcast_in_dim3A_898 = vector.broadcast %jit3A_897 : i32 to vector<16xi32>
        %select_n3A_899 = arith.select %ge3A_896, %iota3A, %broadcast_in_dim3A_898 : vector<16xi1>, vector<16xi32>
        %lt3A_900 = arith.constant 0 : i32
        %lt3A_901 = vector.broadcast %lt3A_900 : i32 to vector<16xi32>
        %lt3A_902 = arith.cmpi slt, %and3A_5, %lt3A_901 : vector<16xi32>
        %add3A_903 = arith.constant 16 : i32
        %add3A_904 = vector.broadcast %add3A_903 : i32 to vector<16xi32>
        %add3A_905 = arith.addi %and3A_5, %add3A_904 : vector<16xi32>
        %select_n3A_906 = arith.select %lt3A_902, %add3A_905, %and3A_5 : vector<16xi1>, vector<16xi32>
        %broadcast_in_dim3A_907 = vector.shape_cast %select_n3A_906 : vector<16xi32> to vector<16x1xi32>
        %gather3A_908 = vector.shape_cast %broadcast_in_dim3A_907 : vector<16x1xi32> to vector<16xi32>
        %gather3A_909 = tpu.dynamic_gather %select_n3A_899[%gather3A_908] in [0] : vector<16xi32>, vector<16xi32> -> vector<16xi32>
        %min3A_910 = arith.minsi %select_n3A_899, %gather3A_909 : vector<16xi32>
        %lt3A_911 = arith.constant 0 : i32
        %lt3A_912 = vector.broadcast %lt3A_911 : i32 to vector<16xi32>
        %lt3A_913 = arith.cmpi slt, %and3A_11, %lt3A_912 : vector<16xi32>
        %add3A_914 = arith.constant 16 : i32
        %add3A_915 = vector.broadcast %add3A_914 : i32 to vector<16xi32>
        %add3A_916 = arith.addi %and3A_11, %add3A_915 : vector<16xi32>
        %select_n3A_917 = arith.select %lt3A_913, %add3A_916, %and3A_11 : vector<16xi1>, vector<16xi32>
        %broadcast_in_dim3A_918 = vector.shape_cast %select_n3A_917 : vector<16xi32> to vector<16x1xi32>
        %gather3A_919 = vector.shape_cast %broadcast_in_dim3A_918 : vector<16x1xi32> to vector<16xi32>
        %gather3A_920 = tpu.dynamic_gather %min3A_910[%gather3A_919] in [0] : vector<16xi32>, vector<16xi32> -> vector<16xi32>
        %min3A_921 = arith.minsi %min3A_910, %gather3A_920 : vector<16xi32>
        %lt3A_922 = arith.constant 0 : i32
        %lt3A_923 = vector.broadcast %lt3A_922 : i32 to vector<16xi32>
        %lt3A_924 = arith.cmpi slt, %and3A_17, %lt3A_923 : vector<16xi32>
        %add3A_925 = arith.constant 16 : i32
        %add3A_926 = vector.broadcast %add3A_925 : i32 to vector<16xi32>
        %add3A_927 = arith.addi %and3A_17, %add3A_926 : vector<16xi32>
        %select_n3A_928 = arith.select %lt3A_924, %add3A_927, %and3A_17 : vector<16xi1>, vector<16xi32>
        %broadcast_in_dim3A_929 = vector.shape_cast %select_n3A_928 : vector<16xi32> to vector<16x1xi32>
        %gather3A_930 = vector.shape_cast %broadcast_in_dim3A_929 : vector<16x1xi32> to vector<16xi32>
        %gather3A_931 = tpu.dynamic_gather %min3A_921[%gather3A_930] in [0] : vector<16xi32>, vector<16xi32> -> vector<16xi32>
        %min3A_932 = arith.minsi %min3A_921, %gather3A_931 : vector<16xi32>
        %lt3A_933 = arith.constant 0 : i32
        %lt3A_934 = vector.broadcast %lt3A_933 : i32 to vector<16xi32>
        %lt3A_935 = arith.cmpi slt, %and3A_23, %lt3A_934 : vector<16xi32>
        %add3A_936 = arith.constant 16 : i32
        %add3A_937 = vector.broadcast %add3A_936 : i32 to vector<16xi32>
        %add3A_938 = arith.addi %and3A_23, %add3A_937 : vector<16xi32>
        %select_n3A_939 = arith.select %lt3A_935, %add3A_938, %and3A_23 : vector<16xi1>, vector<16xi32>
        %broadcast_in_dim3A_940 = vector.shape_cast %select_n3A_939 : vector<16xi32> to vector<16x1xi32>
        %gather3A_941 = vector.shape_cast %broadcast_in_dim3A_940 : vector<16x1xi32> to vector<16xi32>
        %gather3A_942 = tpu.dynamic_gather %min3A_932[%gather3A_941] in [0] : vector<16xi32>, vector<16xi32> -> vector<16xi32>
        %min3A_943 = arith.minsi %min3A_932, %gather3A_942 : vector<16xi32>
        %eq3A_944 = arith.cmpi eq, %iota3A, %min3A_943 : vector<16xi32>
        %jit3A_945 = arith.constant 0.000000e+00 : f32
        %broadcast_in_dim3A_946 = vector.broadcast %jit3A_945 : f32 to vector<16xf32>
        %select_n3A_947 = arith.select %eq3A_944, %get3A_850, %broadcast_in_dim3A_946 : vector<16xi1>, vector<16xf32>
        %mul3A_948 = arith.constant 16 : i32
        %mul3A_949 = arith.muli %scan3A_845, %mul3A_948 : i32
        %swap3A_950 = arith.index_cast %mul3A_949 : i32 to index
        %swap3A_951 = tpu.vector_load %arg6[%swap3A_950] {strides = array<i32>} : memref<16384xf32, #tpu.memory_space<vmem>>, vector<16xf32>,
        %swap3A_952 = vector.shape_cast %swap3A_951 : vector<16xf32> to vector<16xf32>
        %swap3A_953 = vector.shape_cast %select_n3A_947 : vector<16xf32> to vector<16xf32>
        tpu.vector_store %arg6[%swap3A_950], %swap3A_953 {strides = array<i32>} : memref<16384xf32, #tpu.memory_space<vmem>>, vector<16xf32>,
        %scan3A_954 = arith.constant 0 : i32
        %scan3A_955 = arith.constant 6 : i32
        %scan3A_956 = arith.addi %scan3A_297, %scan3A_955 : i32
        %mul3A_957 = arith.constant 16 : i32
        %mul3A_958 = arith.muli %scan3A_956, %mul3A_957 : i32
        %get3A_959 = arith.index_cast %mul3A_958 : i32 to index
        %get3A_960 = tpu.vector_load %arg4[%get3A_959] {strides = array<i32>} : memref<16384xf32, #tpu.memory_space<vmem>>, vector<16xf32>,
        %get3A_961 = vector.shape_cast %get3A_960 : vector<16xf32> to vector<16xf32>
        %abs3A_962 = math.absf %get3A_961 : vector<16xf32>
        %lt3A_963 = arith.constant 0 : i32
        %lt3A_964 = vector.broadcast %lt3A_963 : i32 to vector<16xi32>
        %lt3A_965 = arith.cmpi slt, %and3A_5, %lt3A_964 : vector<16xi32>
        %add3A_966 = arith.constant 16 : i32
        %add3A_967 = vector.broadcast %add3A_966 : i32 to vector<16xi32>
        %add3A_968 = arith.addi %and3A_5, %add3A_967 : vector<16xi32>
        %select_n3A_969 = arith.select %lt3A_965, %add3A_968, %and3A_5 : vector<16xi1>, vector<16xi32>
        %broadcast_in_dim3A_970 = vector.shape_cast %select_n3A_969 : vector<16xi32> to vector<16x1xi32>
        %gather3A_971 = vector.shape_cast %broadcast_in_dim3A_970 : vector<16x1xi32> to vector<16xi32>
        %gather3A_972 = tpu.dynamic_gather %abs3A_962[%gather3A_971] in [0] : vector<16xf32>, vector<16xi32> -> vector<16xf32>
        %max3A_973 = arith.maximumf %abs3A_962, %gather3A_972 : vector<16xf32>
        %lt3A_974 = arith.constant 0 : i32
        %lt3A_975 = vector.broadcast %lt3A_974 : i32 to vector<16xi32>
        %lt3A_976 = arith.cmpi slt, %and3A_11, %lt3A_975 : vector<16xi32>
        %add3A_977 = arith.constant 16 : i32
        %add3A_978 = vector.broadcast %add3A_977 : i32 to vector<16xi32>
        %add3A_979 = arith.addi %and3A_11, %add3A_978 : vector<16xi32>
        %select_n3A_980 = arith.select %lt3A_976, %add3A_979, %and3A_11 : vector<16xi1>, vector<16xi32>
        %broadcast_in_dim3A_981 = vector.shape_cast %select_n3A_980 : vector<16xi32> to vector<16x1xi32>
        %gather3A_982 = vector.shape_cast %broadcast_in_dim3A_981 : vector<16x1xi32> to vector<16xi32>
        %gather3A_983 = tpu.dynamic_gather %max3A_973[%gather3A_982] in [0] : vector<16xf32>, vector<16xi32> -> vector<16xf32>
        %max3A_984 = arith.maximumf %max3A_973, %gather3A_983 : vector<16xf32>
        %lt3A_985 = arith.constant 0 : i32
        %lt3A_986 = vector.broadcast %lt3A_985 : i32 to vector<16xi32>
        %lt3A_987 = arith.cmpi slt, %and3A_17, %lt3A_986 : vector<16xi32>
        %add3A_988 = arith.constant 16 : i32
        %add3A_989 = vector.broadcast %add3A_988 : i32 to vector<16xi32>
        %add3A_990 = arith.addi %and3A_17, %add3A_989 : vector<16xi32>
        %select_n3A_991 = arith.select %lt3A_987, %add3A_990, %and3A_17 : vector<16xi1>, vector<16xi32>
        %broadcast_in_dim3A_992 = vector.shape_cast %select_n3A_991 : vector<16xi32> to vector<16x1xi32>
        %gather3A_993 = vector.shape_cast %broadcast_in_dim3A_992 : vector<16x1xi32> to vector<16xi32>
        %gather3A_994 = tpu.dynamic_gather %max3A_984[%gather3A_993] in [0] : vector<16xf32>, vector<16xi32> -> vector<16xf32>
        %max3A_995 = arith.maximumf %max3A_984, %gather3A_994 : vector<16xf32>
        %lt3A_996 = arith.constant 0 : i32
        %lt3A_997 = vector.broadcast %lt3A_996 : i32 to vector<16xi32>
        %lt3A_998 = arith.cmpi slt, %and3A_23, %lt3A_997 : vector<16xi32>
        %add3A_999 = arith.constant 16 : i32
        %add3A_1000 = vector.broadcast %add3A_999 : i32 to vector<16xi32>
        %add3A_1001 = arith.addi %and3A_23, %add3A_1000 : vector<16xi32>
        %select_n3A_1002 = arith.select %lt3A_998, %add3A_1001, %and3A_23 : vector<16xi1>, vector<16xi32>
        %broadcast_in_dim3A_1003 = vector.shape_cast %select_n3A_1002 : vector<16xi32> to vector<16x1xi32>
        %gather3A_1004 = vector.shape_cast %broadcast_in_dim3A_1003 : vector<16x1xi32> to vector<16xi32>
        %gather3A_1005 = tpu.dynamic_gather %max3A_995[%gather3A_1004] in [0] : vector<16xf32>, vector<16xi32> -> vector<16xf32>
        %max3A_1006 = arith.maximumf %max3A_995, %gather3A_1005 : vector<16xf32>
        %ge3A_1007 = arith.cmpf oge, %abs3A_962, %max3A_1006 : vector<16xf32>
        %jit3A_1008 = arith.constant 16 : i32
        %broadcast_in_dim3A_1009 = vector.broadcast %jit3A_1008 : i32 to vector<16xi32>
        %select_n3A_1010 = arith.select %ge3A_1007, %iota3A, %broadcast_in_dim3A_1009 : vector<16xi1>, vector<16xi32>
        %lt3A_1011 = arith.constant 0 : i32
        %lt3A_1012 = vector.broadcast %lt3A_1011 : i32 to vector<16xi32>
        %lt3A_1013 = arith.cmpi slt, %and3A_5, %lt3A_1012 : vector<16xi32>
        %add3A_1014 = arith.constant 16 : i32
        %add3A_1015 = vector.broadcast %add3A_1014 : i32 to vector<16xi32>
        %add3A_1016 = arith.addi %and3A_5, %add3A_1015 : vector<16xi32>
        %select_n3A_1017 = arith.select %lt3A_1013, %add3A_1016, %and3A_5 : vector<16xi1>, vector<16xi32>
        %broadcast_in_dim3A_1018 = vector.shape_cast %select_n3A_1017 : vector<16xi32> to vector<16x1xi32>
        %gather3A_1019 = vector.shape_cast %broadcast_in_dim3A_1018 : vector<16x1xi32> to vector<16xi32>
        %gather3A_1020 = tpu.dynamic_gather %select_n3A_1010[%gather3A_1019] in [0] : vector<16xi32>, vector<16xi32> -> vector<16xi32>
        %min3A_1021 = arith.minsi %select_n3A_1010, %gather3A_1020 : vector<16xi32>
        %lt3A_1022 = arith.constant 0 : i32
        %lt3A_1023 = vector.broadcast %lt3A_1022 : i32 to vector<16xi32>
        %lt3A_1024 = arith.cmpi slt, %and3A_11, %lt3A_1023 : vector<16xi32>
        %add3A_1025 = arith.constant 16 : i32
        %add3A_1026 = vector.broadcast %add3A_1025 : i32 to vector<16xi32>
        %add3A_1027 = arith.addi %and3A_11, %add3A_1026 : vector<16xi32>
        %select_n3A_1028 = arith.select %lt3A_1024, %add3A_1027, %and3A_11 : vector<16xi1>, vector<16xi32>
        %broadcast_in_dim3A_1029 = vector.shape_cast %select_n3A_1028 : vector<16xi32> to vector<16x1xi32>
        %gather3A_1030 = vector.shape_cast %broadcast_in_dim3A_1029 : vector<16x1xi32> to vector<16xi32>
        %gather3A_1031 = tpu.dynamic_gather %min3A_1021[%gather3A_1030] in [0] : vector<16xi32>, vector<16xi32> -> vector<16xi32>
        %min3A_1032 = arith.minsi %min3A_1021, %gather3A_1031 : vector<16xi32>
        %lt3A_1033 = arith.constant 0 : i32
        %lt3A_1034 = vector.broadcast %lt3A_1033 : i32 to vector<16xi32>
        %lt3A_1035 = arith.cmpi slt, %and3A_17, %lt3A_1034 : vector<16xi32>
        %add3A_1036 = arith.constant 16 : i32
        %add3A_1037 = vector.broadcast %add3A_1036 : i32 to vector<16xi32>
        %add3A_1038 = arith.addi %and3A_17, %add3A_1037 : vector<16xi32>
        %select_n3A_1039 = arith.select %lt3A_1035, %add3A_1038, %and3A_17 : vector<16xi1>, vector<16xi32>
        %broadcast_in_dim3A_1040 = vector.shape_cast %select_n3A_1039 : vector<16xi32> to vector<16x1xi32>
        %gather3A_1041 = vector.shape_cast %broadcast_in_dim3A_1040 : vector<16x1xi32> to vector<16xi32>
        %gather3A_1042 = tpu.dynamic_gather %min3A_1032[%gather3A_1041] in [0] : vector<16xi32>, vector<16xi32> -> vector<16xi32>
        %min3A_1043 = arith.minsi %min3A_1032, %gather3A_1042 : vector<16xi32>
        %lt3A_1044 = arith.constant 0 : i32
        %lt3A_1045 = vector.broadcast %lt3A_1044 : i32 to vector<16xi32>
        %lt3A_1046 = arith.cmpi slt, %and3A_23, %lt3A_1045 : vector<16xi32>
        %add3A_1047 = arith.constant 16 : i32
        %add3A_1048 = vector.broadcast %add3A_1047 : i32 to vector<16xi32>
        %add3A_1049 = arith.addi %and3A_23, %add3A_1048 : vector<16xi32>
        %select_n3A_1050 = arith.select %lt3A_1046, %add3A_1049, %and3A_23 : vector<16xi1>, vector<16xi32>
        %broadcast_in_dim3A_1051 = vector.shape_cast %select_n3A_1050 : vector<16xi32> to vector<16x1xi32>
        %gather3A_1052 = vector.shape_cast %broadcast_in_dim3A_1051 : vector<16x1xi32> to vector<16xi32>
        %gather3A_1053 = tpu.dynamic_gather %min3A_1043[%gather3A_1052] in [0] : vector<16xi32>, vector<16xi32> -> vector<16xi32>
        %min3A_1054 = arith.minsi %min3A_1043, %gather3A_1053 : vector<16xi32>
        %eq3A_1055 = arith.cmpi eq, %iota3A, %min3A_1054 : vector<16xi32>
        %jit3A_1056 = arith.constant 0.000000e+00 : f32
        %broadcast_in_dim3A_1057 = vector.broadcast %jit3A_1056 : f32 to vector<16xf32>
        %select_n3A_1058 = arith.select %eq3A_1055, %get3A_961, %broadcast_in_dim3A_1057 : vector<16xi1>, vector<16xf32>
        %mul3A_1059 = arith.constant 16 : i32
        %mul3A_1060 = arith.muli %scan3A_956, %mul3A_1059 : i32
        %swap3A_1061 = arith.index_cast %mul3A_1060 : i32 to index
        %swap3A_1062 = tpu.vector_load %arg6[%swap3A_1061] {strides = array<i32>} : memref<16384xf32, #tpu.memory_space<vmem>>, vector<16xf32>,
        %swap3A_1063 = vector.shape_cast %swap3A_1062 : vector<16xf32> to vector<16xf32>
        %swap3A_1064 = vector.shape_cast %select_n3A_1058 : vector<16xf32> to vector<16xf32>
        tpu.vector_store %arg6[%swap3A_1061], %swap3A_1064 {strides = array<i32>} : memref<16384xf32, #tpu.memory_space<vmem>>, vector<16xf32>,
        %scan3A_1065 = arith.constant 0 : i32
        %scan3A_1066 = arith.constant 7 : i32
        %scan3A_1067 = arith.addi %scan3A_297, %scan3A_1066 : i32
        %mul3A_1068 = arith.constant 16 : i32
        %mul3A_1069 = arith.muli %scan3A_1067, %mul3A_1068 : i32
        %get3A_1070 = arith.index_cast %mul3A_1069 : i32 to index
        %get3A_1071 = tpu.vector_load %arg4[%get3A_1070] {strides = array<i32>} : memref<16384xf32, #tpu.memory_space<vmem>>, vector<16xf32>,
        %get3A_1072 = vector.shape_cast %get3A_1071 : vector<16xf32> to vector<16xf32>
        %abs3A_1073 = math.absf %get3A_1072 : vector<16xf32>
        %lt3A_1074 = arith.constant 0 : i32
        %lt3A_1075 = vector.broadcast %lt3A_1074 : i32 to vector<16xi32>
        %lt3A_1076 = arith.cmpi slt, %and3A_5, %lt3A_1075 : vector<16xi32>
        %add3A_1077 = arith.constant 16 : i32
        %add3A_1078 = vector.broadcast %add3A_1077 : i32 to vector<16xi32>
        %add3A_1079 = arith.addi %and3A_5, %add3A_1078 : vector<16xi32>
        %select_n3A_1080 = arith.select %lt3A_1076, %add3A_1079, %and3A_5 : vector<16xi1>, vector<16xi32>
        %broadcast_in_dim3A_1081 = vector.shape_cast %select_n3A_1080 : vector<16xi32> to vector<16x1xi32>
        %gather3A_1082 = vector.shape_cast %broadcast_in_dim3A_1081 : vector<16x1xi32> to vector<16xi32>
        %gather3A_1083 = tpu.dynamic_gather %abs3A_1073[%gather3A_1082] in [0] : vector<16xf32>, vector<16xi32> -> vector<16xf32>
        %max3A_1084 = arith.maximumf %abs3A_1073, %gather3A_1083 : vector<16xf32>
        %lt3A_1085 = arith.constant 0 : i32
        %lt3A_1086 = vector.broadcast %lt3A_1085 : i32 to vector<16xi32>
        %lt3A_1087 = arith.cmpi slt, %and3A_11, %lt3A_1086 : vector<16xi32>
        %add3A_1088 = arith.constant 16 : i32
        %add3A_1089 = vector.broadcast %add3A_1088 : i32 to vector<16xi32>
        %add3A_1090 = arith.addi %and3A_11, %add3A_1089 : vector<16xi32>
        %select_n3A_1091 = arith.select %lt3A_1087, %add3A_1090, %and3A_11 : vector<16xi1>, vector<16xi32>
        %broadcast_in_dim3A_1092 = vector.shape_cast %select_n3A_1091 : vector<16xi32> to vector<16x1xi32>
        %gather3A_1093 = vector.shape_cast %broadcast_in_dim3A_1092 : vector<16x1xi32> to vector<16xi32>
        %gather3A_1094 = tpu.dynamic_gather %max3A_1084[%gather3A_1093] in [0] : vector<16xf32>, vector<16xi32> -> vector<16xf32>
        %max3A_1095 = arith.maximumf %max3A_1084, %gather3A_1094 : vector<16xf32>
        %lt3A_1096 = arith.constant 0 : i32
        %lt3A_1097 = vector.broadcast %lt3A_1096 : i32 to vector<16xi32>
        %lt3A_1098 = arith.cmpi slt, %and3A_17, %lt3A_1097 : vector<16xi32>
        %add3A_1099 = arith.constant 16 : i32
        %add3A_1100 = vector.broadcast %add3A_1099 : i32 to vector<16xi32>
        %add3A_1101 = arith.addi %and3A_17, %add3A_1100 : vector<16xi32>
        %select_n3A_1102 = arith.select %lt3A_1098, %add3A_1101, %and3A_17 : vector<16xi1>, vector<16xi32>
        %broadcast_in_dim3A_1103 = vector.shape_cast %select_n3A_1102 : vector<16xi32> to vector<16x1xi32>
        %gather3A_1104 = vector.shape_cast %broadcast_in_dim3A_1103 : vector<16x1xi32> to vector<16xi32>
        %gather3A_1105 = tpu.dynamic_gather %max3A_1095[%gather3A_1104] in [0] : vector<16xf32>, vector<16xi32> -> vector<16xf32>
        %max3A_1106 = arith.maximumf %max3A_1095, %gather3A_1105 : vector<16xf32>
        %lt3A_1107 = arith.constant 0 : i32
        %lt3A_1108 = vector.broadcast %lt3A_1107 : i32 to vector<16xi32>
        %lt3A_1109 = arith.cmpi slt, %and3A_23, %lt3A_1108 : vector<16xi32>
        %add3A_1110 = arith.constant 16 : i32
        %add3A_1111 = vector.broadcast %add3A_1110 : i32 to vector<16xi32>
        %add3A_1112 = arith.addi %and3A_23, %add3A_1111 : vector<16xi32>
        %select_n3A_1113 = arith.select %lt3A_1109, %add3A_1112, %and3A_23 : vector<16xi1>, vector<16xi32>
        %broadcast_in_dim3A_1114 = vector.shape_cast %select_n3A_1113 : vector<16xi32> to vector<16x1xi32>
        %gather3A_1115 = vector.shape_cast %broadcast_in_dim3A_1114 : vector<16x1xi32> to vector<16xi32>
        %gather3A_1116 = tpu.dynamic_gather %max3A_1106[%gather3A_1115] in [0] : vector<16xf32>, vector<16xi32> -> vector<16xf32>
        %max3A_1117 = arith.maximumf %max3A_1106, %gather3A_1116 : vector<16xf32>
        %ge3A_1118 = arith.cmpf oge, %abs3A_1073, %max3A_1117 : vector<16xf32>
        %jit3A_1119 = arith.constant 16 : i32
        %broadcast_in_dim3A_1120 = vector.broadcast %jit3A_1119 : i32 to vector<16xi32>
        %select_n3A_1121 = arith.select %ge3A_1118, %iota3A, %broadcast_in_dim3A_1120 : vector<16xi1>, vector<16xi32>
        %lt3A_1122 = arith.constant 0 : i32
        %lt3A_1123 = vector.broadcast %lt3A_1122 : i32 to vector<16xi32>
        %lt3A_1124 = arith.cmpi slt, %and3A_5, %lt3A_1123 : vector<16xi32>
        %add3A_1125 = arith.constant 16 : i32
        %add3A_1126 = vector.broadcast %add3A_1125 : i32 to vector<16xi32>
        %add3A_1127 = arith.addi %and3A_5, %add3A_1126 : vector<16xi32>
        %select_n3A_1128 = arith.select %lt3A_1124, %add3A_1127, %and3A_5 : vector<16xi1>, vector<16xi32>
        %broadcast_in_dim3A_1129 = vector.shape_cast %select_n3A_1128 : vector<16xi32> to vector<16x1xi32>
        %gather3A_1130 = vector.shape_cast %broadcast_in_dim3A_1129 : vector<16x1xi32> to vector<16xi32>
        %gather3A_1131 = tpu.dynamic_gather %select_n3A_1121[%gather3A_1130] in [0] : vector<16xi32>, vector<16xi32> -> vector<16xi32>
        %min3A_1132 = arith.minsi %select_n3A_1121, %gather3A_1131 : vector<16xi32>
        %lt3A_1133 = arith.constant 0 : i32
        %lt3A_1134 = vector.broadcast %lt3A_1133 : i32 to vector<16xi32>
        %lt3A_1135 = arith.cmpi slt, %and3A_11, %lt3A_1134 : vector<16xi32>
        %add3A_1136 = arith.constant 16 : i32
        %add3A_1137 = vector.broadcast %add3A_1136 : i32 to vector<16xi32>
        %add3A_1138 = arith.addi %and3A_11, %add3A_1137 : vector<16xi32>
        %select_n3A_1139 = arith.select %lt3A_1135, %add3A_1138, %and3A_11 : vector<16xi1>, vector<16xi32>
        %broadcast_in_dim3A_1140 = vector.shape_cast %select_n3A_1139 : vector<16xi32> to vector<16x1xi32>
        %gather3A_1141 = vector.shape_cast %broadcast_in_dim3A_1140 : vector<16x1xi32> to vector<16xi32>
        %gather3A_1142 = tpu.dynamic_gather %min3A_1132[%gather3A_1141] in [0] : vector<16xi32>, vector<16xi32> -> vector<16xi32>
        %min3A_1143 = arith.minsi %min3A_1132, %gather3A_1142 : vector<16xi32>
        %lt3A_1144 = arith.constant 0 : i32
        %lt3A_1145 = vector.broadcast %lt3A_1144 : i32 to vector<16xi32>
        %lt3A_1146 = arith.cmpi slt, %and3A_17, %lt3A_1145 : vector<16xi32>
        %add3A_1147 = arith.constant 16 : i32
        %add3A_1148 = vector.broadcast %add3A_1147 : i32 to vector<16xi32>
        %add3A_1149 = arith.addi %and3A_17, %add3A_1148 : vector<16xi32>
        %select_n3A_1150 = arith.select %lt3A_1146, %add3A_1149, %and3A_17 : vector<16xi1>, vector<16xi32>
        %broadcast_in_dim3A_1151 = vector.shape_cast %select_n3A_1150 : vector<16xi32> to vector<16x1xi32>
        %gather3A_1152 = vector.shape_cast %broadcast_in_dim3A_1151 : vector<16x1xi32> to vector<16xi32>
        %gather3A_1153 = tpu.dynamic_gather %min3A_1143[%gather3A_1152] in [0] : vector<16xi32>, vector<16xi32> -> vector<16xi32>
        %min3A_1154 = arith.minsi %min3A_1143, %gather3A_1153 : vector<16xi32>
        %lt3A_1155 = arith.constant 0 : i32
        %lt3A_1156 = vector.broadcast %lt3A_1155 : i32 to vector<16xi32>
        %lt3A_1157 = arith.cmpi slt, %and3A_23, %lt3A_1156 : vector<16xi32>
        %add3A_1158 = arith.constant 16 : i32
        %add3A_1159 = vector.broadcast %add3A_1158 : i32 to vector<16xi32>
        %add3A_1160 = arith.addi %and3A_23, %add3A_1159 : vector<16xi32>
        %select_n3A_1161 = arith.select %lt3A_1157, %add3A_1160, %and3A_23 : vector<16xi1>, vector<16xi32>
        %broadcast_in_dim3A_1162 = vector.shape_cast %select_n3A_1161 : vector<16xi32> to vector<16x1xi32>
        %gather3A_1163 = vector.shape_cast %broadcast_in_dim3A_1162 : vector<16x1xi32> to vector<16xi32>
        %gather3A_1164 = tpu.dynamic_gather %min3A_1154[%gather3A_1163] in [0] : vector<16xi32>, vector<16xi32> -> vector<16xi32>
        %min3A_1165 = arith.minsi %min3A_1154, %gather3A_1164 : vector<16xi32>
        %eq3A_1166 = arith.cmpi eq, %iota3A, %min3A_1165 : vector<16xi32>
        %jit3A_1167 = arith.constant 0.000000e+00 : f32
        %broadcast_in_dim3A_1168 = vector.broadcast %jit3A_1167 : f32 to vector<16xf32>
        %select_n3A_1169 = arith.select %eq3A_1166, %get3A_1072, %broadcast_in_dim3A_1168 : vector<16xi1>, vector<16xf32>
        %mul3A_1170 = arith.constant 16 : i32
        %mul3A_1171 = arith.muli %scan3A_1067, %mul3A_1170 : i32
        %swap3A_1172 = arith.index_cast %mul3A_1171 : i32 to index
        %swap3A_1173 = tpu.vector_load %arg6[%swap3A_1172] {strides = array<i32>} : memref<16384xf32, #tpu.memory_space<vmem>>, vector<16xf32>,
        %swap3A_1174 = vector.shape_cast %swap3A_1173 : vector<16xf32> to vector<16xf32>
        %swap3A_1175 = vector.shape_cast %select_n3A_1169 : vector<16xf32> to vector<16xf32>
        tpu.vector_store %arg6[%swap3A_1172], %swap3A_1175 {strides = array<i32>} : memref<16384xf32, #tpu.memory_space<vmem>>, vector<16xf32>,
        %scan3A_1176 = arith.constant 0 : i32
        %scan3A_1177 = arith.constant 8 : i32
        %scan3A_1178 = arith.addi %scan3A_297, %scan3A_1177 : i32
        %mul3A_1179 = arith.constant 16 : i32
        %mul3A_1180 = arith.muli %scan3A_1178, %mul3A_1179 : i32
        %get3A_1181 = arith.index_cast %mul3A_1180 : i32 to index
        %get3A_1182 = tpu.vector_load %arg4[%get3A_1181] {strides = array<i32>} : memref<16384xf32, #tpu.memory_space<vmem>>, vector<16xf32>,
        %get3A_1183 = vector.shape_cast %get3A_1182 : vector<16xf32> to vector<16xf32>
        %abs3A_1184 = math.absf %get3A_1183 : vector<16xf32>
        %lt3A_1185 = arith.constant 0 : i32
        %lt3A_1186 = vector.broadcast %lt3A_1185 : i32 to vector<16xi32>
        %lt3A_1187 = arith.cmpi slt, %and3A_5, %lt3A_1186 : vector<16xi32>
        %add3A_1188 = arith.constant 16 : i32
        %add3A_1189 = vector.broadcast %add3A_1188 : i32 to vector<16xi32>
        %add3A_1190 = arith.addi %and3A_5, %add3A_1189 : vector<16xi32>
        %select_n3A_1191 = arith.select %lt3A_1187, %add3A_1190, %and3A_5 : vector<16xi1>, vector<16xi32>
        %broadcast_in_dim3A_1192 = vector.shape_cast %select_n3A_1191 : vector<16xi32> to vector<16x1xi32>
        %gather3A_1193 = vector.shape_cast %broadcast_in_dim3A_1192 : vector<16x1xi32> to vector<16xi32>
        %gather3A_1194 = tpu.dynamic_gather %abs3A_1184[%gather3A_1193] in [0] : vector<16xf32>, vector<16xi32> -> vector<16xf32>
        %max3A_1195 = arith.maximumf %abs3A_1184, %gather3A_1194 : vector<16xf32>
        %lt3A_1196 = arith.constant 0 : i32
        %lt3A_1197 = vector.broadcast %lt3A_1196 : i32 to vector<16xi32>
        %lt3A_1198 = arith.cmpi slt, %and3A_11, %lt3A_1197 : vector<16xi32>
        %add3A_1199 = arith.constant 16 : i32
        %add3A_1200 = vector.broadcast %add3A_1199 : i32 to vector<16xi32>
        %add3A_1201 = arith.addi %and3A_11, %add3A_1200 : vector<16xi32>
        %select_n3A_1202 = arith.select %lt3A_1198, %add3A_1201, %and3A_11 : vector<16xi1>, vector<16xi32>
        %broadcast_in_dim3A_1203 = vector.shape_cast %select_n3A_1202 : vector<16xi32> to vector<16x1xi32>
        %gather3A_1204 = vector.shape_cast %broadcast_in_dim3A_1203 : vector<16x1xi32> to vector<16xi32>
        %gather3A_1205 = tpu.dynamic_gather %max3A_1195[%gather3A_1204] in [0] : vector<16xf32>, vector<16xi32> -> vector<16xf32>
        %max3A_1206 = arith.maximumf %max3A_1195, %gather3A_1205 : vector<16xf32>
        %lt3A_1207 = arith.constant 0 : i32
        %lt3A_1208 = vector.broadcast %lt3A_1207 : i32 to vector<16xi32>
        %lt3A_1209 = arith.cmpi slt, %and3A_17, %lt3A_1208 : vector<16xi32>
        %add3A_1210 = arith.constant 16 : i32
        %add3A_1211 = vector.broadcast %add3A_1210 : i32 to vector<16xi32>
        %add3A_1212 = arith.addi %and3A_17, %add3A_1211 : vector<16xi32>
        %select_n3A_1213 = arith.select %lt3A_1209, %add3A_1212, %and3A_17 : vector<16xi1>, vector<16xi32>
        %broadcast_in_dim3A_1214 = vector.shape_cast %select_n3A_1213 : vector<16xi32> to vector<16x1xi32>
        %gather3A_1215 = vector.shape_cast %broadcast_in_dim3A_1214 : vector<16x1xi32> to vector<16xi32>
        %gather3A_1216 = tpu.dynamic_gather %max3A_1206[%gather3A_1215] in [0] : vector<16xf32>, vector<16xi32> -> vector<16xf32>
        %max3A_1217 = arith.maximumf %max3A_1206, %gather3A_1216 : vector<16xf32>
        %lt3A_1218 = arith.constant 0 : i32
        %lt3A_1219 = vector.broadcast %lt3A_1218 : i32 to vector<16xi32>
        %lt3A_1220 = arith.cmpi slt, %and3A_23, %lt3A_1219 : vector<16xi32>
        %add3A_1221 = arith.constant 16 : i32
        %add3A_1222 = vector.broadcast %add3A_1221 : i32 to vector<16xi32>
        %add3A_1223 = arith.addi %and3A_23, %add3A_1222 : vector<16xi32>
        %select_n3A_1224 = arith.select %lt3A_1220, %add3A_1223, %and3A_23 : vector<16xi1>, vector<16xi32>
        %broadcast_in_dim3A_1225 = vector.shape_cast %select_n3A_1224 : vector<16xi32> to vector<16x1xi32>
        %gather3A_1226 = vector.shape_cast %broadcast_in_dim3A_1225 : vector<16x1xi32> to vector<16xi32>
        %gather3A_1227 = tpu.dynamic_gather %max3A_1217[%gather3A_1226] in [0] : vector<16xf32>, vector<16xi32> -> vector<16xf32>
        %max3A_1228 = arith.maximumf %max3A_1217, %gather3A_1227 : vector<16xf32>
        %ge3A_1229 = arith.cmpf oge, %abs3A_1184, %max3A_1228 : vector<16xf32>
        %jit3A_1230 = arith.constant 16 : i32
        %broadcast_in_dim3A_1231 = vector.broadcast %jit3A_1230 : i32 to vector<16xi32>
        %select_n3A_1232 = arith.select %ge3A_1229, %iota3A, %broadcast_in_dim3A_1231 : vector<16xi1>, vector<16xi32>
        %lt3A_1233 = arith.constant 0 : i32
        %lt3A_1234 = vector.broadcast %lt3A_1233 : i32 to vector<16xi32>
        %lt3A_1235 = arith.cmpi slt, %and3A_5, %lt3A_1234 : vector<16xi32>
        %add3A_1236 = arith.constant 16 : i32
        %add3A_1237 = vector.broadcast %add3A_1236 : i32 to vector<16xi32>
        %add3A_1238 = arith.addi %and3A_5, %add3A_1237 : vector<16xi32>
        %select_n3A_1239 = arith.select %lt3A_1235, %add3A_1238, %and3A_5 : vector<16xi1>, vector<16xi32>
        %broadcast_in_dim3A_1240 = vector.shape_cast %select_n3A_1239 : vector<16xi32> to vector<16x1xi32>
        %gather3A_1241 = vector.shape_cast %broadcast_in_dim3A_1240 : vector<16x1xi32> to vector<16xi32>
        %gather3A_1242 = tpu.dynamic_gather %select_n3A_1232[%gather3A_1241] in [0] : vector<16xi32>, vector<16xi32> -> vector<16xi32>
        %min3A_1243 = arith.minsi %select_n3A_1232, %gather3A_1242 : vector<16xi32>
        %lt3A_1244 = arith.constant 0 : i32
        %lt3A_1245 = vector.broadcast %lt3A_1244 : i32 to vector<16xi32>
        %lt3A_1246 = arith.cmpi slt, %and3A_11, %lt3A_1245 : vector<16xi32>
        %add3A_1247 = arith.constant 16 : i32
        %add3A_1248 = vector.broadcast %add3A_1247 : i32 to vector<16xi32>
        %add3A_1249 = arith.addi %and3A_11, %add3A_1248 : vector<16xi32>
        %select_n3A_1250 = arith.select %lt3A_1246, %add3A_1249, %and3A_11 : vector<16xi1>, vector<16xi32>
        %broadcast_in_dim3A_1251 = vector.shape_cast %select_n3A_1250 : vector<16xi32> to vector<16x1xi32>
        %gather3A_1252 = vector.shape_cast %broadcast_in_dim3A_1251 : vector<16x1xi32> to vector<16xi32>
        %gather3A_1253 = tpu.dynamic_gather %min3A_1243[%gather3A_1252] in [0] : vector<16xi32>, vector<16xi32> -> vector<16xi32>
        %min3A_1254 = arith.minsi %min3A_1243, %gather3A_1253 : vector<16xi32>
        %lt3A_1255 = arith.constant 0 : i32
        %lt3A_1256 = vector.broadcast %lt3A_1255 : i32 to vector<16xi32>
        %lt3A_1257 = arith.cmpi slt, %and3A_17, %lt3A_1256 : vector<16xi32>
        %add3A_1258 = arith.constant 16 : i32
        %add3A_1259 = vector.broadcast %add3A_1258 : i32 to vector<16xi32>
        %add3A_1260 = arith.addi %and3A_17, %add3A_1259 : vector<16xi32>
        %select_n3A_1261 = arith.select %lt3A_1257, %add3A_1260, %and3A_17 : vector<16xi1>, vector<16xi32>
        %broadcast_in_dim3A_1262 = vector.shape_cast %select_n3A_1261 : vector<16xi32> to vector<16x1xi32>
        %gather3A_1263 = vector.shape_cast %broadcast_in_dim3A_1262 : vector<16x1xi32> to vector<16xi32>
        %gather3A_1264 = tpu.dynamic_gather %min3A_1254[%gather3A_1263] in [0] : vector<16xi32>, vector<16xi32> -> vector<16xi32>
        %min3A_1265 = arith.minsi %min3A_1254, %gather3A_1264 : vector<16xi32>
        %lt3A_1266 = arith.constant 0 : i32
        %lt3A_1267 = vector.broadcast %lt3A_1266 : i32 to vector<16xi32>
        %lt3A_1268 = arith.cmpi slt, %and3A_23, %lt3A_1267 : vector<16xi32>
        %add3A_1269 = arith.constant 16 : i32
        %add3A_1270 = vector.broadcast %add3A_1269 : i32 to vector<16xi32>
        %add3A_1271 = arith.addi %and3A_23, %add3A_1270 : vector<16xi32>
        %select_n3A_1272 = arith.select %lt3A_1268, %add3A_1271, %and3A_23 : vector<16xi1>, vector<16xi32>
        %broadcast_in_dim3A_1273 = vector.shape_cast %select_n3A_1272 : vector<16xi32> to vector<16x1xi32>
        %gather3A_1274 = vector.shape_cast %broadcast_in_dim3A_1273 : vector<16x1xi32> to vector<16xi32>
        %gather3A_1275 = tpu.dynamic_gather %min3A_1265[%gather3A_1274] in [0] : vector<16xi32>, vector<16xi32> -> vector<16xi32>
        %min3A_1276 = arith.minsi %min3A_1265, %gather3A_1275 : vector<16xi32>
        %eq3A_1277 = arith.cmpi eq, %iota3A, %min3A_1276 : vector<16xi32>
        %jit3A_1278 = arith.constant 0.000000e+00 : f32
        %broadcast_in_dim3A_1279 = vector.broadcast %jit3A_1278 : f32 to vector<16xf32>
        %select_n3A_1280 = arith.select %eq3A_1277, %get3A_1183, %broadcast_in_dim3A_1279 : vector<16xi1>, vector<16xf32>
        %mul3A_1281 = arith.constant 16 : i32
        %mul3A_1282 = arith.muli %scan3A_1178, %mul3A_1281 : i32
        %swap3A_1283 = arith.index_cast %mul3A_1282 : i32 to index
        %swap3A_1284 = tpu.vector_load %arg6[%swap3A_1283] {strides = array<i32>} : memref<16384xf32, #tpu.memory_space<vmem>>, vector<16xf32>,
        %swap3A_1285 = vector.shape_cast %swap3A_1284 : vector<16xf32> to vector<16xf32>
        %swap3A_1286 = vector.shape_cast %select_n3A_1280 : vector<16xf32> to vector<16xf32>
        tpu.vector_store %arg6[%swap3A_1283], %swap3A_1286 {strides = array<i32>} : memref<16384xf32, #tpu.memory_space<vmem>>, vector<16xf32>,
        %scan3A_1287 = arith.constant 0 : i32
        %scan3A_1288 = arith.constant 9 : i32
        %scan3A_1289 = arith.addi %scan3A_297, %scan3A_1288 : i32
        %mul3A_1290 = arith.constant 16 : i32
        %mul3A_1291 = arith.muli %scan3A_1289, %mul3A_1290 : i32
        %get3A_1292 = arith.index_cast %mul3A_1291 : i32 to index
        %get3A_1293 = tpu.vector_load %arg4[%get3A_1292] {strides = array<i32>} : memref<16384xf32, #tpu.memory_space<vmem>>, vector<16xf32>,
        %get3A_1294 = vector.shape_cast %get3A_1293 : vector<16xf32> to vector<16xf32>
        %abs3A_1295 = math.absf %get3A_1294 : vector<16xf32>
        %lt3A_1296 = arith.constant 0 : i32
        %lt3A_1297 = vector.broadcast %lt3A_1296 : i32 to vector<16xi32>
        %lt3A_1298 = arith.cmpi slt, %and3A_5, %lt3A_1297 : vector<16xi32>
        %add3A_1299 = arith.constant 16 : i32
        %add3A_1300 = vector.broadcast %add3A_1299 : i32 to vector<16xi32>
        %add3A_1301 = arith.addi %and3A_5, %add3A_1300 : vector<16xi32>
        %select_n3A_1302 = arith.select %lt3A_1298, %add3A_1301, %and3A_5 : vector<16xi1>, vector<16xi32>
        %broadcast_in_dim3A_1303 = vector.shape_cast %select_n3A_1302 : vector<16xi32> to vector<16x1xi32>
        %gather3A_1304 = vector.shape_cast %broadcast_in_dim3A_1303 : vector<16x1xi32> to vector<16xi32>
        %gather3A_1305 = tpu.dynamic_gather %abs3A_1295[%gather3A_1304] in [0] : vector<16xf32>, vector<16xi32> -> vector<16xf32>
        %max3A_1306 = arith.maximumf %abs3A_1295, %gather3A_1305 : vector<16xf32>
        %lt3A_1307 = arith.constant 0 : i32
        %lt3A_1308 = vector.broadcast %lt3A_1307 : i32 to vector<16xi32>
        %lt3A_1309 = arith.cmpi slt, %and3A_11, %lt3A_1308 : vector<16xi32>
        %add3A_1310 = arith.constant 16 : i32
        %add3A_1311 = vector.broadcast %add3A_1310 : i32 to vector<16xi32>
        %add3A_1312 = arith.addi %and3A_11, %add3A_1311 : vector<16xi32>
        %select_n3A_1313 = arith.select %lt3A_1309, %add3A_1312, %and3A_11 : vector<16xi1>, vector<16xi32>
        %broadcast_in_dim3A_1314 = vector.shape_cast %select_n3A_1313 : vector<16xi32> to vector<16x1xi32>
        %gather3A_1315 = vector.shape_cast %broadcast_in_dim3A_1314 : vector<16x1xi32> to vector<16xi32>
        %gather3A_1316 = tpu.dynamic_gather %max3A_1306[%gather3A_1315] in [0] : vector<16xf32>, vector<16xi32> -> vector<16xf32>
        %max3A_1317 = arith.maximumf %max3A_1306, %gather3A_1316 : vector<16xf32>
        %lt3A_1318 = arith.constant 0 : i32
        %lt3A_1319 = vector.broadcast %lt3A_1318 : i32 to vector<16xi32>
        %lt3A_1320 = arith.cmpi slt, %and3A_17, %lt3A_1319 : vector<16xi32>
        %add3A_1321 = arith.constant 16 : i32
        %add3A_1322 = vector.broadcast %add3A_1321 : i32 to vector<16xi32>
        %add3A_1323 = arith.addi %and3A_17, %add3A_1322 : vector<16xi32>
        %select_n3A_1324 = arith.select %lt3A_1320, %add3A_1323, %and3A_17 : vector<16xi1>, vector<16xi32>
        %broadcast_in_dim3A_1325 = vector.shape_cast %select_n3A_1324 : vector<16xi32> to vector<16x1xi32>
        %gather3A_1326 = vector.shape_cast %broadcast_in_dim3A_1325 : vector<16x1xi32> to vector<16xi32>
        %gather3A_1327 = tpu.dynamic_gather %max3A_1317[%gather3A_1326] in [0] : vector<16xf32>, vector<16xi32> -> vector<16xf32>
        %max3A_1328 = arith.maximumf %max3A_1317, %gather3A_1327 : vector<16xf32>
        %lt3A_1329 = arith.constant 0 : i32
        %lt3A_1330 = vector.broadcast %lt3A_1329 : i32 to vector<16xi32>
        %lt3A_1331 = arith.cmpi slt, %and3A_23, %lt3A_1330 : vector<16xi32>
        %add3A_1332 = arith.constant 16 : i32
        %add3A_1333 = vector.broadcast %add3A_1332 : i32 to vector<16xi32>
        %add3A_1334 = arith.addi %and3A_23, %add3A_1333 : vector<16xi32>
        %select_n3A_1335 = arith.select %lt3A_1331, %add3A_1334, %and3A_23 : vector<16xi1>, vector<16xi32>
        %broadcast_in_dim3A_1336 = vector.shape_cast %select_n3A_1335 : vector<16xi32> to vector<16x1xi32>
        %gather3A_1337 = vector.shape_cast %broadcast_in_dim3A_1336 : vector<16x1xi32> to vector<16xi32>
        %gather3A_1338 = tpu.dynamic_gather %max3A_1328[%gather3A_1337] in [0] : vector<16xf32>, vector<16xi32> -> vector<16xf32>
        %max3A_1339 = arith.maximumf %max3A_1328, %gather3A_1338 : vector<16xf32>
        %ge3A_1340 = arith.cmpf oge, %abs3A_1295, %max3A_1339 : vector<16xf32>
        %jit3A_1341 = arith.constant 16 : i32
        %broadcast_in_dim3A_1342 = vector.broadcast %jit3A_1341 : i32 to vector<16xi32>
        %select_n3A_1343 = arith.select %ge3A_1340, %iota3A, %broadcast_in_dim3A_1342 : vector<16xi1>, vector<16xi32>
        %lt3A_1344 = arith.constant 0 : i32
        %lt3A_1345 = vector.broadcast %lt3A_1344 : i32 to vector<16xi32>
        %lt3A_1346 = arith.cmpi slt, %and3A_5, %lt3A_1345 : vector<16xi32>
        %add3A_1347 = arith.constant 16 : i32
        %add3A_1348 = vector.broadcast %add3A_1347 : i32 to vector<16xi32>
        %add3A_1349 = arith.addi %and3A_5, %add3A_1348 : vector<16xi32>
        %select_n3A_1350 = arith.select %lt3A_1346, %add3A_1349, %and3A_5 : vector<16xi1>, vector<16xi32>
        %broadcast_in_dim3A_1351 = vector.shape_cast %select_n3A_1350 : vector<16xi32> to vector<16x1xi32>
        %gather3A_1352 = vector.shape_cast %broadcast_in_dim3A_1351 : vector<16x1xi32> to vector<16xi32>
        %gather3A_1353 = tpu.dynamic_gather %select_n3A_1343[%gather3A_1352] in [0] : vector<16xi32>, vector<16xi32> -> vector<16xi32>
        %min3A_1354 = arith.minsi %select_n3A_1343, %gather3A_1353 : vector<16xi32>
        %lt3A_1355 = arith.constant 0 : i32
        %lt3A_1356 = vector.broadcast %lt3A_1355 : i32 to vector<16xi32>
        %lt3A_1357 = arith.cmpi slt, %and3A_11, %lt3A_1356 : vector<16xi32>
        %add3A_1358 = arith.constant 16 : i32
        %add3A_1359 = vector.broadcast %add3A_1358 : i32 to vector<16xi32>
        %add3A_1360 = arith.addi %and3A_11, %add3A_1359 : vector<16xi32>
        %select_n3A_1361 = arith.select %lt3A_1357, %add3A_1360, %and3A_11 : vector<16xi1>, vector<16xi32>
        %broadcast_in_dim3A_1362 = vector.shape_cast %select_n3A_1361 : vector<16xi32> to vector<16x1xi32>
        %gather3A_1363 = vector.shape_cast %broadcast_in_dim3A_1362 : vector<16x1xi32> to vector<16xi32>
        %gather3A_1364 = tpu.dynamic_gather %min3A_1354[%gather3A_1363] in [0] : vector<16xi32>, vector<16xi32> -> vector<16xi32>
        %min3A_1365 = arith.minsi %min3A_1354, %gather3A_1364 : vector<16xi32>
        %lt3A_1366 = arith.constant 0 : i32
        %lt3A_1367 = vector.broadcast %lt3A_1366 : i32 to vector<16xi32>
        %lt3A_1368 = arith.cmpi slt, %and3A_17, %lt3A_1367 : vector<16xi32>
        %add3A_1369 = arith.constant 16 : i32
        %add3A_1370 = vector.broadcast %add3A_1369 : i32 to vector<16xi32>
        %add3A_1371 = arith.addi %and3A_17, %add3A_1370 : vector<16xi32>
        %select_n3A_1372 = arith.select %lt3A_1368, %add3A_1371, %and3A_17 : vector<16xi1>, vector<16xi32>
        %broadcast_in_dim3A_1373 = vector.shape_cast %select_n3A_1372 : vector<16xi32> to vector<16x1xi32>
        %gather3A_1374 = vector.shape_cast %broadcast_in_dim3A_1373 : vector<16x1xi32> to vector<16xi32>
        %gather3A_1375 = tpu.dynamic_gather %min3A_1365[%gather3A_1374] in [0] : vector<16xi32>, vector<16xi32> -> vector<16xi32>
        %min3A_1376 = arith.minsi %min3A_1365, %gather3A_1375 : vector<16xi32>
        %lt3A_1377 = arith.constant 0 : i32
        %lt3A_1378 = vector.broadcast %lt3A_1377 : i32 to vector<16xi32>
        %lt3A_1379 = arith.cmpi slt, %and3A_23, %lt3A_1378 : vector<16xi32>
        %add3A_1380 = arith.constant 16 : i32
        %add3A_1381 = vector.broadcast %add3A_1380 : i32 to vector<16xi32>
        %add3A_1382 = arith.addi %and3A_23, %add3A_1381 : vector<16xi32>
        %select_n3A_1383 = arith.select %lt3A_1379, %add3A_1382, %and3A_23 : vector<16xi1>, vector<16xi32>
        %broadcast_in_dim3A_1384 = vector.shape_cast %select_n3A_1383 : vector<16xi32> to vector<16x1xi32>
        %gather3A_1385 = vector.shape_cast %broadcast_in_dim3A_1384 : vector<16x1xi32> to vector<16xi32>
        %gather3A_1386 = tpu.dynamic_gather %min3A_1376[%gather3A_1385] in [0] : vector<16xi32>, vector<16xi32> -> vector<16xi32>
        %min3A_1387 = arith.minsi %min3A_1376, %gather3A_1386 : vector<16xi32>
        %eq3A_1388 = arith.cmpi eq, %iota3A, %min3A_1387 : vector<16xi32>
        %jit3A_1389 = arith.constant 0.000000e+00 : f32
        %broadcast_in_dim3A_1390 = vector.broadcast %jit3A_1389 : f32 to vector<16xf32>
        %select_n3A_1391 = arith.select %eq3A_1388, %get3A_1294, %broadcast_in_dim3A_1390 : vector<16xi1>, vector<16xf32>
        %mul3A_1392 = arith.constant 16 : i32
        %mul3A_1393 = arith.muli %scan3A_1289, %mul3A_1392 : i32
        %swap3A_1394 = arith.index_cast %mul3A_1393 : i32 to index
        %swap3A_1395 = tpu.vector_load %arg6[%swap3A_1394] {strides = array<i32>} : memref<16384xf32, #tpu.memory_space<vmem>>, vector<16xf32>,
        %swap3A_1396 = vector.shape_cast %swap3A_1395 : vector<16xf32> to vector<16xf32>
        %swap3A_1397 = vector.shape_cast %select_n3A_1391 : vector<16xf32> to vector<16xf32>
        tpu.vector_store %arg6[%swap3A_1394], %swap3A_1397 {strides = array<i32>} : memref<16384xf32, #tpu.memory_space<vmem>>, vector<16xf32>,
        %scan3A_1398 = arith.constant 0 : i32
        %scan3A_1399 = arith.constant 10 : i32
        %scan3A_1400 = arith.addi %scan3A_297, %scan3A_1399 : i32
        %mul3A_1401 = arith.constant 16 : i32
        %mul3A_1402 = arith.muli %scan3A_1400, %mul3A_1401 : i32
        %get3A_1403 = arith.index_cast %mul3A_1402 : i32 to index
        %get3A_1404 = tpu.vector_load %arg4[%get3A_1403] {strides = array<i32>} : memref<16384xf32, #tpu.memory_space<vmem>>, vector<16xf32>,
        %get3A_1405 = vector.shape_cast %get3A_1404 : vector<16xf32> to vector<16xf32>
        %abs3A_1406 = math.absf %get3A_1405 : vector<16xf32>
        %lt3A_1407 = arith.constant 0 : i32
        %lt3A_1408 = vector.broadcast %lt3A_1407 : i32 to vector<16xi32>
        %lt3A_1409 = arith.cmpi slt, %and3A_5, %lt3A_1408 : vector<16xi32>
        %add3A_1410 = arith.constant 16 : i32
        %add3A_1411 = vector.broadcast %add3A_1410 : i32 to vector<16xi32>
        %add3A_1412 = arith.addi %and3A_5, %add3A_1411 : vector<16xi32>
        %select_n3A_1413 = arith.select %lt3A_1409, %add3A_1412, %and3A_5 : vector<16xi1>, vector<16xi32>
        %broadcast_in_dim3A_1414 = vector.shape_cast %select_n3A_1413 : vector<16xi32> to vector<16x1xi32>
        %gather3A_1415 = vector.shape_cast %broadcast_in_dim3A_1414 : vector<16x1xi32> to vector<16xi32>
        %gather3A_1416 = tpu.dynamic_gather %abs3A_1406[%gather3A_1415] in [0] : vector<16xf32>, vector<16xi32> -> vector<16xf32>
        %max3A_1417 = arith.maximumf %abs3A_1406, %gather3A_1416 : vector<16xf32>
        %lt3A_1418 = arith.constant 0 : i32
        %lt3A_1419 = vector.broadcast %lt3A_1418 : i32 to vector<16xi32>
        %lt3A_1420 = arith.cmpi slt, %and3A_11, %lt3A_1419 : vector<16xi32>
        %add3A_1421 = arith.constant 16 : i32
        %add3A_1422 = vector.broadcast %add3A_1421 : i32 to vector<16xi32>
        %add3A_1423 = arith.addi %and3A_11, %add3A_1422 : vector<16xi32>
        %select_n3A_1424 = arith.select %lt3A_1420, %add3A_1423, %and3A_11 : vector<16xi1>, vector<16xi32>
        %broadcast_in_dim3A_1425 = vector.shape_cast %select_n3A_1424 : vector<16xi32> to vector<16x1xi32>
        %gather3A_1426 = vector.shape_cast %broadcast_in_dim3A_1425 : vector<16x1xi32> to vector<16xi32>
        %gather3A_1427 = tpu.dynamic_gather %max3A_1417[%gather3A_1426] in [0] : vector<16xf32>, vector<16xi32> -> vector<16xf32>
        %max3A_1428 = arith.maximumf %max3A_1417, %gather3A_1427 : vector<16xf32>
        %lt3A_1429 = arith.constant 0 : i32
        %lt3A_1430 = vector.broadcast %lt3A_1429 : i32 to vector<16xi32>
        %lt3A_1431 = arith.cmpi slt, %and3A_17, %lt3A_1430 : vector<16xi32>
        %add3A_1432 = arith.constant 16 : i32
        %add3A_1433 = vector.broadcast %add3A_1432 : i32 to vector<16xi32>
        %add3A_1434 = arith.addi %and3A_17, %add3A_1433 : vector<16xi32>
        %select_n3A_1435 = arith.select %lt3A_1431, %add3A_1434, %and3A_17 : vector<16xi1>, vector<16xi32>
        %broadcast_in_dim3A_1436 = vector.shape_cast %select_n3A_1435 : vector<16xi32> to vector<16x1xi32>
        %gather3A_1437 = vector.shape_cast %broadcast_in_dim3A_1436 : vector<16x1xi32> to vector<16xi32>
        %gather3A_1438 = tpu.dynamic_gather %max3A_1428[%gather3A_1437] in [0] : vector<16xf32>, vector<16xi32> -> vector<16xf32>
        %max3A_1439 = arith.maximumf %max3A_1428, %gather3A_1438 : vector<16xf32>
        %lt3A_1440 = arith.constant 0 : i32
        %lt3A_1441 = vector.broadcast %lt3A_1440 : i32 to vector<16xi32>
        %lt3A_1442 = arith.cmpi slt, %and3A_23, %lt3A_1441 : vector<16xi32>
        %add3A_1443 = arith.constant 16 : i32
        %add3A_1444 = vector.broadcast %add3A_1443 : i32 to vector<16xi32>
        %add3A_1445 = arith.addi %and3A_23, %add3A_1444 : vector<16xi32>
        %select_n3A_1446 = arith.select %lt3A_1442, %add3A_1445, %and3A_23 : vector<16xi1>, vector<16xi32>
        %broadcast_in_dim3A_1447 = vector.shape_cast %select_n3A_1446 : vector<16xi32> to vector<16x1xi32>
        %gather3A_1448 = vector.shape_cast %broadcast_in_dim3A_1447 : vector<16x1xi32> to vector<16xi32>
        %gather3A_1449 = tpu.dynamic_gather %max3A_1439[%gather3A_1448] in [0] : vector<16xf32>, vector<16xi32> -> vector<16xf32>
        %max3A_1450 = arith.maximumf %max3A_1439, %gather3A_1449 : vector<16xf32>
        %ge3A_1451 = arith.cmpf oge, %abs3A_1406, %max3A_1450 : vector<16xf32>
        %jit3A_1452 = arith.constant 16 : i32
        %broadcast_in_dim3A_1453 = vector.broadcast %jit3A_1452 : i32 to vector<16xi32>
        %select_n3A_1454 = arith.select %ge3A_1451, %iota3A, %broadcast_in_dim3A_1453 : vector<16xi1>, vector<16xi32>
        %lt3A_1455 = arith.constant 0 : i32
        %lt3A_1456 = vector.broadcast %lt3A_1455 : i32 to vector<16xi32>
        %lt3A_1457 = arith.cmpi slt, %and3A_5, %lt3A_1456 : vector<16xi32>
        %add3A_1458 = arith.constant 16 : i32
        %add3A_1459 = vector.broadcast %add3A_1458 : i32 to vector<16xi32>
        %add3A_1460 = arith.addi %and3A_5, %add3A_1459 : vector<16xi32>
        %select_n3A_1461 = arith.select %lt3A_1457, %add3A_1460, %and3A_5 : vector<16xi1>, vector<16xi32>
        %broadcast_in_dim3A_1462 = vector.shape_cast %select_n3A_1461 : vector<16xi32> to vector<16x1xi32>
        %gather3A_1463 = vector.shape_cast %broadcast_in_dim3A_1462 : vector<16x1xi32> to vector<16xi32>
        %gather3A_1464 = tpu.dynamic_gather %select_n3A_1454[%gather3A_1463] in [0] : vector<16xi32>, vector<16xi32> -> vector<16xi32>
        %min3A_1465 = arith.minsi %select_n3A_1454, %gather3A_1464 : vector<16xi32>
        %lt3A_1466 = arith.constant 0 : i32
        %lt3A_1467 = vector.broadcast %lt3A_1466 : i32 to vector<16xi32>
        %lt3A_1468 = arith.cmpi slt, %and3A_11, %lt3A_1467 : vector<16xi32>
        %add3A_1469 = arith.constant 16 : i32
        %add3A_1470 = vector.broadcast %add3A_1469 : i32 to vector<16xi32>
        %add3A_1471 = arith.addi %and3A_11, %add3A_1470 : vector<16xi32>
        %select_n3A_1472 = arith.select %lt3A_1468, %add3A_1471, %and3A_11 : vector<16xi1>, vector<16xi32>
        %broadcast_in_dim3A_1473 = vector.shape_cast %select_n3A_1472 : vector<16xi32> to vector<16x1xi32>
        %gather3A_1474 = vector.shape_cast %broadcast_in_dim3A_1473 : vector<16x1xi32> to vector<16xi32>
        %gather3A_1475 = tpu.dynamic_gather %min3A_1465[%gather3A_1474] in [0] : vector<16xi32>, vector<16xi32> -> vector<16xi32>
        %min3A_1476 = arith.minsi %min3A_1465, %gather3A_1475 : vector<16xi32>
        %lt3A_1477 = arith.constant 0 : i32
        %lt3A_1478 = vector.broadcast %lt3A_1477 : i32 to vector<16xi32>
        %lt3A_1479 = arith.cmpi slt, %and3A_17, %lt3A_1478 : vector<16xi32>
        %add3A_1480 = arith.constant 16 : i32
        %add3A_1481 = vector.broadcast %add3A_1480 : i32 to vector<16xi32>
        %add3A_1482 = arith.addi %and3A_17, %add3A_1481 : vector<16xi32>
        %select_n3A_1483 = arith.select %lt3A_1479, %add3A_1482, %and3A_17 : vector<16xi1>, vector<16xi32>
        %broadcast_in_dim3A_1484 = vector.shape_cast %select_n3A_1483 : vector<16xi32> to vector<16x1xi32>
        %gather3A_1485 = vector.shape_cast %broadcast_in_dim3A_1484 : vector<16x1xi32> to vector<16xi32>
        %gather3A_1486 = tpu.dynamic_gather %min3A_1476[%gather3A_1485] in [0] : vector<16xi32>, vector<16xi32> -> vector<16xi32>
        %min3A_1487 = arith.minsi %min3A_1476, %gather3A_1486 : vector<16xi32>
        %lt3A_1488 = arith.constant 0 : i32
        %lt3A_1489 = vector.broadcast %lt3A_1488 : i32 to vector<16xi32>
        %lt3A_1490 = arith.cmpi slt, %and3A_23, %lt3A_1489 : vector<16xi32>
        %add3A_1491 = arith.constant 16 : i32
        %add3A_1492 = vector.broadcast %add3A_1491 : i32 to vector<16xi32>
        %add3A_1493 = arith.addi %and3A_23, %add3A_1492 : vector<16xi32>
        %select_n3A_1494 = arith.select %lt3A_1490, %add3A_1493, %and3A_23 : vector<16xi1>, vector<16xi32>
        %broadcast_in_dim3A_1495 = vector.shape_cast %select_n3A_1494 : vector<16xi32> to vector<16x1xi32>
        %gather3A_1496 = vector.shape_cast %broadcast_in_dim3A_1495 : vector<16x1xi32> to vector<16xi32>
        %gather3A_1497 = tpu.dynamic_gather %min3A_1487[%gather3A_1496] in [0] : vector<16xi32>, vector<16xi32> -> vector<16xi32>
        %min3A_1498 = arith.minsi %min3A_1487, %gather3A_1497 : vector<16xi32>
        %eq3A_1499 = arith.cmpi eq, %iota3A, %min3A_1498 : vector<16xi32>
        %jit3A_1500 = arith.constant 0.000000e+00 : f32
        %broadcast_in_dim3A_1501 = vector.broadcast %jit3A_1500 : f32 to vector<16xf32>
        %select_n3A_1502 = arith.select %eq3A_1499, %get3A_1405, %broadcast_in_dim3A_1501 : vector<16xi1>, vector<16xf32>
        %mul3A_1503 = arith.constant 16 : i32
        %mul3A_1504 = arith.muli %scan3A_1400, %mul3A_1503 : i32
        %swap3A_1505 = arith.index_cast %mul3A_1504 : i32 to index
        %swap3A_1506 = tpu.vector_load %arg6[%swap3A_1505] {strides = array<i32>} : memref<16384xf32, #tpu.memory_space<vmem>>, vector<16xf32>,
        %swap3A_1507 = vector.shape_cast %swap3A_1506 : vector<16xf32> to vector<16xf32>
        %swap3A_1508 = vector.shape_cast %select_n3A_1502 : vector<16xf32> to vector<16xf32>
        tpu.vector_store %arg6[%swap3A_1505], %swap3A_1508 {strides = array<i32>} : memref<16384xf32, #tpu.memory_space<vmem>>, vector<16xf32>,
        %scan3A_1509 = arith.constant 0 : i32
        %scan3A_1510 = arith.constant 11 : i32
        %scan3A_1511 = arith.addi %scan3A_297, %scan3A_1510 : i32
        %mul3A_1512 = arith.constant 16 : i32
        %mul3A_1513 = arith.muli %scan3A_1511, %mul3A_1512 : i32
        %get3A_1514 = arith.index_cast %mul3A_1513 : i32 to index
        %get3A_1515 = tpu.vector_load %arg4[%get3A_1514] {strides = array<i32>} : memref<16384xf32, #tpu.memory_space<vmem>>, vector<16xf32>,
        %get3A_1516 = vector.shape_cast %get3A_1515 : vector<16xf32> to vector<16xf32>
        %abs3A_1517 = math.absf %get3A_1516 : vector<16xf32>
        %lt3A_1518 = arith.constant 0 : i32
        %lt3A_1519 = vector.broadcast %lt3A_1518 : i32 to vector<16xi32>
        %lt3A_1520 = arith.cmpi slt, %and3A_5, %lt3A_1519 : vector<16xi32>
        %add3A_1521 = arith.constant 16 : i32
        %add3A_1522 = vector.broadcast %add3A_1521 : i32 to vector<16xi32>
        %add3A_1523 = arith.addi %and3A_5, %add3A_1522 : vector<16xi32>
        %select_n3A_1524 = arith.select %lt3A_1520, %add3A_1523, %and3A_5 : vector<16xi1>, vector<16xi32>
        %broadcast_in_dim3A_1525 = vector.shape_cast %select_n3A_1524 : vector<16xi32> to vector<16x1xi32>
        %gather3A_1526 = vector.shape_cast %broadcast_in_dim3A_1525 : vector<16x1xi32> to vector<16xi32>
        %gather3A_1527 = tpu.dynamic_gather %abs3A_1517[%gather3A_1526] in [0] : vector<16xf32>, vector<16xi32> -> vector<16xf32>
        %max3A_1528 = arith.maximumf %abs3A_1517, %gather3A_1527 : vector<16xf32>
        %lt3A_1529 = arith.constant 0 : i32
        %lt3A_1530 = vector.broadcast %lt3A_1529 : i32 to vector<16xi32>
        %lt3A_1531 = arith.cmpi slt, %and3A_11, %lt3A_1530 : vector<16xi32>
        %add3A_1532 = arith.constant 16 : i32
        %add3A_1533 = vector.broadcast %add3A_1532 : i32 to vector<16xi32>
        %add3A_1534 = arith.addi %and3A_11, %add3A_1533 : vector<16xi32>
        %select_n3A_1535 = arith.select %lt3A_1531, %add3A_1534, %and3A_11 : vector<16xi1>, vector<16xi32>
        %broadcast_in_dim3A_1536 = vector.shape_cast %select_n3A_1535 : vector<16xi32> to vector<16x1xi32>
        %gather3A_1537 = vector.shape_cast %broadcast_in_dim3A_1536 : vector<16x1xi32> to vector<16xi32>
        %gather3A_1538 = tpu.dynamic_gather %max3A_1528[%gather3A_1537] in [0] : vector<16xf32>, vector<16xi32> -> vector<16xf32>
        %max3A_1539 = arith.maximumf %max3A_1528, %gather3A_1538 : vector<16xf32>
        %lt3A_1540 = arith.constant 0 : i32
        %lt3A_1541 = vector.broadcast %lt3A_1540 : i32 to vector<16xi32>
        %lt3A_1542 = arith.cmpi slt, %and3A_17, %lt3A_1541 : vector<16xi32>
        %add3A_1543 = arith.constant 16 : i32
        %add3A_1544 = vector.broadcast %add3A_1543 : i32 to vector<16xi32>
        %add3A_1545 = arith.addi %and3A_17, %add3A_1544 : vector<16xi32>
        %select_n3A_1546 = arith.select %lt3A_1542, %add3A_1545, %and3A_17 : vector<16xi1>, vector<16xi32>
        %broadcast_in_dim3A_1547 = vector.shape_cast %select_n3A_1546 : vector<16xi32> to vector<16x1xi32>
        %gather3A_1548 = vector.shape_cast %broadcast_in_dim3A_1547 : vector<16x1xi32> to vector<16xi32>
        %gather3A_1549 = tpu.dynamic_gather %max3A_1539[%gather3A_1548] in [0] : vector<16xf32>, vector<16xi32> -> vector<16xf32>
        %max3A_1550 = arith.maximumf %max3A_1539, %gather3A_1549 : vector<16xf32>
        %lt3A_1551 = arith.constant 0 : i32
        %lt3A_1552 = vector.broadcast %lt3A_1551 : i32 to vector<16xi32>
        %lt3A_1553 = arith.cmpi slt, %and3A_23, %lt3A_1552 : vector<16xi32>
        %add3A_1554 = arith.constant 16 : i32
        %add3A_1555 = vector.broadcast %add3A_1554 : i32 to vector<16xi32>
        %add3A_1556 = arith.addi %and3A_23, %add3A_1555 : vector<16xi32>
        %select_n3A_1557 = arith.select %lt3A_1553, %add3A_1556, %and3A_23 : vector<16xi1>, vector<16xi32>
        %broadcast_in_dim3A_1558 = vector.shape_cast %select_n3A_1557 : vector<16xi32> to vector<16x1xi32>
        %gather3A_1559 = vector.shape_cast %broadcast_in_dim3A_1558 : vector<16x1xi32> to vector<16xi32>
        %gather3A_1560 = tpu.dynamic_gather %max3A_1550[%gather3A_1559] in [0] : vector<16xf32>, vector<16xi32> -> vector<16xf32>
        %max3A_1561 = arith.maximumf %max3A_1550, %gather3A_1560 : vector<16xf32>
        %ge3A_1562 = arith.cmpf oge, %abs3A_1517, %max3A_1561 : vector<16xf32>
        %jit3A_1563 = arith.constant 16 : i32
        %broadcast_in_dim3A_1564 = vector.broadcast %jit3A_1563 : i32 to vector<16xi32>
        %select_n3A_1565 = arith.select %ge3A_1562, %iota3A, %broadcast_in_dim3A_1564 : vector<16xi1>, vector<16xi32>
        %lt3A_1566 = arith.constant 0 : i32
        %lt3A_1567 = vector.broadcast %lt3A_1566 : i32 to vector<16xi32>
        %lt3A_1568 = arith.cmpi slt, %and3A_5, %lt3A_1567 : vector<16xi32>
        %add3A_1569 = arith.constant 16 : i32
        %add3A_1570 = vector.broadcast %add3A_1569 : i32 to vector<16xi32>
        %add3A_1571 = arith.addi %and3A_5, %add3A_1570 : vector<16xi32>
        %select_n3A_1572 = arith.select %lt3A_1568, %add3A_1571, %and3A_5 : vector<16xi1>, vector<16xi32>
        %broadcast_in_dim3A_1573 = vector.shape_cast %select_n3A_1572 : vector<16xi32> to vector<16x1xi32>
        %gather3A_1574 = vector.shape_cast %broadcast_in_dim3A_1573 : vector<16x1xi32> to vector<16xi32>
        %gather3A_1575 = tpu.dynamic_gather %select_n3A_1565[%gather3A_1574] in [0] : vector<16xi32>, vector<16xi32> -> vector<16xi32>
        %min3A_1576 = arith.minsi %select_n3A_1565, %gather3A_1575 : vector<16xi32>
        %lt3A_1577 = arith.constant 0 : i32
        %lt3A_1578 = vector.broadcast %lt3A_1577 : i32 to vector<16xi32>
        %lt3A_1579 = arith.cmpi slt, %and3A_11, %lt3A_1578 : vector<16xi32>
        %add3A_1580 = arith.constant 16 : i32
        %add3A_1581 = vector.broadcast %add3A_1580 : i32 to vector<16xi32>
        %add3A_1582 = arith.addi %and3A_11, %add3A_1581 : vector<16xi32>
        %select_n3A_1583 = arith.select %lt3A_1579, %add3A_1582, %and3A_11 : vector<16xi1>, vector<16xi32>
        %broadcast_in_dim3A_1584 = vector.shape_cast %select_n3A_1583 : vector<16xi32> to vector<16x1xi32>
        %gather3A_1585 = vector.shape_cast %broadcast_in_dim3A_1584 : vector<16x1xi32> to vector<16xi32>
        %gather3A_1586 = tpu.dynamic_gather %min3A_1576[%gather3A_1585] in [0] : vector<16xi32>, vector<16xi32> -> vector<16xi32>
        %min3A_1587 = arith.minsi %min3A_1576, %gather3A_1586 : vector<16xi32>
        %lt3A_1588 = arith.constant 0 : i32
        %lt3A_1589 = vector.broadcast %lt3A_1588 : i32 to vector<16xi32>
        %lt3A_1590 = arith.cmpi slt, %and3A_17, %lt3A_1589 : vector<16xi32>
        %add3A_1591 = arith.constant 16 : i32
        %add3A_1592 = vector.broadcast %add3A_1591 : i32 to vector<16xi32>
        %add3A_1593 = arith.addi %and3A_17, %add3A_1592 : vector<16xi32>
        %select_n3A_1594 = arith.select %lt3A_1590, %add3A_1593, %and3A_17 : vector<16xi1>, vector<16xi32>
        %broadcast_in_dim3A_1595 = vector.shape_cast %select_n3A_1594 : vector<16xi32> to vector<16x1xi32>
        %gather3A_1596 = vector.shape_cast %broadcast_in_dim3A_1595 : vector<16x1xi32> to vector<16xi32>
        %gather3A_1597 = tpu.dynamic_gather %min3A_1587[%gather3A_1596] in [0] : vector<16xi32>, vector<16xi32> -> vector<16xi32>
        %min3A_1598 = arith.minsi %min3A_1587, %gather3A_1597 : vector<16xi32>
        %lt3A_1599 = arith.constant 0 : i32
        %lt3A_1600 = vector.broadcast %lt3A_1599 : i32 to vector<16xi32>
        %lt3A_1601 = arith.cmpi slt, %and3A_23, %lt3A_1600 : vector<16xi32>
        %add3A_1602 = arith.constant 16 : i32
        %add3A_1603 = vector.broadcast %add3A_1602 : i32 to vector<16xi32>
        %add3A_1604 = arith.addi %and3A_23, %add3A_1603 : vector<16xi32>
        %select_n3A_1605 = arith.select %lt3A_1601, %add3A_1604, %and3A_23 : vector<16xi1>, vector<16xi32>
        %broadcast_in_dim3A_1606 = vector.shape_cast %select_n3A_1605 : vector<16xi32> to vector<16x1xi32>
        %gather3A_1607 = vector.shape_cast %broadcast_in_dim3A_1606 : vector<16x1xi32> to vector<16xi32>
        %gather3A_1608 = tpu.dynamic_gather %min3A_1598[%gather3A_1607] in [0] : vector<16xi32>, vector<16xi32> -> vector<16xi32>
        %min3A_1609 = arith.minsi %min3A_1598, %gather3A_1608 : vector<16xi32>
        %eq3A_1610 = arith.cmpi eq, %iota3A, %min3A_1609 : vector<16xi32>
        %jit3A_1611 = arith.constant 0.000000e+00 : f32
        %broadcast_in_dim3A_1612 = vector.broadcast %jit3A_1611 : f32 to vector<16xf32>
        %select_n3A_1613 = arith.select %eq3A_1610, %get3A_1516, %broadcast_in_dim3A_1612 : vector<16xi1>, vector<16xf32>
        %mul3A_1614 = arith.constant 16 : i32
        %mul3A_1615 = arith.muli %scan3A_1511, %mul3A_1614 : i32
        %swap3A_1616 = arith.index_cast %mul3A_1615 : i32 to index
        %swap3A_1617 = tpu.vector_load %arg6[%swap3A_1616] {strides = array<i32>} : memref<16384xf32, #tpu.memory_space<vmem>>, vector<16xf32>,
        %swap3A_1618 = vector.shape_cast %swap3A_1617 : vector<16xf32> to vector<16xf32>
        %swap3A_1619 = vector.shape_cast %select_n3A_1613 : vector<16xf32> to vector<16xf32>
        tpu.vector_store %arg6[%swap3A_1616], %swap3A_1619 {strides = array<i32>} : memref<16384xf32, #tpu.memory_space<vmem>>, vector<16xf32>,
        %scan3A_1620 = arith.constant 0 : i32
        %scan3A_1621 = arith.constant 12 : i32
        %scan3A_1622 = arith.addi %scan3A_297, %scan3A_1621 : i32
        %mul3A_1623 = arith.constant 16 : i32
        %mul3A_1624 = arith.muli %scan3A_1622, %mul3A_1623 : i32
        %get3A_1625 = arith.index_cast %mul3A_1624 : i32 to index
        %get3A_1626 = tpu.vector_load %arg4[%get3A_1625] {strides = array<i32>} : memref<16384xf32, #tpu.memory_space<vmem>>, vector<16xf32>,
        %get3A_1627 = vector.shape_cast %get3A_1626 : vector<16xf32> to vector<16xf32>
        %abs3A_1628 = math.absf %get3A_1627 : vector<16xf32>
        %lt3A_1629 = arith.constant 0 : i32
        %lt3A_1630 = vector.broadcast %lt3A_1629 : i32 to vector<16xi32>
        %lt3A_1631 = arith.cmpi slt, %and3A_5, %lt3A_1630 : vector<16xi32>
        %add3A_1632 = arith.constant 16 : i32
        %add3A_1633 = vector.broadcast %add3A_1632 : i32 to vector<16xi32>
        %add3A_1634 = arith.addi %and3A_5, %add3A_1633 : vector<16xi32>
        %select_n3A_1635 = arith.select %lt3A_1631, %add3A_1634, %and3A_5 : vector<16xi1>, vector<16xi32>
        %broadcast_in_dim3A_1636 = vector.shape_cast %select_n3A_1635 : vector<16xi32> to vector<16x1xi32>
        %gather3A_1637 = vector.shape_cast %broadcast_in_dim3A_1636 : vector<16x1xi32> to vector<16xi32>
        %gather3A_1638 = tpu.dynamic_gather %abs3A_1628[%gather3A_1637] in [0] : vector<16xf32>, vector<16xi32> -> vector<16xf32>
        %max3A_1639 = arith.maximumf %abs3A_1628, %gather3A_1638 : vector<16xf32>
        %lt3A_1640 = arith.constant 0 : i32
        %lt3A_1641 = vector.broadcast %lt3A_1640 : i32 to vector<16xi32>
        %lt3A_1642 = arith.cmpi slt, %and3A_11, %lt3A_1641 : vector<16xi32>
        %add3A_1643 = arith.constant 16 : i32
        %add3A_1644 = vector.broadcast %add3A_1643 : i32 to vector<16xi32>
        %add3A_1645 = arith.addi %and3A_11, %add3A_1644 : vector<16xi32>
        %select_n3A_1646 = arith.select %lt3A_1642, %add3A_1645, %and3A_11 : vector<16xi1>, vector<16xi32>
        %broadcast_in_dim3A_1647 = vector.shape_cast %select_n3A_1646 : vector<16xi32> to vector<16x1xi32>
        %gather3A_1648 = vector.shape_cast %broadcast_in_dim3A_1647 : vector<16x1xi32> to vector<16xi32>
        %gather3A_1649 = tpu.dynamic_gather %max3A_1639[%gather3A_1648] in [0] : vector<16xf32>, vector<16xi32> -> vector<16xf32>
        %max3A_1650 = arith.maximumf %max3A_1639, %gather3A_1649 : vector<16xf32>
        %lt3A_1651 = arith.constant 0 : i32
        %lt3A_1652 = vector.broadcast %lt3A_1651 : i32 to vector<16xi32>
        %lt3A_1653 = arith.cmpi slt, %and3A_17, %lt3A_1652 : vector<16xi32>
        %add3A_1654 = arith.constant 16 : i32
        %add3A_1655 = vector.broadcast %add3A_1654 : i32 to vector<16xi32>
        %add3A_1656 = arith.addi %and3A_17, %add3A_1655 : vector<16xi32>
        %select_n3A_1657 = arith.select %lt3A_1653, %add3A_1656, %and3A_17 : vector<16xi1>, vector<16xi32>
        %broadcast_in_dim3A_1658 = vector.shape_cast %select_n3A_1657 : vector<16xi32> to vector<16x1xi32>
        %gather3A_1659 = vector.shape_cast %broadcast_in_dim3A_1658 : vector<16x1xi32> to vector<16xi32>
        %gather3A_1660 = tpu.dynamic_gather %max3A_1650[%gather3A_1659] in [0] : vector<16xf32>, vector<16xi32> -> vector<16xf32>
        %max3A_1661 = arith.maximumf %max3A_1650, %gather3A_1660 : vector<16xf32>
        %lt3A_1662 = arith.constant 0 : i32
        %lt3A_1663 = vector.broadcast %lt3A_1662 : i32 to vector<16xi32>
        %lt3A_1664 = arith.cmpi slt, %and3A_23, %lt3A_1663 : vector<16xi32>
        %add3A_1665 = arith.constant 16 : i32
        %add3A_1666 = vector.broadcast %add3A_1665 : i32 to vector<16xi32>
        %add3A_1667 = arith.addi %and3A_23, %add3A_1666 : vector<16xi32>
        %select_n3A_1668 = arith.select %lt3A_1664, %add3A_1667, %and3A_23 : vector<16xi1>, vector<16xi32>
        %broadcast_in_dim3A_1669 = vector.shape_cast %select_n3A_1668 : vector<16xi32> to vector<16x1xi32>
        %gather3A_1670 = vector.shape_cast %broadcast_in_dim3A_1669 : vector<16x1xi32> to vector<16xi32>
        %gather3A_1671 = tpu.dynamic_gather %max3A_1661[%gather3A_1670] in [0] : vector<16xf32>, vector<16xi32> -> vector<16xf32>
        %max3A_1672 = arith.maximumf %max3A_1661, %gather3A_1671 : vector<16xf32>
        %ge3A_1673 = arith.cmpf oge, %abs3A_1628, %max3A_1672 : vector<16xf32>
        %jit3A_1674 = arith.constant 16 : i32
        %broadcast_in_dim3A_1675 = vector.broadcast %jit3A_1674 : i32 to vector<16xi32>
        %select_n3A_1676 = arith.select %ge3A_1673, %iota3A, %broadcast_in_dim3A_1675 : vector<16xi1>, vector<16xi32>
        %lt3A_1677 = arith.constant 0 : i32
        %lt3A_1678 = vector.broadcast %lt3A_1677 : i32 to vector<16xi32>
        %lt3A_1679 = arith.cmpi slt, %and3A_5, %lt3A_1678 : vector<16xi32>
        %add3A_1680 = arith.constant 16 : i32
        %add3A_1681 = vector.broadcast %add3A_1680 : i32 to vector<16xi32>
        %add3A_1682 = arith.addi %and3A_5, %add3A_1681 : vector<16xi32>
        %select_n3A_1683 = arith.select %lt3A_1679, %add3A_1682, %and3A_5 : vector<16xi1>, vector<16xi32>
        %broadcast_in_dim3A_1684 = vector.shape_cast %select_n3A_1683 : vector<16xi32> to vector<16x1xi32>
        %gather3A_1685 = vector.shape_cast %broadcast_in_dim3A_1684 : vector<16x1xi32> to vector<16xi32>
        %gather3A_1686 = tpu.dynamic_gather %select_n3A_1676[%gather3A_1685] in [0] : vector<16xi32>, vector<16xi32> -> vector<16xi32>
        %min3A_1687 = arith.minsi %select_n3A_1676, %gather3A_1686 : vector<16xi32>
        %lt3A_1688 = arith.constant 0 : i32
        %lt3A_1689 = vector.broadcast %lt3A_1688 : i32 to vector<16xi32>
        %lt3A_1690 = arith.cmpi slt, %and3A_11, %lt3A_1689 : vector<16xi32>
        %add3A_1691 = arith.constant 16 : i32
        %add3A_1692 = vector.broadcast %add3A_1691 : i32 to vector<16xi32>
        %add3A_1693 = arith.addi %and3A_11, %add3A_1692 : vector<16xi32>
        %select_n3A_1694 = arith.select %lt3A_1690, %add3A_1693, %and3A_11 : vector<16xi1>, vector<16xi32>
        %broadcast_in_dim3A_1695 = vector.shape_cast %select_n3A_1694 : vector<16xi32> to vector<16x1xi32>
        %gather3A_1696 = vector.shape_cast %broadcast_in_dim3A_1695 : vector<16x1xi32> to vector<16xi32>
        %gather3A_1697 = tpu.dynamic_gather %min3A_1687[%gather3A_1696] in [0] : vector<16xi32>, vector<16xi32> -> vector<16xi32>
        %min3A_1698 = arith.minsi %min3A_1687, %gather3A_1697 : vector<16xi32>
        %lt3A_1699 = arith.constant 0 : i32
        %lt3A_1700 = vector.broadcast %lt3A_1699 : i32 to vector<16xi32>
        %lt3A_1701 = arith.cmpi slt, %and3A_17, %lt3A_1700 : vector<16xi32>
        %add3A_1702 = arith.constant 16 : i32
        %add3A_1703 = vector.broadcast %add3A_1702 : i32 to vector<16xi32>
        %add3A_1704 = arith.addi %and3A_17, %add3A_1703 : vector<16xi32>
        %select_n3A_1705 = arith.select %lt3A_1701, %add3A_1704, %and3A_17 : vector<16xi1>, vector<16xi32>
        %broadcast_in_dim3A_1706 = vector.shape_cast %select_n3A_1705 : vector<16xi32> to vector<16x1xi32>
        %gather3A_1707 = vector.shape_cast %broadcast_in_dim3A_1706 : vector<16x1xi32> to vector<16xi32>
        %gather3A_1708 = tpu.dynamic_gather %min3A_1698[%gather3A_1707] in [0] : vector<16xi32>, vector<16xi32> -> vector<16xi32>
        %min3A_1709 = arith.minsi %min3A_1698, %gather3A_1708 : vector<16xi32>
        %lt3A_1710 = arith.constant 0 : i32
        %lt3A_1711 = vector.broadcast %lt3A_1710 : i32 to vector<16xi32>
        %lt3A_1712 = arith.cmpi slt, %and3A_23, %lt3A_1711 : vector<16xi32>
        %add3A_1713 = arith.constant 16 : i32
        %add3A_1714 = vector.broadcast %add3A_1713 : i32 to vector<16xi32>
        %add3A_1715 = arith.addi %and3A_23, %add3A_1714 : vector<16xi32>
        %select_n3A_1716 = arith.select %lt3A_1712, %add3A_1715, %and3A_23 : vector<16xi1>, vector<16xi32>
        %broadcast_in_dim3A_1717 = vector.shape_cast %select_n3A_1716 : vector<16xi32> to vector<16x1xi32>
        %gather3A_1718 = vector.shape_cast %broadcast_in_dim3A_1717 : vector<16x1xi32> to vector<16xi32>
        %gather3A_1719 = tpu.dynamic_gather %min3A_1709[%gather3A_1718] in [0] : vector<16xi32>, vector<16xi32> -> vector<16xi32>
        %min3A_1720 = arith.minsi %min3A_1709, %gather3A_1719 : vector<16xi32>
        %eq3A_1721 = arith.cmpi eq, %iota3A, %min3A_1720 : vector<16xi32>
        %jit3A_1722 = arith.constant 0.000000e+00 : f32
        %broadcast_in_dim3A_1723 = vector.broadcast %jit3A_1722 : f32 to vector<16xf32>
        %select_n3A_1724 = arith.select %eq3A_1721, %get3A_1627, %broadcast_in_dim3A_1723 : vector<16xi1>, vector<16xf32>
        %mul3A_1725 = arith.constant 16 : i32
        %mul3A_1726 = arith.muli %scan3A_1622, %mul3A_1725 : i32
        %swap3A_1727 = arith.index_cast %mul3A_1726 : i32 to index
        %swap3A_1728 = tpu.vector_load %arg6[%swap3A_1727] {strides = array<i32>} : memref<16384xf32, #tpu.memory_space<vmem>>, vector<16xf32>,
        %swap3A_1729 = vector.shape_cast %swap3A_1728 : vector<16xf32> to vector<16xf32>
        %swap3A_1730 = vector.shape_cast %select_n3A_1724 : vector<16xf32> to vector<16xf32>
        tpu.vector_store %arg6[%swap3A_1727], %swap3A_1730 {strides = array<i32>} : memref<16384xf32, #tpu.memory_space<vmem>>, vector<16xf32>,
        %scan3A_1731 = arith.constant 0 : i32
        %scan3A_1732 = arith.constant 13 : i32
        %scan3A_1733 = arith.addi %scan3A_297, %scan3A_1732 : i32
        %mul3A_1734 = arith.constant 16 : i32
        %mul3A_1735 = arith.muli %scan3A_1733, %mul3A_1734 : i32
        %get3A_1736 = arith.index_cast %mul3A_1735 : i32 to index
        %get3A_1737 = tpu.vector_load %arg4[%get3A_1736] {strides = array<i32>} : memref<16384xf32, #tpu.memory_space<vmem>>, vector<16xf32>,
        %get3A_1738 = vector.shape_cast %get3A_1737 : vector<16xf32> to vector<16xf32>
        %abs3A_1739 = math.absf %get3A_1738 : vector<16xf32>
        %lt3A_1740 = arith.constant 0 : i32
        %lt3A_1741 = vector.broadcast %lt3A_1740 : i32 to vector<16xi32>
        %lt3A_1742 = arith.cmpi slt, %and3A_5, %lt3A_1741 : vector<16xi32>
        %add3A_1743 = arith.constant 16 : i32
        %add3A_1744 = vector.broadcast %add3A_1743 : i32 to vector<16xi32>
        %add3A_1745 = arith.addi %and3A_5, %add3A_1744 : vector<16xi32>
        %select_n3A_1746 = arith.select %lt3A_1742, %add3A_1745, %and3A_5 : vector<16xi1>, vector<16xi32>
        %broadcast_in_dim3A_1747 = vector.shape_cast %select_n3A_1746 : vector<16xi32> to vector<16x1xi32>
        %gather3A_1748 = vector.shape_cast %broadcast_in_dim3A_1747 : vector<16x1xi32> to vector<16xi32>
        %gather3A_1749 = tpu.dynamic_gather %abs3A_1739[%gather3A_1748] in [0] : vector<16xf32>, vector<16xi32> -> vector<16xf32>
        %max3A_1750 = arith.maximumf %abs3A_1739, %gather3A_1749 : vector<16xf32>
        %lt3A_1751 = arith.constant 0 : i32
        %lt3A_1752 = vector.broadcast %lt3A_1751 : i32 to vector<16xi32>
        %lt3A_1753 = arith.cmpi slt, %and3A_11, %lt3A_1752 : vector<16xi32>
        %add3A_1754 = arith.constant 16 : i32
        %add3A_1755 = vector.broadcast %add3A_1754 : i32 to vector<16xi32>
        %add3A_1756 = arith.addi %and3A_11, %add3A_1755 : vector<16xi32>
        %select_n3A_1757 = arith.select %lt3A_1753, %add3A_1756, %and3A_11 : vector<16xi1>, vector<16xi32>
        %broadcast_in_dim3A_1758 = vector.shape_cast %select_n3A_1757 : vector<16xi32> to vector<16x1xi32>
        %gather3A_1759 = vector.shape_cast %broadcast_in_dim3A_1758 : vector<16x1xi32> to vector<16xi32>
        %gather3A_1760 = tpu.dynamic_gather %max3A_1750[%gather3A_1759] in [0] : vector<16xf32>, vector<16xi32> -> vector<16xf32>
        %max3A_1761 = arith.maximumf %max3A_1750, %gather3A_1760 : vector<16xf32>
        %lt3A_1762 = arith.constant 0 : i32
        %lt3A_1763 = vector.broadcast %lt3A_1762 : i32 to vector<16xi32>
        %lt3A_1764 = arith.cmpi slt, %and3A_17, %lt3A_1763 : vector<16xi32>
        %add3A_1765 = arith.constant 16 : i32
        %add3A_1766 = vector.broadcast %add3A_1765 : i32 to vector<16xi32>
        %add3A_1767 = arith.addi %and3A_17, %add3A_1766 : vector<16xi32>
        %select_n3A_1768 = arith.select %lt3A_1764, %add3A_1767, %and3A_17 : vector<16xi1>, vector<16xi32>
        %broadcast_in_dim3A_1769 = vector.shape_cast %select_n3A_1768 : vector<16xi32> to vector<16x1xi32>
        %gather3A_1770 = vector.shape_cast %broadcast_in_dim3A_1769 : vector<16x1xi32> to vector<16xi32>
        %gather3A_1771 = tpu.dynamic_gather %max3A_1761[%gather3A_1770] in [0] : vector<16xf32>, vector<16xi32> -> vector<16xf32>
        %max3A_1772 = arith.maximumf %max3A_1761, %gather3A_1771 : vector<16xf32>
        %lt3A_1773 = arith.constant 0 : i32
        %lt3A_1774 = vector.broadcast %lt3A_1773 : i32 to vector<16xi32>
        %lt3A_1775 = arith.cmpi slt, %and3A_23, %lt3A_1774 : vector<16xi32>
        %add3A_1776 = arith.constant 16 : i32
        %add3A_1777 = vector.broadcast %add3A_1776 : i32 to vector<16xi32>
        %add3A_1778 = arith.addi %and3A_23, %add3A_1777 : vector<16xi32>
        %select_n3A_1779 = arith.select %lt3A_1775, %add3A_1778, %and3A_23 : vector<16xi1>, vector<16xi32>
        %broadcast_in_dim3A_1780 = vector.shape_cast %select_n3A_1779 : vector<16xi32> to vector<16x1xi32>
        %gather3A_1781 = vector.shape_cast %broadcast_in_dim3A_1780 : vector<16x1xi32> to vector<16xi32>
        %gather3A_1782 = tpu.dynamic_gather %max3A_1772[%gather3A_1781] in [0] : vector<16xf32>, vector<16xi32> -> vector<16xf32>
        %max3A_1783 = arith.maximumf %max3A_1772, %gather3A_1782 : vector<16xf32>
        %ge3A_1784 = arith.cmpf oge, %abs3A_1739, %max3A_1783 : vector<16xf32>
        %jit3A_1785 = arith.constant 16 : i32
        %broadcast_in_dim3A_1786 = vector.broadcast %jit3A_1785 : i32 to vector<16xi32>
        %select_n3A_1787 = arith.select %ge3A_1784, %iota3A, %broadcast_in_dim3A_1786 : vector<16xi1>, vector<16xi32>
        %lt3A_1788 = arith.constant 0 : i32
        %lt3A_1789 = vector.broadcast %lt3A_1788 : i32 to vector<16xi32>
        %lt3A_1790 = arith.cmpi slt, %and3A_5, %lt3A_1789 : vector<16xi32>
        %add3A_1791 = arith.constant 16 : i32
        %add3A_1792 = vector.broadcast %add3A_1791 : i32 to vector<16xi32>
        %add3A_1793 = arith.addi %and3A_5, %add3A_1792 : vector<16xi32>
        %select_n3A_1794 = arith.select %lt3A_1790, %add3A_1793, %and3A_5 : vector<16xi1>, vector<16xi32>
        %broadcast_in_dim3A_1795 = vector.shape_cast %select_n3A_1794 : vector<16xi32> to vector<16x1xi32>
        %gather3A_1796 = vector.shape_cast %broadcast_in_dim3A_1795 : vector<16x1xi32> to vector<16xi32>
        %gather3A_1797 = tpu.dynamic_gather %select_n3A_1787[%gather3A_1796] in [0] : vector<16xi32>, vector<16xi32> -> vector<16xi32>
        %min3A_1798 = arith.minsi %select_n3A_1787, %gather3A_1797 : vector<16xi32>
        %lt3A_1799 = arith.constant 0 : i32
        %lt3A_1800 = vector.broadcast %lt3A_1799 : i32 to vector<16xi32>
        %lt3A_1801 = arith.cmpi slt, %and3A_11, %lt3A_1800 : vector<16xi32>
        %add3A_1802 = arith.constant 16 : i32
        %add3A_1803 = vector.broadcast %add3A_1802 : i32 to vector<16xi32>
        %add3A_1804 = arith.addi %and3A_11, %add3A_1803 : vector<16xi32>
        %select_n3A_1805 = arith.select %lt3A_1801, %add3A_1804, %and3A_11 : vector<16xi1>, vector<16xi32>
        %broadcast_in_dim3A_1806 = vector.shape_cast %select_n3A_1805 : vector<16xi32> to vector<16x1xi32>
        %gather3A_1807 = vector.shape_cast %broadcast_in_dim3A_1806 : vector<16x1xi32> to vector<16xi32>
        %gather3A_1808 = tpu.dynamic_gather %min3A_1798[%gather3A_1807] in [0] : vector<16xi32>, vector<16xi32> -> vector<16xi32>
        %min3A_1809 = arith.minsi %min3A_1798, %gather3A_1808 : vector<16xi32>
        %lt3A_1810 = arith.constant 0 : i32
        %lt3A_1811 = vector.broadcast %lt3A_1810 : i32 to vector<16xi32>
        %lt3A_1812 = arith.cmpi slt, %and3A_17, %lt3A_1811 : vector<16xi32>
        %add3A_1813 = arith.constant 16 : i32
        %add3A_1814 = vector.broadcast %add3A_1813 : i32 to vector<16xi32>
        %add3A_1815 = arith.addi %and3A_17, %add3A_1814 : vector<16xi32>
        %select_n3A_1816 = arith.select %lt3A_1812, %add3A_1815, %and3A_17 : vector<16xi1>, vector<16xi32>
        %broadcast_in_dim3A_1817 = vector.shape_cast %select_n3A_1816 : vector<16xi32> to vector<16x1xi32>
        %gather3A_1818 = vector.shape_cast %broadcast_in_dim3A_1817 : vector<16x1xi32> to vector<16xi32>
        %gather3A_1819 = tpu.dynamic_gather %min3A_1809[%gather3A_1818] in [0] : vector<16xi32>, vector<16xi32> -> vector<16xi32>
        %min3A_1820 = arith.minsi %min3A_1809, %gather3A_1819 : vector<16xi32>
        %lt3A_1821 = arith.constant 0 : i32
        %lt3A_1822 = vector.broadcast %lt3A_1821 : i32 to vector<16xi32>
        %lt3A_1823 = arith.cmpi slt, %and3A_23, %lt3A_1822 : vector<16xi32>
        %add3A_1824 = arith.constant 16 : i32
        %add3A_1825 = vector.broadcast %add3A_1824 : i32 to vector<16xi32>
        %add3A_1826 = arith.addi %and3A_23, %add3A_1825 : vector<16xi32>
        %select_n3A_1827 = arith.select %lt3A_1823, %add3A_1826, %and3A_23 : vector<16xi1>, vector<16xi32>
        %broadcast_in_dim3A_1828 = vector.shape_cast %select_n3A_1827 : vector<16xi32> to vector<16x1xi32>
        %gather3A_1829 = vector.shape_cast %broadcast_in_dim3A_1828 : vector<16x1xi32> to vector<16xi32>
        %gather3A_1830 = tpu.dynamic_gather %min3A_1820[%gather3A_1829] in [0] : vector<16xi32>, vector<16xi32> -> vector<16xi32>
        %min3A_1831 = arith.minsi %min3A_1820, %gather3A_1830 : vector<16xi32>
        %eq3A_1832 = arith.cmpi eq, %iota3A, %min3A_1831 : vector<16xi32>
        %jit3A_1833 = arith.constant 0.000000e+00 : f32
        %broadcast_in_dim3A_1834 = vector.broadcast %jit3A_1833 : f32 to vector<16xf32>
        %select_n3A_1835 = arith.select %eq3A_1832, %get3A_1738, %broadcast_in_dim3A_1834 : vector<16xi1>, vector<16xf32>
        %mul3A_1836 = arith.constant 16 : i32
        %mul3A_1837 = arith.muli %scan3A_1733, %mul3A_1836 : i32
        %swap3A_1838 = arith.index_cast %mul3A_1837 : i32 to index
        %swap3A_1839 = tpu.vector_load %arg6[%swap3A_1838] {strides = array<i32>} : memref<16384xf32, #tpu.memory_space<vmem>>, vector<16xf32>,
        %swap3A_1840 = vector.shape_cast %swap3A_1839 : vector<16xf32> to vector<16xf32>
        %swap3A_1841 = vector.shape_cast %select_n3A_1835 : vector<16xf32> to vector<16xf32>
        tpu.vector_store %arg6[%swap3A_1838], %swap3A_1841 {strides = array<i32>} : memref<16384xf32, #tpu.memory_space<vmem>>, vector<16xf32>,
        %scan3A_1842 = arith.constant 0 : i32
        %scan3A_1843 = arith.constant 14 : i32
        %scan3A_1844 = arith.addi %scan3A_297, %scan3A_1843 : i32
        %mul3A_1845 = arith.constant 16 : i32
        %mul3A_1846 = arith.muli %scan3A_1844, %mul3A_1845 : i32
        %get3A_1847 = arith.index_cast %mul3A_1846 : i32 to index
        %get3A_1848 = tpu.vector_load %arg4[%get3A_1847] {strides = array<i32>} : memref<16384xf32, #tpu.memory_space<vmem>>, vector<16xf32>,
        %get3A_1849 = vector.shape_cast %get3A_1848 : vector<16xf32> to vector<16xf32>
        %abs3A_1850 = math.absf %get3A_1849 : vector<16xf32>
        %lt3A_1851 = arith.constant 0 : i32
        %lt3A_1852 = vector.broadcast %lt3A_1851 : i32 to vector<16xi32>
        %lt3A_1853 = arith.cmpi slt, %and3A_5, %lt3A_1852 : vector<16xi32>
        %add3A_1854 = arith.constant 16 : i32
        %add3A_1855 = vector.broadcast %add3A_1854 : i32 to vector<16xi32>
        %add3A_1856 = arith.addi %and3A_5, %add3A_1855 : vector<16xi32>
        %select_n3A_1857 = arith.select %lt3A_1853, %add3A_1856, %and3A_5 : vector<16xi1>, vector<16xi32>
        %broadcast_in_dim3A_1858 = vector.shape_cast %select_n3A_1857 : vector<16xi32> to vector<16x1xi32>
        %gather3A_1859 = vector.shape_cast %broadcast_in_dim3A_1858 : vector<16x1xi32> to vector<16xi32>
        %gather3A_1860 = tpu.dynamic_gather %abs3A_1850[%gather3A_1859] in [0] : vector<16xf32>, vector<16xi32> -> vector<16xf32>
        %max3A_1861 = arith.maximumf %abs3A_1850, %gather3A_1860 : vector<16xf32>
        %lt3A_1862 = arith.constant 0 : i32
        %lt3A_1863 = vector.broadcast %lt3A_1862 : i32 to vector<16xi32>
        %lt3A_1864 = arith.cmpi slt, %and3A_11, %lt3A_1863 : vector<16xi32>
        %add3A_1865 = arith.constant 16 : i32
        %add3A_1866 = vector.broadcast %add3A_1865 : i32 to vector<16xi32>
        %add3A_1867 = arith.addi %and3A_11, %add3A_1866 : vector<16xi32>
        %select_n3A_1868 = arith.select %lt3A_1864, %add3A_1867, %and3A_11 : vector<16xi1>, vector<16xi32>
        %broadcast_in_dim3A_1869 = vector.shape_cast %select_n3A_1868 : vector<16xi32> to vector<16x1xi32>
        %gather3A_1870 = vector.shape_cast %broadcast_in_dim3A_1869 : vector<16x1xi32> to vector<16xi32>
        %gather3A_1871 = tpu.dynamic_gather %max3A_1861[%gather3A_1870] in [0] : vector<16xf32>, vector<16xi32> -> vector<16xf32>
        %max3A_1872 = arith.maximumf %max3A_1861, %gather3A_1871 : vector<16xf32>
        %lt3A_1873 = arith.constant 0 : i32
        %lt3A_1874 = vector.broadcast %lt3A_1873 : i32 to vector<16xi32>
        %lt3A_1875 = arith.cmpi slt, %and3A_17, %lt3A_1874 : vector<16xi32>
        %add3A_1876 = arith.constant 16 : i32
        %add3A_1877 = vector.broadcast %add3A_1876 : i32 to vector<16xi32>
        %add3A_1878 = arith.addi %and3A_17, %add3A_1877 : vector<16xi32>
        %select_n3A_1879 = arith.select %lt3A_1875, %add3A_1878, %and3A_17 : vector<16xi1>, vector<16xi32>
        %broadcast_in_dim3A_1880 = vector.shape_cast %select_n3A_1879 : vector<16xi32> to vector<16x1xi32>
        %gather3A_1881 = vector.shape_cast %broadcast_in_dim3A_1880 : vector<16x1xi32> to vector<16xi32>
        %gather3A_1882 = tpu.dynamic_gather %max3A_1872[%gather3A_1881] in [0] : vector<16xf32>, vector<16xi32> -> vector<16xf32>
        %max3A_1883 = arith.maximumf %max3A_1872, %gather3A_1882 : vector<16xf32>
        %lt3A_1884 = arith.constant 0 : i32
        %lt3A_1885 = vector.broadcast %lt3A_1884 : i32 to vector<16xi32>
        %lt3A_1886 = arith.cmpi slt, %and3A_23, %lt3A_1885 : vector<16xi32>
        %add3A_1887 = arith.constant 16 : i32
        %add3A_1888 = vector.broadcast %add3A_1887 : i32 to vector<16xi32>
        %add3A_1889 = arith.addi %and3A_23, %add3A_1888 : vector<16xi32>
        %select_n3A_1890 = arith.select %lt3A_1886, %add3A_1889, %and3A_23 : vector<16xi1>, vector<16xi32>
        %broadcast_in_dim3A_1891 = vector.shape_cast %select_n3A_1890 : vector<16xi32> to vector<16x1xi32>
        %gather3A_1892 = vector.shape_cast %broadcast_in_dim3A_1891 : vector<16x1xi32> to vector<16xi32>
        %gather3A_1893 = tpu.dynamic_gather %max3A_1883[%gather3A_1892] in [0] : vector<16xf32>, vector<16xi32> -> vector<16xf32>
        %max3A_1894 = arith.maximumf %max3A_1883, %gather3A_1893 : vector<16xf32>
        %ge3A_1895 = arith.cmpf oge, %abs3A_1850, %max3A_1894 : vector<16xf32>
        %jit3A_1896 = arith.constant 16 : i32
        %broadcast_in_dim3A_1897 = vector.broadcast %jit3A_1896 : i32 to vector<16xi32>
        %select_n3A_1898 = arith.select %ge3A_1895, %iota3A, %broadcast_in_dim3A_1897 : vector<16xi1>, vector<16xi32>
        %lt3A_1899 = arith.constant 0 : i32
        %lt3A_1900 = vector.broadcast %lt3A_1899 : i32 to vector<16xi32>
        %lt3A_1901 = arith.cmpi slt, %and3A_5, %lt3A_1900 : vector<16xi32>
        %add3A_1902 = arith.constant 16 : i32
        %add3A_1903 = vector.broadcast %add3A_1902 : i32 to vector<16xi32>
        %add3A_1904 = arith.addi %and3A_5, %add3A_1903 : vector<16xi32>
        %select_n3A_1905 = arith.select %lt3A_1901, %add3A_1904, %and3A_5 : vector<16xi1>, vector<16xi32>
        %broadcast_in_dim3A_1906 = vector.shape_cast %select_n3A_1905 : vector<16xi32> to vector<16x1xi32>
        %gather3A_1907 = vector.shape_cast %broadcast_in_dim3A_1906 : vector<16x1xi32> to vector<16xi32>
        %gather3A_1908 = tpu.dynamic_gather %select_n3A_1898[%gather3A_1907] in [0] : vector<16xi32>, vector<16xi32> -> vector<16xi32>
        %min3A_1909 = arith.minsi %select_n3A_1898, %gather3A_1908 : vector<16xi32>
        %lt3A_1910 = arith.constant 0 : i32
        %lt3A_1911 = vector.broadcast %lt3A_1910 : i32 to vector<16xi32>
        %lt3A_1912 = arith.cmpi slt, %and3A_11, %lt3A_1911 : vector<16xi32>
        %add3A_1913 = arith.constant 16 : i32
        %add3A_1914 = vector.broadcast %add3A_1913 : i32 to vector<16xi32>
        %add3A_1915 = arith.addi %and3A_11, %add3A_1914 : vector<16xi32>
        %select_n3A_1916 = arith.select %lt3A_1912, %add3A_1915, %and3A_11 : vector<16xi1>, vector<16xi32>
        %broadcast_in_dim3A_1917 = vector.shape_cast %select_n3A_1916 : vector<16xi32> to vector<16x1xi32>
        %gather3A_1918 = vector.shape_cast %broadcast_in_dim3A_1917 : vector<16x1xi32> to vector<16xi32>
        %gather3A_1919 = tpu.dynamic_gather %min3A_1909[%gather3A_1918] in [0] : vector<16xi32>, vector<16xi32> -> vector<16xi32>
        %min3A_1920 = arith.minsi %min3A_1909, %gather3A_1919 : vector<16xi32>
        %lt3A_1921 = arith.constant 0 : i32
        %lt3A_1922 = vector.broadcast %lt3A_1921 : i32 to vector<16xi32>
        %lt3A_1923 = arith.cmpi slt, %and3A_17, %lt3A_1922 : vector<16xi32>
        %add3A_1924 = arith.constant 16 : i32
        %add3A_1925 = vector.broadcast %add3A_1924 : i32 to vector<16xi32>
        %add3A_1926 = arith.addi %and3A_17, %add3A_1925 : vector<16xi32>
        %select_n3A_1927 = arith.select %lt3A_1923, %add3A_1926, %and3A_17 : vector<16xi1>, vector<16xi32>
        %broadcast_in_dim3A_1928 = vector.shape_cast %select_n3A_1927 : vector<16xi32> to vector<16x1xi32>
        %gather3A_1929 = vector.shape_cast %broadcast_in_dim3A_1928 : vector<16x1xi32> to vector<16xi32>
        %gather3A_1930 = tpu.dynamic_gather %min3A_1920[%gather3A_1929] in [0] : vector<16xi32>, vector<16xi32> -> vector<16xi32>
        %min3A_1931 = arith.minsi %min3A_1920, %gather3A_1930 : vector<16xi32>
        %lt3A_1932 = arith.constant 0 : i32
        %lt3A_1933 = vector.broadcast %lt3A_1932 : i32 to vector<16xi32>
        %lt3A_1934 = arith.cmpi slt, %and3A_23, %lt3A_1933 : vector<16xi32>
        %add3A_1935 = arith.constant 16 : i32
        %add3A_1936 = vector.broadcast %add3A_1935 : i32 to vector<16xi32>
        %add3A_1937 = arith.addi %and3A_23, %add3A_1936 : vector<16xi32>
        %select_n3A_1938 = arith.select %lt3A_1934, %add3A_1937, %and3A_23 : vector<16xi1>, vector<16xi32>
        %broadcast_in_dim3A_1939 = vector.shape_cast %select_n3A_1938 : vector<16xi32> to vector<16x1xi32>
        %gather3A_1940 = vector.shape_cast %broadcast_in_dim3A_1939 : vector<16x1xi32> to vector<16xi32>
        %gather3A_1941 = tpu.dynamic_gather %min3A_1931[%gather3A_1940] in [0] : vector<16xi32>, vector<16xi32> -> vector<16xi32>
        %min3A_1942 = arith.minsi %min3A_1931, %gather3A_1941 : vector<16xi32>
        %eq3A_1943 = arith.cmpi eq, %iota3A, %min3A_1942 : vector<16xi32>
        %jit3A_1944 = arith.constant 0.000000e+00 : f32
        %broadcast_in_dim3A_1945 = vector.broadcast %jit3A_1944 : f32 to vector<16xf32>
        %select_n3A_1946 = arith.select %eq3A_1943, %get3A_1849, %broadcast_in_dim3A_1945 : vector<16xi1>, vector<16xf32>
        %mul3A_1947 = arith.constant 16 : i32
        %mul3A_1948 = arith.muli %scan3A_1844, %mul3A_1947 : i32
        %swap3A_1949 = arith.index_cast %mul3A_1948 : i32 to index
        %swap3A_1950 = tpu.vector_load %arg6[%swap3A_1949] {strides = array<i32>} : memref<16384xf32, #tpu.memory_space<vmem>>, vector<16xf32>,
        %swap3A_1951 = vector.shape_cast %swap3A_1950 : vector<16xf32> to vector<16xf32>
        %swap3A_1952 = vector.shape_cast %select_n3A_1946 : vector<16xf32> to vector<16xf32>
        tpu.vector_store %arg6[%swap3A_1949], %swap3A_1952 {strides = array<i32>} : memref<16384xf32, #tpu.memory_space<vmem>>, vector<16xf32>,
        %scan3A_1953 = arith.constant 0 : i32
        %scan3A_1954 = arith.constant 15 : i32
        %scan3A_1955 = arith.addi %scan3A_297, %scan3A_1954 : i32
        %mul3A_1956 = arith.constant 16 : i32
        %mul3A_1957 = arith.muli %scan3A_1955, %mul3A_1956 : i32
        %get3A_1958 = arith.index_cast %mul3A_1957 : i32 to index
        %get3A_1959 = tpu.vector_load %arg4[%get3A_1958] {strides = array<i32>} : memref<16384xf32, #tpu.memory_space<vmem>>, vector<16xf32>,
        %get3A_1960 = vector.shape_cast %get3A_1959 : vector<16xf32> to vector<16xf32>
        %abs3A_1961 = math.absf %get3A_1960 : vector<16xf32>
        %lt3A_1962 = arith.constant 0 : i32
        %lt3A_1963 = vector.broadcast %lt3A_1962 : i32 to vector<16xi32>
        %lt3A_1964 = arith.cmpi slt, %and3A_5, %lt3A_1963 : vector<16xi32>
        %add3A_1965 = arith.constant 16 : i32
        %add3A_1966 = vector.broadcast %add3A_1965 : i32 to vector<16xi32>
        %add3A_1967 = arith.addi %and3A_5, %add3A_1966 : vector<16xi32>
        %select_n3A_1968 = arith.select %lt3A_1964, %add3A_1967, %and3A_5 : vector<16xi1>, vector<16xi32>
        %broadcast_in_dim3A_1969 = vector.shape_cast %select_n3A_1968 : vector<16xi32> to vector<16x1xi32>
        %gather3A_1970 = vector.shape_cast %broadcast_in_dim3A_1969 : vector<16x1xi32> to vector<16xi32>
        %gather3A_1971 = tpu.dynamic_gather %abs3A_1961[%gather3A_1970] in [0] : vector<16xf32>, vector<16xi32> -> vector<16xf32>
        %max3A_1972 = arith.maximumf %abs3A_1961, %gather3A_1971 : vector<16xf32>
        %lt3A_1973 = arith.constant 0 : i32
        %lt3A_1974 = vector.broadcast %lt3A_1973 : i32 to vector<16xi32>
        %lt3A_1975 = arith.cmpi slt, %and3A_11, %lt3A_1974 : vector<16xi32>
        %add3A_1976 = arith.constant 16 : i32
        %add3A_1977 = vector.broadcast %add3A_1976 : i32 to vector<16xi32>
        %add3A_1978 = arith.addi %and3A_11, %add3A_1977 : vector<16xi32>
        %select_n3A_1979 = arith.select %lt3A_1975, %add3A_1978, %and3A_11 : vector<16xi1>, vector<16xi32>
        %broadcast_in_dim3A_1980 = vector.shape_cast %select_n3A_1979 : vector<16xi32> to vector<16x1xi32>
        %gather3A_1981 = vector.shape_cast %broadcast_in_dim3A_1980 : vector<16x1xi32> to vector<16xi32>
        %gather3A_1982 = tpu.dynamic_gather %max3A_1972[%gather3A_1981] in [0] : vector<16xf32>, vector<16xi32> -> vector<16xf32>
        %max3A_1983 = arith.maximumf %max3A_1972, %gather3A_1982 : vector<16xf32>
        %lt3A_1984 = arith.constant 0 : i32
        %lt3A_1985 = vector.broadcast %lt3A_1984 : i32 to vector<16xi32>
        %lt3A_1986 = arith.cmpi slt, %and3A_17, %lt3A_1985 : vector<16xi32>
        %add3A_1987 = arith.constant 16 : i32
        %add3A_1988 = vector.broadcast %add3A_1987 : i32 to vector<16xi32>
        %add3A_1989 = arith.addi %and3A_17, %add3A_1988 : vector<16xi32>
        %select_n3A_1990 = arith.select %lt3A_1986, %add3A_1989, %and3A_17 : vector<16xi1>, vector<16xi32>
        %broadcast_in_dim3A_1991 = vector.shape_cast %select_n3A_1990 : vector<16xi32> to vector<16x1xi32>
        %gather3A_1992 = vector.shape_cast %broadcast_in_dim3A_1991 : vector<16x1xi32> to vector<16xi32>
        %gather3A_1993 = tpu.dynamic_gather %max3A_1983[%gather3A_1992] in [0] : vector<16xf32>, vector<16xi32> -> vector<16xf32>
        %max3A_1994 = arith.maximumf %max3A_1983, %gather3A_1993 : vector<16xf32>
        %lt3A_1995 = arith.constant 0 : i32
        %lt3A_1996 = vector.broadcast %lt3A_1995 : i32 to vector<16xi32>
        %lt3A_1997 = arith.cmpi slt, %and3A_23, %lt3A_1996 : vector<16xi32>
        %add3A_1998 = arith.constant 16 : i32
        %add3A_1999 = vector.broadcast %add3A_1998 : i32 to vector<16xi32>
        %add3A_2000 = arith.addi %and3A_23, %add3A_1999 : vector<16xi32>
        %select_n3A_2001 = arith.select %lt3A_1997, %add3A_2000, %and3A_23 : vector<16xi1>, vector<16xi32>
        %broadcast_in_dim3A_2002 = vector.shape_cast %select_n3A_2001 : vector<16xi32> to vector<16x1xi32>
        %gather3A_2003 = vector.shape_cast %broadcast_in_dim3A_2002 : vector<16x1xi32> to vector<16xi32>
        %gather3A_2004 = tpu.dynamic_gather %max3A_1994[%gather3A_2003] in [0] : vector<16xf32>, vector<16xi32> -> vector<16xf32>
        %max3A_2005 = arith.maximumf %max3A_1994, %gather3A_2004 : vector<16xf32>
        %ge3A_2006 = arith.cmpf oge, %abs3A_1961, %max3A_2005 : vector<16xf32>
        %jit3A_2007 = arith.constant 16 : i32
        %broadcast_in_dim3A_2008 = vector.broadcast %jit3A_2007 : i32 to vector<16xi32>
        %select_n3A_2009 = arith.select %ge3A_2006, %iota3A, %broadcast_in_dim3A_2008 : vector<16xi1>, vector<16xi32>
        %lt3A_2010 = arith.constant 0 : i32
        %lt3A_2011 = vector.broadcast %lt3A_2010 : i32 to vector<16xi32>
        %lt3A_2012 = arith.cmpi slt, %and3A_5, %lt3A_2011 : vector<16xi32>
        %add3A_2013 = arith.constant 16 : i32
        %add3A_2014 = vector.broadcast %add3A_2013 : i32 to vector<16xi32>
        %add3A_2015 = arith.addi %and3A_5, %add3A_2014 : vector<16xi32>
        %select_n3A_2016 = arith.select %lt3A_2012, %add3A_2015, %and3A_5 : vector<16xi1>, vector<16xi32>
        %broadcast_in_dim3A_2017 = vector.shape_cast %select_n3A_2016 : vector<16xi32> to vector<16x1xi32>
        %gather3A_2018 = vector.shape_cast %broadcast_in_dim3A_2017 : vector<16x1xi32> to vector<16xi32>
        %gather3A_2019 = tpu.dynamic_gather %select_n3A_2009[%gather3A_2018] in [0] : vector<16xi32>, vector<16xi32> -> vector<16xi32>
        %min3A_2020 = arith.minsi %select_n3A_2009, %gather3A_2019 : vector<16xi32>
        %lt3A_2021 = arith.constant 0 : i32
        %lt3A_2022 = vector.broadcast %lt3A_2021 : i32 to vector<16xi32>
        %lt3A_2023 = arith.cmpi slt, %and3A_11, %lt3A_2022 : vector<16xi32>
        %add3A_2024 = arith.constant 16 : i32
        %add3A_2025 = vector.broadcast %add3A_2024 : i32 to vector<16xi32>
        %add3A_2026 = arith.addi %and3A_11, %add3A_2025 : vector<16xi32>
        %select_n3A_2027 = arith.select %lt3A_2023, %add3A_2026, %and3A_11 : vector<16xi1>, vector<16xi32>
        %broadcast_in_dim3A_2028 = vector.shape_cast %select_n3A_2027 : vector<16xi32> to vector<16x1xi32>
        %gather3A_2029 = vector.shape_cast %broadcast_in_dim3A_2028 : vector<16x1xi32> to vector<16xi32>
        %gather3A_2030 = tpu.dynamic_gather %min3A_2020[%gather3A_2029] in [0] : vector<16xi32>, vector<16xi32> -> vector<16xi32>
        %min3A_2031 = arith.minsi %min3A_2020, %gather3A_2030 : vector<16xi32>
        %lt3A_2032 = arith.constant 0 : i32
        %lt3A_2033 = vector.broadcast %lt3A_2032 : i32 to vector<16xi32>
        %lt3A_2034 = arith.cmpi slt, %and3A_17, %lt3A_2033 : vector<16xi32>
        %add3A_2035 = arith.constant 16 : i32
        %add3A_2036 = vector.broadcast %add3A_2035 : i32 to vector<16xi32>
        %add3A_2037 = arith.addi %and3A_17, %add3A_2036 : vector<16xi32>
        %select_n3A_2038 = arith.select %lt3A_2034, %add3A_2037, %and3A_17 : vector<16xi1>, vector<16xi32>
        %broadcast_in_dim3A_2039 = vector.shape_cast %select_n3A_2038 : vector<16xi32> to vector<16x1xi32>
        %gather3A_2040 = vector.shape_cast %broadcast_in_dim3A_2039 : vector<16x1xi32> to vector<16xi32>
        %gather3A_2041 = tpu.dynamic_gather %min3A_2031[%gather3A_2040] in [0] : vector<16xi32>, vector<16xi32> -> vector<16xi32>
        %min3A_2042 = arith.minsi %min3A_2031, %gather3A_2041 : vector<16xi32>
        %lt3A_2043 = arith.constant 0 : i32
        %lt3A_2044 = vector.broadcast %lt3A_2043 : i32 to vector<16xi32>
        %lt3A_2045 = arith.cmpi slt, %and3A_23, %lt3A_2044 : vector<16xi32>
        %add3A_2046 = arith.constant 16 : i32
        %add3A_2047 = vector.broadcast %add3A_2046 : i32 to vector<16xi32>
        %add3A_2048 = arith.addi %and3A_23, %add3A_2047 : vector<16xi32>
        %select_n3A_2049 = arith.select %lt3A_2045, %add3A_2048, %and3A_23 : vector<16xi1>, vector<16xi32>
        %broadcast_in_dim3A_2050 = vector.shape_cast %select_n3A_2049 : vector<16xi32> to vector<16x1xi32>
        %gather3A_2051 = vector.shape_cast %broadcast_in_dim3A_2050 : vector<16x1xi32> to vector<16xi32>
        %gather3A_2052 = tpu.dynamic_gather %min3A_2042[%gather3A_2051] in [0] : vector<16xi32>, vector<16xi32> -> vector<16xi32>
        %min3A_2053 = arith.minsi %min3A_2042, %gather3A_2052 : vector<16xi32>
        %eq3A_2054 = arith.cmpi eq, %iota3A, %min3A_2053 : vector<16xi32>
        %jit3A_2055 = arith.constant 0.000000e+00 : f32
        %broadcast_in_dim3A_2056 = vector.broadcast %jit3A_2055 : f32 to vector<16xf32>
        %select_n3A_2057 = arith.select %eq3A_2054, %get3A_1960, %broadcast_in_dim3A_2056 : vector<16xi1>, vector<16xf32>
        %mul3A_2058 = arith.constant 16 : i32
        %mul3A_2059 = arith.muli %scan3A_1955, %mul3A_2058 : i32
        %swap3A_2060 = arith.index_cast %mul3A_2059 : i32 to index
        %swap3A_2061 = tpu.vector_load %arg6[%swap3A_2060] {strides = array<i32>} : memref<16384xf32, #tpu.memory_space<vmem>>, vector<16xf32>,
        %swap3A_2062 = vector.shape_cast %swap3A_2061 : vector<16xf32> to vector<16xf32>
        %swap3A_2063 = vector.shape_cast %select_n3A_2057 : vector<16xf32> to vector<16xf32>
        tpu.vector_store %arg6[%swap3A_2060], %swap3A_2063 {strides = array<i32>} : memref<16384xf32, #tpu.memory_space<vmem>>, vector<16xf32>,
        %scan3A_2064 = arith.constant 0 : i32
        scf.yield %scan3A_2064 : i32
      }
      %scan3A_122 = arith.constant 1024 : i32
      %mul3A_123 = arith.constant 32 : i32
      %mul3A_124 = arith.muli %add3A, %mul3A_123 : i32
      %jit3A_125 = arith.constant 2 : i32
      %div3A_126 = arith.divsi %add3A_73, %jit3A_125 : i32
      %sign3A_127 = arith.constant 0 : i32
      %sign3A_128 = arith.cmpi sgt, %add3A_73, %sign3A_127 : i32
      %sign3A_129 = arith.extui %sign3A_128 : i1 to i32
      %sign3A_130 = arith.constant 0 : i32
      %sign3A_131 = arith.cmpi slt, %add3A_73, %sign3A_130 : i32
      %sign3A_132 = arith.extui %sign3A_131 : i1 to i32
      %sign3A_133 = arith.subi %sign3A_129, %sign3A_132 : i32
      %sign3A_134 = arith.constant 0 : i32
      %sign3A_135 = arith.cmpi sgt, %jit3A_125, %sign3A_134 : i32
      %sign3A_136 = arith.extui %sign3A_135 : i1 to i32
      %sign3A_137 = arith.constant 0 : i32
      %sign3A_138 = arith.cmpi slt, %jit3A_125, %sign3A_137 : i32
      %sign3A_139 = arith.extui %sign3A_138 : i1 to i32
      %sign3A_140 = arith.subi %sign3A_136, %sign3A_139 : i32
      %ne3A_141 = arith.cmpi ne, %sign3A_133, %sign3A_140 : i32
      %rem3A_142 = arith.remsi %add3A_73, %jit3A_125 : i32
      %ne3A_143 = arith.constant 0 : i32
      %ne3A_144 = arith.cmpi ne, %rem3A_142, %ne3A_143 : i32
      %and3A_145 = arith.andi %ne3A_141, %ne3A_144 : i1
      %sub3A_146 = arith.constant 1 : i32
      %sub3A_147 = arith.subi %div3A_126, %sub3A_146 : i32
      %select_n3A_148 = arith.select %and3A_145, %sub3A_147, %div3A_126 : i32
      %add3A_149 = arith.addi %mul3A_124, %select_n3A_148 : i32
      %jit3A_150 = arith.constant 2 : i32
      %eq3A_151 = arith.constant 0 : i32
      %eq3A_152 = arith.cmpi eq, %jit3A_150, %eq3A_151 : i32
      %jit3A_153 = arith.constant 1 : i32
      %select_n3A_154 = arith.select %eq3A_152, %jit3A_153, %jit3A_150 : i32
      %rem3A_155 = arith.remsi %add3A_73, %select_n3A_154 : i32
      %ne3A_156 = arith.constant 0 : i32
      %ne3A_157 = arith.cmpi ne, %rem3A_155, %ne3A_156 : i32
      %lt3A_158 = arith.constant 0 : i32
      %lt3A_159 = arith.cmpi slt, %rem3A_155, %lt3A_158 : i32
      %lt3A_160 = arith.constant 0 : i32
      %lt3A_161 = arith.cmpi slt, %select_n3A_154, %lt3A_160 : i32
      %ne3A_162 = arith.xori %lt3A_159, %lt3A_161 : i1
      %and3A_163 = arith.andi %ne3A_162, %ne3A_157 : i1
      %add3A_164 = arith.addi %rem3A_155, %select_n3A_154 : i32
      %select_n3A_165 = arith.select %and3A_163, %add3A_164, %rem3A_155 : i32
      %mul3A_166 = arith.constant 16384 : i32
      %mul3A_167 = arith.muli %select_n3A_165, %mul3A_166 : i32
      %dma_start3A_168 = tpu.memref_slice %arg3[%add3A_149, %mul3A_167] : memref<1024x32768xf32, #tpu.memory_space<hbm>> -> memref<1x16384xf32, #tpu.memory_space<hbm>>
      %dma_start3A_169 = tpu.memref_squeeze %dma_start3A_168 : memref<1x16384xf32, #tpu.memory_space<hbm>> -> memref<16384xf32, #tpu.memory_space<hbm>>
      %dma_start3A_170 = tpu.memref_slice %arg3[%add3A_149, %mul3A_167] : memref<1024x32768xf32, #tpu.memory_space<hbm>> -> memref<1x16384xf32, #tpu.memory_space<hbm>>
      %dma_start3A_171 = tpu.memref_squeeze %dma_start3A_170 : memref<1x16384xf32, #tpu.memory_space<hbm>> -> memref<16384xf32, #tpu.memory_space<hbm>>
      tpu.enqueue_dma source(%arg6 : memref<16384xf32, #tpu.memory_space<vmem>>) target(%dma_start3A_171 : memref<16384xf32, #tpu.memory_space<hbm>>) target_semaphore(%arg10 : memref<!tpu.dma_semaphore, #tpu.memory_space<semaphore_mem>>)
      %lt3A_172 = arith.constant 31 : i32
      %lt3A_173 = arith.cmpi slt, %scan3A_68, %lt3A_172 : i32
      %convert_element_type3A_174 = arith.extui %lt3A_173 : i1 to i32
      %cond3A_175 = arith.constant 0 : i32
      %cond3A_176 = arith.cmpi ne, %convert_element_type3A_174, %cond3A_175 : i32
      scf.if %cond3A_176 {
        %add3A_297 = arith.constant 2 : i32
        %add3A_298 = arith.addi %add3A_73, %add3A_297 : i32
        %mul3A_299 = arith.constant 32 : i32
        %mul3A_300 = arith.muli %add3A, %mul3A_299 : i32
        %jit3A_301 = arith.constant 2 : i32
        %div3A_302 = arith.divsi %add3A_298, %jit3A_301 : i32
        %sign3A_303 = arith.constant 0 : i32
        %sign3A_304 = arith.cmpi sgt, %add3A_298, %sign3A_303 : i32
        %sign3A_305 = arith.extui %sign3A_304 : i1 to i32
        %sign3A_306 = arith.constant 0 : i32
        %sign3A_307 = arith.cmpi slt, %add3A_298, %sign3A_306 : i32
        %sign3A_308 = arith.extui %sign3A_307 : i1 to i32
        %sign3A_309 = arith.subi %sign3A_305, %sign3A_308 : i32
        %sign3A_310 = arith.constant 0 : i32
        %sign3A_311 = arith.cmpi sgt, %jit3A_301, %sign3A_310 : i32
        %sign3A_312 = arith.extui %sign3A_311 : i1 to i32
        %sign3A_313 = arith.constant 0 : i32
        %sign3A_314 = arith.cmpi slt, %jit3A_301, %sign3A_313 : i32
        %sign3A_315 = arith.extui %sign3A_314 : i1 to i32
        %sign3A_316 = arith.subi %sign3A_312, %sign3A_315 : i32
        %ne3A_317 = arith.cmpi ne, %sign3A_309, %sign3A_316 : i32
        %rem3A_318 = arith.remsi %add3A_298, %jit3A_301 : i32
        %ne3A_319 = arith.constant 0 : i32
        %ne3A_320 = arith.cmpi ne, %rem3A_318, %ne3A_319 : i32
        %and3A_321 = arith.andi %ne3A_317, %ne3A_320 : i1
        %sub3A_322 = arith.constant 1 : i32
        %sub3A_323 = arith.subi %div3A_302, %sub3A_322 : i32
        %select_n3A_324 = arith.select %and3A_321, %sub3A_323, %div3A_302 : i32
        %add3A_325 = arith.addi %mul3A_300, %select_n3A_324 : i32
        %jit3A_326 = arith.constant 2 : i32
        %eq3A_327 = arith.constant 0 : i32
        %eq3A_328 = arith.cmpi eq, %jit3A_326, %eq3A_327 : i32
        %jit3A_329 = arith.constant 1 : i32
        %select_n3A_330 = arith.select %eq3A_328, %jit3A_329, %jit3A_326 : i32
        %rem3A_331 = arith.remsi %add3A_298, %select_n3A_330 : i32
        %ne3A_332 = arith.constant 0 : i32
        %ne3A_333 = arith.cmpi ne, %rem3A_331, %ne3A_332 : i32
        %lt3A_334 = arith.constant 0 : i32
        %lt3A_335 = arith.cmpi slt, %rem3A_331, %lt3A_334 : i32
        %lt3A_336 = arith.constant 0 : i32
        %lt3A_337 = arith.cmpi slt, %select_n3A_330, %lt3A_336 : i32
        %ne3A_338 = arith.xori %lt3A_335, %lt3A_337 : i1
        %and3A_339 = arith.andi %ne3A_338, %ne3A_333 : i1
        %add3A_340 = arith.addi %rem3A_331, %select_n3A_330 : i32
        %select_n3A_341 = arith.select %and3A_339, %add3A_340, %rem3A_331 : i32
        %mul3A_342 = arith.constant 16384 : i32
        %mul3A_343 = arith.muli %select_n3A_341, %mul3A_342 : i32
        %dma_start3A_344 = tpu.memref_slice %arg2[%add3A_325, %mul3A_343] : memref<1024x32768xf32, #tpu.memory_space<hbm>> -> memref<1x16384xf32, #tpu.memory_space<hbm>>
        %dma_start3A_345 = tpu.memref_squeeze %dma_start3A_344 : memref<1x16384xf32, #tpu.memory_space<hbm>> -> memref<16384xf32, #tpu.memory_space<hbm>>
        %dma_start3A_346 = tpu.memref_slice %arg2[%add3A_325, %mul3A_343] : memref<1024x32768xf32, #tpu.memory_space<hbm>> -> memref<1x16384xf32, #tpu.memory_space<hbm>>
        %dma_start3A_347 = tpu.memref_squeeze %dma_start3A_346 : memref<1x16384xf32, #tpu.memory_space<hbm>> -> memref<16384xf32, #tpu.memory_space<hbm>>
        tpu.enqueue_dma source(%dma_start3A_347 : memref<16384xf32, #tpu.memory_space<hbm>>) target(%arg4 : memref<16384xf32, #tpu.memory_space<vmem>>) target_semaphore(%arg8 : memref<!tpu.dma_semaphore, #tpu.memory_space<semaphore_mem>>)
      } else {
      }
      %mul3A_177 = arith.constant 2 : i32
      %mul3A_178 = arith.muli %mul3A_177, %scan3A_68 : i32
      %add3A_179 = arith.constant 1 : i32
      %add3A_180 = arith.addi %mul3A_178, %add3A_179 : i32
      %mul3A_181 = arith.constant 32 : i32
      %mul3A_182 = arith.muli %add3A, %mul3A_181 : i32
      %jit3A_183 = arith.constant 2 : i32
      %div3A_184 = arith.divsi %add3A_180, %jit3A_183 : i32
      %sign3A_185 = arith.constant 0 : i32
      %sign3A_186 = arith.cmpi sgt, %add3A_180, %sign3A_185 : i32
      %sign3A_187 = arith.extui %sign3A_186 : i1 to i32
      %sign3A_188 = arith.constant 0 : i32
      %sign3A_189 = arith.cmpi slt, %add3A_180, %sign3A_188 : i32
      %sign3A_190 = arith.extui %sign3A_189 : i1 to i32
      %sign3A_191 = arith.subi %sign3A_187, %sign3A_190 : i32
      %sign3A_192 = arith.constant 0 : i32
      %sign3A_193 = arith.cmpi sgt, %jit3A_183, %sign3A_192 : i32
      %sign3A_194 = arith.extui %sign3A_193 : i1 to i32
      %sign3A_195 = arith.constant 0 : i32
      %sign3A_196 = arith.cmpi slt, %jit3A_183, %sign3A_195 : i32
      %sign3A_197 = arith.extui %sign3A_196 : i1 to i32
      %sign3A_198 = arith.subi %sign3A_194, %sign3A_197 : i32
      %ne3A_199 = arith.cmpi ne, %sign3A_191, %sign3A_198 : i32
      %rem3A_200 = arith.remsi %add3A_180, %jit3A_183 : i32
      %ne3A_201 = arith.constant 0 : i32
      %ne3A_202 = arith.cmpi ne, %rem3A_200, %ne3A_201 : i32
      %and3A_203 = arith.andi %ne3A_199, %ne3A_202 : i1
      %sub3A_204 = arith.constant 1 : i32
      %sub3A_205 = arith.subi %div3A_184, %sub3A_204 : i32
      %select_n3A_206 = arith.select %and3A_203, %sub3A_205, %div3A_184 : i32
      %add3A_207 = arith.addi %mul3A_182, %select_n3A_206 : i32
      %jit3A_208 = arith.constant 2 : i32
      %eq3A_209 = arith.constant 0 : i32
      %eq3A_210 = arith.cmpi eq, %jit3A_208, %eq3A_209 : i32
      %jit3A_211 = arith.constant 1 : i32
      %select_n3A_212 = arith.select %eq3A_210, %jit3A_211, %jit3A_208 : i32
      %rem3A_213 = arith.remsi %add3A_180, %select_n3A_212 : i32
      %ne3A_214 = arith.constant 0 : i32
      %ne3A_215 = arith.cmpi ne, %rem3A_213, %ne3A_214 : i32
      %lt3A_216 = arith.constant 0 : i32
      %lt3A_217 = arith.cmpi slt, %rem3A_213, %lt3A_216 : i32
      %lt3A_218 = arith.constant 0 : i32
      %lt3A_219 = arith.cmpi slt, %select_n3A_212, %lt3A_218 : i32
      %ne3A_220 = arith.xori %lt3A_217, %lt3A_219 : i1
      %and3A_221 = arith.andi %ne3A_220, %ne3A_215 : i1
      %add3A_222 = arith.addi %rem3A_213, %select_n3A_212 : i32
      %select_n3A_223 = arith.select %and3A_221, %add3A_222, %rem3A_213 : i32
      %mul3A_224 = arith.constant 16384 : i32
      %mul3A_225 = arith.muli %select_n3A_223, %mul3A_224 : i32
      %dma_wait3A_226 = tpu.memref_slice %arg2[%add3A_207, %mul3A_225] : memref<1024x32768xf32, #tpu.memory_space<hbm>> -> memref<1x16384xf32, #tpu.memory_space<hbm>>
      %dma_wait3A_227 = tpu.memref_squeeze %dma_wait3A_226 : memref<1x16384xf32, #tpu.memory_space<hbm>> -> memref<16384xf32, #tpu.memory_space<hbm>>
      %dma_wait3A_228 = tpu.memref_slice %arg2[%add3A_207, %mul3A_225] : memref<1024x32768xf32, #tpu.memory_space<hbm>> -> memref<1x16384xf32, #tpu.memory_space<hbm>>
      %dma_wait3A_229 = tpu.memref_squeeze %dma_wait3A_228 : memref<1x16384xf32, #tpu.memory_space<hbm>> -> memref<16384xf32, #tpu.memory_space<hbm>>
      tpu.wait_dma2 semaphore(%arg9 : memref<!tpu.dma_semaphore, #tpu.memory_space<semaphore_mem>>) src(%dma_wait3A_229 : memref<16384xf32, #tpu.memory_space<hbm>>) dst(%arg5 : memref<16384xf32, #tpu.memory_space<vmem>>)
      %gt3A_230 = arith.constant 0 : i32
      %gt3A_231 = arith.cmpi sgt, %scan3A_68, %gt3A_230 : i32
      %convert_element_type3A_232 = arith.extui %gt3A_231 : i1 to i32
      %cond3A_233 = arith.constant 0 : i32
      %cond3A_234 = arith.cmpi ne, %convert_element_type3A_232, %cond3A_233 : i32
      scf.if %cond3A_234 {
        %sub3A_297 = arith.constant 2 : i32
        %sub3A_298 = arith.subi %add3A_180, %sub3A_297 : i32
        %mul3A_299 = arith.constant 32 : i32
        %mul3A_300 = arith.muli %add3A, %mul3A_299 : i32
        %jit3A_301 = arith.constant 2 : i32
        %div3A_302 = arith.divsi %sub3A_298, %jit3A_301 : i32
        %sign3A_303 = arith.constant 0 : i32
        %sign3A_304 = arith.cmpi sgt, %sub3A_298, %sign3A_303 : i32
        %sign3A_305 = arith.extui %sign3A_304 : i1 to i32
        %sign3A_306 = arith.constant 0 : i32
        %sign3A_307 = arith.cmpi slt, %sub3A_298, %sign3A_306 : i32
        %sign3A_308 = arith.extui %sign3A_307 : i1 to i32
        %sign3A_309 = arith.subi %sign3A_305, %sign3A_308 : i32
        %sign3A_310 = arith.constant 0 : i32
        %sign3A_311 = arith.cmpi sgt, %jit3A_301, %sign3A_310 : i32
        %sign3A_312 = arith.extui %sign3A_311 : i1 to i32
        %sign3A_313 = arith.constant 0 : i32
        %sign3A_314 = arith.cmpi slt, %jit3A_301, %sign3A_313 : i32
        %sign3A_315 = arith.extui %sign3A_314 : i1 to i32
        %sign3A_316 = arith.subi %sign3A_312, %sign3A_315 : i32
        %ne3A_317 = arith.cmpi ne, %sign3A_309, %sign3A_316 : i32
        %rem3A_318 = arith.remsi %sub3A_298, %jit3A_301 : i32
        %ne3A_319 = arith.constant 0 : i32
        %ne3A_320 = arith.cmpi ne, %rem3A_318, %ne3A_319 : i32
        %and3A_321 = arith.andi %ne3A_317, %ne3A_320 : i1
        %sub3A_322 = arith.constant 1 : i32
        %sub3A_323 = arith.subi %div3A_302, %sub3A_322 : i32
        %select_n3A_324 = arith.select %and3A_321, %sub3A_323, %div3A_302 : i32
        %add3A_325 = arith.addi %mul3A_300, %select_n3A_324 : i32
        %jit3A_326 = arith.constant 2 : i32
        %eq3A_327 = arith.constant 0 : i32
        %eq3A_328 = arith.cmpi eq, %jit3A_326, %eq3A_327 : i32
        %jit3A_329 = arith.constant 1 : i32
        %select_n3A_330 = arith.select %eq3A_328, %jit3A_329, %jit3A_326 : i32
        %rem3A_331 = arith.remsi %sub3A_298, %select_n3A_330 : i32
        %ne3A_332 = arith.constant 0 : i32
        %ne3A_333 = arith.cmpi ne, %rem3A_331, %ne3A_332 : i32
        %lt3A_334 = arith.constant 0 : i32
        %lt3A_335 = arith.cmpi slt, %rem3A_331, %lt3A_334 : i32
        %lt3A_336 = arith.constant 0 : i32
        %lt3A_337 = arith.cmpi slt, %select_n3A_330, %lt3A_336 : i32
        %ne3A_338 = arith.xori %lt3A_335, %lt3A_337 : i1
        %and3A_339 = arith.andi %ne3A_338, %ne3A_333 : i1
        %add3A_340 = arith.addi %rem3A_331, %select_n3A_330 : i32
        %select_n3A_341 = arith.select %and3A_339, %add3A_340, %rem3A_331 : i32
        %mul3A_342 = arith.constant 16384 : i32
        %mul3A_343 = arith.muli %select_n3A_341, %mul3A_342 : i32
        %dma_wait3A_344 = tpu.memref_slice %arg3[%add3A_325, %mul3A_343] : memref<1024x32768xf32, #tpu.memory_space<hbm>> -> memref<1x16384xf32, #tpu.memory_space<hbm>>
        %dma_wait3A_345 = tpu.memref_squeeze %dma_wait3A_344 : memref<1x16384xf32, #tpu.memory_space<hbm>> -> memref<16384xf32, #tpu.memory_space<hbm>>
        %dma_wait3A_346 = tpu.memref_slice %arg3[%add3A_325, %mul3A_343] : memref<1024x32768xf32, #tpu.memory_space<hbm>> -> memref<1x16384xf32, #tpu.memory_space<hbm>>
        %dma_wait3A_347 = tpu.memref_squeeze %dma_wait3A_346 : memref<1x16384xf32, #tpu.memory_space<hbm>> -> memref<16384xf32, #tpu.memory_space<hbm>>
        tpu.wait_dma2 semaphore(%arg11 : memref<!tpu.dma_semaphore, #tpu.memory_space<semaphore_mem>>) src(%arg7 : memref<16384xf32, #tpu.memory_space<vmem>>) dst(%dma_wait3A_347 : memref<16384xf32, #tpu.memory_space<hbm>>)
      } else {
      }
      %scan3A_235 = arith.constant 0 : i32
      %scan3A_236 = arith.constant 0 : i32
      %scan3A_237 = arith.constant 1024 : i32
      %scan3A_238 = arith.addi %scan3A_236, %scan3A_237 : i32
      %scan3A_239 = arith.constant 16 : i32
      %scan3A_240 = scf.for %scan3A_297 = %scan3A_236 to %scan3A_238 step %scan3A_239 iter_args(%scan3A_298 = %scan3A_235) -> (i32)  : i32 {
        %mul3A_299 = arith.constant 16 : i32
        %mul3A_300 = arith.muli %scan3A_297, %mul3A_299 : i32
        %get3A = arith.index_cast %mul3A_300 : i32 to index
        %get3A_301 = tpu.vector_load %arg5[%get3A] {strides = array<i32>} : memref<16384xf32, #tpu.memory_space<vmem>>, vector<16xf32>,
        %get3A_302 = vector.shape_cast %get3A_301 : vector<16xf32> to vector<16xf32>
        %abs3A = math.absf %get3A_302 : vector<16xf32>
        %lt3A_303 = arith.constant 0 : i32
        %lt3A_304 = vector.broadcast %lt3A_303 : i32 to vector<16xi32>
        %lt3A_305 = arith.cmpi slt, %and3A_5, %lt3A_304 : vector<16xi32>
        %add3A_306 = arith.constant 16 : i32
        %add3A_307 = vector.broadcast %add3A_306 : i32 to vector<16xi32>
        %add3A_308 = arith.addi %and3A_5, %add3A_307 : vector<16xi32>
        %select_n3A_309 = arith.select %lt3A_305, %add3A_308, %and3A_5 : vector<16xi1>, vector<16xi32>
        %broadcast_in_dim3A = vector.shape_cast %select_n3A_309 : vector<16xi32> to vector<16x1xi32>
        %gather3A = vector.shape_cast %broadcast_in_dim3A : vector<16x1xi32> to vector<16xi32>
        %gather3A_310 = tpu.dynamic_gather %abs3A[%gather3A] in [0] : vector<16xf32>, vector<16xi32> -> vector<16xf32>
        %max3A = arith.maximumf %abs3A, %gather3A_310 : vector<16xf32>
        %lt3A_311 = arith.constant 0 : i32
        %lt3A_312 = vector.broadcast %lt3A_311 : i32 to vector<16xi32>
        %lt3A_313 = arith.cmpi slt, %and3A_11, %lt3A_312 : vector<16xi32>
        %add3A_314 = arith.constant 16 : i32
        %add3A_315 = vector.broadcast %add3A_314 : i32 to vector<16xi32>
        %add3A_316 = arith.addi %and3A_11, %add3A_315 : vector<16xi32>
        %select_n3A_317 = arith.select %lt3A_313, %add3A_316, %and3A_11 : vector<16xi1>, vector<16xi32>
        %broadcast_in_dim3A_318 = vector.shape_cast %select_n3A_317 : vector<16xi32> to vector<16x1xi32>
        %gather3A_319 = vector.shape_cast %broadcast_in_dim3A_318 : vector<16x1xi32> to vector<16xi32>
        %gather3A_320 = tpu.dynamic_gather %max3A[%gather3A_319] in [0] : vector<16xf32>, vector<16xi32> -> vector<16xf32>
        %max3A_321 = arith.maximumf %max3A, %gather3A_320 : vector<16xf32>
        %lt3A_322 = arith.constant 0 : i32
        %lt3A_323 = vector.broadcast %lt3A_322 : i32 to vector<16xi32>
        %lt3A_324 = arith.cmpi slt, %and3A_17, %lt3A_323 : vector<16xi32>
        %add3A_325 = arith.constant 16 : i32
        %add3A_326 = vector.broadcast %add3A_325 : i32 to vector<16xi32>
        %add3A_327 = arith.addi %and3A_17, %add3A_326 : vector<16xi32>
        %select_n3A_328 = arith.select %lt3A_324, %add3A_327, %and3A_17 : vector<16xi1>, vector<16xi32>
        %broadcast_in_dim3A_329 = vector.shape_cast %select_n3A_328 : vector<16xi32> to vector<16x1xi32>
        %gather3A_330 = vector.shape_cast %broadcast_in_dim3A_329 : vector<16x1xi32> to vector<16xi32>
        %gather3A_331 = tpu.dynamic_gather %max3A_321[%gather3A_330] in [0] : vector<16xf32>, vector<16xi32> -> vector<16xf32>
        %max3A_332 = arith.maximumf %max3A_321, %gather3A_331 : vector<16xf32>
        %lt3A_333 = arith.constant 0 : i32
        %lt3A_334 = vector.broadcast %lt3A_333 : i32 to vector<16xi32>
        %lt3A_335 = arith.cmpi slt, %and3A_23, %lt3A_334 : vector<16xi32>
        %add3A_336 = arith.constant 16 : i32
        %add3A_337 = vector.broadcast %add3A_336 : i32 to vector<16xi32>
        %add3A_338 = arith.addi %and3A_23, %add3A_337 : vector<16xi32>
        %select_n3A_339 = arith.select %lt3A_335, %add3A_338, %and3A_23 : vector<16xi1>, vector<16xi32>
        %broadcast_in_dim3A_340 = vector.shape_cast %select_n3A_339 : vector<16xi32> to vector<16x1xi32>
        %gather3A_341 = vector.shape_cast %broadcast_in_dim3A_340 : vector<16x1xi32> to vector<16xi32>
        %gather3A_342 = tpu.dynamic_gather %max3A_332[%gather3A_341] in [0] : vector<16xf32>, vector<16xi32> -> vector<16xf32>
        %max3A_343 = arith.maximumf %max3A_332, %gather3A_342 : vector<16xf32>
        %ge3A = arith.cmpf oge, %abs3A, %max3A_343 : vector<16xf32>
        %jit3A_344 = arith.constant 16 : i32
        %broadcast_in_dim3A_345 = vector.broadcast %jit3A_344 : i32 to vector<16xi32>
        %select_n3A_346 = arith.select %ge3A, %iota3A, %broadcast_in_dim3A_345 : vector<16xi1>, vector<16xi32>
        %lt3A_347 = arith.constant 0 : i32
        %lt3A_348 = vector.broadcast %lt3A_347 : i32 to vector<16xi32>
        %lt3A_349 = arith.cmpi slt, %and3A_5, %lt3A_348 : vector<16xi32>
        %add3A_350 = arith.constant 16 : i32
        %add3A_351 = vector.broadcast %add3A_350 : i32 to vector<16xi32>
        %add3A_352 = arith.addi %and3A_5, %add3A_351 : vector<16xi32>
        %select_n3A_353 = arith.select %lt3A_349, %add3A_352, %and3A_5 : vector<16xi1>, vector<16xi32>
        %broadcast_in_dim3A_354 = vector.shape_cast %select_n3A_353 : vector<16xi32> to vector<16x1xi32>
        %gather3A_355 = vector.shape_cast %broadcast_in_dim3A_354 : vector<16x1xi32> to vector<16xi32>
        %gather3A_356 = tpu.dynamic_gather %select_n3A_346[%gather3A_355] in [0] : vector<16xi32>, vector<16xi32> -> vector<16xi32>
        %min3A = arith.minsi %select_n3A_346, %gather3A_356 : vector<16xi32>
        %lt3A_357 = arith.constant 0 : i32
        %lt3A_358 = vector.broadcast %lt3A_357 : i32 to vector<16xi32>
        %lt3A_359 = arith.cmpi slt, %and3A_11, %lt3A_358 : vector<16xi32>
        %add3A_360 = arith.constant 16 : i32
        %add3A_361 = vector.broadcast %add3A_360 : i32 to vector<16xi32>
        %add3A_362 = arith.addi %and3A_11, %add3A_361 : vector<16xi32>
        %select_n3A_363 = arith.select %lt3A_359, %add3A_362, %and3A_11 : vector<16xi1>, vector<16xi32>
        %broadcast_in_dim3A_364 = vector.shape_cast %select_n3A_363 : vector<16xi32> to vector<16x1xi32>
        %gather3A_365 = vector.shape_cast %broadcast_in_dim3A_364 : vector<16x1xi32> to vector<16xi32>
        %gather3A_366 = tpu.dynamic_gather %min3A[%gather3A_365] in [0] : vector<16xi32>, vector<16xi32> -> vector<16xi32>
        %min3A_367 = arith.minsi %min3A, %gather3A_366 : vector<16xi32>
        %lt3A_368 = arith.constant 0 : i32
        %lt3A_369 = vector.broadcast %lt3A_368 : i32 to vector<16xi32>
        %lt3A_370 = arith.cmpi slt, %and3A_17, %lt3A_369 : vector<16xi32>
        %add3A_371 = arith.constant 16 : i32
        %add3A_372 = vector.broadcast %add3A_371 : i32 to vector<16xi32>
        %add3A_373 = arith.addi %and3A_17, %add3A_372 : vector<16xi32>
        %select_n3A_374 = arith.select %lt3A_370, %add3A_373, %and3A_17 : vector<16xi1>, vector<16xi32>
        %broadcast_in_dim3A_375 = vector.shape_cast %select_n3A_374 : vector<16xi32> to vector<16x1xi32>
        %gather3A_376 = vector.shape_cast %broadcast_in_dim3A_375 : vector<16x1xi32> to vector<16xi32>
        %gather3A_377 = tpu.dynamic_gather %min3A_367[%gather3A_376] in [0] : vector<16xi32>, vector<16xi32> -> vector<16xi32>
        %min3A_378 = arith.minsi %min3A_367, %gather3A_377 : vector<16xi32>
        %lt3A_379 = arith.constant 0 : i32
        %lt3A_380 = vector.broadcast %lt3A_379 : i32 to vector<16xi32>
        %lt3A_381 = arith.cmpi slt, %and3A_23, %lt3A_380 : vector<16xi32>
        %add3A_382 = arith.constant 16 : i32
        %add3A_383 = vector.broadcast %add3A_382 : i32 to vector<16xi32>
        %add3A_384 = arith.addi %and3A_23, %add3A_383 : vector<16xi32>
        %select_n3A_385 = arith.select %lt3A_381, %add3A_384, %and3A_23 : vector<16xi1>, vector<16xi32>
        %broadcast_in_dim3A_386 = vector.shape_cast %select_n3A_385 : vector<16xi32> to vector<16x1xi32>
        %gather3A_387 = vector.shape_cast %broadcast_in_dim3A_386 : vector<16x1xi32> to vector<16xi32>
        %gather3A_388 = tpu.dynamic_gather %min3A_378[%gather3A_387] in [0] : vector<16xi32>, vector<16xi32> -> vector<16xi32>
        %min3A_389 = arith.minsi %min3A_378, %gather3A_388 : vector<16xi32>
        %eq3A_390 = arith.cmpi eq, %iota3A, %min3A_389 : vector<16xi32>
        %jit3A_391 = arith.constant 0.000000e+00 : f32
        %broadcast_in_dim3A_392 = vector.broadcast %jit3A_391 : f32 to vector<16xf32>
        %select_n3A_393 = arith.select %eq3A_390, %get3A_302, %broadcast_in_dim3A_392 : vector<16xi1>, vector<16xf32>
        %mul3A_394 = arith.constant 16 : i32
        %mul3A_395 = arith.muli %scan3A_297, %mul3A_394 : i32
        %swap3A = arith.index_cast %mul3A_395 : i32 to index
        %swap3A_396 = tpu.vector_load %arg7[%swap3A] {strides = array<i32>} : memref<16384xf32, #tpu.memory_space<vmem>>, vector<16xf32>,
        %swap3A_397 = vector.shape_cast %swap3A_396 : vector<16xf32> to vector<16xf32>
        %swap3A_398 = vector.shape_cast %select_n3A_393 : vector<16xf32> to vector<16xf32>
        tpu.vector_store %arg7[%swap3A], %swap3A_398 {strides = array<i32>} : memref<16384xf32, #tpu.memory_space<vmem>>, vector<16xf32>,
        %scan3A_399 = arith.constant 0 : i32
        %scan3A_400 = arith.constant 1 : i32
        %scan3A_401 = arith.addi %scan3A_297, %scan3A_400 : i32
        %mul3A_402 = arith.constant 16 : i32
        %mul3A_403 = arith.muli %scan3A_401, %mul3A_402 : i32
        %get3A_404 = arith.index_cast %mul3A_403 : i32 to index
        %get3A_405 = tpu.vector_load %arg5[%get3A_404] {strides = array<i32>} : memref<16384xf32, #tpu.memory_space<vmem>>, vector<16xf32>,
        %get3A_406 = vector.shape_cast %get3A_405 : vector<16xf32> to vector<16xf32>
        %abs3A_407 = math.absf %get3A_406 : vector<16xf32>
        %lt3A_408 = arith.constant 0 : i32
        %lt3A_409 = vector.broadcast %lt3A_408 : i32 to vector<16xi32>
        %lt3A_410 = arith.cmpi slt, %and3A_5, %lt3A_409 : vector<16xi32>
        %add3A_411 = arith.constant 16 : i32
        %add3A_412 = vector.broadcast %add3A_411 : i32 to vector<16xi32>
        %add3A_413 = arith.addi %and3A_5, %add3A_412 : vector<16xi32>
        %select_n3A_414 = arith.select %lt3A_410, %add3A_413, %and3A_5 : vector<16xi1>, vector<16xi32>
        %broadcast_in_dim3A_415 = vector.shape_cast %select_n3A_414 : vector<16xi32> to vector<16x1xi32>
        %gather3A_416 = vector.shape_cast %broadcast_in_dim3A_415 : vector<16x1xi32> to vector<16xi32>
        %gather3A_417 = tpu.dynamic_gather %abs3A_407[%gather3A_416] in [0] : vector<16xf32>, vector<16xi32> -> vector<16xf32>
        %max3A_418 = arith.maximumf %abs3A_407, %gather3A_417 : vector<16xf32>
        %lt3A_419 = arith.constant 0 : i32
        %lt3A_420 = vector.broadcast %lt3A_419 : i32 to vector<16xi32>
        %lt3A_421 = arith.cmpi slt, %and3A_11, %lt3A_420 : vector<16xi32>
        %add3A_422 = arith.constant 16 : i32
        %add3A_423 = vector.broadcast %add3A_422 : i32 to vector<16xi32>
        %add3A_424 = arith.addi %and3A_11, %add3A_423 : vector<16xi32>
        %select_n3A_425 = arith.select %lt3A_421, %add3A_424, %and3A_11 : vector<16xi1>, vector<16xi32>
        %broadcast_in_dim3A_426 = vector.shape_cast %select_n3A_425 : vector<16xi32> to vector<16x1xi32>
        %gather3A_427 = vector.shape_cast %broadcast_in_dim3A_426 : vector<16x1xi32> to vector<16xi32>
        %gather3A_428 = tpu.dynamic_gather %max3A_418[%gather3A_427] in [0] : vector<16xf32>, vector<16xi32> -> vector<16xf32>
        %max3A_429 = arith.maximumf %max3A_418, %gather3A_428 : vector<16xf32>
        %lt3A_430 = arith.constant 0 : i32
        %lt3A_431 = vector.broadcast %lt3A_430 : i32 to vector<16xi32>
        %lt3A_432 = arith.cmpi slt, %and3A_17, %lt3A_431 : vector<16xi32>
        %add3A_433 = arith.constant 16 : i32
        %add3A_434 = vector.broadcast %add3A_433 : i32 to vector<16xi32>
        %add3A_435 = arith.addi %and3A_17, %add3A_434 : vector<16xi32>
        %select_n3A_436 = arith.select %lt3A_432, %add3A_435, %and3A_17 : vector<16xi1>, vector<16xi32>
        %broadcast_in_dim3A_437 = vector.shape_cast %select_n3A_436 : vector<16xi32> to vector<16x1xi32>
        %gather3A_438 = vector.shape_cast %broadcast_in_dim3A_437 : vector<16x1xi32> to vector<16xi32>
        %gather3A_439 = tpu.dynamic_gather %max3A_429[%gather3A_438] in [0] : vector<16xf32>, vector<16xi32> -> vector<16xf32>
        %max3A_440 = arith.maximumf %max3A_429, %gather3A_439 : vector<16xf32>
        %lt3A_441 = arith.constant 0 : i32
        %lt3A_442 = vector.broadcast %lt3A_441 : i32 to vector<16xi32>
        %lt3A_443 = arith.cmpi slt, %and3A_23, %lt3A_442 : vector<16xi32>
        %add3A_444 = arith.constant 16 : i32
        %add3A_445 = vector.broadcast %add3A_444 : i32 to vector<16xi32>
        %add3A_446 = arith.addi %and3A_23, %add3A_445 : vector<16xi32>
        %select_n3A_447 = arith.select %lt3A_443, %add3A_446, %and3A_23 : vector<16xi1>, vector<16xi32>
        %broadcast_in_dim3A_448 = vector.shape_cast %select_n3A_447 : vector<16xi32> to vector<16x1xi32>
        %gather3A_449 = vector.shape_cast %broadcast_in_dim3A_448 : vector<16x1xi32> to vector<16xi32>
        %gather3A_450 = tpu.dynamic_gather %max3A_440[%gather3A_449] in [0] : vector<16xf32>, vector<16xi32> -> vector<16xf32>
        %max3A_451 = arith.maximumf %max3A_440, %gather3A_450 : vector<16xf32>
        %ge3A_452 = arith.cmpf oge, %abs3A_407, %max3A_451 : vector<16xf32>
        %jit3A_453 = arith.constant 16 : i32
        %broadcast_in_dim3A_454 = vector.broadcast %jit3A_453 : i32 to vector<16xi32>
        %select_n3A_455 = arith.select %ge3A_452, %iota3A, %broadcast_in_dim3A_454 : vector<16xi1>, vector<16xi32>
        %lt3A_456 = arith.constant 0 : i32
        %lt3A_457 = vector.broadcast %lt3A_456 : i32 to vector<16xi32>
        %lt3A_458 = arith.cmpi slt, %and3A_5, %lt3A_457 : vector<16xi32>
        %add3A_459 = arith.constant 16 : i32
        %add3A_460 = vector.broadcast %add3A_459 : i32 to vector<16xi32>
        %add3A_461 = arith.addi %and3A_5, %add3A_460 : vector<16xi32>
        %select_n3A_462 = arith.select %lt3A_458, %add3A_461, %and3A_5 : vector<16xi1>, vector<16xi32>
        %broadcast_in_dim3A_463 = vector.shape_cast %select_n3A_462 : vector<16xi32> to vector<16x1xi32>
        %gather3A_464 = vector.shape_cast %broadcast_in_dim3A_463 : vector<16x1xi32> to vector<16xi32>
        %gather3A_465 = tpu.dynamic_gather %select_n3A_455[%gather3A_464] in [0] : vector<16xi32>, vector<16xi32> -> vector<16xi32>
        %min3A_466 = arith.minsi %select_n3A_455, %gather3A_465 : vector<16xi32>
        %lt3A_467 = arith.constant 0 : i32
        %lt3A_468 = vector.broadcast %lt3A_467 : i32 to vector<16xi32>
        %lt3A_469 = arith.cmpi slt, %and3A_11, %lt3A_468 : vector<16xi32>
        %add3A_470 = arith.constant 16 : i32
        %add3A_471 = vector.broadcast %add3A_470 : i32 to vector<16xi32>
        %add3A_472 = arith.addi %and3A_11, %add3A_471 : vector<16xi32>
        %select_n3A_473 = arith.select %lt3A_469, %add3A_472, %and3A_11 : vector<16xi1>, vector<16xi32>
        %broadcast_in_dim3A_474 = vector.shape_cast %select_n3A_473 : vector<16xi32> to vector<16x1xi32>
        %gather3A_475 = vector.shape_cast %broadcast_in_dim3A_474 : vector<16x1xi32> to vector<16xi32>
        %gather3A_476 = tpu.dynamic_gather %min3A_466[%gather3A_475] in [0] : vector<16xi32>, vector<16xi32> -> vector<16xi32>
        %min3A_477 = arith.minsi %min3A_466, %gather3A_476 : vector<16xi32>
        %lt3A_478 = arith.constant 0 : i32
        %lt3A_479 = vector.broadcast %lt3A_478 : i32 to vector<16xi32>
        %lt3A_480 = arith.cmpi slt, %and3A_17, %lt3A_479 : vector<16xi32>
        %add3A_481 = arith.constant 16 : i32
        %add3A_482 = vector.broadcast %add3A_481 : i32 to vector<16xi32>
        %add3A_483 = arith.addi %and3A_17, %add3A_482 : vector<16xi32>
        %select_n3A_484 = arith.select %lt3A_480, %add3A_483, %and3A_17 : vector<16xi1>, vector<16xi32>
        %broadcast_in_dim3A_485 = vector.shape_cast %select_n3A_484 : vector<16xi32> to vector<16x1xi32>
        %gather3A_486 = vector.shape_cast %broadcast_in_dim3A_485 : vector<16x1xi32> to vector<16xi32>
        %gather3A_487 = tpu.dynamic_gather %min3A_477[%gather3A_486] in [0] : vector<16xi32>, vector<16xi32> -> vector<16xi32>
        %min3A_488 = arith.minsi %min3A_477, %gather3A_487 : vector<16xi32>
        %lt3A_489 = arith.constant 0 : i32
        %lt3A_490 = vector.broadcast %lt3A_489 : i32 to vector<16xi32>
        %lt3A_491 = arith.cmpi slt, %and3A_23, %lt3A_490 : vector<16xi32>
        %add3A_492 = arith.constant 16 : i32
        %add3A_493 = vector.broadcast %add3A_492 : i32 to vector<16xi32>
        %add3A_494 = arith.addi %and3A_23, %add3A_493 : vector<16xi32>
        %select_n3A_495 = arith.select %lt3A_491, %add3A_494, %and3A_23 : vector<16xi1>, vector<16xi32>
        %broadcast_in_dim3A_496 = vector.shape_cast %select_n3A_495 : vector<16xi32> to vector<16x1xi32>
        %gather3A_497 = vector.shape_cast %broadcast_in_dim3A_496 : vector<16x1xi32> to vector<16xi32>
        %gather3A_498 = tpu.dynamic_gather %min3A_488[%gather3A_497] in [0] : vector<16xi32>, vector<16xi32> -> vector<16xi32>
        %min3A_499 = arith.minsi %min3A_488, %gather3A_498 : vector<16xi32>
        %eq3A_500 = arith.cmpi eq, %iota3A, %min3A_499 : vector<16xi32>
        %jit3A_501 = arith.constant 0.000000e+00 : f32
        %broadcast_in_dim3A_502 = vector.broadcast %jit3A_501 : f32 to vector<16xf32>
        %select_n3A_503 = arith.select %eq3A_500, %get3A_406, %broadcast_in_dim3A_502 : vector<16xi1>, vector<16xf32>
        %mul3A_504 = arith.constant 16 : i32
        %mul3A_505 = arith.muli %scan3A_401, %mul3A_504 : i32
        %swap3A_506 = arith.index_cast %mul3A_505 : i32 to index
        %swap3A_507 = tpu.vector_load %arg7[%swap3A_506] {strides = array<i32>} : memref<16384xf32, #tpu.memory_space<vmem>>, vector<16xf32>,
        %swap3A_508 = vector.shape_cast %swap3A_507 : vector<16xf32> to vector<16xf32>
        %swap3A_509 = vector.shape_cast %select_n3A_503 : vector<16xf32> to vector<16xf32>
        tpu.vector_store %arg7[%swap3A_506], %swap3A_509 {strides = array<i32>} : memref<16384xf32, #tpu.memory_space<vmem>>, vector<16xf32>,
        %scan3A_510 = arith.constant 0 : i32
        %scan3A_511 = arith.constant 2 : i32
        %scan3A_512 = arith.addi %scan3A_297, %scan3A_511 : i32
        %mul3A_513 = arith.constant 16 : i32
        %mul3A_514 = arith.muli %scan3A_512, %mul3A_513 : i32
        %get3A_515 = arith.index_cast %mul3A_514 : i32 to index
        %get3A_516 = tpu.vector_load %arg5[%get3A_515] {strides = array<i32>} : memref<16384xf32, #tpu.memory_space<vmem>>, vector<16xf32>,
        %get3A_517 = vector.shape_cast %get3A_516 : vector<16xf32> to vector<16xf32>
        %abs3A_518 = math.absf %get3A_517 : vector<16xf32>
        %lt3A_519 = arith.constant 0 : i32
        %lt3A_520 = vector.broadcast %lt3A_519 : i32 to vector<16xi32>
        %lt3A_521 = arith.cmpi slt, %and3A_5, %lt3A_520 : vector<16xi32>
        %add3A_522 = arith.constant 16 : i32
        %add3A_523 = vector.broadcast %add3A_522 : i32 to vector<16xi32>
        %add3A_524 = arith.addi %and3A_5, %add3A_523 : vector<16xi32>
        %select_n3A_525 = arith.select %lt3A_521, %add3A_524, %and3A_5 : vector<16xi1>, vector<16xi32>
        %broadcast_in_dim3A_526 = vector.shape_cast %select_n3A_525 : vector<16xi32> to vector<16x1xi32>
        %gather3A_527 = vector.shape_cast %broadcast_in_dim3A_526 : vector<16x1xi32> to vector<16xi32>
        %gather3A_528 = tpu.dynamic_gather %abs3A_518[%gather3A_527] in [0] : vector<16xf32>, vector<16xi32> -> vector<16xf32>
        %max3A_529 = arith.maximumf %abs3A_518, %gather3A_528 : vector<16xf32>
        %lt3A_530 = arith.constant 0 : i32
        %lt3A_531 = vector.broadcast %lt3A_530 : i32 to vector<16xi32>
        %lt3A_532 = arith.cmpi slt, %and3A_11, %lt3A_531 : vector<16xi32>
        %add3A_533 = arith.constant 16 : i32
        %add3A_534 = vector.broadcast %add3A_533 : i32 to vector<16xi32>
        %add3A_535 = arith.addi %and3A_11, %add3A_534 : vector<16xi32>
        %select_n3A_536 = arith.select %lt3A_532, %add3A_535, %and3A_11 : vector<16xi1>, vector<16xi32>
        %broadcast_in_dim3A_537 = vector.shape_cast %select_n3A_536 : vector<16xi32> to vector<16x1xi32>
        %gather3A_538 = vector.shape_cast %broadcast_in_dim3A_537 : vector<16x1xi32> to vector<16xi32>
        %gather3A_539 = tpu.dynamic_gather %max3A_529[%gather3A_538] in [0] : vector<16xf32>, vector<16xi32> -> vector<16xf32>
        %max3A_540 = arith.maximumf %max3A_529, %gather3A_539 : vector<16xf32>
        %lt3A_541 = arith.constant 0 : i32
        %lt3A_542 = vector.broadcast %lt3A_541 : i32 to vector<16xi32>
        %lt3A_543 = arith.cmpi slt, %and3A_17, %lt3A_542 : vector<16xi32>
        %add3A_544 = arith.constant 16 : i32
        %add3A_545 = vector.broadcast %add3A_544 : i32 to vector<16xi32>
        %add3A_546 = arith.addi %and3A_17, %add3A_545 : vector<16xi32>
        %select_n3A_547 = arith.select %lt3A_543, %add3A_546, %and3A_17 : vector<16xi1>, vector<16xi32>
        %broadcast_in_dim3A_548 = vector.shape_cast %select_n3A_547 : vector<16xi32> to vector<16x1xi32>
        %gather3A_549 = vector.shape_cast %broadcast_in_dim3A_548 : vector<16x1xi32> to vector<16xi32>
        %gather3A_550 = tpu.dynamic_gather %max3A_540[%gather3A_549] in [0] : vector<16xf32>, vector<16xi32> -> vector<16xf32>
        %max3A_551 = arith.maximumf %max3A_540, %gather3A_550 : vector<16xf32>
        %lt3A_552 = arith.constant 0 : i32
        %lt3A_553 = vector.broadcast %lt3A_552 : i32 to vector<16xi32>
        %lt3A_554 = arith.cmpi slt, %and3A_23, %lt3A_553 : vector<16xi32>
        %add3A_555 = arith.constant 16 : i32
        %add3A_556 = vector.broadcast %add3A_555 : i32 to vector<16xi32>
        %add3A_557 = arith.addi %and3A_23, %add3A_556 : vector<16xi32>
        %select_n3A_558 = arith.select %lt3A_554, %add3A_557, %and3A_23 : vector<16xi1>, vector<16xi32>
        %broadcast_in_dim3A_559 = vector.shape_cast %select_n3A_558 : vector<16xi32> to vector<16x1xi32>
        %gather3A_560 = vector.shape_cast %broadcast_in_dim3A_559 : vector<16x1xi32> to vector<16xi32>
        %gather3A_561 = tpu.dynamic_gather %max3A_551[%gather3A_560] in [0] : vector<16xf32>, vector<16xi32> -> vector<16xf32>
        %max3A_562 = arith.maximumf %max3A_551, %gather3A_561 : vector<16xf32>
        %ge3A_563 = arith.cmpf oge, %abs3A_518, %max3A_562 : vector<16xf32>
        %jit3A_564 = arith.constant 16 : i32
        %broadcast_in_dim3A_565 = vector.broadcast %jit3A_564 : i32 to vector<16xi32>
        %select_n3A_566 = arith.select %ge3A_563, %iota3A, %broadcast_in_dim3A_565 : vector<16xi1>, vector<16xi32>
        %lt3A_567 = arith.constant 0 : i32
        %lt3A_568 = vector.broadcast %lt3A_567 : i32 to vector<16xi32>
        %lt3A_569 = arith.cmpi slt, %and3A_5, %lt3A_568 : vector<16xi32>
        %add3A_570 = arith.constant 16 : i32
        %add3A_571 = vector.broadcast %add3A_570 : i32 to vector<16xi32>
        %add3A_572 = arith.addi %and3A_5, %add3A_571 : vector<16xi32>
        %select_n3A_573 = arith.select %lt3A_569, %add3A_572, %and3A_5 : vector<16xi1>, vector<16xi32>
        %broadcast_in_dim3A_574 = vector.shape_cast %select_n3A_573 : vector<16xi32> to vector<16x1xi32>
        %gather3A_575 = vector.shape_cast %broadcast_in_dim3A_574 : vector<16x1xi32> to vector<16xi32>
        %gather3A_576 = tpu.dynamic_gather %select_n3A_566[%gather3A_575] in [0] : vector<16xi32>, vector<16xi32> -> vector<16xi32>
        %min3A_577 = arith.minsi %select_n3A_566, %gather3A_576 : vector<16xi32>
        %lt3A_578 = arith.constant 0 : i32
        %lt3A_579 = vector.broadcast %lt3A_578 : i32 to vector<16xi32>
        %lt3A_580 = arith.cmpi slt, %and3A_11, %lt3A_579 : vector<16xi32>
        %add3A_581 = arith.constant 16 : i32
        %add3A_582 = vector.broadcast %add3A_581 : i32 to vector<16xi32>
        %add3A_583 = arith.addi %and3A_11, %add3A_582 : vector<16xi32>
        %select_n3A_584 = arith.select %lt3A_580, %add3A_583, %and3A_11 : vector<16xi1>, vector<16xi32>
        %broadcast_in_dim3A_585 = vector.shape_cast %select_n3A_584 : vector<16xi32> to vector<16x1xi32>
        %gather3A_586 = vector.shape_cast %broadcast_in_dim3A_585 : vector<16x1xi32> to vector<16xi32>
        %gather3A_587 = tpu.dynamic_gather %min3A_577[%gather3A_586] in [0] : vector<16xi32>, vector<16xi32> -> vector<16xi32>
        %min3A_588 = arith.minsi %min3A_577, %gather3A_587 : vector<16xi32>
        %lt3A_589 = arith.constant 0 : i32
        %lt3A_590 = vector.broadcast %lt3A_589 : i32 to vector<16xi32>
        %lt3A_591 = arith.cmpi slt, %and3A_17, %lt3A_590 : vector<16xi32>
        %add3A_592 = arith.constant 16 : i32
        %add3A_593 = vector.broadcast %add3A_592 : i32 to vector<16xi32>
        %add3A_594 = arith.addi %and3A_17, %add3A_593 : vector<16xi32>
        %select_n3A_595 = arith.select %lt3A_591, %add3A_594, %and3A_17 : vector<16xi1>, vector<16xi32>
        %broadcast_in_dim3A_596 = vector.shape_cast %select_n3A_595 : vector<16xi32> to vector<16x1xi32>
        %gather3A_597 = vector.shape_cast %broadcast_in_dim3A_596 : vector<16x1xi32> to vector<16xi32>
        %gather3A_598 = tpu.dynamic_gather %min3A_588[%gather3A_597] in [0] : vector<16xi32>, vector<16xi32> -> vector<16xi32>
        %min3A_599 = arith.minsi %min3A_588, %gather3A_598 : vector<16xi32>
        %lt3A_600 = arith.constant 0 : i32
        %lt3A_601 = vector.broadcast %lt3A_600 : i32 to vector<16xi32>
        %lt3A_602 = arith.cmpi slt, %and3A_23, %lt3A_601 : vector<16xi32>
        %add3A_603 = arith.constant 16 : i32
        %add3A_604 = vector.broadcast %add3A_603 : i32 to vector<16xi32>
        %add3A_605 = arith.addi %and3A_23, %add3A_604 : vector<16xi32>
        %select_n3A_606 = arith.select %lt3A_602, %add3A_605, %and3A_23 : vector<16xi1>, vector<16xi32>
        %broadcast_in_dim3A_607 = vector.shape_cast %select_n3A_606 : vector<16xi32> to vector<16x1xi32>
        %gather3A_608 = vector.shape_cast %broadcast_in_dim3A_607 : vector<16x1xi32> to vector<16xi32>
        %gather3A_609 = tpu.dynamic_gather %min3A_599[%gather3A_608] in [0] : vector<16xi32>, vector<16xi32> -> vector<16xi32>
        %min3A_610 = arith.minsi %min3A_599, %gather3A_609 : vector<16xi32>
        %eq3A_611 = arith.cmpi eq, %iota3A, %min3A_610 : vector<16xi32>
        %jit3A_612 = arith.constant 0.000000e+00 : f32
        %broadcast_in_dim3A_613 = vector.broadcast %jit3A_612 : f32 to vector<16xf32>
        %select_n3A_614 = arith.select %eq3A_611, %get3A_517, %broadcast_in_dim3A_613 : vector<16xi1>, vector<16xf32>
        %mul3A_615 = arith.constant 16 : i32
        %mul3A_616 = arith.muli %scan3A_512, %mul3A_615 : i32
        %swap3A_617 = arith.index_cast %mul3A_616 : i32 to index
        %swap3A_618 = tpu.vector_load %arg7[%swap3A_617] {strides = array<i32>} : memref<16384xf32, #tpu.memory_space<vmem>>, vector<16xf32>,
        %swap3A_619 = vector.shape_cast %swap3A_618 : vector<16xf32> to vector<16xf32>
        %swap3A_620 = vector.shape_cast %select_n3A_614 : vector<16xf32> to vector<16xf32>
        tpu.vector_store %arg7[%swap3A_617], %swap3A_620 {strides = array<i32>} : memref<16384xf32, #tpu.memory_space<vmem>>, vector<16xf32>,
        %scan3A_621 = arith.constant 0 : i32
        %scan3A_622 = arith.constant 3 : i32
        %scan3A_623 = arith.addi %scan3A_297, %scan3A_622 : i32
        %mul3A_624 = arith.constant 16 : i32
        %mul3A_625 = arith.muli %scan3A_623, %mul3A_624 : i32
        %get3A_626 = arith.index_cast %mul3A_625 : i32 to index
        %get3A_627 = tpu.vector_load %arg5[%get3A_626] {strides = array<i32>} : memref<16384xf32, #tpu.memory_space<vmem>>, vector<16xf32>,
        %get3A_628 = vector.shape_cast %get3A_627 : vector<16xf32> to vector<16xf32>
        %abs3A_629 = math.absf %get3A_628 : vector<16xf32>
        %lt3A_630 = arith.constant 0 : i32
        %lt3A_631 = vector.broadcast %lt3A_630 : i32 to vector<16xi32>
        %lt3A_632 = arith.cmpi slt, %and3A_5, %lt3A_631 : vector<16xi32>
        %add3A_633 = arith.constant 16 : i32
        %add3A_634 = vector.broadcast %add3A_633 : i32 to vector<16xi32>
        %add3A_635 = arith.addi %and3A_5, %add3A_634 : vector<16xi32>
        %select_n3A_636 = arith.select %lt3A_632, %add3A_635, %and3A_5 : vector<16xi1>, vector<16xi32>
        %broadcast_in_dim3A_637 = vector.shape_cast %select_n3A_636 : vector<16xi32> to vector<16x1xi32>
        %gather3A_638 = vector.shape_cast %broadcast_in_dim3A_637 : vector<16x1xi32> to vector<16xi32>
        %gather3A_639 = tpu.dynamic_gather %abs3A_629[%gather3A_638] in [0] : vector<16xf32>, vector<16xi32> -> vector<16xf32>
        %max3A_640 = arith.maximumf %abs3A_629, %gather3A_639 : vector<16xf32>
        %lt3A_641 = arith.constant 0 : i32
        %lt3A_642 = vector.broadcast %lt3A_641 : i32 to vector<16xi32>
        %lt3A_643 = arith.cmpi slt, %and3A_11, %lt3A_642 : vector<16xi32>
        %add3A_644 = arith.constant 16 : i32
        %add3A_645 = vector.broadcast %add3A_644 : i32 to vector<16xi32>
        %add3A_646 = arith.addi %and3A_11, %add3A_645 : vector<16xi32>
        %select_n3A_647 = arith.select %lt3A_643, %add3A_646, %and3A_11 : vector<16xi1>, vector<16xi32>
        %broadcast_in_dim3A_648 = vector.shape_cast %select_n3A_647 : vector<16xi32> to vector<16x1xi32>
        %gather3A_649 = vector.shape_cast %broadcast_in_dim3A_648 : vector<16x1xi32> to vector<16xi32>
        %gather3A_650 = tpu.dynamic_gather %max3A_640[%gather3A_649] in [0] : vector<16xf32>, vector<16xi32> -> vector<16xf32>
        %max3A_651 = arith.maximumf %max3A_640, %gather3A_650 : vector<16xf32>
        %lt3A_652 = arith.constant 0 : i32
        %lt3A_653 = vector.broadcast %lt3A_652 : i32 to vector<16xi32>
        %lt3A_654 = arith.cmpi slt, %and3A_17, %lt3A_653 : vector<16xi32>
        %add3A_655 = arith.constant 16 : i32
        %add3A_656 = vector.broadcast %add3A_655 : i32 to vector<16xi32>
        %add3A_657 = arith.addi %and3A_17, %add3A_656 : vector<16xi32>
        %select_n3A_658 = arith.select %lt3A_654, %add3A_657, %and3A_17 : vector<16xi1>, vector<16xi32>
        %broadcast_in_dim3A_659 = vector.shape_cast %select_n3A_658 : vector<16xi32> to vector<16x1xi32>
        %gather3A_660 = vector.shape_cast %broadcast_in_dim3A_659 : vector<16x1xi32> to vector<16xi32>
        %gather3A_661 = tpu.dynamic_gather %max3A_651[%gather3A_660] in [0] : vector<16xf32>, vector<16xi32> -> vector<16xf32>
        %max3A_662 = arith.maximumf %max3A_651, %gather3A_661 : vector<16xf32>
        %lt3A_663 = arith.constant 0 : i32
        %lt3A_664 = vector.broadcast %lt3A_663 : i32 to vector<16xi32>
        %lt3A_665 = arith.cmpi slt, %and3A_23, %lt3A_664 : vector<16xi32>
        %add3A_666 = arith.constant 16 : i32
        %add3A_667 = vector.broadcast %add3A_666 : i32 to vector<16xi32>
        %add3A_668 = arith.addi %and3A_23, %add3A_667 : vector<16xi32>
        %select_n3A_669 = arith.select %lt3A_665, %add3A_668, %and3A_23 : vector<16xi1>, vector<16xi32>
        %broadcast_in_dim3A_670 = vector.shape_cast %select_n3A_669 : vector<16xi32> to vector<16x1xi32>
        %gather3A_671 = vector.shape_cast %broadcast_in_dim3A_670 : vector<16x1xi32> to vector<16xi32>
        %gather3A_672 = tpu.dynamic_gather %max3A_662[%gather3A_671] in [0] : vector<16xf32>, vector<16xi32> -> vector<16xf32>
        %max3A_673 = arith.maximumf %max3A_662, %gather3A_672 : vector<16xf32>
        %ge3A_674 = arith.cmpf oge, %abs3A_629, %max3A_673 : vector<16xf32>
        %jit3A_675 = arith.constant 16 : i32
        %broadcast_in_dim3A_676 = vector.broadcast %jit3A_675 : i32 to vector<16xi32>
        %select_n3A_677 = arith.select %ge3A_674, %iota3A, %broadcast_in_dim3A_676 : vector<16xi1>, vector<16xi32>
        %lt3A_678 = arith.constant 0 : i32
        %lt3A_679 = vector.broadcast %lt3A_678 : i32 to vector<16xi32>
        %lt3A_680 = arith.cmpi slt, %and3A_5, %lt3A_679 : vector<16xi32>
        %add3A_681 = arith.constant 16 : i32
        %add3A_682 = vector.broadcast %add3A_681 : i32 to vector<16xi32>
        %add3A_683 = arith.addi %and3A_5, %add3A_682 : vector<16xi32>
        %select_n3A_684 = arith.select %lt3A_680, %add3A_683, %and3A_5 : vector<16xi1>, vector<16xi32>
        %broadcast_in_dim3A_685 = vector.shape_cast %select_n3A_684 : vector<16xi32> to vector<16x1xi32>
        %gather3A_686 = vector.shape_cast %broadcast_in_dim3A_685 : vector<16x1xi32> to vector<16xi32>
        %gather3A_687 = tpu.dynamic_gather %select_n3A_677[%gather3A_686] in [0] : vector<16xi32>, vector<16xi32> -> vector<16xi32>
        %min3A_688 = arith.minsi %select_n3A_677, %gather3A_687 : vector<16xi32>
        %lt3A_689 = arith.constant 0 : i32
        %lt3A_690 = vector.broadcast %lt3A_689 : i32 to vector<16xi32>
        %lt3A_691 = arith.cmpi slt, %and3A_11, %lt3A_690 : vector<16xi32>
        %add3A_692 = arith.constant 16 : i32
        %add3A_693 = vector.broadcast %add3A_692 : i32 to vector<16xi32>
        %add3A_694 = arith.addi %and3A_11, %add3A_693 : vector<16xi32>
        %select_n3A_695 = arith.select %lt3A_691, %add3A_694, %and3A_11 : vector<16xi1>, vector<16xi32>
        %broadcast_in_dim3A_696 = vector.shape_cast %select_n3A_695 : vector<16xi32> to vector<16x1xi32>
        %gather3A_697 = vector.shape_cast %broadcast_in_dim3A_696 : vector<16x1xi32> to vector<16xi32>
        %gather3A_698 = tpu.dynamic_gather %min3A_688[%gather3A_697] in [0] : vector<16xi32>, vector<16xi32> -> vector<16xi32>
        %min3A_699 = arith.minsi %min3A_688, %gather3A_698 : vector<16xi32>
        %lt3A_700 = arith.constant 0 : i32
        %lt3A_701 = vector.broadcast %lt3A_700 : i32 to vector<16xi32>
        %lt3A_702 = arith.cmpi slt, %and3A_17, %lt3A_701 : vector<16xi32>
        %add3A_703 = arith.constant 16 : i32
        %add3A_704 = vector.broadcast %add3A_703 : i32 to vector<16xi32>
        %add3A_705 = arith.addi %and3A_17, %add3A_704 : vector<16xi32>
        %select_n3A_706 = arith.select %lt3A_702, %add3A_705, %and3A_17 : vector<16xi1>, vector<16xi32>
        %broadcast_in_dim3A_707 = vector.shape_cast %select_n3A_706 : vector<16xi32> to vector<16x1xi32>
        %gather3A_708 = vector.shape_cast %broadcast_in_dim3A_707 : vector<16x1xi32> to vector<16xi32>
        %gather3A_709 = tpu.dynamic_gather %min3A_699[%gather3A_708] in [0] : vector<16xi32>, vector<16xi32> -> vector<16xi32>
        %min3A_710 = arith.minsi %min3A_699, %gather3A_709 : vector<16xi32>
        %lt3A_711 = arith.constant 0 : i32
        %lt3A_712 = vector.broadcast %lt3A_711 : i32 to vector<16xi32>
        %lt3A_713 = arith.cmpi slt, %and3A_23, %lt3A_712 : vector<16xi32>
        %add3A_714 = arith.constant 16 : i32
        %add3A_715 = vector.broadcast %add3A_714 : i32 to vector<16xi32>
        %add3A_716 = arith.addi %and3A_23, %add3A_715 : vector<16xi32>
        %select_n3A_717 = arith.select %lt3A_713, %add3A_716, %and3A_23 : vector<16xi1>, vector<16xi32>
        %broadcast_in_dim3A_718 = vector.shape_cast %select_n3A_717 : vector<16xi32> to vector<16x1xi32>
        %gather3A_719 = vector.shape_cast %broadcast_in_dim3A_718 : vector<16x1xi32> to vector<16xi32>
        %gather3A_720 = tpu.dynamic_gather %min3A_710[%gather3A_719] in [0] : vector<16xi32>, vector<16xi32> -> vector<16xi32>
        %min3A_721 = arith.minsi %min3A_710, %gather3A_720 : vector<16xi32>
        %eq3A_722 = arith.cmpi eq, %iota3A, %min3A_721 : vector<16xi32>
        %jit3A_723 = arith.constant 0.000000e+00 : f32
        %broadcast_in_dim3A_724 = vector.broadcast %jit3A_723 : f32 to vector<16xf32>
        %select_n3A_725 = arith.select %eq3A_722, %get3A_628, %broadcast_in_dim3A_724 : vector<16xi1>, vector<16xf32>
        %mul3A_726 = arith.constant 16 : i32
        %mul3A_727 = arith.muli %scan3A_623, %mul3A_726 : i32
        %swap3A_728 = arith.index_cast %mul3A_727 : i32 to index
        %swap3A_729 = tpu.vector_load %arg7[%swap3A_728] {strides = array<i32>} : memref<16384xf32, #tpu.memory_space<vmem>>, vector<16xf32>,
        %swap3A_730 = vector.shape_cast %swap3A_729 : vector<16xf32> to vector<16xf32>
        %swap3A_731 = vector.shape_cast %select_n3A_725 : vector<16xf32> to vector<16xf32>
        tpu.vector_store %arg7[%swap3A_728], %swap3A_731 {strides = array<i32>} : memref<16384xf32, #tpu.memory_space<vmem>>, vector<16xf32>,
        %scan3A_732 = arith.constant 0 : i32
        %scan3A_733 = arith.constant 4 : i32
        %scan3A_734 = arith.addi %scan3A_297, %scan3A_733 : i32
        %mul3A_735 = arith.constant 16 : i32
        %mul3A_736 = arith.muli %scan3A_734, %mul3A_735 : i32
        %get3A_737 = arith.index_cast %mul3A_736 : i32 to index
        %get3A_738 = tpu.vector_load %arg5[%get3A_737] {strides = array<i32>} : memref<16384xf32, #tpu.memory_space<vmem>>, vector<16xf32>,
        %get3A_739 = vector.shape_cast %get3A_738 : vector<16xf32> to vector<16xf32>
        %abs3A_740 = math.absf %get3A_739 : vector<16xf32>
        %lt3A_741 = arith.constant 0 : i32
        %lt3A_742 = vector.broadcast %lt3A_741 : i32 to vector<16xi32>
        %lt3A_743 = arith.cmpi slt, %and3A_5, %lt3A_742 : vector<16xi32>
        %add3A_744 = arith.constant 16 : i32
        %add3A_745 = vector.broadcast %add3A_744 : i32 to vector<16xi32>
        %add3A_746 = arith.addi %and3A_5, %add3A_745 : vector<16xi32>
        %select_n3A_747 = arith.select %lt3A_743, %add3A_746, %and3A_5 : vector<16xi1>, vector<16xi32>
        %broadcast_in_dim3A_748 = vector.shape_cast %select_n3A_747 : vector<16xi32> to vector<16x1xi32>
        %gather3A_749 = vector.shape_cast %broadcast_in_dim3A_748 : vector<16x1xi32> to vector<16xi32>
        %gather3A_750 = tpu.dynamic_gather %abs3A_740[%gather3A_749] in [0] : vector<16xf32>, vector<16xi32> -> vector<16xf32>
        %max3A_751 = arith.maximumf %abs3A_740, %gather3A_750 : vector<16xf32>
        %lt3A_752 = arith.constant 0 : i32
        %lt3A_753 = vector.broadcast %lt3A_752 : i32 to vector<16xi32>
        %lt3A_754 = arith.cmpi slt, %and3A_11, %lt3A_753 : vector<16xi32>
        %add3A_755 = arith.constant 16 : i32
        %add3A_756 = vector.broadcast %add3A_755 : i32 to vector<16xi32>
        %add3A_757 = arith.addi %and3A_11, %add3A_756 : vector<16xi32>
        %select_n3A_758 = arith.select %lt3A_754, %add3A_757, %and3A_11 : vector<16xi1>, vector<16xi32>
        %broadcast_in_dim3A_759 = vector.shape_cast %select_n3A_758 : vector<16xi32> to vector<16x1xi32>
        %gather3A_760 = vector.shape_cast %broadcast_in_dim3A_759 : vector<16x1xi32> to vector<16xi32>
        %gather3A_761 = tpu.dynamic_gather %max3A_751[%gather3A_760] in [0] : vector<16xf32>, vector<16xi32> -> vector<16xf32>
        %max3A_762 = arith.maximumf %max3A_751, %gather3A_761 : vector<16xf32>
        %lt3A_763 = arith.constant 0 : i32
        %lt3A_764 = vector.broadcast %lt3A_763 : i32 to vector<16xi32>
        %lt3A_765 = arith.cmpi slt, %and3A_17, %lt3A_764 : vector<16xi32>
        %add3A_766 = arith.constant 16 : i32
        %add3A_767 = vector.broadcast %add3A_766 : i32 to vector<16xi32>
        %add3A_768 = arith.addi %and3A_17, %add3A_767 : vector<16xi32>
        %select_n3A_769 = arith.select %lt3A_765, %add3A_768, %and3A_17 : vector<16xi1>, vector<16xi32>
        %broadcast_in_dim3A_770 = vector.shape_cast %select_n3A_769 : vector<16xi32> to vector<16x1xi32>
        %gather3A_771 = vector.shape_cast %broadcast_in_dim3A_770 : vector<16x1xi32> to vector<16xi32>
        %gather3A_772 = tpu.dynamic_gather %max3A_762[%gather3A_771] in [0] : vector<16xf32>, vector<16xi32> -> vector<16xf32>
        %max3A_773 = arith.maximumf %max3A_762, %gather3A_772 : vector<16xf32>
        %lt3A_774 = arith.constant 0 : i32
        %lt3A_775 = vector.broadcast %lt3A_774 : i32 to vector<16xi32>
        %lt3A_776 = arith.cmpi slt, %and3A_23, %lt3A_775 : vector<16xi32>
        %add3A_777 = arith.constant 16 : i32
        %add3A_778 = vector.broadcast %add3A_777 : i32 to vector<16xi32>
        %add3A_779 = arith.addi %and3A_23, %add3A_778 : vector<16xi32>
        %select_n3A_780 = arith.select %lt3A_776, %add3A_779, %and3A_23 : vector<16xi1>, vector<16xi32>
        %broadcast_in_dim3A_781 = vector.shape_cast %select_n3A_780 : vector<16xi32> to vector<16x1xi32>
        %gather3A_782 = vector.shape_cast %broadcast_in_dim3A_781 : vector<16x1xi32> to vector<16xi32>
        %gather3A_783 = tpu.dynamic_gather %max3A_773[%gather3A_782] in [0] : vector<16xf32>, vector<16xi32> -> vector<16xf32>
        %max3A_784 = arith.maximumf %max3A_773, %gather3A_783 : vector<16xf32>
        %ge3A_785 = arith.cmpf oge, %abs3A_740, %max3A_784 : vector<16xf32>
        %jit3A_786 = arith.constant 16 : i32
        %broadcast_in_dim3A_787 = vector.broadcast %jit3A_786 : i32 to vector<16xi32>
        %select_n3A_788 = arith.select %ge3A_785, %iota3A, %broadcast_in_dim3A_787 : vector<16xi1>, vector<16xi32>
        %lt3A_789 = arith.constant 0 : i32
        %lt3A_790 = vector.broadcast %lt3A_789 : i32 to vector<16xi32>
        %lt3A_791 = arith.cmpi slt, %and3A_5, %lt3A_790 : vector<16xi32>
        %add3A_792 = arith.constant 16 : i32
        %add3A_793 = vector.broadcast %add3A_792 : i32 to vector<16xi32>
        %add3A_794 = arith.addi %and3A_5, %add3A_793 : vector<16xi32>
        %select_n3A_795 = arith.select %lt3A_791, %add3A_794, %and3A_5 : vector<16xi1>, vector<16xi32>
        %broadcast_in_dim3A_796 = vector.shape_cast %select_n3A_795 : vector<16xi32> to vector<16x1xi32>
        %gather3A_797 = vector.shape_cast %broadcast_in_dim3A_796 : vector<16x1xi32> to vector<16xi32>
        %gather3A_798 = tpu.dynamic_gather %select_n3A_788[%gather3A_797] in [0] : vector<16xi32>, vector<16xi32> -> vector<16xi32>
        %min3A_799 = arith.minsi %select_n3A_788, %gather3A_798 : vector<16xi32>
        %lt3A_800 = arith.constant 0 : i32
        %lt3A_801 = vector.broadcast %lt3A_800 : i32 to vector<16xi32>
        %lt3A_802 = arith.cmpi slt, %and3A_11, %lt3A_801 : vector<16xi32>
        %add3A_803 = arith.constant 16 : i32
        %add3A_804 = vector.broadcast %add3A_803 : i32 to vector<16xi32>
        %add3A_805 = arith.addi %and3A_11, %add3A_804 : vector<16xi32>
        %select_n3A_806 = arith.select %lt3A_802, %add3A_805, %and3A_11 : vector<16xi1>, vector<16xi32>
        %broadcast_in_dim3A_807 = vector.shape_cast %select_n3A_806 : vector<16xi32> to vector<16x1xi32>
        %gather3A_808 = vector.shape_cast %broadcast_in_dim3A_807 : vector<16x1xi32> to vector<16xi32>
        %gather3A_809 = tpu.dynamic_gather %min3A_799[%gather3A_808] in [0] : vector<16xi32>, vector<16xi32> -> vector<16xi32>
        %min3A_810 = arith.minsi %min3A_799, %gather3A_809 : vector<16xi32>
        %lt3A_811 = arith.constant 0 : i32
        %lt3A_812 = vector.broadcast %lt3A_811 : i32 to vector<16xi32>
        %lt3A_813 = arith.cmpi slt, %and3A_17, %lt3A_812 : vector<16xi32>
        %add3A_814 = arith.constant 16 : i32
        %add3A_815 = vector.broadcast %add3A_814 : i32 to vector<16xi32>
        %add3A_816 = arith.addi %and3A_17, %add3A_815 : vector<16xi32>
        %select_n3A_817 = arith.select %lt3A_813, %add3A_816, %and3A_17 : vector<16xi1>, vector<16xi32>
        %broadcast_in_dim3A_818 = vector.shape_cast %select_n3A_817 : vector<16xi32> to vector<16x1xi32>
        %gather3A_819 = vector.shape_cast %broadcast_in_dim3A_818 : vector<16x1xi32> to vector<16xi32>
        %gather3A_820 = tpu.dynamic_gather %min3A_810[%gather3A_819] in [0] : vector<16xi32>, vector<16xi32> -> vector<16xi32>
        %min3A_821 = arith.minsi %min3A_810, %gather3A_820 : vector<16xi32>
        %lt3A_822 = arith.constant 0 : i32
        %lt3A_823 = vector.broadcast %lt3A_822 : i32 to vector<16xi32>
        %lt3A_824 = arith.cmpi slt, %and3A_23, %lt3A_823 : vector<16xi32>
        %add3A_825 = arith.constant 16 : i32
        %add3A_826 = vector.broadcast %add3A_825 : i32 to vector<16xi32>
        %add3A_827 = arith.addi %and3A_23, %add3A_826 : vector<16xi32>
        %select_n3A_828 = arith.select %lt3A_824, %add3A_827, %and3A_23 : vector<16xi1>, vector<16xi32>
        %broadcast_in_dim3A_829 = vector.shape_cast %select_n3A_828 : vector<16xi32> to vector<16x1xi32>
        %gather3A_830 = vector.shape_cast %broadcast_in_dim3A_829 : vector<16x1xi32> to vector<16xi32>
        %gather3A_831 = tpu.dynamic_gather %min3A_821[%gather3A_830] in [0] : vector<16xi32>, vector<16xi32> -> vector<16xi32>
        %min3A_832 = arith.minsi %min3A_821, %gather3A_831 : vector<16xi32>
        %eq3A_833 = arith.cmpi eq, %iota3A, %min3A_832 : vector<16xi32>
        %jit3A_834 = arith.constant 0.000000e+00 : f32
        %broadcast_in_dim3A_835 = vector.broadcast %jit3A_834 : f32 to vector<16xf32>
        %select_n3A_836 = arith.select %eq3A_833, %get3A_739, %broadcast_in_dim3A_835 : vector<16xi1>, vector<16xf32>
        %mul3A_837 = arith.constant 16 : i32
        %mul3A_838 = arith.muli %scan3A_734, %mul3A_837 : i32
        %swap3A_839 = arith.index_cast %mul3A_838 : i32 to index
        %swap3A_840 = tpu.vector_load %arg7[%swap3A_839] {strides = array<i32>} : memref<16384xf32, #tpu.memory_space<vmem>>, vector<16xf32>,
        %swap3A_841 = vector.shape_cast %swap3A_840 : vector<16xf32> to vector<16xf32>
        %swap3A_842 = vector.shape_cast %select_n3A_836 : vector<16xf32> to vector<16xf32>
        tpu.vector_store %arg7[%swap3A_839], %swap3A_842 {strides = array<i32>} : memref<16384xf32, #tpu.memory_space<vmem>>, vector<16xf32>,
        %scan3A_843 = arith.constant 0 : i32
        %scan3A_844 = arith.constant 5 : i32
        %scan3A_845 = arith.addi %scan3A_297, %scan3A_844 : i32
        %mul3A_846 = arith.constant 16 : i32
        %mul3A_847 = arith.muli %scan3A_845, %mul3A_846 : i32
        %get3A_848 = arith.index_cast %mul3A_847 : i32 to index
        %get3A_849 = tpu.vector_load %arg5[%get3A_848] {strides = array<i32>} : memref<16384xf32, #tpu.memory_space<vmem>>, vector<16xf32>,
        %get3A_850 = vector.shape_cast %get3A_849 : vector<16xf32> to vector<16xf32>
        %abs3A_851 = math.absf %get3A_850 : vector<16xf32>
        %lt3A_852 = arith.constant 0 : i32
        %lt3A_853 = vector.broadcast %lt3A_852 : i32 to vector<16xi32>
        %lt3A_854 = arith.cmpi slt, %and3A_5, %lt3A_853 : vector<16xi32>
        %add3A_855 = arith.constant 16 : i32
        %add3A_856 = vector.broadcast %add3A_855 : i32 to vector<16xi32>
        %add3A_857 = arith.addi %and3A_5, %add3A_856 : vector<16xi32>
        %select_n3A_858 = arith.select %lt3A_854, %add3A_857, %and3A_5 : vector<16xi1>, vector<16xi32>
        %broadcast_in_dim3A_859 = vector.shape_cast %select_n3A_858 : vector<16xi32> to vector<16x1xi32>
        %gather3A_860 = vector.shape_cast %broadcast_in_dim3A_859 : vector<16x1xi32> to vector<16xi32>
        %gather3A_861 = tpu.dynamic_gather %abs3A_851[%gather3A_860] in [0] : vector<16xf32>, vector<16xi32> -> vector<16xf32>
        %max3A_862 = arith.maximumf %abs3A_851, %gather3A_861 : vector<16xf32>
        %lt3A_863 = arith.constant 0 : i32
        %lt3A_864 = vector.broadcast %lt3A_863 : i32 to vector<16xi32>
        %lt3A_865 = arith.cmpi slt, %and3A_11, %lt3A_864 : vector<16xi32>
        %add3A_866 = arith.constant 16 : i32
        %add3A_867 = vector.broadcast %add3A_866 : i32 to vector<16xi32>
        %add3A_868 = arith.addi %and3A_11, %add3A_867 : vector<16xi32>
        %select_n3A_869 = arith.select %lt3A_865, %add3A_868, %and3A_11 : vector<16xi1>, vector<16xi32>
        %broadcast_in_dim3A_870 = vector.shape_cast %select_n3A_869 : vector<16xi32> to vector<16x1xi32>
        %gather3A_871 = vector.shape_cast %broadcast_in_dim3A_870 : vector<16x1xi32> to vector<16xi32>
        %gather3A_872 = tpu.dynamic_gather %max3A_862[%gather3A_871] in [0] : vector<16xf32>, vector<16xi32> -> vector<16xf32>
        %max3A_873 = arith.maximumf %max3A_862, %gather3A_872 : vector<16xf32>
        %lt3A_874 = arith.constant 0 : i32
        %lt3A_875 = vector.broadcast %lt3A_874 : i32 to vector<16xi32>
        %lt3A_876 = arith.cmpi slt, %and3A_17, %lt3A_875 : vector<16xi32>
        %add3A_877 = arith.constant 16 : i32
        %add3A_878 = vector.broadcast %add3A_877 : i32 to vector<16xi32>
        %add3A_879 = arith.addi %and3A_17, %add3A_878 : vector<16xi32>
        %select_n3A_880 = arith.select %lt3A_876, %add3A_879, %and3A_17 : vector<16xi1>, vector<16xi32>
        %broadcast_in_dim3A_881 = vector.shape_cast %select_n3A_880 : vector<16xi32> to vector<16x1xi32>
        %gather3A_882 = vector.shape_cast %broadcast_in_dim3A_881 : vector<16x1xi32> to vector<16xi32>
        %gather3A_883 = tpu.dynamic_gather %max3A_873[%gather3A_882] in [0] : vector<16xf32>, vector<16xi32> -> vector<16xf32>
        %max3A_884 = arith.maximumf %max3A_873, %gather3A_883 : vector<16xf32>
        %lt3A_885 = arith.constant 0 : i32
        %lt3A_886 = vector.broadcast %lt3A_885 : i32 to vector<16xi32>
        %lt3A_887 = arith.cmpi slt, %and3A_23, %lt3A_886 : vector<16xi32>
        %add3A_888 = arith.constant 16 : i32
        %add3A_889 = vector.broadcast %add3A_888 : i32 to vector<16xi32>
        %add3A_890 = arith.addi %and3A_23, %add3A_889 : vector<16xi32>
        %select_n3A_891 = arith.select %lt3A_887, %add3A_890, %and3A_23 : vector<16xi1>, vector<16xi32>
        %broadcast_in_dim3A_892 = vector.shape_cast %select_n3A_891 : vector<16xi32> to vector<16x1xi32>
        %gather3A_893 = vector.shape_cast %broadcast_in_dim3A_892 : vector<16x1xi32> to vector<16xi32>
        %gather3A_894 = tpu.dynamic_gather %max3A_884[%gather3A_893] in [0] : vector<16xf32>, vector<16xi32> -> vector<16xf32>
        %max3A_895 = arith.maximumf %max3A_884, %gather3A_894 : vector<16xf32>
        %ge3A_896 = arith.cmpf oge, %abs3A_851, %max3A_895 : vector<16xf32>
        %jit3A_897 = arith.constant 16 : i32
        %broadcast_in_dim3A_898 = vector.broadcast %jit3A_897 : i32 to vector<16xi32>
        %select_n3A_899 = arith.select %ge3A_896, %iota3A, %broadcast_in_dim3A_898 : vector<16xi1>, vector<16xi32>
        %lt3A_900 = arith.constant 0 : i32
        %lt3A_901 = vector.broadcast %lt3A_900 : i32 to vector<16xi32>
        %lt3A_902 = arith.cmpi slt, %and3A_5, %lt3A_901 : vector<16xi32>
        %add3A_903 = arith.constant 16 : i32
        %add3A_904 = vector.broadcast %add3A_903 : i32 to vector<16xi32>
        %add3A_905 = arith.addi %and3A_5, %add3A_904 : vector<16xi32>
        %select_n3A_906 = arith.select %lt3A_902, %add3A_905, %and3A_5 : vector<16xi1>, vector<16xi32>
        %broadcast_in_dim3A_907 = vector.shape_cast %select_n3A_906 : vector<16xi32> to vector<16x1xi32>
        %gather3A_908 = vector.shape_cast %broadcast_in_dim3A_907 : vector<16x1xi32> to vector<16xi32>
        %gather3A_909 = tpu.dynamic_gather %select_n3A_899[%gather3A_908] in [0] : vector<16xi32>, vector<16xi32> -> vector<16xi32>
        %min3A_910 = arith.minsi %select_n3A_899, %gather3A_909 : vector<16xi32>
        %lt3A_911 = arith.constant 0 : i32
        %lt3A_912 = vector.broadcast %lt3A_911 : i32 to vector<16xi32>
        %lt3A_913 = arith.cmpi slt, %and3A_11, %lt3A_912 : vector<16xi32>
        %add3A_914 = arith.constant 16 : i32
        %add3A_915 = vector.broadcast %add3A_914 : i32 to vector<16xi32>
        %add3A_916 = arith.addi %and3A_11, %add3A_915 : vector<16xi32>
        %select_n3A_917 = arith.select %lt3A_913, %add3A_916, %and3A_11 : vector<16xi1>, vector<16xi32>
        %broadcast_in_dim3A_918 = vector.shape_cast %select_n3A_917 : vector<16xi32> to vector<16x1xi32>
        %gather3A_919 = vector.shape_cast %broadcast_in_dim3A_918 : vector<16x1xi32> to vector<16xi32>
        %gather3A_920 = tpu.dynamic_gather %min3A_910[%gather3A_919] in [0] : vector<16xi32>, vector<16xi32> -> vector<16xi32>
        %min3A_921 = arith.minsi %min3A_910, %gather3A_920 : vector<16xi32>
        %lt3A_922 = arith.constant 0 : i32
        %lt3A_923 = vector.broadcast %lt3A_922 : i32 to vector<16xi32>
        %lt3A_924 = arith.cmpi slt, %and3A_17, %lt3A_923 : vector<16xi32>
        %add3A_925 = arith.constant 16 : i32
        %add3A_926 = vector.broadcast %add3A_925 : i32 to vector<16xi32>
        %add3A_927 = arith.addi %and3A_17, %add3A_926 : vector<16xi32>
        %select_n3A_928 = arith.select %lt3A_924, %add3A_927, %and3A_17 : vector<16xi1>, vector<16xi32>
        %broadcast_in_dim3A_929 = vector.shape_cast %select_n3A_928 : vector<16xi32> to vector<16x1xi32>
        %gather3A_930 = vector.shape_cast %broadcast_in_dim3A_929 : vector<16x1xi32> to vector<16xi32>
        %gather3A_931 = tpu.dynamic_gather %min3A_921[%gather3A_930] in [0] : vector<16xi32>, vector<16xi32> -> vector<16xi32>
        %min3A_932 = arith.minsi %min3A_921, %gather3A_931 : vector<16xi32>
        %lt3A_933 = arith.constant 0 : i32
        %lt3A_934 = vector.broadcast %lt3A_933 : i32 to vector<16xi32>
        %lt3A_935 = arith.cmpi slt, %and3A_23, %lt3A_934 : vector<16xi32>
        %add3A_936 = arith.constant 16 : i32
        %add3A_937 = vector.broadcast %add3A_936 : i32 to vector<16xi32>
        %add3A_938 = arith.addi %and3A_23, %add3A_937 : vector<16xi32>
        %select_n3A_939 = arith.select %lt3A_935, %add3A_938, %and3A_23 : vector<16xi1>, vector<16xi32>
        %broadcast_in_dim3A_940 = vector.shape_cast %select_n3A_939 : vector<16xi32> to vector<16x1xi32>
        %gather3A_941 = vector.shape_cast %broadcast_in_dim3A_940 : vector<16x1xi32> to vector<16xi32>
        %gather3A_942 = tpu.dynamic_gather %min3A_932[%gather3A_941] in [0] : vector<16xi32>, vector<16xi32> -> vector<16xi32>
        %min3A_943 = arith.minsi %min3A_932, %gather3A_942 : vector<16xi32>
        %eq3A_944 = arith.cmpi eq, %iota3A, %min3A_943 : vector<16xi32>
        %jit3A_945 = arith.constant 0.000000e+00 : f32
        %broadcast_in_dim3A_946 = vector.broadcast %jit3A_945 : f32 to vector<16xf32>
        %select_n3A_947 = arith.select %eq3A_944, %get3A_850, %broadcast_in_dim3A_946 : vector<16xi1>, vector<16xf32>
        %mul3A_948 = arith.constant 16 : i32
        %mul3A_949 = arith.muli %scan3A_845, %mul3A_948 : i32
        %swap3A_950 = arith.index_cast %mul3A_949 : i32 to index
        %swap3A_951 = tpu.vector_load %arg7[%swap3A_950] {strides = array<i32>} : memref<16384xf32, #tpu.memory_space<vmem>>, vector<16xf32>,
        %swap3A_952 = vector.shape_cast %swap3A_951 : vector<16xf32> to vector<16xf32>
        %swap3A_953 = vector.shape_cast %select_n3A_947 : vector<16xf32> to vector<16xf32>
        tpu.vector_store %arg7[%swap3A_950], %swap3A_953 {strides = array<i32>} : memref<16384xf32, #tpu.memory_space<vmem>>, vector<16xf32>,
        %scan3A_954 = arith.constant 0 : i32
        %scan3A_955 = arith.constant 6 : i32
        %scan3A_956 = arith.addi %scan3A_297, %scan3A_955 : i32
        %mul3A_957 = arith.constant 16 : i32
        %mul3A_958 = arith.muli %scan3A_956, %mul3A_957 : i32
        %get3A_959 = arith.index_cast %mul3A_958 : i32 to index
        %get3A_960 = tpu.vector_load %arg5[%get3A_959] {strides = array<i32>} : memref<16384xf32, #tpu.memory_space<vmem>>, vector<16xf32>,
        %get3A_961 = vector.shape_cast %get3A_960 : vector<16xf32> to vector<16xf32>
        %abs3A_962 = math.absf %get3A_961 : vector<16xf32>
        %lt3A_963 = arith.constant 0 : i32
        %lt3A_964 = vector.broadcast %lt3A_963 : i32 to vector<16xi32>
        %lt3A_965 = arith.cmpi slt, %and3A_5, %lt3A_964 : vector<16xi32>
        %add3A_966 = arith.constant 16 : i32
        %add3A_967 = vector.broadcast %add3A_966 : i32 to vector<16xi32>
        %add3A_968 = arith.addi %and3A_5, %add3A_967 : vector<16xi32>
        %select_n3A_969 = arith.select %lt3A_965, %add3A_968, %and3A_5 : vector<16xi1>, vector<16xi32>
        %broadcast_in_dim3A_970 = vector.shape_cast %select_n3A_969 : vector<16xi32> to vector<16x1xi32>
        %gather3A_971 = vector.shape_cast %broadcast_in_dim3A_970 : vector<16x1xi32> to vector<16xi32>
        %gather3A_972 = tpu.dynamic_gather %abs3A_962[%gather3A_971] in [0] : vector<16xf32>, vector<16xi32> -> vector<16xf32>
        %max3A_973 = arith.maximumf %abs3A_962, %gather3A_972 : vector<16xf32>
        %lt3A_974 = arith.constant 0 : i32
        %lt3A_975 = vector.broadcast %lt3A_974 : i32 to vector<16xi32>
        %lt3A_976 = arith.cmpi slt, %and3A_11, %lt3A_975 : vector<16xi32>
        %add3A_977 = arith.constant 16 : i32
        %add3A_978 = vector.broadcast %add3A_977 : i32 to vector<16xi32>
        %add3A_979 = arith.addi %and3A_11, %add3A_978 : vector<16xi32>
        %select_n3A_980 = arith.select %lt3A_976, %add3A_979, %and3A_11 : vector<16xi1>, vector<16xi32>
        %broadcast_in_dim3A_981 = vector.shape_cast %select_n3A_980 : vector<16xi32> to vector<16x1xi32>
        %gather3A_982 = vector.shape_cast %broadcast_in_dim3A_981 : vector<16x1xi32> to vector<16xi32>
        %gather3A_983 = tpu.dynamic_gather %max3A_973[%gather3A_982] in [0] : vector<16xf32>, vector<16xi32> -> vector<16xf32>
        %max3A_984 = arith.maximumf %max3A_973, %gather3A_983 : vector<16xf32>
        %lt3A_985 = arith.constant 0 : i32
        %lt3A_986 = vector.broadcast %lt3A_985 : i32 to vector<16xi32>
        %lt3A_987 = arith.cmpi slt, %and3A_17, %lt3A_986 : vector<16xi32>
        %add3A_988 = arith.constant 16 : i32
        %add3A_989 = vector.broadcast %add3A_988 : i32 to vector<16xi32>
        %add3A_990 = arith.addi %and3A_17, %add3A_989 : vector<16xi32>
        %select_n3A_991 = arith.select %lt3A_987, %add3A_990, %and3A_17 : vector<16xi1>, vector<16xi32>
        %broadcast_in_dim3A_992 = vector.shape_cast %select_n3A_991 : vector<16xi32> to vector<16x1xi32>
        %gather3A_993 = vector.shape_cast %broadcast_in_dim3A_992 : vector<16x1xi32> to vector<16xi32>
        %gather3A_994 = tpu.dynamic_gather %max3A_984[%gather3A_993] in [0] : vector<16xf32>, vector<16xi32> -> vector<16xf32>
        %max3A_995 = arith.maximumf %max3A_984, %gather3A_994 : vector<16xf32>
        %lt3A_996 = arith.constant 0 : i32
        %lt3A_997 = vector.broadcast %lt3A_996 : i32 to vector<16xi32>
        %lt3A_998 = arith.cmpi slt, %and3A_23, %lt3A_997 : vector<16xi32>
        %add3A_999 = arith.constant 16 : i32
        %add3A_1000 = vector.broadcast %add3A_999 : i32 to vector<16xi32>
        %add3A_1001 = arith.addi %and3A_23, %add3A_1000 : vector<16xi32>
        %select_n3A_1002 = arith.select %lt3A_998, %add3A_1001, %and3A_23 : vector<16xi1>, vector<16xi32>
        %broadcast_in_dim3A_1003 = vector.shape_cast %select_n3A_1002 : vector<16xi32> to vector<16x1xi32>
        %gather3A_1004 = vector.shape_cast %broadcast_in_dim3A_1003 : vector<16x1xi32> to vector<16xi32>
        %gather3A_1005 = tpu.dynamic_gather %max3A_995[%gather3A_1004] in [0] : vector<16xf32>, vector<16xi32> -> vector<16xf32>
        %max3A_1006 = arith.maximumf %max3A_995, %gather3A_1005 : vector<16xf32>
        %ge3A_1007 = arith.cmpf oge, %abs3A_962, %max3A_1006 : vector<16xf32>
        %jit3A_1008 = arith.constant 16 : i32
        %broadcast_in_dim3A_1009 = vector.broadcast %jit3A_1008 : i32 to vector<16xi32>
        %select_n3A_1010 = arith.select %ge3A_1007, %iota3A, %broadcast_in_dim3A_1009 : vector<16xi1>, vector<16xi32>
        %lt3A_1011 = arith.constant 0 : i32
        %lt3A_1012 = vector.broadcast %lt3A_1011 : i32 to vector<16xi32>
        %lt3A_1013 = arith.cmpi slt, %and3A_5, %lt3A_1012 : vector<16xi32>
        %add3A_1014 = arith.constant 16 : i32
        %add3A_1015 = vector.broadcast %add3A_1014 : i32 to vector<16xi32>
        %add3A_1016 = arith.addi %and3A_5, %add3A_1015 : vector<16xi32>
        %select_n3A_1017 = arith.select %lt3A_1013, %add3A_1016, %and3A_5 : vector<16xi1>, vector<16xi32>
        %broadcast_in_dim3A_1018 = vector.shape_cast %select_n3A_1017 : vector<16xi32> to vector<16x1xi32>
        %gather3A_1019 = vector.shape_cast %broadcast_in_dim3A_1018 : vector<16x1xi32> to vector<16xi32>
        %gather3A_1020 = tpu.dynamic_gather %select_n3A_1010[%gather3A_1019] in [0] : vector<16xi32>, vector<16xi32> -> vector<16xi32>
        %min3A_1021 = arith.minsi %select_n3A_1010, %gather3A_1020 : vector<16xi32>
        %lt3A_1022 = arith.constant 0 : i32
        %lt3A_1023 = vector.broadcast %lt3A_1022 : i32 to vector<16xi32>
        %lt3A_1024 = arith.cmpi slt, %and3A_11, %lt3A_1023 : vector<16xi32>
        %add3A_1025 = arith.constant 16 : i32
        %add3A_1026 = vector.broadcast %add3A_1025 : i32 to vector<16xi32>
        %add3A_1027 = arith.addi %and3A_11, %add3A_1026 : vector<16xi32>
        %select_n3A_1028 = arith.select %lt3A_1024, %add3A_1027, %and3A_11 : vector<16xi1>, vector<16xi32>
        %broadcast_in_dim3A_1029 = vector.shape_cast %select_n3A_1028 : vector<16xi32> to vector<16x1xi32>
        %gather3A_1030 = vector.shape_cast %broadcast_in_dim3A_1029 : vector<16x1xi32> to vector<16xi32>
        %gather3A_1031 = tpu.dynamic_gather %min3A_1021[%gather3A_1030] in [0] : vector<16xi32>, vector<16xi32> -> vector<16xi32>
        %min3A_1032 = arith.minsi %min3A_1021, %gather3A_1031 : vector<16xi32>
        %lt3A_1033 = arith.constant 0 : i32
        %lt3A_1034 = vector.broadcast %lt3A_1033 : i32 to vector<16xi32>
        %lt3A_1035 = arith.cmpi slt, %and3A_17, %lt3A_1034 : vector<16xi32>
        %add3A_1036 = arith.constant 16 : i32
        %add3A_1037 = vector.broadcast %add3A_1036 : i32 to vector<16xi32>
        %add3A_1038 = arith.addi %and3A_17, %add3A_1037 : vector<16xi32>
        %select_n3A_1039 = arith.select %lt3A_1035, %add3A_1038, %and3A_17 : vector<16xi1>, vector<16xi32>
        %broadcast_in_dim3A_1040 = vector.shape_cast %select_n3A_1039 : vector<16xi32> to vector<16x1xi32>
        %gather3A_1041 = vector.shape_cast %broadcast_in_dim3A_1040 : vector<16x1xi32> to vector<16xi32>
        %gather3A_1042 = tpu.dynamic_gather %min3A_1032[%gather3A_1041] in [0] : vector<16xi32>, vector<16xi32> -> vector<16xi32>
        %min3A_1043 = arith.minsi %min3A_1032, %gather3A_1042 : vector<16xi32>
        %lt3A_1044 = arith.constant 0 : i32
        %lt3A_1045 = vector.broadcast %lt3A_1044 : i32 to vector<16xi32>
        %lt3A_1046 = arith.cmpi slt, %and3A_23, %lt3A_1045 : vector<16xi32>
        %add3A_1047 = arith.constant 16 : i32
        %add3A_1048 = vector.broadcast %add3A_1047 : i32 to vector<16xi32>
        %add3A_1049 = arith.addi %and3A_23, %add3A_1048 : vector<16xi32>
        %select_n3A_1050 = arith.select %lt3A_1046, %add3A_1049, %and3A_23 : vector<16xi1>, vector<16xi32>
        %broadcast_in_dim3A_1051 = vector.shape_cast %select_n3A_1050 : vector<16xi32> to vector<16x1xi32>
        %gather3A_1052 = vector.shape_cast %broadcast_in_dim3A_1051 : vector<16x1xi32> to vector<16xi32>
        %gather3A_1053 = tpu.dynamic_gather %min3A_1043[%gather3A_1052] in [0] : vector<16xi32>, vector<16xi32> -> vector<16xi32>
        %min3A_1054 = arith.minsi %min3A_1043, %gather3A_1053 : vector<16xi32>
        %eq3A_1055 = arith.cmpi eq, %iota3A, %min3A_1054 : vector<16xi32>
        %jit3A_1056 = arith.constant 0.000000e+00 : f32
        %broadcast_in_dim3A_1057 = vector.broadcast %jit3A_1056 : f32 to vector<16xf32>
        %select_n3A_1058 = arith.select %eq3A_1055, %get3A_961, %broadcast_in_dim3A_1057 : vector<16xi1>, vector<16xf32>
        %mul3A_1059 = arith.constant 16 : i32
        %mul3A_1060 = arith.muli %scan3A_956, %mul3A_1059 : i32
        %swap3A_1061 = arith.index_cast %mul3A_1060 : i32 to index
        %swap3A_1062 = tpu.vector_load %arg7[%swap3A_1061] {strides = array<i32>} : memref<16384xf32, #tpu.memory_space<vmem>>, vector<16xf32>,
        %swap3A_1063 = vector.shape_cast %swap3A_1062 : vector<16xf32> to vector<16xf32>
        %swap3A_1064 = vector.shape_cast %select_n3A_1058 : vector<16xf32> to vector<16xf32>
        tpu.vector_store %arg7[%swap3A_1061], %swap3A_1064 {strides = array<i32>} : memref<16384xf32, #tpu.memory_space<vmem>>, vector<16xf32>,
        %scan3A_1065 = arith.constant 0 : i32
        %scan3A_1066 = arith.constant 7 : i32
        %scan3A_1067 = arith.addi %scan3A_297, %scan3A_1066 : i32
        %mul3A_1068 = arith.constant 16 : i32
        %mul3A_1069 = arith.muli %scan3A_1067, %mul3A_1068 : i32
        %get3A_1070 = arith.index_cast %mul3A_1069 : i32 to index
        %get3A_1071 = tpu.vector_load %arg5[%get3A_1070] {strides = array<i32>} : memref<16384xf32, #tpu.memory_space<vmem>>, vector<16xf32>,
        %get3A_1072 = vector.shape_cast %get3A_1071 : vector<16xf32> to vector<16xf32>
        %abs3A_1073 = math.absf %get3A_1072 : vector<16xf32>
        %lt3A_1074 = arith.constant 0 : i32
        %lt3A_1075 = vector.broadcast %lt3A_1074 : i32 to vector<16xi32>
        %lt3A_1076 = arith.cmpi slt, %and3A_5, %lt3A_1075 : vector<16xi32>
        %add3A_1077 = arith.constant 16 : i32
        %add3A_1078 = vector.broadcast %add3A_1077 : i32 to vector<16xi32>
        %add3A_1079 = arith.addi %and3A_5, %add3A_1078 : vector<16xi32>
        %select_n3A_1080 = arith.select %lt3A_1076, %add3A_1079, %and3A_5 : vector<16xi1>, vector<16xi32>
        %broadcast_in_dim3A_1081 = vector.shape_cast %select_n3A_1080 : vector<16xi32> to vector<16x1xi32>
        %gather3A_1082 = vector.shape_cast %broadcast_in_dim3A_1081 : vector<16x1xi32> to vector<16xi32>
        %gather3A_1083 = tpu.dynamic_gather %abs3A_1073[%gather3A_1082] in [0] : vector<16xf32>, vector<16xi32> -> vector<16xf32>
        %max3A_1084 = arith.maximumf %abs3A_1073, %gather3A_1083 : vector<16xf32>
        %lt3A_1085 = arith.constant 0 : i32
        %lt3A_1086 = vector.broadcast %lt3A_1085 : i32 to vector<16xi32>
        %lt3A_1087 = arith.cmpi slt, %and3A_11, %lt3A_1086 : vector<16xi32>
        %add3A_1088 = arith.constant 16 : i32
        %add3A_1089 = vector.broadcast %add3A_1088 : i32 to vector<16xi32>
        %add3A_1090 = arith.addi %and3A_11, %add3A_1089 : vector<16xi32>
        %select_n3A_1091 = arith.select %lt3A_1087, %add3A_1090, %and3A_11 : vector<16xi1>, vector<16xi32>
        %broadcast_in_dim3A_1092 = vector.shape_cast %select_n3A_1091 : vector<16xi32> to vector<16x1xi32>
        %gather3A_1093 = vector.shape_cast %broadcast_in_dim3A_1092 : vector<16x1xi32> to vector<16xi32>
        %gather3A_1094 = tpu.dynamic_gather %max3A_1084[%gather3A_1093] in [0] : vector<16xf32>, vector<16xi32> -> vector<16xf32>
        %max3A_1095 = arith.maximumf %max3A_1084, %gather3A_1094 : vector<16xf32>
        %lt3A_1096 = arith.constant 0 : i32
        %lt3A_1097 = vector.broadcast %lt3A_1096 : i32 to vector<16xi32>
        %lt3A_1098 = arith.cmpi slt, %and3A_17, %lt3A_1097 : vector<16xi32>
        %add3A_1099 = arith.constant 16 : i32
        %add3A_1100 = vector.broadcast %add3A_1099 : i32 to vector<16xi32>
        %add3A_1101 = arith.addi %and3A_17, %add3A_1100 : vector<16xi32>
        %select_n3A_1102 = arith.select %lt3A_1098, %add3A_1101, %and3A_17 : vector<16xi1>, vector<16xi32>
        %broadcast_in_dim3A_1103 = vector.shape_cast %select_n3A_1102 : vector<16xi32> to vector<16x1xi32>
        %gather3A_1104 = vector.shape_cast %broadcast_in_dim3A_1103 : vector<16x1xi32> to vector<16xi32>
        %gather3A_1105 = tpu.dynamic_gather %max3A_1095[%gather3A_1104] in [0] : vector<16xf32>, vector<16xi32> -> vector<16xf32>
        %max3A_1106 = arith.maximumf %max3A_1095, %gather3A_1105 : vector<16xf32>
        %lt3A_1107 = arith.constant 0 : i32
        %lt3A_1108 = vector.broadcast %lt3A_1107 : i32 to vector<16xi32>
        %lt3A_1109 = arith.cmpi slt, %and3A_23, %lt3A_1108 : vector<16xi32>
        %add3A_1110 = arith.constant 16 : i32
        %add3A_1111 = vector.broadcast %add3A_1110 : i32 to vector<16xi32>
        %add3A_1112 = arith.addi %and3A_23, %add3A_1111 : vector<16xi32>
        %select_n3A_1113 = arith.select %lt3A_1109, %add3A_1112, %and3A_23 : vector<16xi1>, vector<16xi32>
        %broadcast_in_dim3A_1114 = vector.shape_cast %select_n3A_1113 : vector<16xi32> to vector<16x1xi32>
        %gather3A_1115 = vector.shape_cast %broadcast_in_dim3A_1114 : vector<16x1xi32> to vector<16xi32>
        %gather3A_1116 = tpu.dynamic_gather %max3A_1106[%gather3A_1115] in [0] : vector<16xf32>, vector<16xi32> -> vector<16xf32>
        %max3A_1117 = arith.maximumf %max3A_1106, %gather3A_1116 : vector<16xf32>
        %ge3A_1118 = arith.cmpf oge, %abs3A_1073, %max3A_1117 : vector<16xf32>
        %jit3A_1119 = arith.constant 16 : i32
        %broadcast_in_dim3A_1120 = vector.broadcast %jit3A_1119 : i32 to vector<16xi32>
        %select_n3A_1121 = arith.select %ge3A_1118, %iota3A, %broadcast_in_dim3A_1120 : vector<16xi1>, vector<16xi32>
        %lt3A_1122 = arith.constant 0 : i32
        %lt3A_1123 = vector.broadcast %lt3A_1122 : i32 to vector<16xi32>
        %lt3A_1124 = arith.cmpi slt, %and3A_5, %lt3A_1123 : vector<16xi32>
        %add3A_1125 = arith.constant 16 : i32
        %add3A_1126 = vector.broadcast %add3A_1125 : i32 to vector<16xi32>
        %add3A_1127 = arith.addi %and3A_5, %add3A_1126 : vector<16xi32>
        %select_n3A_1128 = arith.select %lt3A_1124, %add3A_1127, %and3A_5 : vector<16xi1>, vector<16xi32>
        %broadcast_in_dim3A_1129 = vector.shape_cast %select_n3A_1128 : vector<16xi32> to vector<16x1xi32>
        %gather3A_1130 = vector.shape_cast %broadcast_in_dim3A_1129 : vector<16x1xi32> to vector<16xi32>
        %gather3A_1131 = tpu.dynamic_gather %select_n3A_1121[%gather3A_1130] in [0] : vector<16xi32>, vector<16xi32> -> vector<16xi32>
        %min3A_1132 = arith.minsi %select_n3A_1121, %gather3A_1131 : vector<16xi32>
        %lt3A_1133 = arith.constant 0 : i32
        %lt3A_1134 = vector.broadcast %lt3A_1133 : i32 to vector<16xi32>
        %lt3A_1135 = arith.cmpi slt, %and3A_11, %lt3A_1134 : vector<16xi32>
        %add3A_1136 = arith.constant 16 : i32
        %add3A_1137 = vector.broadcast %add3A_1136 : i32 to vector<16xi32>
        %add3A_1138 = arith.addi %and3A_11, %add3A_1137 : vector<16xi32>
        %select_n3A_1139 = arith.select %lt3A_1135, %add3A_1138, %and3A_11 : vector<16xi1>, vector<16xi32>
        %broadcast_in_dim3A_1140 = vector.shape_cast %select_n3A_1139 : vector<16xi32> to vector<16x1xi32>
        %gather3A_1141 = vector.shape_cast %broadcast_in_dim3A_1140 : vector<16x1xi32> to vector<16xi32>
        %gather3A_1142 = tpu.dynamic_gather %min3A_1132[%gather3A_1141] in [0] : vector<16xi32>, vector<16xi32> -> vector<16xi32>
        %min3A_1143 = arith.minsi %min3A_1132, %gather3A_1142 : vector<16xi32>
        %lt3A_1144 = arith.constant 0 : i32
        %lt3A_1145 = vector.broadcast %lt3A_1144 : i32 to vector<16xi32>
        %lt3A_1146 = arith.cmpi slt, %and3A_17, %lt3A_1145 : vector<16xi32>
        %add3A_1147 = arith.constant 16 : i32
        %add3A_1148 = vector.broadcast %add3A_1147 : i32 to vector<16xi32>
        %add3A_1149 = arith.addi %and3A_17, %add3A_1148 : vector<16xi32>
        %select_n3A_1150 = arith.select %lt3A_1146, %add3A_1149, %and3A_17 : vector<16xi1>, vector<16xi32>
        %broadcast_in_dim3A_1151 = vector.shape_cast %select_n3A_1150 : vector<16xi32> to vector<16x1xi32>
        %gather3A_1152 = vector.shape_cast %broadcast_in_dim3A_1151 : vector<16x1xi32> to vector<16xi32>
        %gather3A_1153 = tpu.dynamic_gather %min3A_1143[%gather3A_1152] in [0] : vector<16xi32>, vector<16xi32> -> vector<16xi32>
        %min3A_1154 = arith.minsi %min3A_1143, %gather3A_1153 : vector<16xi32>
        %lt3A_1155 = arith.constant 0 : i32
        %lt3A_1156 = vector.broadcast %lt3A_1155 : i32 to vector<16xi32>
        %lt3A_1157 = arith.cmpi slt, %and3A_23, %lt3A_1156 : vector<16xi32>
        %add3A_1158 = arith.constant 16 : i32
        %add3A_1159 = vector.broadcast %add3A_1158 : i32 to vector<16xi32>
        %add3A_1160 = arith.addi %and3A_23, %add3A_1159 : vector<16xi32>
        %select_n3A_1161 = arith.select %lt3A_1157, %add3A_1160, %and3A_23 : vector<16xi1>, vector<16xi32>
        %broadcast_in_dim3A_1162 = vector.shape_cast %select_n3A_1161 : vector<16xi32> to vector<16x1xi32>
        %gather3A_1163 = vector.shape_cast %broadcast_in_dim3A_1162 : vector<16x1xi32> to vector<16xi32>
        %gather3A_1164 = tpu.dynamic_gather %min3A_1154[%gather3A_1163] in [0] : vector<16xi32>, vector<16xi32> -> vector<16xi32>
        %min3A_1165 = arith.minsi %min3A_1154, %gather3A_1164 : vector<16xi32>
        %eq3A_1166 = arith.cmpi eq, %iota3A, %min3A_1165 : vector<16xi32>
        %jit3A_1167 = arith.constant 0.000000e+00 : f32
        %broadcast_in_dim3A_1168 = vector.broadcast %jit3A_1167 : f32 to vector<16xf32>
        %select_n3A_1169 = arith.select %eq3A_1166, %get3A_1072, %broadcast_in_dim3A_1168 : vector<16xi1>, vector<16xf32>
        %mul3A_1170 = arith.constant 16 : i32
        %mul3A_1171 = arith.muli %scan3A_1067, %mul3A_1170 : i32
        %swap3A_1172 = arith.index_cast %mul3A_1171 : i32 to index
        %swap3A_1173 = tpu.vector_load %arg7[%swap3A_1172] {strides = array<i32>} : memref<16384xf32, #tpu.memory_space<vmem>>, vector<16xf32>,
        %swap3A_1174 = vector.shape_cast %swap3A_1173 : vector<16xf32> to vector<16xf32>
        %swap3A_1175 = vector.shape_cast %select_n3A_1169 : vector<16xf32> to vector<16xf32>
        tpu.vector_store %arg7[%swap3A_1172], %swap3A_1175 {strides = array<i32>} : memref<16384xf32, #tpu.memory_space<vmem>>, vector<16xf32>,
        %scan3A_1176 = arith.constant 0 : i32
        %scan3A_1177 = arith.constant 8 : i32
        %scan3A_1178 = arith.addi %scan3A_297, %scan3A_1177 : i32
        %mul3A_1179 = arith.constant 16 : i32
        %mul3A_1180 = arith.muli %scan3A_1178, %mul3A_1179 : i32
        %get3A_1181 = arith.index_cast %mul3A_1180 : i32 to index
        %get3A_1182 = tpu.vector_load %arg5[%get3A_1181] {strides = array<i32>} : memref<16384xf32, #tpu.memory_space<vmem>>, vector<16xf32>,
        %get3A_1183 = vector.shape_cast %get3A_1182 : vector<16xf32> to vector<16xf32>
        %abs3A_1184 = math.absf %get3A_1183 : vector<16xf32>
        %lt3A_1185 = arith.constant 0 : i32
        %lt3A_1186 = vector.broadcast %lt3A_1185 : i32 to vector<16xi32>
        %lt3A_1187 = arith.cmpi slt, %and3A_5, %lt3A_1186 : vector<16xi32>
        %add3A_1188 = arith.constant 16 : i32
        %add3A_1189 = vector.broadcast %add3A_1188 : i32 to vector<16xi32>
        %add3A_1190 = arith.addi %and3A_5, %add3A_1189 : vector<16xi32>
        %select_n3A_1191 = arith.select %lt3A_1187, %add3A_1190, %and3A_5 : vector<16xi1>, vector<16xi32>
        %broadcast_in_dim3A_1192 = vector.shape_cast %select_n3A_1191 : vector<16xi32> to vector<16x1xi32>
        %gather3A_1193 = vector.shape_cast %broadcast_in_dim3A_1192 : vector<16x1xi32> to vector<16xi32>
        %gather3A_1194 = tpu.dynamic_gather %abs3A_1184[%gather3A_1193] in [0] : vector<16xf32>, vector<16xi32> -> vector<16xf32>
        %max3A_1195 = arith.maximumf %abs3A_1184, %gather3A_1194 : vector<16xf32>
        %lt3A_1196 = arith.constant 0 : i32
        %lt3A_1197 = vector.broadcast %lt3A_1196 : i32 to vector<16xi32>
        %lt3A_1198 = arith.cmpi slt, %and3A_11, %lt3A_1197 : vector<16xi32>
        %add3A_1199 = arith.constant 16 : i32
        %add3A_1200 = vector.broadcast %add3A_1199 : i32 to vector<16xi32>
        %add3A_1201 = arith.addi %and3A_11, %add3A_1200 : vector<16xi32>
        %select_n3A_1202 = arith.select %lt3A_1198, %add3A_1201, %and3A_11 : vector<16xi1>, vector<16xi32>
        %broadcast_in_dim3A_1203 = vector.shape_cast %select_n3A_1202 : vector<16xi32> to vector<16x1xi32>
        %gather3A_1204 = vector.shape_cast %broadcast_in_dim3A_1203 : vector<16x1xi32> to vector<16xi32>
        %gather3A_1205 = tpu.dynamic_gather %max3A_1195[%gather3A_1204] in [0] : vector<16xf32>, vector<16xi32> -> vector<16xf32>
        %max3A_1206 = arith.maximumf %max3A_1195, %gather3A_1205 : vector<16xf32>
        %lt3A_1207 = arith.constant 0 : i32
        %lt3A_1208 = vector.broadcast %lt3A_1207 : i32 to vector<16xi32>
        %lt3A_1209 = arith.cmpi slt, %and3A_17, %lt3A_1208 : vector<16xi32>
        %add3A_1210 = arith.constant 16 : i32
        %add3A_1211 = vector.broadcast %add3A_1210 : i32 to vector<16xi32>
        %add3A_1212 = arith.addi %and3A_17, %add3A_1211 : vector<16xi32>
        %select_n3A_1213 = arith.select %lt3A_1209, %add3A_1212, %and3A_17 : vector<16xi1>, vector<16xi32>
        %broadcast_in_dim3A_1214 = vector.shape_cast %select_n3A_1213 : vector<16xi32> to vector<16x1xi32>
        %gather3A_1215 = vector.shape_cast %broadcast_in_dim3A_1214 : vector<16x1xi32> to vector<16xi32>
        %gather3A_1216 = tpu.dynamic_gather %max3A_1206[%gather3A_1215] in [0] : vector<16xf32>, vector<16xi32> -> vector<16xf32>
        %max3A_1217 = arith.maximumf %max3A_1206, %gather3A_1216 : vector<16xf32>
        %lt3A_1218 = arith.constant 0 : i32
        %lt3A_1219 = vector.broadcast %lt3A_1218 : i32 to vector<16xi32>
        %lt3A_1220 = arith.cmpi slt, %and3A_23, %lt3A_1219 : vector<16xi32>
        %add3A_1221 = arith.constant 16 : i32
        %add3A_1222 = vector.broadcast %add3A_1221 : i32 to vector<16xi32>
        %add3A_1223 = arith.addi %and3A_23, %add3A_1222 : vector<16xi32>
        %select_n3A_1224 = arith.select %lt3A_1220, %add3A_1223, %and3A_23 : vector<16xi1>, vector<16xi32>
        %broadcast_in_dim3A_1225 = vector.shape_cast %select_n3A_1224 : vector<16xi32> to vector<16x1xi32>
        %gather3A_1226 = vector.shape_cast %broadcast_in_dim3A_1225 : vector<16x1xi32> to vector<16xi32>
        %gather3A_1227 = tpu.dynamic_gather %max3A_1217[%gather3A_1226] in [0] : vector<16xf32>, vector<16xi32> -> vector<16xf32>
        %max3A_1228 = arith.maximumf %max3A_1217, %gather3A_1227 : vector<16xf32>
        %ge3A_1229 = arith.cmpf oge, %abs3A_1184, %max3A_1228 : vector<16xf32>
        %jit3A_1230 = arith.constant 16 : i32
        %broadcast_in_dim3A_1231 = vector.broadcast %jit3A_1230 : i32 to vector<16xi32>
        %select_n3A_1232 = arith.select %ge3A_1229, %iota3A, %broadcast_in_dim3A_1231 : vector<16xi1>, vector<16xi32>
        %lt3A_1233 = arith.constant 0 : i32
        %lt3A_1234 = vector.broadcast %lt3A_1233 : i32 to vector<16xi32>
        %lt3A_1235 = arith.cmpi slt, %and3A_5, %lt3A_1234 : vector<16xi32>
        %add3A_1236 = arith.constant 16 : i32
        %add3A_1237 = vector.broadcast %add3A_1236 : i32 to vector<16xi32>
        %add3A_1238 = arith.addi %and3A_5, %add3A_1237 : vector<16xi32>
        %select_n3A_1239 = arith.select %lt3A_1235, %add3A_1238, %and3A_5 : vector<16xi1>, vector<16xi32>
        %broadcast_in_dim3A_1240 = vector.shape_cast %select_n3A_1239 : vector<16xi32> to vector<16x1xi32>
        %gather3A_1241 = vector.shape_cast %broadcast_in_dim3A_1240 : vector<16x1xi32> to vector<16xi32>
        %gather3A_1242 = tpu.dynamic_gather %select_n3A_1232[%gather3A_1241] in [0] : vector<16xi32>, vector<16xi32> -> vector<16xi32>
        %min3A_1243 = arith.minsi %select_n3A_1232, %gather3A_1242 : vector<16xi32>
        %lt3A_1244 = arith.constant 0 : i32
        %lt3A_1245 = vector.broadcast %lt3A_1244 : i32 to vector<16xi32>
        %lt3A_1246 = arith.cmpi slt, %and3A_11, %lt3A_1245 : vector<16xi32>
        %add3A_1247 = arith.constant 16 : i32
        %add3A_1248 = vector.broadcast %add3A_1247 : i32 to vector<16xi32>
        %add3A_1249 = arith.addi %and3A_11, %add3A_1248 : vector<16xi32>
        %select_n3A_1250 = arith.select %lt3A_1246, %add3A_1249, %and3A_11 : vector<16xi1>, vector<16xi32>
        %broadcast_in_dim3A_1251 = vector.shape_cast %select_n3A_1250 : vector<16xi32> to vector<16x1xi32>
        %gather3A_1252 = vector.shape_cast %broadcast_in_dim3A_1251 : vector<16x1xi32> to vector<16xi32>
        %gather3A_1253 = tpu.dynamic_gather %min3A_1243[%gather3A_1252] in [0] : vector<16xi32>, vector<16xi32> -> vector<16xi32>
        %min3A_1254 = arith.minsi %min3A_1243, %gather3A_1253 : vector<16xi32>
        %lt3A_1255 = arith.constant 0 : i32
        %lt3A_1256 = vector.broadcast %lt3A_1255 : i32 to vector<16xi32>
        %lt3A_1257 = arith.cmpi slt, %and3A_17, %lt3A_1256 : vector<16xi32>
        %add3A_1258 = arith.constant 16 : i32
        %add3A_1259 = vector.broadcast %add3A_1258 : i32 to vector<16xi32>
        %add3A_1260 = arith.addi %and3A_17, %add3A_1259 : vector<16xi32>
        %select_n3A_1261 = arith.select %lt3A_1257, %add3A_1260, %and3A_17 : vector<16xi1>, vector<16xi32>
        %broadcast_in_dim3A_1262 = vector.shape_cast %select_n3A_1261 : vector<16xi32> to vector<16x1xi32>
        %gather3A_1263 = vector.shape_cast %broadcast_in_dim3A_1262 : vector<16x1xi32> to vector<16xi32>
        %gather3A_1264 = tpu.dynamic_gather %min3A_1254[%gather3A_1263] in [0] : vector<16xi32>, vector<16xi32> -> vector<16xi32>
        %min3A_1265 = arith.minsi %min3A_1254, %gather3A_1264 : vector<16xi32>
        %lt3A_1266 = arith.constant 0 : i32
        %lt3A_1267 = vector.broadcast %lt3A_1266 : i32 to vector<16xi32>
        %lt3A_1268 = arith.cmpi slt, %and3A_23, %lt3A_1267 : vector<16xi32>
        %add3A_1269 = arith.constant 16 : i32
        %add3A_1270 = vector.broadcast %add3A_1269 : i32 to vector<16xi32>
        %add3A_1271 = arith.addi %and3A_23, %add3A_1270 : vector<16xi32>
        %select_n3A_1272 = arith.select %lt3A_1268, %add3A_1271, %and3A_23 : vector<16xi1>, vector<16xi32>
        %broadcast_in_dim3A_1273 = vector.shape_cast %select_n3A_1272 : vector<16xi32> to vector<16x1xi32>
        %gather3A_1274 = vector.shape_cast %broadcast_in_dim3A_1273 : vector<16x1xi32> to vector<16xi32>
        %gather3A_1275 = tpu.dynamic_gather %min3A_1265[%gather3A_1274] in [0] : vector<16xi32>, vector<16xi32> -> vector<16xi32>
        %min3A_1276 = arith.minsi %min3A_1265, %gather3A_1275 : vector<16xi32>
        %eq3A_1277 = arith.cmpi eq, %iota3A, %min3A_1276 : vector<16xi32>
        %jit3A_1278 = arith.constant 0.000000e+00 : f32
        %broadcast_in_dim3A_1279 = vector.broadcast %jit3A_1278 : f32 to vector<16xf32>
        %select_n3A_1280 = arith.select %eq3A_1277, %get3A_1183, %broadcast_in_dim3A_1279 : vector<16xi1>, vector<16xf32>
        %mul3A_1281 = arith.constant 16 : i32
        %mul3A_1282 = arith.muli %scan3A_1178, %mul3A_1281 : i32
        %swap3A_1283 = arith.index_cast %mul3A_1282 : i32 to index
        %swap3A_1284 = tpu.vector_load %arg7[%swap3A_1283] {strides = array<i32>} : memref<16384xf32, #tpu.memory_space<vmem>>, vector<16xf32>,
        %swap3A_1285 = vector.shape_cast %swap3A_1284 : vector<16xf32> to vector<16xf32>
        %swap3A_1286 = vector.shape_cast %select_n3A_1280 : vector<16xf32> to vector<16xf32>
        tpu.vector_store %arg7[%swap3A_1283], %swap3A_1286 {strides = array<i32>} : memref<16384xf32, #tpu.memory_space<vmem>>, vector<16xf32>,
        %scan3A_1287 = arith.constant 0 : i32
        %scan3A_1288 = arith.constant 9 : i32
        %scan3A_1289 = arith.addi %scan3A_297, %scan3A_1288 : i32
        %mul3A_1290 = arith.constant 16 : i32
        %mul3A_1291 = arith.muli %scan3A_1289, %mul3A_1290 : i32
        %get3A_1292 = arith.index_cast %mul3A_1291 : i32 to index
        %get3A_1293 = tpu.vector_load %arg5[%get3A_1292] {strides = array<i32>} : memref<16384xf32, #tpu.memory_space<vmem>>, vector<16xf32>,
        %get3A_1294 = vector.shape_cast %get3A_1293 : vector<16xf32> to vector<16xf32>
        %abs3A_1295 = math.absf %get3A_1294 : vector<16xf32>
        %lt3A_1296 = arith.constant 0 : i32
        %lt3A_1297 = vector.broadcast %lt3A_1296 : i32 to vector<16xi32>
        %lt3A_1298 = arith.cmpi slt, %and3A_5, %lt3A_1297 : vector<16xi32>
        %add3A_1299 = arith.constant 16 : i32
        %add3A_1300 = vector.broadcast %add3A_1299 : i32 to vector<16xi32>
        %add3A_1301 = arith.addi %and3A_5, %add3A_1300 : vector<16xi32>
        %select_n3A_1302 = arith.select %lt3A_1298, %add3A_1301, %and3A_5 : vector<16xi1>, vector<16xi32>
        %broadcast_in_dim3A_1303 = vector.shape_cast %select_n3A_1302 : vector<16xi32> to vector<16x1xi32>
        %gather3A_1304 = vector.shape_cast %broadcast_in_dim3A_1303 : vector<16x1xi32> to vector<16xi32>
        %gather3A_1305 = tpu.dynamic_gather %abs3A_1295[%gather3A_1304] in [0] : vector<16xf32>, vector<16xi32> -> vector<16xf32>
        %max3A_1306 = arith.maximumf %abs3A_1295, %gather3A_1305 : vector<16xf32>
        %lt3A_1307 = arith.constant 0 : i32
        %lt3A_1308 = vector.broadcast %lt3A_1307 : i32 to vector<16xi32>
        %lt3A_1309 = arith.cmpi slt, %and3A_11, %lt3A_1308 : vector<16xi32>
        %add3A_1310 = arith.constant 16 : i32
        %add3A_1311 = vector.broadcast %add3A_1310 : i32 to vector<16xi32>
        %add3A_1312 = arith.addi %and3A_11, %add3A_1311 : vector<16xi32>
        %select_n3A_1313 = arith.select %lt3A_1309, %add3A_1312, %and3A_11 : vector<16xi1>, vector<16xi32>
        %broadcast_in_dim3A_1314 = vector.shape_cast %select_n3A_1313 : vector<16xi32> to vector<16x1xi32>
        %gather3A_1315 = vector.shape_cast %broadcast_in_dim3A_1314 : vector<16x1xi32> to vector<16xi32>
        %gather3A_1316 = tpu.dynamic_gather %max3A_1306[%gather3A_1315] in [0] : vector<16xf32>, vector<16xi32> -> vector<16xf32>
        %max3A_1317 = arith.maximumf %max3A_1306, %gather3A_1316 : vector<16xf32>
        %lt3A_1318 = arith.constant 0 : i32
        %lt3A_1319 = vector.broadcast %lt3A_1318 : i32 to vector<16xi32>
        %lt3A_1320 = arith.cmpi slt, %and3A_17, %lt3A_1319 : vector<16xi32>
        %add3A_1321 = arith.constant 16 : i32
        %add3A_1322 = vector.broadcast %add3A_1321 : i32 to vector<16xi32>
        %add3A_1323 = arith.addi %and3A_17, %add3A_1322 : vector<16xi32>
        %select_n3A_1324 = arith.select %lt3A_1320, %add3A_1323, %and3A_17 : vector<16xi1>, vector<16xi32>
        %broadcast_in_dim3A_1325 = vector.shape_cast %select_n3A_1324 : vector<16xi32> to vector<16x1xi32>
        %gather3A_1326 = vector.shape_cast %broadcast_in_dim3A_1325 : vector<16x1xi32> to vector<16xi32>
        %gather3A_1327 = tpu.dynamic_gather %max3A_1317[%gather3A_1326] in [0] : vector<16xf32>, vector<16xi32> -> vector<16xf32>
        %max3A_1328 = arith.maximumf %max3A_1317, %gather3A_1327 : vector<16xf32>
        %lt3A_1329 = arith.constant 0 : i32
        %lt3A_1330 = vector.broadcast %lt3A_1329 : i32 to vector<16xi32>
        %lt3A_1331 = arith.cmpi slt, %and3A_23, %lt3A_1330 : vector<16xi32>
        %add3A_1332 = arith.constant 16 : i32
        %add3A_1333 = vector.broadcast %add3A_1332 : i32 to vector<16xi32>
        %add3A_1334 = arith.addi %and3A_23, %add3A_1333 : vector<16xi32>
        %select_n3A_1335 = arith.select %lt3A_1331, %add3A_1334, %and3A_23 : vector<16xi1>, vector<16xi32>
        %broadcast_in_dim3A_1336 = vector.shape_cast %select_n3A_1335 : vector<16xi32> to vector<16x1xi32>
        %gather3A_1337 = vector.shape_cast %broadcast_in_dim3A_1336 : vector<16x1xi32> to vector<16xi32>
        %gather3A_1338 = tpu.dynamic_gather %max3A_1328[%gather3A_1337] in [0] : vector<16xf32>, vector<16xi32> -> vector<16xf32>
        %max3A_1339 = arith.maximumf %max3A_1328, %gather3A_1338 : vector<16xf32>
        %ge3A_1340 = arith.cmpf oge, %abs3A_1295, %max3A_1339 : vector<16xf32>
        %jit3A_1341 = arith.constant 16 : i32
        %broadcast_in_dim3A_1342 = vector.broadcast %jit3A_1341 : i32 to vector<16xi32>
        %select_n3A_1343 = arith.select %ge3A_1340, %iota3A, %broadcast_in_dim3A_1342 : vector<16xi1>, vector<16xi32>
        %lt3A_1344 = arith.constant 0 : i32
        %lt3A_1345 = vector.broadcast %lt3A_1344 : i32 to vector<16xi32>
        %lt3A_1346 = arith.cmpi slt, %and3A_5, %lt3A_1345 : vector<16xi32>
        %add3A_1347 = arith.constant 16 : i32
        %add3A_1348 = vector.broadcast %add3A_1347 : i32 to vector<16xi32>
        %add3A_1349 = arith.addi %and3A_5, %add3A_1348 : vector<16xi32>
        %select_n3A_1350 = arith.select %lt3A_1346, %add3A_1349, %and3A_5 : vector<16xi1>, vector<16xi32>
        %broadcast_in_dim3A_1351 = vector.shape_cast %select_n3A_1350 : vector<16xi32> to vector<16x1xi32>
        %gather3A_1352 = vector.shape_cast %broadcast_in_dim3A_1351 : vector<16x1xi32> to vector<16xi32>
        %gather3A_1353 = tpu.dynamic_gather %select_n3A_1343[%gather3A_1352] in [0] : vector<16xi32>, vector<16xi32> -> vector<16xi32>
        %min3A_1354 = arith.minsi %select_n3A_1343, %gather3A_1353 : vector<16xi32>
        %lt3A_1355 = arith.constant 0 : i32
        %lt3A_1356 = vector.broadcast %lt3A_1355 : i32 to vector<16xi32>
        %lt3A_1357 = arith.cmpi slt, %and3A_11, %lt3A_1356 : vector<16xi32>
        %add3A_1358 = arith.constant 16 : i32
        %add3A_1359 = vector.broadcast %add3A_1358 : i32 to vector<16xi32>
        %add3A_1360 = arith.addi %and3A_11, %add3A_1359 : vector<16xi32>
        %select_n3A_1361 = arith.select %lt3A_1357, %add3A_1360, %and3A_11 : vector<16xi1>, vector<16xi32>
        %broadcast_in_dim3A_1362 = vector.shape_cast %select_n3A_1361 : vector<16xi32> to vector<16x1xi32>
        %gather3A_1363 = vector.shape_cast %broadcast_in_dim3A_1362 : vector<16x1xi32> to vector<16xi32>
        %gather3A_1364 = tpu.dynamic_gather %min3A_1354[%gather3A_1363] in [0] : vector<16xi32>, vector<16xi32> -> vector<16xi32>
        %min3A_1365 = arith.minsi %min3A_1354, %gather3A_1364 : vector<16xi32>
        %lt3A_1366 = arith.constant 0 : i32
        %lt3A_1367 = vector.broadcast %lt3A_1366 : i32 to vector<16xi32>
        %lt3A_1368 = arith.cmpi slt, %and3A_17, %lt3A_1367 : vector<16xi32>
        %add3A_1369 = arith.constant 16 : i32
        %add3A_1370 = vector.broadcast %add3A_1369 : i32 to vector<16xi32>
        %add3A_1371 = arith.addi %and3A_17, %add3A_1370 : vector<16xi32>
        %select_n3A_1372 = arith.select %lt3A_1368, %add3A_1371, %and3A_17 : vector<16xi1>, vector<16xi32>
        %broadcast_in_dim3A_1373 = vector.shape_cast %select_n3A_1372 : vector<16xi32> to vector<16x1xi32>
        %gather3A_1374 = vector.shape_cast %broadcast_in_dim3A_1373 : vector<16x1xi32> to vector<16xi32>
        %gather3A_1375 = tpu.dynamic_gather %min3A_1365[%gather3A_1374] in [0] : vector<16xi32>, vector<16xi32> -> vector<16xi32>
        %min3A_1376 = arith.minsi %min3A_1365, %gather3A_1375 : vector<16xi32>
        %lt3A_1377 = arith.constant 0 : i32
        %lt3A_1378 = vector.broadcast %lt3A_1377 : i32 to vector<16xi32>
        %lt3A_1379 = arith.cmpi slt, %and3A_23, %lt3A_1378 : vector<16xi32>
        %add3A_1380 = arith.constant 16 : i32
        %add3A_1381 = vector.broadcast %add3A_1380 : i32 to vector<16xi32>
        %add3A_1382 = arith.addi %and3A_23, %add3A_1381 : vector<16xi32>
        %select_n3A_1383 = arith.select %lt3A_1379, %add3A_1382, %and3A_23 : vector<16xi1>, vector<16xi32>
        %broadcast_in_dim3A_1384 = vector.shape_cast %select_n3A_1383 : vector<16xi32> to vector<16x1xi32>
        %gather3A_1385 = vector.shape_cast %broadcast_in_dim3A_1384 : vector<16x1xi32> to vector<16xi32>
        %gather3A_1386 = tpu.dynamic_gather %min3A_1376[%gather3A_1385] in [0] : vector<16xi32>, vector<16xi32> -> vector<16xi32>
        %min3A_1387 = arith.minsi %min3A_1376, %gather3A_1386 : vector<16xi32>
        %eq3A_1388 = arith.cmpi eq, %iota3A, %min3A_1387 : vector<16xi32>
        %jit3A_1389 = arith.constant 0.000000e+00 : f32
        %broadcast_in_dim3A_1390 = vector.broadcast %jit3A_1389 : f32 to vector<16xf32>
        %select_n3A_1391 = arith.select %eq3A_1388, %get3A_1294, %broadcast_in_dim3A_1390 : vector<16xi1>, vector<16xf32>
        %mul3A_1392 = arith.constant 16 : i32
        %mul3A_1393 = arith.muli %scan3A_1289, %mul3A_1392 : i32
        %swap3A_1394 = arith.index_cast %mul3A_1393 : i32 to index
        %swap3A_1395 = tpu.vector_load %arg7[%swap3A_1394] {strides = array<i32>} : memref<16384xf32, #tpu.memory_space<vmem>>, vector<16xf32>,
        %swap3A_1396 = vector.shape_cast %swap3A_1395 : vector<16xf32> to vector<16xf32>
        %swap3A_1397 = vector.shape_cast %select_n3A_1391 : vector<16xf32> to vector<16xf32>
        tpu.vector_store %arg7[%swap3A_1394], %swap3A_1397 {strides = array<i32>} : memref<16384xf32, #tpu.memory_space<vmem>>, vector<16xf32>,
        %scan3A_1398 = arith.constant 0 : i32
        %scan3A_1399 = arith.constant 10 : i32
        %scan3A_1400 = arith.addi %scan3A_297, %scan3A_1399 : i32
        %mul3A_1401 = arith.constant 16 : i32
        %mul3A_1402 = arith.muli %scan3A_1400, %mul3A_1401 : i32
        %get3A_1403 = arith.index_cast %mul3A_1402 : i32 to index
        %get3A_1404 = tpu.vector_load %arg5[%get3A_1403] {strides = array<i32>} : memref<16384xf32, #tpu.memory_space<vmem>>, vector<16xf32>,
        %get3A_1405 = vector.shape_cast %get3A_1404 : vector<16xf32> to vector<16xf32>
        %abs3A_1406 = math.absf %get3A_1405 : vector<16xf32>
        %lt3A_1407 = arith.constant 0 : i32
        %lt3A_1408 = vector.broadcast %lt3A_1407 : i32 to vector<16xi32>
        %lt3A_1409 = arith.cmpi slt, %and3A_5, %lt3A_1408 : vector<16xi32>
        %add3A_1410 = arith.constant 16 : i32
        %add3A_1411 = vector.broadcast %add3A_1410 : i32 to vector<16xi32>
        %add3A_1412 = arith.addi %and3A_5, %add3A_1411 : vector<16xi32>
        %select_n3A_1413 = arith.select %lt3A_1409, %add3A_1412, %and3A_5 : vector<16xi1>, vector<16xi32>
        %broadcast_in_dim3A_1414 = vector.shape_cast %select_n3A_1413 : vector<16xi32> to vector<16x1xi32>
        %gather3A_1415 = vector.shape_cast %broadcast_in_dim3A_1414 : vector<16x1xi32> to vector<16xi32>
        %gather3A_1416 = tpu.dynamic_gather %abs3A_1406[%gather3A_1415] in [0] : vector<16xf32>, vector<16xi32> -> vector<16xf32>
        %max3A_1417 = arith.maximumf %abs3A_1406, %gather3A_1416 : vector<16xf32>
        %lt3A_1418 = arith.constant 0 : i32
        %lt3A_1419 = vector.broadcast %lt3A_1418 : i32 to vector<16xi32>
        %lt3A_1420 = arith.cmpi slt, %and3A_11, %lt3A_1419 : vector<16xi32>
        %add3A_1421 = arith.constant 16 : i32
        %add3A_1422 = vector.broadcast %add3A_1421 : i32 to vector<16xi32>
        %add3A_1423 = arith.addi %and3A_11, %add3A_1422 : vector<16xi32>
        %select_n3A_1424 = arith.select %lt3A_1420, %add3A_1423, %and3A_11 : vector<16xi1>, vector<16xi32>
        %broadcast_in_dim3A_1425 = vector.shape_cast %select_n3A_1424 : vector<16xi32> to vector<16x1xi32>
        %gather3A_1426 = vector.shape_cast %broadcast_in_dim3A_1425 : vector<16x1xi32> to vector<16xi32>
        %gather3A_1427 = tpu.dynamic_gather %max3A_1417[%gather3A_1426] in [0] : vector<16xf32>, vector<16xi32> -> vector<16xf32>
        %max3A_1428 = arith.maximumf %max3A_1417, %gather3A_1427 : vector<16xf32>
        %lt3A_1429 = arith.constant 0 : i32
        %lt3A_1430 = vector.broadcast %lt3A_1429 : i32 to vector<16xi32>
        %lt3A_1431 = arith.cmpi slt, %and3A_17, %lt3A_1430 : vector<16xi32>
        %add3A_1432 = arith.constant 16 : i32
        %add3A_1433 = vector.broadcast %add3A_1432 : i32 to vector<16xi32>
        %add3A_1434 = arith.addi %and3A_17, %add3A_1433 : vector<16xi32>
        %select_n3A_1435 = arith.select %lt3A_1431, %add3A_1434, %and3A_17 : vector<16xi1>, vector<16xi32>
        %broadcast_in_dim3A_1436 = vector.shape_cast %select_n3A_1435 : vector<16xi32> to vector<16x1xi32>
        %gather3A_1437 = vector.shape_cast %broadcast_in_dim3A_1436 : vector<16x1xi32> to vector<16xi32>
        %gather3A_1438 = tpu.dynamic_gather %max3A_1428[%gather3A_1437] in [0] : vector<16xf32>, vector<16xi32> -> vector<16xf32>
        %max3A_1439 = arith.maximumf %max3A_1428, %gather3A_1438 : vector<16xf32>
        %lt3A_1440 = arith.constant 0 : i32
        %lt3A_1441 = vector.broadcast %lt3A_1440 : i32 to vector<16xi32>
        %lt3A_1442 = arith.cmpi slt, %and3A_23, %lt3A_1441 : vector<16xi32>
        %add3A_1443 = arith.constant 16 : i32
        %add3A_1444 = vector.broadcast %add3A_1443 : i32 to vector<16xi32>
        %add3A_1445 = arith.addi %and3A_23, %add3A_1444 : vector<16xi32>
        %select_n3A_1446 = arith.select %lt3A_1442, %add3A_1445, %and3A_23 : vector<16xi1>, vector<16xi32>
        %broadcast_in_dim3A_1447 = vector.shape_cast %select_n3A_1446 : vector<16xi32> to vector<16x1xi32>
        %gather3A_1448 = vector.shape_cast %broadcast_in_dim3A_1447 : vector<16x1xi32> to vector<16xi32>
        %gather3A_1449 = tpu.dynamic_gather %max3A_1439[%gather3A_1448] in [0] : vector<16xf32>, vector<16xi32> -> vector<16xf32>
        %max3A_1450 = arith.maximumf %max3A_1439, %gather3A_1449 : vector<16xf32>
        %ge3A_1451 = arith.cmpf oge, %abs3A_1406, %max3A_1450 : vector<16xf32>
        %jit3A_1452 = arith.constant 16 : i32
        %broadcast_in_dim3A_1453 = vector.broadcast %jit3A_1452 : i32 to vector<16xi32>
        %select_n3A_1454 = arith.select %ge3A_1451, %iota3A, %broadcast_in_dim3A_1453 : vector<16xi1>, vector<16xi32>
        %lt3A_1455 = arith.constant 0 : i32
        %lt3A_1456 = vector.broadcast %lt3A_1455 : i32 to vector<16xi32>
        %lt3A_1457 = arith.cmpi slt, %and3A_5, %lt3A_1456 : vector<16xi32>
        %add3A_1458 = arith.constant 16 : i32
        %add3A_1459 = vector.broadcast %add3A_1458 : i32 to vector<16xi32>
        %add3A_1460 = arith.addi %and3A_5, %add3A_1459 : vector<16xi32>
        %select_n3A_1461 = arith.select %lt3A_1457, %add3A_1460, %and3A_5 : vector<16xi1>, vector<16xi32>
        %broadcast_in_dim3A_1462 = vector.shape_cast %select_n3A_1461 : vector<16xi32> to vector<16x1xi32>
        %gather3A_1463 = vector.shape_cast %broadcast_in_dim3A_1462 : vector<16x1xi32> to vector<16xi32>
        %gather3A_1464 = tpu.dynamic_gather %select_n3A_1454[%gather3A_1463] in [0] : vector<16xi32>, vector<16xi32> -> vector<16xi32>
        %min3A_1465 = arith.minsi %select_n3A_1454, %gather3A_1464 : vector<16xi32>
        %lt3A_1466 = arith.constant 0 : i32
        %lt3A_1467 = vector.broadcast %lt3A_1466 : i32 to vector<16xi32>
        %lt3A_1468 = arith.cmpi slt, %and3A_11, %lt3A_1467 : vector<16xi32>
        %add3A_1469 = arith.constant 16 : i32
        %add3A_1470 = vector.broadcast %add3A_1469 : i32 to vector<16xi32>
        %add3A_1471 = arith.addi %and3A_11, %add3A_1470 : vector<16xi32>
        %select_n3A_1472 = arith.select %lt3A_1468, %add3A_1471, %and3A_11 : vector<16xi1>, vector<16xi32>
        %broadcast_in_dim3A_1473 = vector.shape_cast %select_n3A_1472 : vector<16xi32> to vector<16x1xi32>
        %gather3A_1474 = vector.shape_cast %broadcast_in_dim3A_1473 : vector<16x1xi32> to vector<16xi32>
        %gather3A_1475 = tpu.dynamic_gather %min3A_1465[%gather3A_1474] in [0] : vector<16xi32>, vector<16xi32> -> vector<16xi32>
        %min3A_1476 = arith.minsi %min3A_1465, %gather3A_1475 : vector<16xi32>
        %lt3A_1477 = arith.constant 0 : i32
        %lt3A_1478 = vector.broadcast %lt3A_1477 : i32 to vector<16xi32>
        %lt3A_1479 = arith.cmpi slt, %and3A_17, %lt3A_1478 : vector<16xi32>
        %add3A_1480 = arith.constant 16 : i32
        %add3A_1481 = vector.broadcast %add3A_1480 : i32 to vector<16xi32>
        %add3A_1482 = arith.addi %and3A_17, %add3A_1481 : vector<16xi32>
        %select_n3A_1483 = arith.select %lt3A_1479, %add3A_1482, %and3A_17 : vector<16xi1>, vector<16xi32>
        %broadcast_in_dim3A_1484 = vector.shape_cast %select_n3A_1483 : vector<16xi32> to vector<16x1xi32>
        %gather3A_1485 = vector.shape_cast %broadcast_in_dim3A_1484 : vector<16x1xi32> to vector<16xi32>
        %gather3A_1486 = tpu.dynamic_gather %min3A_1476[%gather3A_1485] in [0] : vector<16xi32>, vector<16xi32> -> vector<16xi32>
        %min3A_1487 = arith.minsi %min3A_1476, %gather3A_1486 : vector<16xi32>
        %lt3A_1488 = arith.constant 0 : i32
        %lt3A_1489 = vector.broadcast %lt3A_1488 : i32 to vector<16xi32>
        %lt3A_1490 = arith.cmpi slt, %and3A_23, %lt3A_1489 : vector<16xi32>
        %add3A_1491 = arith.constant 16 : i32
        %add3A_1492 = vector.broadcast %add3A_1491 : i32 to vector<16xi32>
        %add3A_1493 = arith.addi %and3A_23, %add3A_1492 : vector<16xi32>
        %select_n3A_1494 = arith.select %lt3A_1490, %add3A_1493, %and3A_23 : vector<16xi1>, vector<16xi32>
        %broadcast_in_dim3A_1495 = vector.shape_cast %select_n3A_1494 : vector<16xi32> to vector<16x1xi32>
        %gather3A_1496 = vector.shape_cast %broadcast_in_dim3A_1495 : vector<16x1xi32> to vector<16xi32>
        %gather3A_1497 = tpu.dynamic_gather %min3A_1487[%gather3A_1496] in [0] : vector<16xi32>, vector<16xi32> -> vector<16xi32>
        %min3A_1498 = arith.minsi %min3A_1487, %gather3A_1497 : vector<16xi32>
        %eq3A_1499 = arith.cmpi eq, %iota3A, %min3A_1498 : vector<16xi32>
        %jit3A_1500 = arith.constant 0.000000e+00 : f32
        %broadcast_in_dim3A_1501 = vector.broadcast %jit3A_1500 : f32 to vector<16xf32>
        %select_n3A_1502 = arith.select %eq3A_1499, %get3A_1405, %broadcast_in_dim3A_1501 : vector<16xi1>, vector<16xf32>
        %mul3A_1503 = arith.constant 16 : i32
        %mul3A_1504 = arith.muli %scan3A_1400, %mul3A_1503 : i32
        %swap3A_1505 = arith.index_cast %mul3A_1504 : i32 to index
        %swap3A_1506 = tpu.vector_load %arg7[%swap3A_1505] {strides = array<i32>} : memref<16384xf32, #tpu.memory_space<vmem>>, vector<16xf32>,
        %swap3A_1507 = vector.shape_cast %swap3A_1506 : vector<16xf32> to vector<16xf32>
        %swap3A_1508 = vector.shape_cast %select_n3A_1502 : vector<16xf32> to vector<16xf32>
        tpu.vector_store %arg7[%swap3A_1505], %swap3A_1508 {strides = array<i32>} : memref<16384xf32, #tpu.memory_space<vmem>>, vector<16xf32>,
        %scan3A_1509 = arith.constant 0 : i32
        %scan3A_1510 = arith.constant 11 : i32
        %scan3A_1511 = arith.addi %scan3A_297, %scan3A_1510 : i32
        %mul3A_1512 = arith.constant 16 : i32
        %mul3A_1513 = arith.muli %scan3A_1511, %mul3A_1512 : i32
        %get3A_1514 = arith.index_cast %mul3A_1513 : i32 to index
        %get3A_1515 = tpu.vector_load %arg5[%get3A_1514] {strides = array<i32>} : memref<16384xf32, #tpu.memory_space<vmem>>, vector<16xf32>,
        %get3A_1516 = vector.shape_cast %get3A_1515 : vector<16xf32> to vector<16xf32>
        %abs3A_1517 = math.absf %get3A_1516 : vector<16xf32>
        %lt3A_1518 = arith.constant 0 : i32
        %lt3A_1519 = vector.broadcast %lt3A_1518 : i32 to vector<16xi32>
        %lt3A_1520 = arith.cmpi slt, %and3A_5, %lt3A_1519 : vector<16xi32>
        %add3A_1521 = arith.constant 16 : i32
        %add3A_1522 = vector.broadcast %add3A_1521 : i32 to vector<16xi32>
        %add3A_1523 = arith.addi %and3A_5, %add3A_1522 : vector<16xi32>
        %select_n3A_1524 = arith.select %lt3A_1520, %add3A_1523, %and3A_5 : vector<16xi1>, vector<16xi32>
        %broadcast_in_dim3A_1525 = vector.shape_cast %select_n3A_1524 : vector<16xi32> to vector<16x1xi32>
        %gather3A_1526 = vector.shape_cast %broadcast_in_dim3A_1525 : vector<16x1xi32> to vector<16xi32>
        %gather3A_1527 = tpu.dynamic_gather %abs3A_1517[%gather3A_1526] in [0] : vector<16xf32>, vector<16xi32> -> vector<16xf32>
        %max3A_1528 = arith.maximumf %abs3A_1517, %gather3A_1527 : vector<16xf32>
        %lt3A_1529 = arith.constant 0 : i32
        %lt3A_1530 = vector.broadcast %lt3A_1529 : i32 to vector<16xi32>
        %lt3A_1531 = arith.cmpi slt, %and3A_11, %lt3A_1530 : vector<16xi32>
        %add3A_1532 = arith.constant 16 : i32
        %add3A_1533 = vector.broadcast %add3A_1532 : i32 to vector<16xi32>
        %add3A_1534 = arith.addi %and3A_11, %add3A_1533 : vector<16xi32>
        %select_n3A_1535 = arith.select %lt3A_1531, %add3A_1534, %and3A_11 : vector<16xi1>, vector<16xi32>
        %broadcast_in_dim3A_1536 = vector.shape_cast %select_n3A_1535 : vector<16xi32> to vector<16x1xi32>
        %gather3A_1537 = vector.shape_cast %broadcast_in_dim3A_1536 : vector<16x1xi32> to vector<16xi32>
        %gather3A_1538 = tpu.dynamic_gather %max3A_1528[%gather3A_1537] in [0] : vector<16xf32>, vector<16xi32> -> vector<16xf32>
        %max3A_1539 = arith.maximumf %max3A_1528, %gather3A_1538 : vector<16xf32>
        %lt3A_1540 = arith.constant 0 : i32
        %lt3A_1541 = vector.broadcast %lt3A_1540 : i32 to vector<16xi32>
        %lt3A_1542 = arith.cmpi slt, %and3A_17, %lt3A_1541 : vector<16xi32>
        %add3A_1543 = arith.constant 16 : i32
        %add3A_1544 = vector.broadcast %add3A_1543 : i32 to vector<16xi32>
        %add3A_1545 = arith.addi %and3A_17, %add3A_1544 : vector<16xi32>
        %select_n3A_1546 = arith.select %lt3A_1542, %add3A_1545, %and3A_17 : vector<16xi1>, vector<16xi32>
        %broadcast_in_dim3A_1547 = vector.shape_cast %select_n3A_1546 : vector<16xi32> to vector<16x1xi32>
        %gather3A_1548 = vector.shape_cast %broadcast_in_dim3A_1547 : vector<16x1xi32> to vector<16xi32>
        %gather3A_1549 = tpu.dynamic_gather %max3A_1539[%gather3A_1548] in [0] : vector<16xf32>, vector<16xi32> -> vector<16xf32>
        %max3A_1550 = arith.maximumf %max3A_1539, %gather3A_1549 : vector<16xf32>
        %lt3A_1551 = arith.constant 0 : i32
        %lt3A_1552 = vector.broadcast %lt3A_1551 : i32 to vector<16xi32>
        %lt3A_1553 = arith.cmpi slt, %and3A_23, %lt3A_1552 : vector<16xi32>
        %add3A_1554 = arith.constant 16 : i32
        %add3A_1555 = vector.broadcast %add3A_1554 : i32 to vector<16xi32>
        %add3A_1556 = arith.addi %and3A_23, %add3A_1555 : vector<16xi32>
        %select_n3A_1557 = arith.select %lt3A_1553, %add3A_1556, %and3A_23 : vector<16xi1>, vector<16xi32>
        %broadcast_in_dim3A_1558 = vector.shape_cast %select_n3A_1557 : vector<16xi32> to vector<16x1xi32>
        %gather3A_1559 = vector.shape_cast %broadcast_in_dim3A_1558 : vector<16x1xi32> to vector<16xi32>
        %gather3A_1560 = tpu.dynamic_gather %max3A_1550[%gather3A_1559] in [0] : vector<16xf32>, vector<16xi32> -> vector<16xf32>
        %max3A_1561 = arith.maximumf %max3A_1550, %gather3A_1560 : vector<16xf32>
        %ge3A_1562 = arith.cmpf oge, %abs3A_1517, %max3A_1561 : vector<16xf32>
        %jit3A_1563 = arith.constant 16 : i32
        %broadcast_in_dim3A_1564 = vector.broadcast %jit3A_1563 : i32 to vector<16xi32>
        %select_n3A_1565 = arith.select %ge3A_1562, %iota3A, %broadcast_in_dim3A_1564 : vector<16xi1>, vector<16xi32>
        %lt3A_1566 = arith.constant 0 : i32
        %lt3A_1567 = vector.broadcast %lt3A_1566 : i32 to vector<16xi32>
        %lt3A_1568 = arith.cmpi slt, %and3A_5, %lt3A_1567 : vector<16xi32>
        %add3A_1569 = arith.constant 16 : i32
        %add3A_1570 = vector.broadcast %add3A_1569 : i32 to vector<16xi32>
        %add3A_1571 = arith.addi %and3A_5, %add3A_1570 : vector<16xi32>
        %select_n3A_1572 = arith.select %lt3A_1568, %add3A_1571, %and3A_5 : vector<16xi1>, vector<16xi32>
        %broadcast_in_dim3A_1573 = vector.shape_cast %select_n3A_1572 : vector<16xi32> to vector<16x1xi32>
        %gather3A_1574 = vector.shape_cast %broadcast_in_dim3A_1573 : vector<16x1xi32> to vector<16xi32>
        %gather3A_1575 = tpu.dynamic_gather %select_n3A_1565[%gather3A_1574] in [0] : vector<16xi32>, vector<16xi32> -> vector<16xi32>
        %min3A_1576 = arith.minsi %select_n3A_1565, %gather3A_1575 : vector<16xi32>
        %lt3A_1577 = arith.constant 0 : i32
        %lt3A_1578 = vector.broadcast %lt3A_1577 : i32 to vector<16xi32>
        %lt3A_1579 = arith.cmpi slt, %and3A_11, %lt3A_1578 : vector<16xi32>
        %add3A_1580 = arith.constant 16 : i32
        %add3A_1581 = vector.broadcast %add3A_1580 : i32 to vector<16xi32>
        %add3A_1582 = arith.addi %and3A_11, %add3A_1581 : vector<16xi32>
        %select_n3A_1583 = arith.select %lt3A_1579, %add3A_1582, %and3A_11 : vector<16xi1>, vector<16xi32>
        %broadcast_in_dim3A_1584 = vector.shape_cast %select_n3A_1583 : vector<16xi32> to vector<16x1xi32>
        %gather3A_1585 = vector.shape_cast %broadcast_in_dim3A_1584 : vector<16x1xi32> to vector<16xi32>
        %gather3A_1586 = tpu.dynamic_gather %min3A_1576[%gather3A_1585] in [0] : vector<16xi32>, vector<16xi32> -> vector<16xi32>
        %min3A_1587 = arith.minsi %min3A_1576, %gather3A_1586 : vector<16xi32>
        %lt3A_1588 = arith.constant 0 : i32
        %lt3A_1589 = vector.broadcast %lt3A_1588 : i32 to vector<16xi32>
        %lt3A_1590 = arith.cmpi slt, %and3A_17, %lt3A_1589 : vector<16xi32>
        %add3A_1591 = arith.constant 16 : i32
        %add3A_1592 = vector.broadcast %add3A_1591 : i32 to vector<16xi32>
        %add3A_1593 = arith.addi %and3A_17, %add3A_1592 : vector<16xi32>
        %select_n3A_1594 = arith.select %lt3A_1590, %add3A_1593, %and3A_17 : vector<16xi1>, vector<16xi32>
        %broadcast_in_dim3A_1595 = vector.shape_cast %select_n3A_1594 : vector<16xi32> to vector<16x1xi32>
        %gather3A_1596 = vector.shape_cast %broadcast_in_dim3A_1595 : vector<16x1xi32> to vector<16xi32>
        %gather3A_1597 = tpu.dynamic_gather %min3A_1587[%gather3A_1596] in [0] : vector<16xi32>, vector<16xi32> -> vector<16xi32>
        %min3A_1598 = arith.minsi %min3A_1587, %gather3A_1597 : vector<16xi32>
        %lt3A_1599 = arith.constant 0 : i32
        %lt3A_1600 = vector.broadcast %lt3A_1599 : i32 to vector<16xi32>
        %lt3A_1601 = arith.cmpi slt, %and3A_23, %lt3A_1600 : vector<16xi32>
        %add3A_1602 = arith.constant 16 : i32
        %add3A_1603 = vector.broadcast %add3A_1602 : i32 to vector<16xi32>
        %add3A_1604 = arith.addi %and3A_23, %add3A_1603 : vector<16xi32>
        %select_n3A_1605 = arith.select %lt3A_1601, %add3A_1604, %and3A_23 : vector<16xi1>, vector<16xi32>
        %broadcast_in_dim3A_1606 = vector.shape_cast %select_n3A_1605 : vector<16xi32> to vector<16x1xi32>
        %gather3A_1607 = vector.shape_cast %broadcast_in_dim3A_1606 : vector<16x1xi32> to vector<16xi32>
        %gather3A_1608 = tpu.dynamic_gather %min3A_1598[%gather3A_1607] in [0] : vector<16xi32>, vector<16xi32> -> vector<16xi32>
        %min3A_1609 = arith.minsi %min3A_1598, %gather3A_1608 : vector<16xi32>
        %eq3A_1610 = arith.cmpi eq, %iota3A, %min3A_1609 : vector<16xi32>
        %jit3A_1611 = arith.constant 0.000000e+00 : f32
        %broadcast_in_dim3A_1612 = vector.broadcast %jit3A_1611 : f32 to vector<16xf32>
        %select_n3A_1613 = arith.select %eq3A_1610, %get3A_1516, %broadcast_in_dim3A_1612 : vector<16xi1>, vector<16xf32>
        %mul3A_1614 = arith.constant 16 : i32
        %mul3A_1615 = arith.muli %scan3A_1511, %mul3A_1614 : i32
        %swap3A_1616 = arith.index_cast %mul3A_1615 : i32 to index
        %swap3A_1617 = tpu.vector_load %arg7[%swap3A_1616] {strides = array<i32>} : memref<16384xf32, #tpu.memory_space<vmem>>, vector<16xf32>,
        %swap3A_1618 = vector.shape_cast %swap3A_1617 : vector<16xf32> to vector<16xf32>
        %swap3A_1619 = vector.shape_cast %select_n3A_1613 : vector<16xf32> to vector<16xf32>
        tpu.vector_store %arg7[%swap3A_1616], %swap3A_1619 {strides = array<i32>} : memref<16384xf32, #tpu.memory_space<vmem>>, vector<16xf32>,
        %scan3A_1620 = arith.constant 0 : i32
        %scan3A_1621 = arith.constant 12 : i32
        %scan3A_1622 = arith.addi %scan3A_297, %scan3A_1621 : i32
        %mul3A_1623 = arith.constant 16 : i32
        %mul3A_1624 = arith.muli %scan3A_1622, %mul3A_1623 : i32
        %get3A_1625 = arith.index_cast %mul3A_1624 : i32 to index
        %get3A_1626 = tpu.vector_load %arg5[%get3A_1625] {strides = array<i32>} : memref<16384xf32, #tpu.memory_space<vmem>>, vector<16xf32>,
        %get3A_1627 = vector.shape_cast %get3A_1626 : vector<16xf32> to vector<16xf32>
        %abs3A_1628 = math.absf %get3A_1627 : vector<16xf32>
        %lt3A_1629 = arith.constant 0 : i32
        %lt3A_1630 = vector.broadcast %lt3A_1629 : i32 to vector<16xi32>
        %lt3A_1631 = arith.cmpi slt, %and3A_5, %lt3A_1630 : vector<16xi32>
        %add3A_1632 = arith.constant 16 : i32
        %add3A_1633 = vector.broadcast %add3A_1632 : i32 to vector<16xi32>
        %add3A_1634 = arith.addi %and3A_5, %add3A_1633 : vector<16xi32>
        %select_n3A_1635 = arith.select %lt3A_1631, %add3A_1634, %and3A_5 : vector<16xi1>, vector<16xi32>
        %broadcast_in_dim3A_1636 = vector.shape_cast %select_n3A_1635 : vector<16xi32> to vector<16x1xi32>
        %gather3A_1637 = vector.shape_cast %broadcast_in_dim3A_1636 : vector<16x1xi32> to vector<16xi32>
        %gather3A_1638 = tpu.dynamic_gather %abs3A_1628[%gather3A_1637] in [0] : vector<16xf32>, vector<16xi32> -> vector<16xf32>
        %max3A_1639 = arith.maximumf %abs3A_1628, %gather3A_1638 : vector<16xf32>
        %lt3A_1640 = arith.constant 0 : i32
        %lt3A_1641 = vector.broadcast %lt3A_1640 : i32 to vector<16xi32>
        %lt3A_1642 = arith.cmpi slt, %and3A_11, %lt3A_1641 : vector<16xi32>
        %add3A_1643 = arith.constant 16 : i32
        %add3A_1644 = vector.broadcast %add3A_1643 : i32 to vector<16xi32>
        %add3A_1645 = arith.addi %and3A_11, %add3A_1644 : vector<16xi32>
        %select_n3A_1646 = arith.select %lt3A_1642, %add3A_1645, %and3A_11 : vector<16xi1>, vector<16xi32>
        %broadcast_in_dim3A_1647 = vector.shape_cast %select_n3A_1646 : vector<16xi32> to vector<16x1xi32>
        %gather3A_1648 = vector.shape_cast %broadcast_in_dim3A_1647 : vector<16x1xi32> to vector<16xi32>
        %gather3A_1649 = tpu.dynamic_gather %max3A_1639[%gather3A_1648] in [0] : vector<16xf32>, vector<16xi32> -> vector<16xf32>
        %max3A_1650 = arith.maximumf %max3A_1639, %gather3A_1649 : vector<16xf32>
        %lt3A_1651 = arith.constant 0 : i32
        %lt3A_1652 = vector.broadcast %lt3A_1651 : i32 to vector<16xi32>
        %lt3A_1653 = arith.cmpi slt, %and3A_17, %lt3A_1652 : vector<16xi32>
        %add3A_1654 = arith.constant 16 : i32
        %add3A_1655 = vector.broadcast %add3A_1654 : i32 to vector<16xi32>
        %add3A_1656 = arith.addi %and3A_17, %add3A_1655 : vector<16xi32>
        %select_n3A_1657 = arith.select %lt3A_1653, %add3A_1656, %and3A_17 : vector<16xi1>, vector<16xi32>
        %broadcast_in_dim3A_1658 = vector.shape_cast %select_n3A_1657 : vector<16xi32> to vector<16x1xi32>
        %gather3A_1659 = vector.shape_cast %broadcast_in_dim3A_1658 : vector<16x1xi32> to vector<16xi32>
        %gather3A_1660 = tpu.dynamic_gather %max3A_1650[%gather3A_1659] in [0] : vector<16xf32>, vector<16xi32> -> vector<16xf32>
        %max3A_1661 = arith.maximumf %max3A_1650, %gather3A_1660 : vector<16xf32>
        %lt3A_1662 = arith.constant 0 : i32
        %lt3A_1663 = vector.broadcast %lt3A_1662 : i32 to vector<16xi32>
        %lt3A_1664 = arith.cmpi slt, %and3A_23, %lt3A_1663 : vector<16xi32>
        %add3A_1665 = arith.constant 16 : i32
        %add3A_1666 = vector.broadcast %add3A_1665 : i32 to vector<16xi32>
        %add3A_1667 = arith.addi %and3A_23, %add3A_1666 : vector<16xi32>
        %select_n3A_1668 = arith.select %lt3A_1664, %add3A_1667, %and3A_23 : vector<16xi1>, vector<16xi32>
        %broadcast_in_dim3A_1669 = vector.shape_cast %select_n3A_1668 : vector<16xi32> to vector<16x1xi32>
        %gather3A_1670 = vector.shape_cast %broadcast_in_dim3A_1669 : vector<16x1xi32> to vector<16xi32>
        %gather3A_1671 = tpu.dynamic_gather %max3A_1661[%gather3A_1670] in [0] : vector<16xf32>, vector<16xi32> -> vector<16xf32>
        %max3A_1672 = arith.maximumf %max3A_1661, %gather3A_1671 : vector<16xf32>
        %ge3A_1673 = arith.cmpf oge, %abs3A_1628, %max3A_1672 : vector<16xf32>
        %jit3A_1674 = arith.constant 16 : i32
        %broadcast_in_dim3A_1675 = vector.broadcast %jit3A_1674 : i32 to vector<16xi32>
        %select_n3A_1676 = arith.select %ge3A_1673, %iota3A, %broadcast_in_dim3A_1675 : vector<16xi1>, vector<16xi32>
        %lt3A_1677 = arith.constant 0 : i32
        %lt3A_1678 = vector.broadcast %lt3A_1677 : i32 to vector<16xi32>
        %lt3A_1679 = arith.cmpi slt, %and3A_5, %lt3A_1678 : vector<16xi32>
        %add3A_1680 = arith.constant 16 : i32
        %add3A_1681 = vector.broadcast %add3A_1680 : i32 to vector<16xi32>
        %add3A_1682 = arith.addi %and3A_5, %add3A_1681 : vector<16xi32>
        %select_n3A_1683 = arith.select %lt3A_1679, %add3A_1682, %and3A_5 : vector<16xi1>, vector<16xi32>
        %broadcast_in_dim3A_1684 = vector.shape_cast %select_n3A_1683 : vector<16xi32> to vector<16x1xi32>
        %gather3A_1685 = vector.shape_cast %broadcast_in_dim3A_1684 : vector<16x1xi32> to vector<16xi32>
        %gather3A_1686 = tpu.dynamic_gather %select_n3A_1676[%gather3A_1685] in [0] : vector<16xi32>, vector<16xi32> -> vector<16xi32>
        %min3A_1687 = arith.minsi %select_n3A_1676, %gather3A_1686 : vector<16xi32>
        %lt3A_1688 = arith.constant 0 : i32
        %lt3A_1689 = vector.broadcast %lt3A_1688 : i32 to vector<16xi32>
        %lt3A_1690 = arith.cmpi slt, %and3A_11, %lt3A_1689 : vector<16xi32>
        %add3A_1691 = arith.constant 16 : i32
        %add3A_1692 = vector.broadcast %add3A_1691 : i32 to vector<16xi32>
        %add3A_1693 = arith.addi %and3A_11, %add3A_1692 : vector<16xi32>
        %select_n3A_1694 = arith.select %lt3A_1690, %add3A_1693, %and3A_11 : vector<16xi1>, vector<16xi32>
        %broadcast_in_dim3A_1695 = vector.shape_cast %select_n3A_1694 : vector<16xi32> to vector<16x1xi32>
        %gather3A_1696 = vector.shape_cast %broadcast_in_dim3A_1695 : vector<16x1xi32> to vector<16xi32>
        %gather3A_1697 = tpu.dynamic_gather %min3A_1687[%gather3A_1696] in [0] : vector<16xi32>, vector<16xi32> -> vector<16xi32>
        %min3A_1698 = arith.minsi %min3A_1687, %gather3A_1697 : vector<16xi32>
        %lt3A_1699 = arith.constant 0 : i32
        %lt3A_1700 = vector.broadcast %lt3A_1699 : i32 to vector<16xi32>
        %lt3A_1701 = arith.cmpi slt, %and3A_17, %lt3A_1700 : vector<16xi32>
        %add3A_1702 = arith.constant 16 : i32
        %add3A_1703 = vector.broadcast %add3A_1702 : i32 to vector<16xi32>
        %add3A_1704 = arith.addi %and3A_17, %add3A_1703 : vector<16xi32>
        %select_n3A_1705 = arith.select %lt3A_1701, %add3A_1704, %and3A_17 : vector<16xi1>, vector<16xi32>
        %broadcast_in_dim3A_1706 = vector.shape_cast %select_n3A_1705 : vector<16xi32> to vector<16x1xi32>
        %gather3A_1707 = vector.shape_cast %broadcast_in_dim3A_1706 : vector<16x1xi32> to vector<16xi32>
        %gather3A_1708 = tpu.dynamic_gather %min3A_1698[%gather3A_1707] in [0] : vector<16xi32>, vector<16xi32> -> vector<16xi32>
        %min3A_1709 = arith.minsi %min3A_1698, %gather3A_1708 : vector<16xi32>
        %lt3A_1710 = arith.constant 0 : i32
        %lt3A_1711 = vector.broadcast %lt3A_1710 : i32 to vector<16xi32>
        %lt3A_1712 = arith.cmpi slt, %and3A_23, %lt3A_1711 : vector<16xi32>
        %add3A_1713 = arith.constant 16 : i32
        %add3A_1714 = vector.broadcast %add3A_1713 : i32 to vector<16xi32>
        %add3A_1715 = arith.addi %and3A_23, %add3A_1714 : vector<16xi32>
        %select_n3A_1716 = arith.select %lt3A_1712, %add3A_1715, %and3A_23 : vector<16xi1>, vector<16xi32>
        %broadcast_in_dim3A_1717 = vector.shape_cast %select_n3A_1716 : vector<16xi32> to vector<16x1xi32>
        %gather3A_1718 = vector.shape_cast %broadcast_in_dim3A_1717 : vector<16x1xi32> to vector<16xi32>
        %gather3A_1719 = tpu.dynamic_gather %min3A_1709[%gather3A_1718] in [0] : vector<16xi32>, vector<16xi32> -> vector<16xi32>
        %min3A_1720 = arith.minsi %min3A_1709, %gather3A_1719 : vector<16xi32>
        %eq3A_1721 = arith.cmpi eq, %iota3A, %min3A_1720 : vector<16xi32>
        %jit3A_1722 = arith.constant 0.000000e+00 : f32
        %broadcast_in_dim3A_1723 = vector.broadcast %jit3A_1722 : f32 to vector<16xf32>
        %select_n3A_1724 = arith.select %eq3A_1721, %get3A_1627, %broadcast_in_dim3A_1723 : vector<16xi1>, vector<16xf32>
        %mul3A_1725 = arith.constant 16 : i32
        %mul3A_1726 = arith.muli %scan3A_1622, %mul3A_1725 : i32
        %swap3A_1727 = arith.index_cast %mul3A_1726 : i32 to index
        %swap3A_1728 = tpu.vector_load %arg7[%swap3A_1727] {strides = array<i32>} : memref<16384xf32, #tpu.memory_space<vmem>>, vector<16xf32>,
        %swap3A_1729 = vector.shape_cast %swap3A_1728 : vector<16xf32> to vector<16xf32>
        %swap3A_1730 = vector.shape_cast %select_n3A_1724 : vector<16xf32> to vector<16xf32>
        tpu.vector_store %arg7[%swap3A_1727], %swap3A_1730 {strides = array<i32>} : memref<16384xf32, #tpu.memory_space<vmem>>, vector<16xf32>,
        %scan3A_1731 = arith.constant 0 : i32
        %scan3A_1732 = arith.constant 13 : i32
        %scan3A_1733 = arith.addi %scan3A_297, %scan3A_1732 : i32
        %mul3A_1734 = arith.constant 16 : i32
        %mul3A_1735 = arith.muli %scan3A_1733, %mul3A_1734 : i32
        %get3A_1736 = arith.index_cast %mul3A_1735 : i32 to index
        %get3A_1737 = tpu.vector_load %arg5[%get3A_1736] {strides = array<i32>} : memref<16384xf32, #tpu.memory_space<vmem>>, vector<16xf32>,
        %get3A_1738 = vector.shape_cast %get3A_1737 : vector<16xf32> to vector<16xf32>
        %abs3A_1739 = math.absf %get3A_1738 : vector<16xf32>
        %lt3A_1740 = arith.constant 0 : i32
        %lt3A_1741 = vector.broadcast %lt3A_1740 : i32 to vector<16xi32>
        %lt3A_1742 = arith.cmpi slt, %and3A_5, %lt3A_1741 : vector<16xi32>
        %add3A_1743 = arith.constant 16 : i32
        %add3A_1744 = vector.broadcast %add3A_1743 : i32 to vector<16xi32>
        %add3A_1745 = arith.addi %and3A_5, %add3A_1744 : vector<16xi32>
        %select_n3A_1746 = arith.select %lt3A_1742, %add3A_1745, %and3A_5 : vector<16xi1>, vector<16xi32>
        %broadcast_in_dim3A_1747 = vector.shape_cast %select_n3A_1746 : vector<16xi32> to vector<16x1xi32>
        %gather3A_1748 = vector.shape_cast %broadcast_in_dim3A_1747 : vector<16x1xi32> to vector<16xi32>
        %gather3A_1749 = tpu.dynamic_gather %abs3A_1739[%gather3A_1748] in [0] : vector<16xf32>, vector<16xi32> -> vector<16xf32>
        %max3A_1750 = arith.maximumf %abs3A_1739, %gather3A_1749 : vector<16xf32>
        %lt3A_1751 = arith.constant 0 : i32
        %lt3A_1752 = vector.broadcast %lt3A_1751 : i32 to vector<16xi32>
        %lt3A_1753 = arith.cmpi slt, %and3A_11, %lt3A_1752 : vector<16xi32>
        %add3A_1754 = arith.constant 16 : i32
        %add3A_1755 = vector.broadcast %add3A_1754 : i32 to vector<16xi32>
        %add3A_1756 = arith.addi %and3A_11, %add3A_1755 : vector<16xi32>
        %select_n3A_1757 = arith.select %lt3A_1753, %add3A_1756, %and3A_11 : vector<16xi1>, vector<16xi32>
        %broadcast_in_dim3A_1758 = vector.shape_cast %select_n3A_1757 : vector<16xi32> to vector<16x1xi32>
        %gather3A_1759 = vector.shape_cast %broadcast_in_dim3A_1758 : vector<16x1xi32> to vector<16xi32>
        %gather3A_1760 = tpu.dynamic_gather %max3A_1750[%gather3A_1759] in [0] : vector<16xf32>, vector<16xi32> -> vector<16xf32>
        %max3A_1761 = arith.maximumf %max3A_1750, %gather3A_1760 : vector<16xf32>
        %lt3A_1762 = arith.constant 0 : i32
        %lt3A_1763 = vector.broadcast %lt3A_1762 : i32 to vector<16xi32>
        %lt3A_1764 = arith.cmpi slt, %and3A_17, %lt3A_1763 : vector<16xi32>
        %add3A_1765 = arith.constant 16 : i32
        %add3A_1766 = vector.broadcast %add3A_1765 : i32 to vector<16xi32>
        %add3A_1767 = arith.addi %and3A_17, %add3A_1766 : vector<16xi32>
        %select_n3A_1768 = arith.select %lt3A_1764, %add3A_1767, %and3A_17 : vector<16xi1>, vector<16xi32>
        %broadcast_in_dim3A_1769 = vector.shape_cast %select_n3A_1768 : vector<16xi32> to vector<16x1xi32>
        %gather3A_1770 = vector.shape_cast %broadcast_in_dim3A_1769 : vector<16x1xi32> to vector<16xi32>
        %gather3A_1771 = tpu.dynamic_gather %max3A_1761[%gather3A_1770] in [0] : vector<16xf32>, vector<16xi32> -> vector<16xf32>
        %max3A_1772 = arith.maximumf %max3A_1761, %gather3A_1771 : vector<16xf32>
        %lt3A_1773 = arith.constant 0 : i32
        %lt3A_1774 = vector.broadcast %lt3A_1773 : i32 to vector<16xi32>
        %lt3A_1775 = arith.cmpi slt, %and3A_23, %lt3A_1774 : vector<16xi32>
        %add3A_1776 = arith.constant 16 : i32
        %add3A_1777 = vector.broadcast %add3A_1776 : i32 to vector<16xi32>
        %add3A_1778 = arith.addi %and3A_23, %add3A_1777 : vector<16xi32>
        %select_n3A_1779 = arith.select %lt3A_1775, %add3A_1778, %and3A_23 : vector<16xi1>, vector<16xi32>
        %broadcast_in_dim3A_1780 = vector.shape_cast %select_n3A_1779 : vector<16xi32> to vector<16x1xi32>
        %gather3A_1781 = vector.shape_cast %broadcast_in_dim3A_1780 : vector<16x1xi32> to vector<16xi32>
        %gather3A_1782 = tpu.dynamic_gather %max3A_1772[%gather3A_1781] in [0] : vector<16xf32>, vector<16xi32> -> vector<16xf32>
        %max3A_1783 = arith.maximumf %max3A_1772, %gather3A_1782 : vector<16xf32>
        %ge3A_1784 = arith.cmpf oge, %abs3A_1739, %max3A_1783 : vector<16xf32>
        %jit3A_1785 = arith.constant 16 : i32
        %broadcast_in_dim3A_1786 = vector.broadcast %jit3A_1785 : i32 to vector<16xi32>
        %select_n3A_1787 = arith.select %ge3A_1784, %iota3A, %broadcast_in_dim3A_1786 : vector<16xi1>, vector<16xi32>
        %lt3A_1788 = arith.constant 0 : i32
        %lt3A_1789 = vector.broadcast %lt3A_1788 : i32 to vector<16xi32>
        %lt3A_1790 = arith.cmpi slt, %and3A_5, %lt3A_1789 : vector<16xi32>
        %add3A_1791 = arith.constant 16 : i32
        %add3A_1792 = vector.broadcast %add3A_1791 : i32 to vector<16xi32>
        %add3A_1793 = arith.addi %and3A_5, %add3A_1792 : vector<16xi32>
        %select_n3A_1794 = arith.select %lt3A_1790, %add3A_1793, %and3A_5 : vector<16xi1>, vector<16xi32>
        %broadcast_in_dim3A_1795 = vector.shape_cast %select_n3A_1794 : vector<16xi32> to vector<16x1xi32>
        %gather3A_1796 = vector.shape_cast %broadcast_in_dim3A_1795 : vector<16x1xi32> to vector<16xi32>
        %gather3A_1797 = tpu.dynamic_gather %select_n3A_1787[%gather3A_1796] in [0] : vector<16xi32>, vector<16xi32> -> vector<16xi32>
        %min3A_1798 = arith.minsi %select_n3A_1787, %gather3A_1797 : vector<16xi32>
        %lt3A_1799 = arith.constant 0 : i32
        %lt3A_1800 = vector.broadcast %lt3A_1799 : i32 to vector<16xi32>
        %lt3A_1801 = arith.cmpi slt, %and3A_11, %lt3A_1800 : vector<16xi32>
        %add3A_1802 = arith.constant 16 : i32
        %add3A_1803 = vector.broadcast %add3A_1802 : i32 to vector<16xi32>
        %add3A_1804 = arith.addi %and3A_11, %add3A_1803 : vector<16xi32>
        %select_n3A_1805 = arith.select %lt3A_1801, %add3A_1804, %and3A_11 : vector<16xi1>, vector<16xi32>
        %broadcast_in_dim3A_1806 = vector.shape_cast %select_n3A_1805 : vector<16xi32> to vector<16x1xi32>
        %gather3A_1807 = vector.shape_cast %broadcast_in_dim3A_1806 : vector<16x1xi32> to vector<16xi32>
        %gather3A_1808 = tpu.dynamic_gather %min3A_1798[%gather3A_1807] in [0] : vector<16xi32>, vector<16xi32> -> vector<16xi32>
        %min3A_1809 = arith.minsi %min3A_1798, %gather3A_1808 : vector<16xi32>
        %lt3A_1810 = arith.constant 0 : i32
        %lt3A_1811 = vector.broadcast %lt3A_1810 : i32 to vector<16xi32>
        %lt3A_1812 = arith.cmpi slt, %and3A_17, %lt3A_1811 : vector<16xi32>
        %add3A_1813 = arith.constant 16 : i32
        %add3A_1814 = vector.broadcast %add3A_1813 : i32 to vector<16xi32>
        %add3A_1815 = arith.addi %and3A_17, %add3A_1814 : vector<16xi32>
        %select_n3A_1816 = arith.select %lt3A_1812, %add3A_1815, %and3A_17 : vector<16xi1>, vector<16xi32>
        %broadcast_in_dim3A_1817 = vector.shape_cast %select_n3A_1816 : vector<16xi32> to vector<16x1xi32>
        %gather3A_1818 = vector.shape_cast %broadcast_in_dim3A_1817 : vector<16x1xi32> to vector<16xi32>
        %gather3A_1819 = tpu.dynamic_gather %min3A_1809[%gather3A_1818] in [0] : vector<16xi32>, vector<16xi32> -> vector<16xi32>
        %min3A_1820 = arith.minsi %min3A_1809, %gather3A_1819 : vector<16xi32>
        %lt3A_1821 = arith.constant 0 : i32
        %lt3A_1822 = vector.broadcast %lt3A_1821 : i32 to vector<16xi32>
        %lt3A_1823 = arith.cmpi slt, %and3A_23, %lt3A_1822 : vector<16xi32>
        %add3A_1824 = arith.constant 16 : i32
        %add3A_1825 = vector.broadcast %add3A_1824 : i32 to vector<16xi32>
        %add3A_1826 = arith.addi %and3A_23, %add3A_1825 : vector<16xi32>
        %select_n3A_1827 = arith.select %lt3A_1823, %add3A_1826, %and3A_23 : vector<16xi1>, vector<16xi32>
        %broadcast_in_dim3A_1828 = vector.shape_cast %select_n3A_1827 : vector<16xi32> to vector<16x1xi32>
        %gather3A_1829 = vector.shape_cast %broadcast_in_dim3A_1828 : vector<16x1xi32> to vector<16xi32>
        %gather3A_1830 = tpu.dynamic_gather %min3A_1820[%gather3A_1829] in [0] : vector<16xi32>, vector<16xi32> -> vector<16xi32>
        %min3A_1831 = arith.minsi %min3A_1820, %gather3A_1830 : vector<16xi32>
        %eq3A_1832 = arith.cmpi eq, %iota3A, %min3A_1831 : vector<16xi32>
        %jit3A_1833 = arith.constant 0.000000e+00 : f32
        %broadcast_in_dim3A_1834 = vector.broadcast %jit3A_1833 : f32 to vector<16xf32>
        %select_n3A_1835 = arith.select %eq3A_1832, %get3A_1738, %broadcast_in_dim3A_1834 : vector<16xi1>, vector<16xf32>
        %mul3A_1836 = arith.constant 16 : i32
        %mul3A_1837 = arith.muli %scan3A_1733, %mul3A_1836 : i32
        %swap3A_1838 = arith.index_cast %mul3A_1837 : i32 to index
        %swap3A_1839 = tpu.vector_load %arg7[%swap3A_1838] {strides = array<i32>} : memref<16384xf32, #tpu.memory_space<vmem>>, vector<16xf32>,
        %swap3A_1840 = vector.shape_cast %swap3A_1839 : vector<16xf32> to vector<16xf32>
        %swap3A_1841 = vector.shape_cast %select_n3A_1835 : vector<16xf32> to vector<16xf32>
        tpu.vector_store %arg7[%swap3A_1838], %swap3A_1841 {strides = array<i32>} : memref<16384xf32, #tpu.memory_space<vmem>>, vector<16xf32>,
        %scan3A_1842 = arith.constant 0 : i32
        %scan3A_1843 = arith.constant 14 : i32
        %scan3A_1844 = arith.addi %scan3A_297, %scan3A_1843 : i32
        %mul3A_1845 = arith.constant 16 : i32
        %mul3A_1846 = arith.muli %scan3A_1844, %mul3A_1845 : i32
        %get3A_1847 = arith.index_cast %mul3A_1846 : i32 to index
        %get3A_1848 = tpu.vector_load %arg5[%get3A_1847] {strides = array<i32>} : memref<16384xf32, #tpu.memory_space<vmem>>, vector<16xf32>,
        %get3A_1849 = vector.shape_cast %get3A_1848 : vector<16xf32> to vector<16xf32>
        %abs3A_1850 = math.absf %get3A_1849 : vector<16xf32>
        %lt3A_1851 = arith.constant 0 : i32
        %lt3A_1852 = vector.broadcast %lt3A_1851 : i32 to vector<16xi32>
        %lt3A_1853 = arith.cmpi slt, %and3A_5, %lt3A_1852 : vector<16xi32>
        %add3A_1854 = arith.constant 16 : i32
        %add3A_1855 = vector.broadcast %add3A_1854 : i32 to vector<16xi32>
        %add3A_1856 = arith.addi %and3A_5, %add3A_1855 : vector<16xi32>
        %select_n3A_1857 = arith.select %lt3A_1853, %add3A_1856, %and3A_5 : vector<16xi1>, vector<16xi32>
        %broadcast_in_dim3A_1858 = vector.shape_cast %select_n3A_1857 : vector<16xi32> to vector<16x1xi32>
        %gather3A_1859 = vector.shape_cast %broadcast_in_dim3A_1858 : vector<16x1xi32> to vector<16xi32>
        %gather3A_1860 = tpu.dynamic_gather %abs3A_1850[%gather3A_1859] in [0] : vector<16xf32>, vector<16xi32> -> vector<16xf32>
        %max3A_1861 = arith.maximumf %abs3A_1850, %gather3A_1860 : vector<16xf32>
        %lt3A_1862 = arith.constant 0 : i32
        %lt3A_1863 = vector.broadcast %lt3A_1862 : i32 to vector<16xi32>
        %lt3A_1864 = arith.cmpi slt, %and3A_11, %lt3A_1863 : vector<16xi32>
        %add3A_1865 = arith.constant 16 : i32
        %add3A_1866 = vector.broadcast %add3A_1865 : i32 to vector<16xi32>
        %add3A_1867 = arith.addi %and3A_11, %add3A_1866 : vector<16xi32>
        %select_n3A_1868 = arith.select %lt3A_1864, %add3A_1867, %and3A_11 : vector<16xi1>, vector<16xi32>
        %broadcast_in_dim3A_1869 = vector.shape_cast %select_n3A_1868 : vector<16xi32> to vector<16x1xi32>
        %gather3A_1870 = vector.shape_cast %broadcast_in_dim3A_1869 : vector<16x1xi32> to vector<16xi32>
        %gather3A_1871 = tpu.dynamic_gather %max3A_1861[%gather3A_1870] in [0] : vector<16xf32>, vector<16xi32> -> vector<16xf32>
        %max3A_1872 = arith.maximumf %max3A_1861, %gather3A_1871 : vector<16xf32>
        %lt3A_1873 = arith.constant 0 : i32
        %lt3A_1874 = vector.broadcast %lt3A_1873 : i32 to vector<16xi32>
        %lt3A_1875 = arith.cmpi slt, %and3A_17, %lt3A_1874 : vector<16xi32>
        %add3A_1876 = arith.constant 16 : i32
        %add3A_1877 = vector.broadcast %add3A_1876 : i32 to vector<16xi32>
        %add3A_1878 = arith.addi %and3A_17, %add3A_1877 : vector<16xi32>
        %select_n3A_1879 = arith.select %lt3A_1875, %add3A_1878, %and3A_17 : vector<16xi1>, vector<16xi32>
        %broadcast_in_dim3A_1880 = vector.shape_cast %select_n3A_1879 : vector<16xi32> to vector<16x1xi32>
        %gather3A_1881 = vector.shape_cast %broadcast_in_dim3A_1880 : vector<16x1xi32> to vector<16xi32>
        %gather3A_1882 = tpu.dynamic_gather %max3A_1872[%gather3A_1881] in [0] : vector<16xf32>, vector<16xi32> -> vector<16xf32>
        %max3A_1883 = arith.maximumf %max3A_1872, %gather3A_1882 : vector<16xf32>
        %lt3A_1884 = arith.constant 0 : i32
        %lt3A_1885 = vector.broadcast %lt3A_1884 : i32 to vector<16xi32>
        %lt3A_1886 = arith.cmpi slt, %and3A_23, %lt3A_1885 : vector<16xi32>
        %add3A_1887 = arith.constant 16 : i32
        %add3A_1888 = vector.broadcast %add3A_1887 : i32 to vector<16xi32>
        %add3A_1889 = arith.addi %and3A_23, %add3A_1888 : vector<16xi32>
        %select_n3A_1890 = arith.select %lt3A_1886, %add3A_1889, %and3A_23 : vector<16xi1>, vector<16xi32>
        %broadcast_in_dim3A_1891 = vector.shape_cast %select_n3A_1890 : vector<16xi32> to vector<16x1xi32>
        %gather3A_1892 = vector.shape_cast %broadcast_in_dim3A_1891 : vector<16x1xi32> to vector<16xi32>
        %gather3A_1893 = tpu.dynamic_gather %max3A_1883[%gather3A_1892] in [0] : vector<16xf32>, vector<16xi32> -> vector<16xf32>
        %max3A_1894 = arith.maximumf %max3A_1883, %gather3A_1893 : vector<16xf32>
        %ge3A_1895 = arith.cmpf oge, %abs3A_1850, %max3A_1894 : vector<16xf32>
        %jit3A_1896 = arith.constant 16 : i32
        %broadcast_in_dim3A_1897 = vector.broadcast %jit3A_1896 : i32 to vector<16xi32>
        %select_n3A_1898 = arith.select %ge3A_1895, %iota3A, %broadcast_in_dim3A_1897 : vector<16xi1>, vector<16xi32>
        %lt3A_1899 = arith.constant 0 : i32
        %lt3A_1900 = vector.broadcast %lt3A_1899 : i32 to vector<16xi32>
        %lt3A_1901 = arith.cmpi slt, %and3A_5, %lt3A_1900 : vector<16xi32>
        %add3A_1902 = arith.constant 16 : i32
        %add3A_1903 = vector.broadcast %add3A_1902 : i32 to vector<16xi32>
        %add3A_1904 = arith.addi %and3A_5, %add3A_1903 : vector<16xi32>
        %select_n3A_1905 = arith.select %lt3A_1901, %add3A_1904, %and3A_5 : vector<16xi1>, vector<16xi32>
        %broadcast_in_dim3A_1906 = vector.shape_cast %select_n3A_1905 : vector<16xi32> to vector<16x1xi32>
        %gather3A_1907 = vector.shape_cast %broadcast_in_dim3A_1906 : vector<16x1xi32> to vector<16xi32>
        %gather3A_1908 = tpu.dynamic_gather %select_n3A_1898[%gather3A_1907] in [0] : vector<16xi32>, vector<16xi32> -> vector<16xi32>
        %min3A_1909 = arith.minsi %select_n3A_1898, %gather3A_1908 : vector<16xi32>
        %lt3A_1910 = arith.constant 0 : i32
        %lt3A_1911 = vector.broadcast %lt3A_1910 : i32 to vector<16xi32>
        %lt3A_1912 = arith.cmpi slt, %and3A_11, %lt3A_1911 : vector<16xi32>
        %add3A_1913 = arith.constant 16 : i32
        %add3A_1914 = vector.broadcast %add3A_1913 : i32 to vector<16xi32>
        %add3A_1915 = arith.addi %and3A_11, %add3A_1914 : vector<16xi32>
        %select_n3A_1916 = arith.select %lt3A_1912, %add3A_1915, %and3A_11 : vector<16xi1>, vector<16xi32>
        %broadcast_in_dim3A_1917 = vector.shape_cast %select_n3A_1916 : vector<16xi32> to vector<16x1xi32>
        %gather3A_1918 = vector.shape_cast %broadcast_in_dim3A_1917 : vector<16x1xi32> to vector<16xi32>
        %gather3A_1919 = tpu.dynamic_gather %min3A_1909[%gather3A_1918] in [0] : vector<16xi32>, vector<16xi32> -> vector<16xi32>
        %min3A_1920 = arith.minsi %min3A_1909, %gather3A_1919 : vector<16xi32>
        %lt3A_1921 = arith.constant 0 : i32
        %lt3A_1922 = vector.broadcast %lt3A_1921 : i32 to vector<16xi32>
        %lt3A_1923 = arith.cmpi slt, %and3A_17, %lt3A_1922 : vector<16xi32>
        %add3A_1924 = arith.constant 16 : i32
        %add3A_1925 = vector.broadcast %add3A_1924 : i32 to vector<16xi32>
        %add3A_1926 = arith.addi %and3A_17, %add3A_1925 : vector<16xi32>
        %select_n3A_1927 = arith.select %lt3A_1923, %add3A_1926, %and3A_17 : vector<16xi1>, vector<16xi32>
        %broadcast_in_dim3A_1928 = vector.shape_cast %select_n3A_1927 : vector<16xi32> to vector<16x1xi32>
        %gather3A_1929 = vector.shape_cast %broadcast_in_dim3A_1928 : vector<16x1xi32> to vector<16xi32>
        %gather3A_1930 = tpu.dynamic_gather %min3A_1920[%gather3A_1929] in [0] : vector<16xi32>, vector<16xi32> -> vector<16xi32>
        %min3A_1931 = arith.minsi %min3A_1920, %gather3A_1930 : vector<16xi32>
        %lt3A_1932 = arith.constant 0 : i32
        %lt3A_1933 = vector.broadcast %lt3A_1932 : i32 to vector<16xi32>
        %lt3A_1934 = arith.cmpi slt, %and3A_23, %lt3A_1933 : vector<16xi32>
        %add3A_1935 = arith.constant 16 : i32
        %add3A_1936 = vector.broadcast %add3A_1935 : i32 to vector<16xi32>
        %add3A_1937 = arith.addi %and3A_23, %add3A_1936 : vector<16xi32>
        %select_n3A_1938 = arith.select %lt3A_1934, %add3A_1937, %and3A_23 : vector<16xi1>, vector<16xi32>
        %broadcast_in_dim3A_1939 = vector.shape_cast %select_n3A_1938 : vector<16xi32> to vector<16x1xi32>
        %gather3A_1940 = vector.shape_cast %broadcast_in_dim3A_1939 : vector<16x1xi32> to vector<16xi32>
        %gather3A_1941 = tpu.dynamic_gather %min3A_1931[%gather3A_1940] in [0] : vector<16xi32>, vector<16xi32> -> vector<16xi32>
        %min3A_1942 = arith.minsi %min3A_1931, %gather3A_1941 : vector<16xi32>
        %eq3A_1943 = arith.cmpi eq, %iota3A, %min3A_1942 : vector<16xi32>
        %jit3A_1944 = arith.constant 0.000000e+00 : f32
        %broadcast_in_dim3A_1945 = vector.broadcast %jit3A_1944 : f32 to vector<16xf32>
        %select_n3A_1946 = arith.select %eq3A_1943, %get3A_1849, %broadcast_in_dim3A_1945 : vector<16xi1>, vector<16xf32>
        %mul3A_1947 = arith.constant 16 : i32
        %mul3A_1948 = arith.muli %scan3A_1844, %mul3A_1947 : i32
        %swap3A_1949 = arith.index_cast %mul3A_1948 : i32 to index
        %swap3A_1950 = tpu.vector_load %arg7[%swap3A_1949] {strides = array<i32>} : memref<16384xf32, #tpu.memory_space<vmem>>, vector<16xf32>,
        %swap3A_1951 = vector.shape_cast %swap3A_1950 : vector<16xf32> to vector<16xf32>
        %swap3A_1952 = vector.shape_cast %select_n3A_1946 : vector<16xf32> to vector<16xf32>
        tpu.vector_store %arg7[%swap3A_1949], %swap3A_1952 {strides = array<i32>} : memref<16384xf32, #tpu.memory_space<vmem>>, vector<16xf32>,
        %scan3A_1953 = arith.constant 0 : i32
        %scan3A_1954 = arith.constant 15 : i32
        %scan3A_1955 = arith.addi %scan3A_297, %scan3A_1954 : i32
        %mul3A_1956 = arith.constant 16 : i32
        %mul3A_1957 = arith.muli %scan3A_1955, %mul3A_1956 : i32
        %get3A_1958 = arith.index_cast %mul3A_1957 : i32 to index
        %get3A_1959 = tpu.vector_load %arg5[%get3A_1958] {strides = array<i32>} : memref<16384xf32, #tpu.memory_space<vmem>>, vector<16xf32>,
        %get3A_1960 = vector.shape_cast %get3A_1959 : vector<16xf32> to vector<16xf32>
        %abs3A_1961 = math.absf %get3A_1960 : vector<16xf32>
        %lt3A_1962 = arith.constant 0 : i32
        %lt3A_1963 = vector.broadcast %lt3A_1962 : i32 to vector<16xi32>
        %lt3A_1964 = arith.cmpi slt, %and3A_5, %lt3A_1963 : vector<16xi32>
        %add3A_1965 = arith.constant 16 : i32
        %add3A_1966 = vector.broadcast %add3A_1965 : i32 to vector<16xi32>
        %add3A_1967 = arith.addi %and3A_5, %add3A_1966 : vector<16xi32>
        %select_n3A_1968 = arith.select %lt3A_1964, %add3A_1967, %and3A_5 : vector<16xi1>, vector<16xi32>
        %broadcast_in_dim3A_1969 = vector.shape_cast %select_n3A_1968 : vector<16xi32> to vector<16x1xi32>
        %gather3A_1970 = vector.shape_cast %broadcast_in_dim3A_1969 : vector<16x1xi32> to vector<16xi32>
        %gather3A_1971 = tpu.dynamic_gather %abs3A_1961[%gather3A_1970] in [0] : vector<16xf32>, vector<16xi32> -> vector<16xf32>
        %max3A_1972 = arith.maximumf %abs3A_1961, %gather3A_1971 : vector<16xf32>
        %lt3A_1973 = arith.constant 0 : i32
        %lt3A_1974 = vector.broadcast %lt3A_1973 : i32 to vector<16xi32>
        %lt3A_1975 = arith.cmpi slt, %and3A_11, %lt3A_1974 : vector<16xi32>
        %add3A_1976 = arith.constant 16 : i32
        %add3A_1977 = vector.broadcast %add3A_1976 : i32 to vector<16xi32>
        %add3A_1978 = arith.addi %and3A_11, %add3A_1977 : vector<16xi32>
        %select_n3A_1979 = arith.select %lt3A_1975, %add3A_1978, %and3A_11 : vector<16xi1>, vector<16xi32>
        %broadcast_in_dim3A_1980 = vector.shape_cast %select_n3A_1979 : vector<16xi32> to vector<16x1xi32>
        %gather3A_1981 = vector.shape_cast %broadcast_in_dim3A_1980 : vector<16x1xi32> to vector<16xi32>
        %gather3A_1982 = tpu.dynamic_gather %max3A_1972[%gather3A_1981] in [0] : vector<16xf32>, vector<16xi32> -> vector<16xf32>
        %max3A_1983 = arith.maximumf %max3A_1972, %gather3A_1982 : vector<16xf32>
        %lt3A_1984 = arith.constant 0 : i32
        %lt3A_1985 = vector.broadcast %lt3A_1984 : i32 to vector<16xi32>
        %lt3A_1986 = arith.cmpi slt, %and3A_17, %lt3A_1985 : vector<16xi32>
        %add3A_1987 = arith.constant 16 : i32
        %add3A_1988 = vector.broadcast %add3A_1987 : i32 to vector<16xi32>
        %add3A_1989 = arith.addi %and3A_17, %add3A_1988 : vector<16xi32>
        %select_n3A_1990 = arith.select %lt3A_1986, %add3A_1989, %and3A_17 : vector<16xi1>, vector<16xi32>
        %broadcast_in_dim3A_1991 = vector.shape_cast %select_n3A_1990 : vector<16xi32> to vector<16x1xi32>
        %gather3A_1992 = vector.shape_cast %broadcast_in_dim3A_1991 : vector<16x1xi32> to vector<16xi32>
        %gather3A_1993 = tpu.dynamic_gather %max3A_1983[%gather3A_1992] in [0] : vector<16xf32>, vector<16xi32> -> vector<16xf32>
        %max3A_1994 = arith.maximumf %max3A_1983, %gather3A_1993 : vector<16xf32>
        %lt3A_1995 = arith.constant 0 : i32
        %lt3A_1996 = vector.broadcast %lt3A_1995 : i32 to vector<16xi32>
        %lt3A_1997 = arith.cmpi slt, %and3A_23, %lt3A_1996 : vector<16xi32>
        %add3A_1998 = arith.constant 16 : i32
        %add3A_1999 = vector.broadcast %add3A_1998 : i32 to vector<16xi32>
        %add3A_2000 = arith.addi %and3A_23, %add3A_1999 : vector<16xi32>
        %select_n3A_2001 = arith.select %lt3A_1997, %add3A_2000, %and3A_23 : vector<16xi1>, vector<16xi32>
        %broadcast_in_dim3A_2002 = vector.shape_cast %select_n3A_2001 : vector<16xi32> to vector<16x1xi32>
        %gather3A_2003 = vector.shape_cast %broadcast_in_dim3A_2002 : vector<16x1xi32> to vector<16xi32>
        %gather3A_2004 = tpu.dynamic_gather %max3A_1994[%gather3A_2003] in [0] : vector<16xf32>, vector<16xi32> -> vector<16xf32>
        %max3A_2005 = arith.maximumf %max3A_1994, %gather3A_2004 : vector<16xf32>
        %ge3A_2006 = arith.cmpf oge, %abs3A_1961, %max3A_2005 : vector<16xf32>
        %jit3A_2007 = arith.constant 16 : i32
        %broadcast_in_dim3A_2008 = vector.broadcast %jit3A_2007 : i32 to vector<16xi32>
        %select_n3A_2009 = arith.select %ge3A_2006, %iota3A, %broadcast_in_dim3A_2008 : vector<16xi1>, vector<16xi32>
        %lt3A_2010 = arith.constant 0 : i32
        %lt3A_2011 = vector.broadcast %lt3A_2010 : i32 to vector<16xi32>
        %lt3A_2012 = arith.cmpi slt, %and3A_5, %lt3A_2011 : vector<16xi32>
        %add3A_2013 = arith.constant 16 : i32
        %add3A_2014 = vector.broadcast %add3A_2013 : i32 to vector<16xi32>
        %add3A_2015 = arith.addi %and3A_5, %add3A_2014 : vector<16xi32>
        %select_n3A_2016 = arith.select %lt3A_2012, %add3A_2015, %and3A_5 : vector<16xi1>, vector<16xi32>
        %broadcast_in_dim3A_2017 = vector.shape_cast %select_n3A_2016 : vector<16xi32> to vector<16x1xi32>
        %gather3A_2018 = vector.shape_cast %broadcast_in_dim3A_2017 : vector<16x1xi32> to vector<16xi32>
        %gather3A_2019 = tpu.dynamic_gather %select_n3A_2009[%gather3A_2018] in [0] : vector<16xi32>, vector<16xi32> -> vector<16xi32>
        %min3A_2020 = arith.minsi %select_n3A_2009, %gather3A_2019 : vector<16xi32>
        %lt3A_2021 = arith.constant 0 : i32
        %lt3A_2022 = vector.broadcast %lt3A_2021 : i32 to vector<16xi32>
        %lt3A_2023 = arith.cmpi slt, %and3A_11, %lt3A_2022 : vector<16xi32>
        %add3A_2024 = arith.constant 16 : i32
        %add3A_2025 = vector.broadcast %add3A_2024 : i32 to vector<16xi32>
        %add3A_2026 = arith.addi %and3A_11, %add3A_2025 : vector<16xi32>
        %select_n3A_2027 = arith.select %lt3A_2023, %add3A_2026, %and3A_11 : vector<16xi1>, vector<16xi32>
        %broadcast_in_dim3A_2028 = vector.shape_cast %select_n3A_2027 : vector<16xi32> to vector<16x1xi32>
        %gather3A_2029 = vector.shape_cast %broadcast_in_dim3A_2028 : vector<16x1xi32> to vector<16xi32>
        %gather3A_2030 = tpu.dynamic_gather %min3A_2020[%gather3A_2029] in [0] : vector<16xi32>, vector<16xi32> -> vector<16xi32>
        %min3A_2031 = arith.minsi %min3A_2020, %gather3A_2030 : vector<16xi32>
        %lt3A_2032 = arith.constant 0 : i32
        %lt3A_2033 = vector.broadcast %lt3A_2032 : i32 to vector<16xi32>
        %lt3A_2034 = arith.cmpi slt, %and3A_17, %lt3A_2033 : vector<16xi32>
        %add3A_2035 = arith.constant 16 : i32
        %add3A_2036 = vector.broadcast %add3A_2035 : i32 to vector<16xi32>
        %add3A_2037 = arith.addi %and3A_17, %add3A_2036 : vector<16xi32>
        %select_n3A_2038 = arith.select %lt3A_2034, %add3A_2037, %and3A_17 : vector<16xi1>, vector<16xi32>
        %broadcast_in_dim3A_2039 = vector.shape_cast %select_n3A_2038 : vector<16xi32> to vector<16x1xi32>
        %gather3A_2040 = vector.shape_cast %broadcast_in_dim3A_2039 : vector<16x1xi32> to vector<16xi32>
        %gather3A_2041 = tpu.dynamic_gather %min3A_2031[%gather3A_2040] in [0] : vector<16xi32>, vector<16xi32> -> vector<16xi32>
        %min3A_2042 = arith.minsi %min3A_2031, %gather3A_2041 : vector<16xi32>
        %lt3A_2043 = arith.constant 0 : i32
        %lt3A_2044 = vector.broadcast %lt3A_2043 : i32 to vector<16xi32>
        %lt3A_2045 = arith.cmpi slt, %and3A_23, %lt3A_2044 : vector<16xi32>
        %add3A_2046 = arith.constant 16 : i32
        %add3A_2047 = vector.broadcast %add3A_2046 : i32 to vector<16xi32>
        %add3A_2048 = arith.addi %and3A_23, %add3A_2047 : vector<16xi32>
        %select_n3A_2049 = arith.select %lt3A_2045, %add3A_2048, %and3A_23 : vector<16xi1>, vector<16xi32>
        %broadcast_in_dim3A_2050 = vector.shape_cast %select_n3A_2049 : vector<16xi32> to vector<16x1xi32>
        %gather3A_2051 = vector.shape_cast %broadcast_in_dim3A_2050 : vector<16x1xi32> to vector<16xi32>
        %gather3A_2052 = tpu.dynamic_gather %min3A_2042[%gather3A_2051] in [0] : vector<16xi32>, vector<16xi32> -> vector<16xi32>
        %min3A_2053 = arith.minsi %min3A_2042, %gather3A_2052 : vector<16xi32>
        %eq3A_2054 = arith.cmpi eq, %iota3A, %min3A_2053 : vector<16xi32>
        %jit3A_2055 = arith.constant 0.000000e+00 : f32
        %broadcast_in_dim3A_2056 = vector.broadcast %jit3A_2055 : f32 to vector<16xf32>
        %select_n3A_2057 = arith.select %eq3A_2054, %get3A_1960, %broadcast_in_dim3A_2056 : vector<16xi1>, vector<16xf32>
        %mul3A_2058 = arith.constant 16 : i32
        %mul3A_2059 = arith.muli %scan3A_1955, %mul3A_2058 : i32
        %swap3A_2060 = arith.index_cast %mul3A_2059 : i32 to index
        %swap3A_2061 = tpu.vector_load %arg7[%swap3A_2060] {strides = array<i32>} : memref<16384xf32, #tpu.memory_space<vmem>>, vector<16xf32>,
        %swap3A_2062 = vector.shape_cast %swap3A_2061 : vector<16xf32> to vector<16xf32>
        %swap3A_2063 = vector.shape_cast %select_n3A_2057 : vector<16xf32> to vector<16xf32>
        tpu.vector_store %arg7[%swap3A_2060], %swap3A_2063 {strides = array<i32>} : memref<16384xf32, #tpu.memory_space<vmem>>, vector<16xf32>,
        %scan3A_2064 = arith.constant 0 : i32
        scf.yield %scan3A_2064 : i32
      }
      %scan3A_241 = arith.constant 1024 : i32
      %mul3A_242 = arith.constant 32 : i32
      %mul3A_243 = arith.muli %add3A, %mul3A_242 : i32
      %jit3A_244 = arith.constant 2 : i32
      %div3A_245 = arith.divsi %add3A_180, %jit3A_244 : i32
      %sign3A_246 = arith.constant 0 : i32
      %sign3A_247 = arith.cmpi sgt, %add3A_180, %sign3A_246 : i32
      %sign3A_248 = arith.extui %sign3A_247 : i1 to i32
      %sign3A_249 = arith.constant 0 : i32
      %sign3A_250 = arith.cmpi slt, %add3A_180, %sign3A_249 : i32
      %sign3A_251 = arith.extui %sign3A_250 : i1 to i32
      %sign3A_252 = arith.subi %sign3A_248, %sign3A_251 : i32
      %sign3A_253 = arith.constant 0 : i32
      %sign3A_254 = arith.cmpi sgt, %jit3A_244, %sign3A_253 : i32
      %sign3A_255 = arith.extui %sign3A_254 : i1 to i32
      %sign3A_256 = arith.constant 0 : i32
      %sign3A_257 = arith.cmpi slt, %jit3A_244, %sign3A_256 : i32
      %sign3A_258 = arith.extui %sign3A_257 : i1 to i32
      %sign3A_259 = arith.subi %sign3A_255, %sign3A_258 : i32
      %ne3A_260 = arith.cmpi ne, %sign3A_252, %sign3A_259 : i32
      %rem3A_261 = arith.remsi %add3A_180, %jit3A_244 : i32
      %ne3A_262 = arith.constant 0 : i32
      %ne3A_263 = arith.cmpi ne, %rem3A_261, %ne3A_262 : i32
      %and3A_264 = arith.andi %ne3A_260, %ne3A_263 : i1
      %sub3A_265 = arith.constant 1 : i32
      %sub3A_266 = arith.subi %div3A_245, %sub3A_265 : i32
      %select_n3A_267 = arith.select %and3A_264, %sub3A_266, %div3A_245 : i32
      %add3A_268 = arith.addi %mul3A_243, %select_n3A_267 : i32
      %jit3A_269 = arith.constant 2 : i32
      %eq3A_270 = arith.constant 0 : i32
      %eq3A_271 = arith.cmpi eq, %jit3A_269, %eq3A_270 : i32
      %jit3A_272 = arith.constant 1 : i32
      %select_n3A_273 = arith.select %eq3A_271, %jit3A_272, %jit3A_269 : i32
      %rem3A_274 = arith.remsi %add3A_180, %select_n3A_273 : i32
      %ne3A_275 = arith.constant 0 : i32
      %ne3A_276 = arith.cmpi ne, %rem3A_274, %ne3A_275 : i32
      %lt3A_277 = arith.constant 0 : i32
      %lt3A_278 = arith.cmpi slt, %rem3A_274, %lt3A_277 : i32
      %lt3A_279 = arith.constant 0 : i32
      %lt3A_280 = arith.cmpi slt, %select_n3A_273, %lt3A_279 : i32
      %ne3A_281 = arith.xori %lt3A_278, %lt3A_280 : i1
      %and3A_282 = arith.andi %ne3A_281, %ne3A_276 : i1
      %add3A_283 = arith.addi %rem3A_274, %select_n3A_273 : i32
      %select_n3A_284 = arith.select %and3A_282, %add3A_283, %rem3A_274 : i32
      %mul3A_285 = arith.constant 16384 : i32
      %mul3A_286 = arith.muli %select_n3A_284, %mul3A_285 : i32
      %dma_start3A_287 = tpu.memref_slice %arg3[%add3A_268, %mul3A_286] : memref<1024x32768xf32, #tpu.memory_space<hbm>> -> memref<1x16384xf32, #tpu.memory_space<hbm>>
      %dma_start3A_288 = tpu.memref_squeeze %dma_start3A_287 : memref<1x16384xf32, #tpu.memory_space<hbm>> -> memref<16384xf32, #tpu.memory_space<hbm>>
      %dma_start3A_289 = tpu.memref_slice %arg3[%add3A_268, %mul3A_286] : memref<1024x32768xf32, #tpu.memory_space<hbm>> -> memref<1x16384xf32, #tpu.memory_space<hbm>>
      %dma_start3A_290 = tpu.memref_squeeze %dma_start3A_289 : memref<1x16384xf32, #tpu.memory_space<hbm>> -> memref<16384xf32, #tpu.memory_space<hbm>>
      tpu.enqueue_dma source(%arg7 : memref<16384xf32, #tpu.memory_space<vmem>>) target(%dma_start3A_290 : memref<16384xf32, #tpu.memory_space<hbm>>) target_semaphore(%arg11 : memref<!tpu.dma_semaphore, #tpu.memory_space<semaphore_mem>>)
      %lt3A_291 = arith.constant 31 : i32
      %lt3A_292 = arith.cmpi slt, %scan3A_68, %lt3A_291 : i32
      %convert_element_type3A_293 = arith.extui %lt3A_292 : i1 to i32
      %cond3A_294 = arith.constant 0 : i32
      %cond3A_295 = arith.cmpi ne, %convert_element_type3A_293, %cond3A_294 : i32
      scf.if %cond3A_295 {
        %add3A_297 = arith.constant 2 : i32
        %add3A_298 = arith.addi %add3A_180, %add3A_297 : i32
        %mul3A_299 = arith.constant 32 : i32
        %mul3A_300 = arith.muli %add3A, %mul3A_299 : i32
        %jit3A_301 = arith.constant 2 : i32
        %div3A_302 = arith.divsi %add3A_298, %jit3A_301 : i32
        %sign3A_303 = arith.constant 0 : i32
        %sign3A_304 = arith.cmpi sgt, %add3A_298, %sign3A_303 : i32
        %sign3A_305 = arith.extui %sign3A_304 : i1 to i32
        %sign3A_306 = arith.constant 0 : i32
        %sign3A_307 = arith.cmpi slt, %add3A_298, %sign3A_306 : i32
        %sign3A_308 = arith.extui %sign3A_307 : i1 to i32
        %sign3A_309 = arith.subi %sign3A_305, %sign3A_308 : i32
        %sign3A_310 = arith.constant 0 : i32
        %sign3A_311 = arith.cmpi sgt, %jit3A_301, %sign3A_310 : i32
        %sign3A_312 = arith.extui %sign3A_311 : i1 to i32
        %sign3A_313 = arith.constant 0 : i32
        %sign3A_314 = arith.cmpi slt, %jit3A_301, %sign3A_313 : i32
        %sign3A_315 = arith.extui %sign3A_314 : i1 to i32
        %sign3A_316 = arith.subi %sign3A_312, %sign3A_315 : i32
        %ne3A_317 = arith.cmpi ne, %sign3A_309, %sign3A_316 : i32
        %rem3A_318 = arith.remsi %add3A_298, %jit3A_301 : i32
        %ne3A_319 = arith.constant 0 : i32
        %ne3A_320 = arith.cmpi ne, %rem3A_318, %ne3A_319 : i32
        %and3A_321 = arith.andi %ne3A_317, %ne3A_320 : i1
        %sub3A_322 = arith.constant 1 : i32
        %sub3A_323 = arith.subi %div3A_302, %sub3A_322 : i32
        %select_n3A_324 = arith.select %and3A_321, %sub3A_323, %div3A_302 : i32
        %add3A_325 = arith.addi %mul3A_300, %select_n3A_324 : i32
        %jit3A_326 = arith.constant 2 : i32
        %eq3A_327 = arith.constant 0 : i32
        %eq3A_328 = arith.cmpi eq, %jit3A_326, %eq3A_327 : i32
        %jit3A_329 = arith.constant 1 : i32
        %select_n3A_330 = arith.select %eq3A_328, %jit3A_329, %jit3A_326 : i32
        %rem3A_331 = arith.remsi %add3A_298, %select_n3A_330 : i32
        %ne3A_332 = arith.constant 0 : i32
        %ne3A_333 = arith.cmpi ne, %rem3A_331, %ne3A_332 : i32
        %lt3A_334 = arith.constant 0 : i32
        %lt3A_335 = arith.cmpi slt, %rem3A_331, %lt3A_334 : i32
        %lt3A_336 = arith.constant 0 : i32
        %lt3A_337 = arith.cmpi slt, %select_n3A_330, %lt3A_336 : i32
        %ne3A_338 = arith.xori %lt3A_335, %lt3A_337 : i1
        %and3A_339 = arith.andi %ne3A_338, %ne3A_333 : i1
        %add3A_340 = arith.addi %rem3A_331, %select_n3A_330 : i32
        %select_n3A_341 = arith.select %and3A_339, %add3A_340, %rem3A_331 : i32
        %mul3A_342 = arith.constant 16384 : i32
        %mul3A_343 = arith.muli %select_n3A_341, %mul3A_342 : i32
        %dma_start3A_344 = tpu.memref_slice %arg2[%add3A_325, %mul3A_343] : memref<1024x32768xf32, #tpu.memory_space<hbm>> -> memref<1x16384xf32, #tpu.memory_space<hbm>>
        %dma_start3A_345 = tpu.memref_squeeze %dma_start3A_344 : memref<1x16384xf32, #tpu.memory_space<hbm>> -> memref<16384xf32, #tpu.memory_space<hbm>>
        %dma_start3A_346 = tpu.memref_slice %arg2[%add3A_325, %mul3A_343] : memref<1024x32768xf32, #tpu.memory_space<hbm>> -> memref<1x16384xf32, #tpu.memory_space<hbm>>
        %dma_start3A_347 = tpu.memref_squeeze %dma_start3A_346 : memref<1x16384xf32, #tpu.memory_space<hbm>> -> memref<16384xf32, #tpu.memory_space<hbm>>
        tpu.enqueue_dma source(%dma_start3A_347 : memref<16384xf32, #tpu.memory_space<hbm>>) target(%arg5 : memref<16384xf32, #tpu.memory_space<vmem>>) target_semaphore(%arg9 : memref<!tpu.dma_semaphore, #tpu.memory_space<semaphore_mem>>)
      } else {
      }
      %scan3A_296 = arith.constant 0 : i32
      scf.yield %scan3A_296 : i32
    }
    %scan3A_48 = arith.constant 32 : i32
    %mul3A_49 = arith.constant 32 : i32
    %mul3A_50 = arith.muli %add3A, %mul3A_49 : i32
    %add3A_51 = arith.constant 31 : i32
    %add3A_52 = arith.addi %mul3A_50, %add3A_51 : i32
    %dma_wait3A = arith.constant 0 : i32
    %dma_wait3A_53 = tpu.memref_slice %arg3[%add3A_52, %dma_wait3A] : memref<1024x32768xf32, #tpu.memory_space<hbm>> -> memref<1x16384xf32, #tpu.memory_space<hbm>>
    %dma_wait3A_54 = tpu.memref_squeeze %dma_wait3A_53 : memref<1x16384xf32, #tpu.memory_space<hbm>> -> memref<16384xf32, #tpu.memory_space<hbm>>
    %dma_wait3A_55 = arith.constant 0 : i32
    %dma_wait3A_56 = tpu.memref_slice %arg3[%add3A_52, %dma_wait3A_55] : memref<1024x32768xf32, #tpu.memory_space<hbm>> -> memref<1x16384xf32, #tpu.memory_space<hbm>>
    %dma_wait3A_57 = tpu.memref_squeeze %dma_wait3A_56 : memref<1x16384xf32, #tpu.memory_space<hbm>> -> memref<16384xf32, #tpu.memory_space<hbm>>
    tpu.wait_dma2 semaphore(%arg10 : memref<!tpu.dma_semaphore, #tpu.memory_space<semaphore_mem>>) src(%arg6 : memref<16384xf32, #tpu.memory_space<vmem>>) dst(%dma_wait3A_57 : memref<16384xf32, #tpu.memory_space<hbm>>)
    %mul3A_58 = arith.constant 32 : i32
    %mul3A_59 = arith.muli %add3A, %mul3A_58 : i32
    %add3A_60 = arith.constant 31 : i32
    %add3A_61 = arith.addi %mul3A_59, %add3A_60 : i32
    %dma_wait3A_62 = arith.constant 16384 : i32
    %dma_wait3A_63 = tpu.memref_slice %arg3[%add3A_61, %dma_wait3A_62] : memref<1024x32768xf32, #tpu.memory_space<hbm>> -> memref<1x16384xf32, #tpu.memory_space<hbm>>
    %dma_wait3A_64 = tpu.memref_squeeze %dma_wait3A_63 : memref<1x16384xf32, #tpu.memory_space<hbm>> -> memref<16384xf32, #tpu.memory_space<hbm>>
    %dma_wait3A_65 = arith.constant 16384 : i32
    %dma_wait3A_66 = tpu.memref_slice %arg3[%add3A_61, %dma_wait3A_65] : memref<1024x32768xf32, #tpu.memory_space<hbm>> -> memref<1x16384xf32, #tpu.memory_space<hbm>>
    %dma_wait3A_67 = tpu.memref_squeeze %dma_wait3A_66 : memref<1x16384xf32, #tpu.memory_space<hbm>> -> memref<16384xf32, #tpu.memory_space<hbm>>
    tpu.wait_dma2 semaphore(%arg11 : memref<!tpu.dma_semaphore, #tpu.memory_space<semaphore_mem>>) src(%arg7 : memref<16384xf32, #tpu.memory_space<vmem>>) dst(%dma_wait3A_67 : memref<16384xf32, #tpu.memory_space<hbm>>)
    return
  }
}

</mosaic_0001>

<sc_bundles>
// kernel: kernel.3.cloned.1.call-start
scs
__scs_entry_jumppad:
0x0: {  	(pc) =	sbr.rel $0x88, $3  }
0x1: {  	(tag) =	ssettag $0x0;
	lr =	simm.s32 $0x1  }
0x2: {  	[smem:$0x3FA0] =	sst lr;
	_ =	strace $0xD0000000  }
0x3: {  	_ = 	snop  }
0x4: {  	_ = 	snop  }
0x5: {  	_ = 	snop  }
0x6: {  	_ = 	snop  }
0x7: {  	_ = 	snop  }
__scs_overlays_trampoline_lowered:
0x8: {  	[smem:$0x3FAF] =	sst s0  }
0x9: {  	[smem:$0x3FB0] =	sst s1  }
0xa: {  	[smem:$0x3FB1] =	sst s2  }
0xb: {  	[smem:$0x3FB2] =	sst s3  }
0xc: {  	[smem:$0x3FB3] =	sst s4  }
0xd: {  	[smem:$0x3FB4] =	sst s5  }
0xe: {  	[smem:$0x3FB5] =	sst s6  }
0xf: {  	[smem:$0x3FB6] =	sst s7  }
0x10: {  	[smem:$0x3FB7] =	sst s8  }
0x11: {  	[smem:$0x3FB8] =	sst s9;
	s0 =	simm.s32 @!p0 $0x0  }
0x12: {  	s1 =	sld [smem:$0x3F9E];
	s0 =	simm.s32 @p0 $0x1  }
0x13: {  	[smem:$0x3FB9] =	sst s0;
	s0 =	simm.s32 @!p1 $0x0  }
0x14: {  	s2 =	sld [smem:$0x3F9D];
	s0 =	simm.s32 @p1 $0x1  }
0x15: {  	[smem:$0x3FBA] =	sst s0;
	s0 =	simm.s32 @!p2 $0x0  }
0x16: {  	s3 =	sld [smem:$0x3FDB];
	s0 =	simm.s32 @p2 $0x1  }
0x17: {  	s4 =	simm.s32 $0x1BF5;
	[smem:$0x3FBC] =	sst s0  }
0x18: {  	s0 =	sld [smem:$0x3F9F];
	_ =	swait.ge [sflag:s4], $0x0  }
0x19: {  	s7 =	sld [smem:$0x3FA0]  }
0x1a: {  	s8 =	sadd.s32 $0xFFFFE003, lr  }
0x1b: {  	s9 =	sadd.s32 $0xFFFFFEF7, lr;
	s5 =	simm.s32 $0xFFFFFFFF;
	p2 =	slt.u32 s8, $0xFFFFF086  }
0x1c: {  	p1 =	slt.u32 s9, $0xF7A;
	s5 =	simm.s32 @!p2 $0x0  }
0x1d: {  	s5 =	simm.s32 @p1 $0x1;
	p0 =	seq.s32 s7, s2  }
0x1e: {  	s7 =	smul.u32 @!p0 $0xF7A, s2;
	p2 =	seq.s32 @!p0 s5, $0x0  }
0x1f: {  	s9 =	smul.u32 $0xF7A, s1;
	s8 =	simm.s32 @!p0 $0x1BF5;
	p2 =	por !p2, p0  }
0x20: {  	[sflag:s8] =	ssyncset.s32 @!p0 $0xFFFFF086;
	s6 =	sadd.s32 @!p0 s3, s7;
	s7 =	simm.s32 @!p0 $0x108  }
0x21: {  	s3 =	sadd.s32 s3, s9;
	s6 =	sadd.s32 @!p0 $0x88, s6;
	s7 =	simm.s32 @p2 $0x1082  }
0x22: {  	[simem:s7], [sflag:s8] =	dma.local @!p0 [hbm:s6], $0xF7A  }
0x23: {  	s9 =	sor.u32 $0xD0000000, s2;
	s6 =	simm.s32 $0x108;
	_ =	swait.ge @!p0 [sflag:s8], $0x0  }
0x24: {  	s3 =	sadd.s32 $0x88, s3;
	s6 =	simm.s32 @!p1 $0x1082;
	[sflag:s4] =	ssyncset.s32 $0xFFFFF086  }
0x25: {  	[simem:s6], [sflag:s4] =	dma.local [hbm:s3], $0xF7A  }
0x26: {  	[smem:$0x3FA0] =	sst s1;
	(tag) =	ssettag s2;
	_ =	strace s9  }
0x27: {  	s1 =	sld [smem:$0x3FB0]  }
0x28: {  	s2 =	sld [smem:$0x3FB1]  }
0x29: {  	s4 =	sld [smem:$0x3FB3]  }
0x2a: {  	p0 =	seq.s32 s5, $0x0;
	s5 =	sld [smem:$0x3FB4]  }
0x2b: {  	s6 =	sld [smem:$0x3FB5]  }
0x2c: {  	s7 =	sld [smem:$0x3FB6]  }
0x2d: {  	s3 =	simm.s32 $0x108;
	s8 =	sld [smem:$0x3FB7]  }
0x2e: {  	s3 =	simm.s32 @!p0 $0x1082;
	s9 =	sld [smem:$0x3FB8]  }
0x2f: {  	lr =	sadd.s32 s0, s3;
	s0 =	sld [smem:$0x3FAF]  }
0x30: {  	s3 =	sld [smem:$0x3FB2]  }
0x31: {  	[smem:$0x3FBB] =	sst s10  }
0x32: {  	s10 =	sld [smem:$0x3FB9];
	_ =	sdelay $0x3  }
0x33: {  	p0 =	seq.s32 s10, $0x1;
	s10 =	sld [smem:$0x3FBB];
	_ =	sdelay $0x3  }
0x34: {  	[smem:$0x3FBB] =	sst s10  }
0x35: {  	s10 =	sld [smem:$0x3FBA];
	_ =	sdelay $0x3  }
0x36: {  	p1 =	seq.s32 s10, $0x1;
	s10 =	sld [smem:$0x3FBB];
	_ =	sdelay $0x3  }
0x37: {  	[smem:$0x3FBB] =	sst s10  }
0x38: {  	s10 =	sld [smem:$0x3FBC]  }
0x39: {  	_ = 	snop;
	(pc) =	sbr.ind lr, $3  }
0x3a: {  	_ = 	snop  }
0x3b: {  	_ = 	snop  }
0x3c: {  	p2 =	seq.s32 s10, $0x1;
	s10 =	sld [smem:$0x3FBB]  }
0x3d: {  	_ =	shalt  }
0x3e: {  	_ =	shalt  }
0x3f: {  	_ =	shalt  }
0x40: {  	_ =	shalt  }
0x41: {  	_ =	shalt  }
0x42: {  	_ =	shalt  }
0x43: {  	_ =	shalt  }
0x44: {  	_ =	shalt  }
0x45: {  	_ =	shalt  }
0x46: {  	_ =	shalt  }
0x47: {  	_ =	shalt  }
0x48: {  	_ =	shalt  }
0x49: {  	_ =	shalt  }
0x4a: {  	_ =	shalt  }
0x4b: {  	_ =	shalt  }
0x4c: {  	_ =	shalt  }
0x4d: {  	_ =	shalt  }
0x4e: {  	_ =	shalt  }
0x4f: {  	_ =	shalt  }
0x50: {  	_ =	shalt  }
0x51: {  	_ =	shalt  }
0x52: {  	_ =	shalt  }
0x53: {  	_ =	shalt  }
0x54: {  	_ =	shalt  }
0x55: {  	_ =	shalt  }
0x56: {  	_ =	shalt  }
0x57: {  	_ =	shalt  }
0x58: {  	_ =	shalt  }
0x59: {  	_ =	shalt  }
0x5a: {  	_ =	shalt  }
0x5b: {  	_ =	shalt  }
0x5c: {  	_ =	shalt  }
0x5d: {  	_ =	shalt  }
0x5e: {  	_ =	shalt  }
0x5f: {  	_ =	shalt  }
0x60: {  	_ =	shalt  }
0x61: {  	_ =	shalt  }
0x62: {  	_ =	shalt  }
0x63: {  	_ =	shalt  }
0x64: {  	_ =	shalt  }
0x65: {  	_ =	shalt  }
0x66: {  	_ =	shalt  }
0x67: {  	_ =	shalt  }
0x68: {  	_ =	shalt  }
0x69: {  	_ =	shalt  }
0x6a: {  	_ =	shalt  }
0x6b: {  	_ =	shalt  }
0x6c: {  	_ =	shalt  }
0x6d: {  	_ =	shalt  }
0x6e: {  	_ =	shalt  }
0x6f: {  	_ =	shalt  }
0x70: {  	_ =	shalt  }
0x71: {  	_ =	shalt  }
0x72: {  	_ =	shalt  }
0x73: {  	_ =	shalt  }
0x74: {  	_ =	shalt  }
0x75: {  	_ =	shalt  }
0x76: {  	_ =	shalt  }
0x77: {  	_ =	shalt  }
0x78: {  	_ =	shalt  }
0x79: {  	_ =	shalt  }
0x7a: {  	_ =	shalt  }
0x7b: {  	_ =	shalt  }
0x7c: {  	_ =	shalt  }
0x7d: {  	_ =	shalt  }
0x7e: {  	_ =	shalt  }
0x7f: {  	_ =	shalt  }
0x80: {  	_ =	shalt  }
0x81: {  	_ =	shalt  }
0x82: {  	_ =	shalt  }
0x83: {  	_ =	shalt  }
0x84: {  	_ =	shalt  }
0x85: {  	_ =	shalt  }
0x86: {  	_ =	shalt  }
0x87: {  	_ =	shalt  }
.Lfunc_end0:
.L_simem_size_0:
called_computation_lowered:
.L_overlay_start_0:
0x88: {  	s2 =	sld [smem:$0x3FD9]  }
0x89: {  	s3 =	sld [smem:$0x3FFE];
	_ =	sdelay $0x1  }
0x8a: {  	s1 =	srdreg.scid  }
0x8b: {  	s0 =	sand.u32 $0x1, s1  }
0x8c: {  	s18 =	sshll.u32 s0, $0xA;
	s2 =	sadd.s32 s3, s2  }
0x8d: {  	s2 =	sadd.s32 s2, s18  }
0x8e: {  	[smem:$0x3FC7] =	sst s2  }
0x8f: {  	_ = 	snop  }
0x90: {  	s2 =	sld [smem:$0x3FC9]  }
0x91: {  	s19 =	sld [smem:$0x3FD0];
	(tm) =	ssettm $0x1  }
0x92: {  	s4 =	sld [smem:$0x3FFB];
	_ =	sdelay $0x3  }
0x93: {  	_ =	strace s4  }
0x94: {  	s4 =	sld [smem:$0x3FFC];
	_ =	sdelay $0x3  }
0x95: {  	_ =	strace s4  }
0x96: {  	s4 =	sld [smem:$0x3FFD];
	_ =	sdelay $0x3  }
0x97: {  	_ =	strace s4  }
0x98: {  	_ =	strace $0x8FFFFFFF  }
0x99: {  	s20 =	sld [smem:$0x3FDB];
	_ =	sdelay $0x1  }
0x9a: {  	s5 =	simm.s32 $_scs_section_size  }
0x9b: {  	s6 =	simm.s32 $_size__tile_overlayer_lowered;
	s7 =	simm.s32 $_tile_overlayer_lowered  }
0x9c: {  	s23 =	simm.s32 $0x1BFF;
	s22 =	sshll.u32 s7, $0x1;
	s4 =	sadd.s32 s5, s20  }
0x9d: {  	s8 =	simm.s32 $0x0;
	s21 =	sshll.u32 s6, $0x1;
	s6 =	sadd.s32 s22, s4  }
0x9e: {  	[timem:s8], [sflag:s23] =	dma.local [hbm:s6], s21  }
0x9f: {  	_ =	swait.ge [sflag:s23], s21  }
0xa0: {  	s5 =	ssub.s32 $0x0, s21;
	[sflag:s23] =	ssyncset.done $0x0  }
0xa1: {  	[sflag:s23] =	ssyncadd.s32 s5;
	_ =	sdelay $0x1  }
0xa2: {  	s24 =	simm.s32 $0x1B8B  }
0xa3: {  	_ =	swait.ge [sflag:s24], $0x1  }
0xa4: {  	[sflag:s24] =	ssyncset.done $0x0  }
0xa5: {  	s25 =	simm.s32 $0x1B8E;
	[sflag:s24] =	ssyncadd.s32 $0xFFFFFFFF  }
0xa6: {  	s26 =	simm.s32 $execute0_lowered;
	[smem:$0x3FD2] =	sst s25  }
0xa7: {  	s5 =	sshll.u32 s26, $0x1;
	_ =	strace $0x80000046;
	[dreg:$0x1] =	wrdreg $0xFFFFFFFF  }
0xa8: {  	s28 =	simm.s32 $_size_execute0_lowered;
	s4 =	sadd.s32 s4, s5;
	[dreg:$0x0] =	wrdreg $0x0  }
0xa9: {  	s5 =	sshll.u32 s28, $0x1;
	[dreg:$0x2] =	wrdreg s4  }
0xaa: {  	[dreg:$0x3] =	wrdreg s5  }
0xab: {  	[dreg:$0x4] =	wrdreg $0xC0  }
0xac: {  	_ =	task [dreg:s8], $0x5FFFF  }
0xad: {  	[dreg:$0x1] =	wrdreg $0xFFFFFFFF  }
0xae: {  	[dreg:$0x0] =	wrdreg $0x60  }
0xaf: {  	[dreg:$0x2] =	wrdreg s2  }
0xb0: {  	[dreg:$0x3] =	wrdreg s19  }
0xb1: {  	[dreg:$0x4] =	wrdreg $0x9  }
0xb2: {  	_ =	task.clear_ibuf [dreg:s8], $0x5FFFF;
	_ =	strace $0x90000046  }
0xb3: {  	s29 =	simm.s32 $0x9;
	_ =	strace $0x80000048  }
0xb4: {  	_ =	swait.ge [sflag:s29], $0x1  }
0xb5: {  	[sflag:s29] =	ssyncadd.s32 $0xFFFFFFFF  }
0xb6: {  	_ =	strace $0x90000048  }
0xb7: {  	_ =	sfence  }
0xb8: {  	s30 =	sld [smem:$0x0];
	_ =	sdelay $0x2  }
0xb9: {  	s31 =	sshll.u32 s1, $0xD;
	s1 =	sshrl.u32 s1, $0x2  }
0xba: {  	s3 =	sand.u32 $0x4000, s31;
	s1 =	sadd.s32 s1, s30  }
0xbb: {  	s0 =	sor.u32 s3, s0;
	s1 =	sshll.u32 s1, $0x11  }
0xbc: {  	s0 =	sor.u32 s1, s0  }
0xbd: {  	s0 =	sadd.s32 $0x8F2B, s0  }
0xbe: {  	[sflag:s0] =	ssyncadd.remote.s32 $0x1  }
0xbf: {  	_ =	sfence.sel $0xFFFF  }
0xc0: {  	[dreg:$0x0] =	wrdreg $0xFFFFFFFF;
	(pc) =	sbr.abs _section_cstart, $3  }
0xc1: {  	[dreg:$0x1] =	wrdreg $0xFFFFFFFF  }
0xc2: {  	_ =	task.clear_ibuf [dreg:s8], $0x2FFFF;
	_ =	strace $0x9FFFFFFF  }
0xc3: {  	(tm) =	ssettm $0x7FFFFFFF  }
tec
execute0_lowered:
.L_overlay_start_1:
0x0: {  	(tag) =	ssettag $0x1  }
0x1: {  	v0 =	vimm.s32 $0xFEDCBA9;
	s0 =	rddreg [dreg:$0x0]  }
0x2: {  	v1 =	vimm.s32 $0x87654321;
	v2 =	vimm.s32 $0x10FEDCBA;
	s2 =	rddreg [dreg:$0x1];
	v3 =	vimm.s32 $0x98765432  }
0x3: {  	s1 =	rddreg [dreg:$0x2];
	s5 =	srdreg.scid;
	s4 =	simm.s32 $0x0;
	v4 =	vimm.s32 $0x3210FEDC;
	v5 =	vimm.s32 $0xBA987654;
	v6 =	vimm.s32 $0xFEDCBA98  }
0x4: {  	s3 =	stileid.u32;
	v7 =	vimm.s32 $0x76543210;
	s11 =	simm.s32 $0x80;
	s12 =	simm.s32 $0x400;
	v0 =	vunpack.c.l.s4.s8 v0;
	v1 =	vunpack.c.l.s4.s8 v1  }
0x5: {  	s13 =	simm.s32 $0x4000;
	s14 =	simm.s32 $0x1;
	s15 =	simm.s32 $0x8000;
	v2 =	vunpack.c.l.s4.s8 v2;
	v3 =	vunpack.c.l.s4.s8 v3;
	v4 =	vunpack.c.l.s4.s8 v4  }
0x6: {  	s16 =	simm.s32 $0x2;
	s17 =	simm.s32 $0x4;
	s18 =	simm.s32 $0xC000;
	v5 =	vunpack.c.l.s4.s8 v5;
	v6 =	vunpack.c.l.s4.s8 v6;
	v0 =	vunpack.c.0.s8.s32 v0  }
0x7: {  	s19 =	simm.s32 $0x3;
	s20 =	simm.s32 $0x0;
	s5 =	sand.u32 $0x1, s5;
	v1 =	vunpack.c.0.s8.s32 v1;
	v2 =	vunpack.c.0.s8.s32 v2;
	v3 =	vunpack.c.0.s8.s32 v3  }
.Ltmp0:
0x8: {  	s6 =	sshll.u32 s3, $0x6;
	v7 =	vunpack.c.l.s4.s8 v7;
	s7 =	sshll.u32 s5, $0x5;
	v4 =	vunpack.c.0.s8.s32 v4;
	v5 =	vunpack.c.0.s8.s32 v5;
	(pc) =	sbr.rel .LBB2_1-.Ltmp0, $4  }
0x9: {  	[smem:$0x7FF] =	sst s4;
	s8 =	ssub.s32 $0x2, s5;
	s5 =	sor.u32 s7, s6;
	v0 =	vcombine.low v1, v0;
	v1 =	vcombine.low v3, v2;
	v2 =	vunpack.c.0.s8.s32 v6  }
0xa: {  	_ =	strace $0x80000047;
	s31 =	sshrl.u32 s8, $0x1;
	s9 =	sshll.u32 s5, $0xC;
	v3 =	vcombine.low v5, v4;
	v4 =	vunpack.c.0.s8.s32 v7  }
0xb: {  	s6 =	sadd.s32 $0x4000, s0;
	s10 =	ssub.s32 s8, s31;
	s7 =	sadd.s32 s0, s9;
	v0 =	vand.u32 $0xF, v0;
	v1 =	vand.u32 $0xF, v1;
	v5 =	vand.u32 $0xF, v2  }
0xc: {  	s8 =	sadd.s32 s9, s6;
	s9 =	sadd.s32 $0x4000, s2;
	s10 =	smax.u32 s10, $0x1;
	v2 =	vand.u32 $0xF, v3;
	v3 =	vcombine.low v5, v4;
	v4 =	vlaneseq.u32  }
.LBB2_12:
0xd: {  	s20 =	sadd.s32 $0x1, s20  }
0xe: {  	_ =	swait.ge [sflag:s19], $0x4000;
	p0 =	sne.s32 s20, s10  }
.Ltmp1:
0xf: {  	[sflag:s19] =	ssyncset.done $0x0;
	(pc) =	sbr.rel @!p0 .LBB2_13-.Ltmp1, $4  }
0x10: {  	[sflag:s19] =	ssyncadd.s32 $0xFFFFC000  }
0x11: {  	_ =	swait.ge [sflag:s17], $0x4000  }
0x12: {  	[sflag:s17] =	ssyncset.done $0x0  }
0x13: {  	[sflag:s17] =	ssyncadd.s32 $0xFFFFC000  }
.LBB2_1:
0x14: {  	[tilespmem:s4], [sflag:$0x1] =	stream.strided.gather [hbm4b:s7+s11], $0x4000, s12, s11, $0x38;
	[tilespmem:$0x10000] =	vst v63  }
0x15: {  	s22 =	smov.u32 s8;
	s21 =	simm.s32 $0x0  }
.LBB2_2:
0x16: {  	[tilespmem:s13], [sflag:$0x2] =	stream.strided.gather [hbm4b:s22+s11], $0x4000, s12, s11, $0x38;
	[tilespmem:$0x10000] =	vst v63  }
0x17: {  	_ =	swait.ge [sflag:s14], $0x4000  }
0x18: {  	p0 =	seq.s32 s21, $0x0;
	[sflag:s14] =	ssyncset.done $0x0  }
0x19: {  	s22 =	simm.s32 @!p0 $0x3;
	[sflag:s14] =	ssyncadd.s32 $0xFFFFC000  }
0x1a: {  	_ =	swait.ge @!p0 [sflag:s22], $0x4000  }
0x1b: {  	[sflag:s22] =	ssyncset.done @!p0 $0x0  }
0x1c: {  	s30 =	simm.s32 $0x80;
	[sflag:s22] =	ssyncadd.s32 @!p0 $0xFFFFC000  }
0x1d: {  	v5 =	vld [tilespmem:s30+$0xFFFFFF80];
	_ =	sdelay $0x4  }
0x1e: {  	v6 =	vand.u32 $0x7FFFFFFF, v5  }
0x1f: {  	v7 =	vperm.xlane v6, v0;
	_ =	sdelay $0x1  }
0x20: {  	v7 =	vmax.f32 v6, v7  }
0x21: {  	v8 =	vperm.xlane v7, v1;
	_ =	sdelay $0x1  }
0x22: {  	v7 =	vmax.f32 v7, v8  }
0x23: {  	v8 =	vperm.xlane v7, v2;
	_ =	sdelay $0x1  }
0x24: {  	v7 =	vmax.f32 v7, v8  }
0x25: {  	v8 =	vperm.xlane v7, v3;
	_ =	sdelay $0x1  }
0x26: {  	v7 =	vmax.f32 v7, v8  }
0x27: {  	vm0 =	vge.f32 v6, v7  }
0x28: {  	v6 =	vnsel vm0, $0x10, v4  }
0x29: {  	v7 =	vperm.xlane v6, v0;
	_ =	sdelay $0x1  }
0x2a: {  	vm0 =	vlt.s32 v6, v7  }
0x2b: {  	v6 =	vsel vm0, v6, v7  }
0x2c: {  	v7 =	vperm.xlane v6, v1;
	_ =	sdelay $0x1  }
0x2d: {  	vm0 =	vlt.s32 v6, v7  }
0x2e: {  	v6 =	vsel vm0, v6, v7  }
0x2f: {  	v7 =	vperm.xlane v6, v2;
	_ =	sdelay $0x1  }
0x30: {  	vm0 =	vlt.s32 v6, v7  }
0x31: {  	v6 =	vsel vm0, v6, v7  }
0x32: {  	v7 =	vperm.xlane v6, v3;
	_ =	sdelay $0x1  }
0x33: {  	vm0 =	vlt.s32 v6, v7  }
0x34: {  	v6 =	vsel vm0, v6, v7  }
0x35: {  	vm0 =	veq.s32 v6, v4  }
0x36: {  	s23 =	simm.s32 $0x8080;
	v5 =	vnsel vm0, $0x0, v5  }
0x37: {  	[tilespmem:s23+$0xFFFFFF80] =	vst v5  }
0x38: {  	v5 =	vld [tilespmem:s30+$0xFFFFFF90];
	_ =	sdelay $0x4  }
0x39: {  	v6 =	vand.u32 $0x7FFFFFFF, v5  }
0x3a: {  	v7 =	vperm.xlane v6, v0;
	_ =	sdelay $0x1  }
0x3b: {  	v7 =	vmax.f32 v6, v7  }
0x3c: {  	v49 =	vperm.xlane v7, v1;
	_ =	sdelay $0x1  }
0x3d: {  	v7 =	vmax.f32 v7, v49  }
0x3e: {  	v8 =	vperm.xlane v7, v2;
	_ =	sdelay $0x1  }
0x3f: {  	v7 =	vmax.f32 v7, v8  }
0x40: {  	v8 =	vperm.xlane v7, v3;
	_ =	sdelay $0x1  }
0x41: {  	v7 =	vmax.f32 v7, v8  }
0x42: {  	vm13 =	vge.f32 v6, v7  }
0x43: {  	v6 =	vnsel vm13, $0x10, v4  }
0x44: {  	v7 =	vperm.xlane v6, v0;
	_ =	sdelay $0x1  }
0x45: {  	vm0 =	vlt.s32 v6, v7  }
0x46: {  	v6 =	vsel vm0, v6, v7  }
0x47: {  	v7 =	vperm.xlane v6, v1;
	_ =	sdelay $0x1  }
0x48: {  	vm0 =	vlt.s32 v6, v7  }
0x49: {  	v6 =	vsel vm0, v6, v7  }
0x4a: {  	v7 =	vperm.xlane v6, v2;
	_ =	sdelay $0x1  }
0x4b: {  	vm0 =	vlt.s32 v6, v7  }
0x4c: {  	v6 =	vsel vm0, v6, v7  }
0x4d: {  	v7 =	vperm.xlane v6, v3;
	_ =	sdelay $0x1  }
0x4e: {  	vm0 =	vlt.s32 v6, v7  }
0x4f: {  	v6 =	vsel vm0, v6, v7  }
0x50: {  	vm0 =	veq.s32 v6, v4  }
0x51: {  	v5 =	vnsel vm0, $0x0, v5  }
0x52: {  	[tilespmem:s23+$0xFFFFFF90] =	vst v5  }
0x53: {  	v5 =	vld [tilespmem:s30+$0xFFFFFFA0];
	_ =	sdelay $0x4  }
0x54: {  	v6 =	vand.u32 $0x7FFFFFFF, v5  }
0x55: {  	v7 =	vperm.xlane v6, v0;
	_ =	sdelay $0x1  }
0x56: {  	v7 =	vmax.f32 v6, v7  }
0x57: {  	v50 =	vperm.xlane v7, v1;
	_ =	sdelay $0x1  }
0x58: {  	v7 =	vmax.f32 v7, v50  }
0x59: {  	v8 =	vperm.xlane v7, v2;
	_ =	sdelay $0x1  }
0x5a: {  	v7 =	vmax.f32 v7, v8  }
0x5b: {  	v8 =	vperm.xlane v7, v3;
	_ =	sdelay $0x1  }
0x5c: {  	v7 =	vmax.f32 v7, v8  }
0x5d: {  	vm14 =	vge.f32 v6, v7  }
0x5e: {  	v6 =	vnsel vm14, $0x10, v4  }
0x5f: {  	v7 =	vperm.xlane v6, v0;
	_ =	sdelay $0x1  }
0x60: {  	vm0 =	vlt.s32 v6, v7  }
0x61: {  	v6 =	vsel vm0, v6, v7  }
0x62: {  	v7 =	vperm.xlane v6, v1;
	_ =	sdelay $0x1  }
0x63: {  	vm0 =	vlt.s32 v6, v7  }
0x64: {  	v6 =	vsel vm0, v6, v7  }
0x65: {  	v7 =	vperm.xlane v6, v2;
	_ =	sdelay $0x1  }
0x66: {  	vm0 =	vlt.s32 v6, v7  }
0x67: {  	v6 =	vsel vm0, v6, v7  }
0x68: {  	v7 =	vperm.xlane v6, v3;
	_ =	sdelay $0x1  }
0x69: {  	vm0 =	vlt.s32 v6, v7  }
0x6a: {  	v6 =	vsel vm0, v6, v7  }
0x6b: {  	vm0 =	veq.s32 v6, v4  }
0x6c: {  	v5 =	vnsel vm0, $0x0, v5  }
0x6d: {  	[tilespmem:s23+$0xFFFFFFA0] =	vst v5  }
0x6e: {  	v5 =	vld [tilespmem:s30+$0xFFFFFFB0];
	_ =	sdelay $0x4  }
0x6f: {  	v6 =	vand.u32 $0x7FFFFFFF, v5  }
0x70: {  	v7 =	vperm.xlane v6, v0;
	_ =	sdelay $0x1  }
0x71: {  	v7 =	vmax.f32 v6, v7  }
0x72: {  	v51 =	vperm.xlane v7, v1;
	_ =	sdelay $0x1  }
0x73: {  	v7 =	vmax.f32 v7, v51  }
0x74: {  	v8 =	vperm.xlane v7, v2;
	_ =	sdelay $0x1  }
0x75: {  	v7 =	vmax.f32 v7, v8  }
0x76: {  	v8 =	vperm.xlane v7, v3;
	_ =	sdelay $0x1  }
0x77: {  	v7 =	vmax.f32 v7, v8  }
0x78: {  	vm15 =	vge.f32 v6, v7  }
0x79: {  	v6 =	vnsel vm15, $0x10, v4  }
0x7a: {  	v7 =	vperm.xlane v6, v0;
	_ =	sdelay $0x1  }
0x7b: {  	vm0 =	vlt.s32 v6, v7  }
0x7c: {  	v6 =	vsel vm0, v6, v7  }
0x7d: {  	v7 =	vperm.xlane v6, v1;
	_ =	sdelay $0x1  }
0x7e: {  	vm0 =	vlt.s32 v6, v7  }
0x7f: {  	v6 =	vsel vm0, v6, v7  }
0x80: {  	v7 =	vperm.xlane v6, v2;
	_ =	sdelay $0x1  }
0x81: {  	vm0 =	vlt.s32 v6, v7  }
0x82: {  	v6 =	vsel vm0, v6, v7  }
0x83: {  	v7 =	vperm.xlane v6, v3;
	_ =	sdelay $0x1  }
0x84: {  	vm0 =	vlt.s32 v6, v7  }
0x85: {  	v6 =	vsel vm0, v6, v7  }
0x86: {  	vm0 =	veq.s32 v6, v4  }
0x87: {  	v5 =	vnsel vm0, $0x0, v5  }
0x88: {  	[tilespmem:s23+$0xFFFFFFB0] =	vst v5  }
0x89: {  	v5 =	vld [tilespmem:s30+$0xFFFFFFC0];
	_ =	sdelay $0x4  }
0x8a: {  	v6 =	vand.u32 $0x7FFFFFFF, v5  }
0x8b: {  	v7 =	vperm.xlane v6, v0;
	_ =	sdelay $0x1  }
0x8c: {  	v7 =	vmax.f32 v6, v7  }
0x8d: {  	v52 =	vperm.xlane v7, v1;
	_ =	sdelay $0x1  }
0x8e: {  	v7 =	vmax.f32 v7, v52  }
0x8f: {  	v8 =	vperm.xlane v7, v2;
	_ =	sdelay $0x1  }
0x90: {  	v7 =	vmax.f32 v7, v8  }
0x91: {  	v8 =	vperm.xlane v7, v3;
	_ =	sdelay $0x1  }
0x92: {  	v7 =	vmax.f32 v7, v8  }
0x93: {  	vm4 =	vge.f32 v6, v7  }
0x94: {  	v6 =	vnsel vm4, $0x10, v4  }
0x95: {  	v7 =	vperm.xlane v6, v0;
	_ =	sdelay $0x1  }
0x96: {  	vm0 =	vlt.s32 v6, v7  }
0x97: {  	v6 =	vsel vm0, v6, v7  }
0x98: {  	v7 =	vperm.xlane v6, v1;
	_ =	sdelay $0x1  }
0x99: {  	vm0 =	vlt.s32 v6, v7  }
0x9a: {  	v6 =	vsel vm0, v6, v7  }
0x9b: {  	v7 =	vperm.xlane v6, v2;
	_ =	sdelay $0x1  }
0x9c: {  	vm0 =	vlt.s32 v6, v7  }
0x9d: {  	v6 =	vsel vm0, v6, v7  }
0x9e: {  	v7 =	vperm.xlane v6, v3;
	_ =	sdelay $0x1  }
0x9f: {  	vm0 =	vlt.s32 v6, v7  }
0xa0: {  	v6 =	vsel vm0, v6, v7  }
0xa1: {  	vm0 =	veq.s32 v6, v4  }
0xa2: {  	v5 =	vnsel vm0, $0x0, v5  }
0xa3: {  	[tilespmem:s23+$0xFFFFFFC0] =	vst v5  }
0xa4: {  	v5 =	vld [tilespmem:s30+$0xFFFFFFD0];
	_ =	sdelay $0x4  }
0xa5: {  	v6 =	vand.u32 $0x7FFFFFFF, v5  }
0xa6: {  	v7 =	vperm.xlane v6, v0;
	_ =	sdelay $0x1  }
0xa7: {  	v7 =	vmax.f32 v6, v7  }
0xa8: {  	v53 =	vperm.xlane v7, v1;
	_ =	sdelay $0x1  }
0xa9: {  	v7 =	vmax.f32 v7, v53  }
0xaa: {  	v8 =	vperm.xlane v7, v2;
	_ =	sdelay $0x1  }
0xab: {  	v7 =	vmax.f32 v7, v8  }
0xac: {  	v8 =	vperm.xlane v7, v3;
	_ =	sdelay $0x1  }
0xad: {  	v7 =	vmax.f32 v7, v8  }
0xae: {  	vm5 =	vge.f32 v6, v7  }
0xaf: {  	v6 =	vnsel vm5, $0x10, v4  }
0xb0: {  	v7 =	vperm.xlane v6, v0;
	_ =	sdelay $0x1  }
0xb1: {  	vm0 =	vlt.s32 v6, v7  }
0xb2: {  	v6 =	vsel vm0, v6, v7  }
0xb3: {  	v7 =	vperm.xlane v6, v1;
	_ =	sdelay $0x1  }
0xb4: {  	vm0 =	vlt.s32 v6, v7  }
0xb5: {  	v6 =	vsel vm0, v6, v7  }
0xb6: {  	v7 =	vperm.xlane v6, v2;
	_ =	sdelay $0x1  }
0xb7: {  	vm0 =	vlt.s32 v6, v7  }
0xb8: {  	v6 =	vsel vm0, v6, v7  }
0xb9: {  	v7 =	vperm.xlane v6, v3;
	_ =	sdelay $0x1  }
0xba: {  	vm0 =	vlt.s32 v6, v7  }
0xbb: {  	v6 =	vsel vm0, v6, v7  }
0xbc: {  	vm0 =	veq.s32 v6, v4  }
0xbd: {  	v5 =	vnsel vm0, $0x0, v5  }
0xbe: {  	[tilespmem:s23+$0xFFFFFFD0] =	vst v5  }
0xbf: {  	v5 =	vld [tilespmem:s30+$0xFFFFFFE0];
	_ =	sdelay $0x4  }
0xc0: {  	v6 =	vand.u32 $0x7FFFFFFF, v5  }
0xc1: {  	v7 =	vperm.xlane v6, v0;
	_ =	sdelay $0x1  }
0xc2: {  	v7 =	vmax.f32 v6, v7  }
0xc3: {  	v54 =	vperm.xlane v7, v1;
	_ =	sdelay $0x1  }
0xc4: {  	v7 =	vmax.f32 v7, v54  }
0xc5: {  	v8 =	vperm.xlane v7, v2;
	_ =	sdelay $0x1  }
0xc6: {  	v7 =	vmax.f32 v7, v8  }
0xc7: {  	v8 =	vperm.xlane v7, v3;
	_ =	sdelay $0x1  }
0xc8: {  	v7 =	vmax.f32 v7, v8  }
0xc9: {  	vm6 =	vge.f32 v6, v7  }
0xca: {  	v6 =	vnsel vm6, $0x10, v4  }
0xcb: {  	v7 =	vperm.xlane v6, v0;
	_ =	sdelay $0x1  }
0xcc: {  	vm0 =	vlt.s32 v6, v7  }
0xcd: {  	v6 =	vsel vm0, v6, v7  }
0xce: {  	v7 =	vperm.xlane v6, v1;
	_ =	sdelay $0x1  }
0xcf: {  	vm0 =	vlt.s32 v6, v7  }
0xd0: {  	v6 =	vsel vm0, v6, v7  }
0xd1: {  	v7 =	vperm.xlane v6, v2;
	_ =	sdelay $0x1  }
0xd2: {  	vm0 =	vlt.s32 v6, v7  }
0xd3: {  	v6 =	vsel vm0, v6, v7  }
0xd4: {  	v7 =	vperm.xlane v6, v3;
	_ =	sdelay $0x1  }
0xd5: {  	vm0 =	vlt.s32 v6, v7  }
0xd6: {  	v6 =	vsel vm0, v6, v7  }
0xd7: {  	vm0 =	veq.s32 v6, v4  }
0xd8: {  	v5 =	vnsel vm0, $0x0, v5  }
0xd9: {  	[tilespmem:s23+$0xFFFFFFE0] =	vst v5  }
0xda: {  	v5 =	vld [tilespmem:s30+$0xFFFFFFF0];
	_ =	sdelay $0x4  }
0xdb: {  	v6 =	vand.u32 $0x7FFFFFFF, v5  }
0xdc: {  	v7 =	vperm.xlane v6, v0;
	_ =	sdelay $0x1  }
0xdd: {  	v7 =	vmax.f32 v6, v7  }
0xde: {  	v55 =	vperm.xlane v7, v1;
	_ =	sdelay $0x1  }
0xdf: {  	v7 =	vmax.f32 v7, v55  }
0xe0: {  	v8 =	vperm.xlane v7, v2;
	_ =	sdelay $0x1  }
0xe1: {  	v7 =	vmax.f32 v7, v8  }
0xe2: {  	v8 =	vperm.xlane v7, v3;
	_ =	sdelay $0x1  }
0xe3: {  	v7 =	vmax.f32 v7, v8  }
0xe4: {  	vm7 =	vge.f32 v6, v7  }
0xe5: {  	v6 =	vnsel vm7, $0x10, v4  }
0xe6: {  	v7 =	vperm.xlane v6, v0;
	_ =	sdelay $0x1  }
0xe7: {  	vm0 =	vlt.s32 v6, v7  }
0xe8: {  	v6 =	vsel vm0, v6, v7  }
0xe9: {  	v7 =	vperm.xlane v6, v1;
	_ =	sdelay $0x1  }
0xea: {  	vm0 =	vlt.s32 v6, v7  }
0xeb: {  	v6 =	vsel vm0, v6, v7  }
0xec: {  	v7 =	vperm.xlane v6, v2;
	_ =	sdelay $0x1  }
0xed: {  	vm0 =	vlt.s32 v6, v7  }
0xee: {  	v6 =	vsel vm0, v6, v7  }
0xef: {  	v7 =	vperm.xlane v6, v3;
	_ =	sdelay $0x1  }
0xf0: {  	vm0 =	vlt.s32 v6, v7  }
0xf1: {  	v6 =	vsel vm0, v6, v7  }
0xf2: {  	vm0 =	veq.s32 v6, v4  }
0xf3: {  	v5 =	vnsel vm0, $0x0, v5  }
0xf4: {  	[tilespmem:s23+$0xFFFFFFF0] =	vst v5  }
0xf5: {  	v5 =	vld [tilespmem:s30+$0x0];
	_ =	sdelay $0x4  }
0xf6: {  	v6 =	vand.u32 $0x7FFFFFFF, v5  }
0xf7: {  	v7 =	vperm.xlane v6, v0;
	_ =	sdelay $0x1  }
0xf8: {  	v7 =	vmax.f32 v6, v7  }
0xf9: {  	v56 =	vperm.xlane v7, v1;
	_ =	sdelay $0x1  }
0xfa: {  	v7 =	vmax.f32 v7, v56  }
0xfb: {  	v8 =	vperm.xlane v7, v2;
	_ =	sdelay $0x1  }
0xfc: {  	v7 =	vmax.f32 v7, v8  }
0xfd: {  	v8 =	vperm.xlane v7, v3;
	_ =	sdelay $0x1  }
0xfe: {  	v7 =	vmax.f32 v7, v8  }
0xff: {  	vm8 =	vge.f32 v6, v7  }
0x100: {  	v6 =	vnsel vm8, $0x10, v4  }
0x101: {  	v7 =	vperm.xlane v6, v0;
	_ =	sdelay $0x1  }
0x102: {  	vm0 =	vlt.s32 v6, v7  }
0x103: {  	v6 =	vsel vm0, v6, v7  }
0x104: {  	v7 =	vperm.xlane v6, v1;
	_ =	sdelay $0x1  }
0x105: {  	vm0 =	vlt.s32 v6, v7  }
0x106: {  	v6 =	vsel vm0, v6, v7  }
0x107: {  	v7 =	vperm.xlane v6, v2;
	_ =	sdelay $0x1  }
0x108: {  	vm0 =	vlt.s32 v6, v7  }
0x109: {  	v6 =	vsel vm0, v6, v7  }
0x10a: {  	v7 =	vperm.xlane v6, v3;
	_ =	sdelay $0x1  }
0x10b: {  	vm0 =	vlt.s32 v6, v7  }
0x10c: {  	v6 =	vsel vm0, v6, v7  }
0x10d: {  	vm0 =	veq.s32 v6, v4  }
0x10e: {  	v5 =	vnsel vm0, $0x0, v5  }
0x10f: {  	[tilespmem:s23+$0x0] =	vst v5  }
0x110: {  	v5 =	vld [tilespmem:s30+$0x10];
	_ =	sdelay $0x4  }
0x111: {  	v6 =	vand.u32 $0x7FFFFFFF, v5  }
0x112: {  	v7 =	vperm.xlane v6, v0;
	_ =	sdelay $0x1  }
0x113: {  	v7 =	vmax.f32 v6, v7  }
0x114: {  	v57 =	vperm.xlane v7, v1;
	_ =	sdelay $0x1  }
0x115: {  	v7 =	vmax.f32 v7, v57  }
0x116: {  	v8 =	vperm.xlane v7, v2;
	_ =	sdelay $0x1  }
0x117: {  	v7 =	vmax.f32 v7, v8  }
0x118: {  	v8 =	vperm.xlane v7, v3;
	_ =	sdelay $0x1  }
0x119: {  	v7 =	vmax.f32 v7, v8  }
0x11a: {  	vm9 =	vge.f32 v6, v7  }
0x11b: {  	v6 =	vnsel vm9, $0x10, v4  }
0x11c: {  	v7 =	vperm.xlane v6, v0;
	_ =	sdelay $0x1  }
0x11d: {  	vm0 =	vlt.s32 v6, v7  }
0x11e: {  	v6 =	vsel vm0, v6, v7  }
0x11f: {  	v7 =	vperm.xlane v6, v1;
	_ =	sdelay $0x1  }
0x120: {  	vm0 =	vlt.s32 v6, v7  }
0x121: {  	v6 =	vsel vm0, v6, v7  }
0x122: {  	v7 =	vperm.xlane v6, v2;
	_ =	sdelay $0x1  }
0x123: {  	vm0 =	vlt.s32 v6, v7  }
0x124: {  	v6 =	vsel vm0, v6, v7  }
0x125: {  	v7 =	vperm.xlane v6, v3;
	_ =	sdelay $0x1  }
0x126: {  	vm0 =	vlt.s32 v6, v7  }
0x127: {  	v6 =	vsel vm0, v6, v7  }
0x128: {  	vm0 =	veq.s32 v6, v4  }
0x129: {  	v5 =	vnsel vm0, $0x0, v5  }
0x12a: {  	[tilespmem:s23+$0x10] =	vst v5  }
0x12b: {  	v5 =	vld [tilespmem:s30+$0x20];
	_ =	sdelay $0x4  }
0x12c: {  	v6 =	vand.u32 $0x7FFFFFFF, v5  }
0x12d: {  	v7 =	vperm.xlane v6, v0;
	_ =	sdelay $0x1  }
0x12e: {  	v7 =	vmax.f32 v6, v7  }
0x12f: {  	v58 =	vperm.xlane v7, v1;
	_ =	sdelay $0x1  }
0x130: {  	v7 =	vmax.f32 v7, v58  }
0x131: {  	v8 =	vperm.xlane v7, v2;
	_ =	sdelay $0x1  }
0x132: {  	v7 =	vmax.f32 v7, v8  }
0x133: {  	v8 =	vperm.xlane v7, v3;
	_ =	sdelay $0x1  }
0x134: {  	v7 =	vmax.f32 v7, v8  }
0x135: {  	vm10 =	vge.f32 v6, v7  }
0x136: {  	v6 =	vnsel vm10, $0x10, v4  }
0x137: {  	v7 =	vperm.xlane v6, v0;
	_ =	sdelay $0x1  }
0x138: {  	vm0 =	vlt.s32 v6, v7  }
0x139: {  	v6 =	vsel vm0, v6, v7  }
0x13a: {  	v7 =	vperm.xlane v6, v1;
	_ =	sdelay $0x1  }
0x13b: {  	vm0 =	vlt.s32 v6, v7  }
0x13c: {  	v6 =	vsel vm0, v6, v7  }
0x13d: {  	v7 =	vperm.xlane v6, v2;
	_ =	sdelay $0x1  }
0x13e: {  	vm0 =	vlt.s32 v6, v7  }
0x13f: {  	v6 =	vsel vm0, v6, v7  }
0x140: {  	v7 =	vperm.xlane v6, v3;
	_ =	sdelay $0x1  }
0x141: {  	vm0 =	vlt.s32 v6, v7  }
0x142: {  	v6 =	vsel vm0, v6, v7  }
0x143: {  	vm0 =	veq.s32 v6, v4  }
0x144: {  	v5 =	vnsel vm0, $0x0, v5  }
0x145: {  	[tilespmem:s23+$0x20] =	vst v5  }
0x146: {  	v5 =	vld [tilespmem:s30+$0x30];
	_ =	sdelay $0x4  }
0x147: {  	v6 =	vand.u32 $0x7FFFFFFF, v5  }
0x148: {  	v7 =	vperm.xlane v6, v0;
	_ =	sdelay $0x1  }
0x149: {  	v7 =	vmax.f32 v6, v7  }
0x14a: {  	v59 =	vperm.xlane v7, v1;
	_ =	sdelay $0x1  }
0x14b: {  	v7 =	vmax.f32 v7, v59  }
0x14c: {  	v8 =	vperm.xlane v7, v2;
	_ =	sdelay $0x1  }
0x14d: {  	v7 =	vmax.f32 v7, v8  }
0x14e: {  	v8 =	vperm.xlane v7, v3;
	_ =	sdelay $0x1  }
0x14f: {  	v7 =	vmax.f32 v7, v8  }
0x150: {  	vm11 =	vge.f32 v6, v7  }
0x151: {  	v6 =	vnsel vm11, $0x10, v4  }
0x152: {  	v7 =	vperm.xlane v6, v0;
	_ =	sdelay $0x1  }
0x153: {  	vm0 =	vlt.s32 v6, v7  }
0x154: {  	v6 =	vsel vm0, v6, v7  }
0x155: {  	v7 =	vperm.xlane v6, v1;
	_ =	sdelay $0x1  }
0x156: {  	vm0 =	vlt.s32 v6, v7  }
0x157: {  	v6 =	vsel vm0, v6, v7  }
0x158: {  	v7 =	vperm.xlane v6, v2;
	_ =	sdelay $0x1  }
0x159: {  	vm0 =	vlt.s32 v6, v7  }
0x15a: {  	v6 =	vsel vm0, v6, v7  }
0x15b: {  	v7 =	vperm.xlane v6, v3;
	_ =	sdelay $0x1  }
0x15c: {  	vm0 =	vlt.s32 v6, v7  }
0x15d: {  	v6 =	vsel vm0, v6, v7  }
0x15e: {  	vm0 =	veq.s32 v6, v4  }
0x15f: {  	v5 =	vnsel vm0, $0x0, v5  }
0x160: {  	[tilespmem:s23+$0x30] =	vst v5  }
0x161: {  	v5 =	vld [tilespmem:s30+$0x40];
	_ =	sdelay $0x4  }
0x162: {  	v6 =	vand.u32 $0x7FFFFFFF, v5  }
0x163: {  	v7 =	vperm.xlane v6, v0;
	_ =	sdelay $0x1  }
0x164: {  	v7 =	vmax.f32 v6, v7  }
0x165: {  	v60 =	vperm.xlane v7, v1;
	_ =	sdelay $0x1  }
0x166: {  	v7 =	vmax.f32 v7, v60  }
0x167: {  	v8 =	vperm.xlane v7, v2;
	_ =	sdelay $0x1  }
0x168: {  	v7 =	vmax.f32 v7, v8  }
0x169: {  	v8 =	vperm.xlane v7, v3;
	_ =	sdelay $0x1  }
0x16a: {  	v7 =	vmax.f32 v7, v8  }
0x16b: {  	vm12 =	vge.f32 v6, v7  }
0x16c: {  	v6 =	vnsel vm12, $0x10, v4  }
0x16d: {  	v7 =	vperm.xlane v6, v0;
	_ =	sdelay $0x1  }
0x16e: {  	vm0 =	vlt.s32 v6, v7  }
0x16f: {  	v6 =	vsel vm0, v6, v7  }
0x170: {  	v7 =	vperm.xlane v6, v1;
	_ =	sdelay $0x1  }
0x171: {  	vm0 =	vlt.s32 v6, v7  }
0x172: {  	v6 =	vsel vm0, v6, v7  }
0x173: {  	v7 =	vperm.xlane v6, v2;
	_ =	sdelay $0x1  }
0x174: {  	vm0 =	vlt.s32 v6, v7  }
0x175: {  	v6 =	vsel vm0, v6, v7  }
0x176: {  	v7 =	vperm.xlane v6, v3;
	_ =	sdelay $0x1  }
0x177: {  	vm0 =	vlt.s32 v6, v7  }
0x178: {  	v6 =	vsel vm0, v6, v7  }
0x179: {  	vm0 =	veq.s32 v6, v4  }
0x17a: {  	v5 =	vnsel vm0, $0x0, v5  }
0x17b: {  	[tilespmem:s23+$0x40] =	vst v5  }
0x17c: {  	v5 =	vld [tilespmem:s30+$0x50];
	_ =	sdelay $0x4  }
0x17d: {  	v6 =	vand.u32 $0x7FFFFFFF, v5  }
0x17e: {  	v7 =	vperm.xlane v6, v0;
	_ =	sdelay $0x1  }
0x17f: {  	v7 =	vmax.f32 v6, v7  }
0x180: {  	v61 =	vperm.xlane v7, v1;
	_ =	sdelay $0x1  }
0x181: {  	v7 =	vmax.f32 v7, v61  }
0x182: {  	v8 =	vperm.xlane v7, v2;
	_ =	sdelay $0x1  }
0x183: {  	v7 =	vmax.f32 v7, v8  }
0x184: {  	v8 =	vperm.xlane v7, v3;
	_ =	sdelay $0x1  }
0x185: {  	v7 =	vmax.f32 v7, v8  }
0x186: {  	vm13 =	vge.f32 v6, v7  }
0x187: {  	v6 =	vnsel vm13, $0x10, v4  }
0x188: {  	v7 =	vperm.xlane v6, v0;
	_ =	sdelay $0x1  }
0x189: {  	vm0 =	vlt.s32 v6, v7  }
0x18a: {  	v6 =	vsel vm0, v6, v7  }
0x18b: {  	v7 =	vperm.xlane v6, v1;
	_ =	sdelay $0x1  }
0x18c: {  	vm0 =	vlt.s32 v6, v7  }
0x18d: {  	v6 =	vsel vm0, v6, v7  }
0x18e: {  	v7 =	vperm.xlane v6, v2;
	_ =	sdelay $0x1  }
0x18f: {  	vm0 =	vlt.s32 v6, v7  }
0x190: {  	v6 =	vsel vm0, v6, v7  }
0x191: {  	v7 =	vperm.xlane v6, v3;
	_ =	sdelay $0x1  }
0x192: {  	vm0 =	vlt.s32 v6, v7  }
0x193: {  	v6 =	vsel vm0, v6, v7  }
0x194: {  	vm0 =	veq.s32 v6, v4  }
0x195: {  	v5 =	vnsel vm0, $0x0, v5  }
0x196: {  	[tilespmem:s23+$0x50] =	vst v5  }
0x197: {  	v5 =	vld [tilespmem:s30+$0x60];
	_ =	sdelay $0x4  }
0x198: {  	v6 =	vand.u32 $0x7FFFFFFF, v5  }
0x199: {  	v7 =	vperm.xlane v6, v0;
	_ =	sdelay $0x1  }
0x19a: {  	v7 =	vmax.f32 v6, v7  }
0x19b: {  	v62 =	vperm.xlane v7, v1;
	_ =	sdelay $0x1  }
0x19c: {  	v7 =	vmax.f32 v7, v62  }
0x19d: {  	v8 =	vperm.xlane v7, v2;
	_ =	sdelay $0x1  }
0x19e: {  	v7 =	vmax.f32 v7, v8  }
0x19f: {  	v8 =	vperm.xlane v7, v3;
	_ =	sdelay $0x1  }
0x1a0: {  	v7 =	vmax.f32 v7, v8  }
0x1a1: {  	vm14 =	vge.f32 v6, v7  }
0x1a2: {  	v6 =	vnsel vm14, $0x10, v4  }
0x1a3: {  	v7 =	vperm.xlane v6, v0;
	_ =	sdelay $0x1  }
0x1a4: {  	vm0 =	vlt.s32 v6, v7  }
0x1a5: {  	v6 =	vsel vm0, v6, v7  }
0x1a6: {  	v7 =	vperm.xlane v6, v1;
	_ =	sdelay $0x1  }
0x1a7: {  	vm0 =	vlt.s32 v6, v7  }
0x1a8: {  	v6 =	vsel vm0, v6, v7  }
0x1a9: {  	v7 =	vperm.xlane v6, v2;
	_ =	sdelay $0x1  }
0x1aa: {  	vm0 =	vlt.s32 v6, v7  }
0x1ab: {  	v6 =	vsel vm0, v6, v7  }
0x1ac: {  	v7 =	vperm.xlane v6, v3;
	_ =	sdelay $0x1  }
0x1ad: {  	vm0 =	vlt.s32 v6, v7  }
0x1ae: {  	v6 =	vsel vm0, v6, v7  }
0x1af: {  	vm0 =	veq.s32 v6, v4  }
0x1b0: {  	v5 =	vnsel vm0, $0x0, v5  }
0x1b1: {  	[tilespmem:s23+$0x60] =	vst v5  }
0x1b2: {  	v5 =	vld [tilespmem:s30+$0x70];
	_ =	sdelay $0x4  }
0x1b3: {  	v6 =	vand.u32 $0x7FFFFFFF, v5  }
0x1b4: {  	v7 =	vperm.xlane v6, v0;
	_ =	sdelay $0x1  }
0x1b5: {  	v7 =	vmax.f32 v6, v7  }
0x1b6: {  	v63 =	vperm.xlane v7, v1;
	_ =	sdelay $0x1  }
0x1b7: {  	v7 =	vmax.f32 v7, v63  }
0x1b8: {  	v8 =	vperm.xlane v7, v2;
	_ =	sdelay $0x1  }
0x1b9: {  	v7 =	vmax.f32 v7, v8  }
0x1ba: {  	v8 =	vperm.xlane v7, v3;
	_ =	sdelay $0x1  }
0x1bb: {  	v7 =	vmax.f32 v7, v8  }
0x1bc: {  	vm15 =	vge.f32 v6, v7  }
0x1bd: {  	v6 =	vnsel vm15, $0x10, v4  }
0x1be: {  	v7 =	vperm.xlane v6, v0;
	_ =	sdelay $0x1  }
0x1bf: {  	vm0 =	vlt.s32 v6, v7  }
0x1c0: {  	v6 =	vsel vm0, v6, v7  }
0x1c1: {  	v7 =	vperm.xlane v6, v1;
	_ =	sdelay $0x1  }
0x1c2: {  	vm0 =	vlt.s32 v6, v7  }
0x1c3: {  	v6 =	vsel vm0, v6, v7  }
0x1c4: {  	v7 =	vperm.xlane v6, v2;
	_ =	sdelay $0x1  }
0x1c5: {  	vm0 =	vlt.s32 v6, v7  }
0x1c6: {  	v6 =	vsel vm0, v6, v7  }
0x1c7: {  	v7 =	vperm.xlane v6, v3;
	_ =	sdelay $0x1  }
0x1c8: {  	vm0 =	vlt.s32 v6, v7  }
0x1c9: {  	s31 =	sadd.s32 s5, s21;
	v6 =	vsel vm0, v6, v7  }
0x1ca: {  	s25 =	sshll.u32 s21, $0x4;
	s22 =	sshll.u32 s31, $0xC;
	vm0 =	veq.s32 v6, v4  }
0x1cb: {  	s24 =	sshll.u32 s21, $0x1;
	s25 =	sand.u32 $0x70, s25;
	s22 =	sand.u32 $0x3F8000, s22;
	v5 =	vnsel vm0, $0x0, v5  }
0x1cc: {  	s26 =	simm.s32 $0x180;
	s22 =	sor.u32 s25, s22;
	s25 =	simm.s32 $0x0;
	[tilespmem:s23+$0x70] =	vst v5  }
.LBB2_3:
0x1cd: {  	v5 =	vld [tilespmem:s26+$0xFFFFFF80];
	s25 =	sadd.s32 $0x10, s25  }
0x1ce: {  	p1 =	slt.u32 s25, $0x3F0;
	_ =	sdelay $0x3  }
0x1cf: {  	v6 =	vand.u32 $0x7FFFFFFF, v5  }
0x1d0: {  	v7 =	vperm.xlane v6, v0;
	_ =	sdelay $0x1  }
0x1d1: {  	v7 =	vmax.f32 v6, v7  }
0x1d2: {  	v8 =	vperm.xlane v7, v1;
	_ =	sdelay $0x1  }
0x1d3: {  	v7 =	vmax.f32 v7, v8  }
0x1d4: {  	v8 =	vperm.xlane v7, v2;
	_ =	sdelay $0x1  }
0x1d5: {  	v7 =	vmax.f32 v7, v8  }
0x1d6: {  	v8 =	vperm.xlane v7, v3;
	_ =	sdelay $0x1  }
0x1d7: {  	v7 =	vmax.f32 v7, v8  }
0x1d8: {  	vm0 =	vge.f32 v6, v7  }
0x1d9: {  	v6 =	vnsel vm0, $0x10, v4  }
0x1da: {  	v7 =	vperm.xlane v6, v0;
	_ =	sdelay $0x1  }
0x1db: {  	vm0 =	vlt.s32 v6, v7  }
0x1dc: {  	v6 =	vsel vm0, v6, v7  }
0x1dd: {  	v7 =	vperm.xlane v6, v1;
	_ =	sdelay $0x1  }
0x1de: {  	vm0 =	vlt.s32 v6, v7  }
0x1df: {  	v6 =	vsel vm0, v6, v7  }
0x1e0: {  	v7 =	vperm.xlane v6, v2;
	_ =	sdelay $0x1  }
0x1e1: {  	vm0 =	vlt.s32 v6, v7  }
0x1e2: {  	v6 =	vsel vm0, v6, v7  }
0x1e3: {  	v7 =	vperm.xlane v6, v3;
	_ =	sdelay $0x1  }
0x1e4: {  	vm0 =	vlt.s32 v6, v7  }
0x1e5: {  	v6 =	vsel vm0, v6, v7  }
0x1e6: {  	vm0 =	veq.s32 v6, v4  }
0x1e7: {  	s23 =	sadd.s32 $0x100, s23;
	v5 =	vnsel vm0, $0x0, v5  }
0x1e8: {  	[tilespmem:s23+$0xFFFFFF80] =	vst v5  }
0x1e9: {  	v5 =	vld [tilespmem:s26+$0xFFFFFF90];
	_ =	sdelay $0x4  }
0x1ea: {  	v6 =	vand.u32 $0x7FFFFFFF, v5  }
0x1eb: {  	v7 =	vperm.xlane v6, v0;
	_ =	sdelay $0x1  }
0x1ec: {  	v7 =	vmax.f32 v6, v7  }
0x1ed: {  	v8 =	vperm.xlane v7, v1;
	_ =	sdelay $0x1  }
0x1ee: {  	v7 =	vmax.f32 v7, v8  }
0x1ef: {  	v8 =	vperm.xlane v7, v2;
	_ =	sdelay $0x1  }
0x1f0: {  	v7 =	vmax.f32 v7, v8  }
0x1f1: {  	v8 =	vperm.xlane v7, v3;
	_ =	sdelay $0x1  }
0x1f2: {  	v7 =	vmax.f32 v7, v8  }
0x1f3: {  	vm0 =	vge.f32 v6, v7  }
0x1f4: {  	v6 =	vnsel vm0, $0x10, v4  }
0x1f5: {  	v7 =	vperm.xlane v6, v0;
	_ =	sdelay $0x1  }
0x1f6: {  	vm0 =	vlt.s32 v6, v7  }
0x1f7: {  	v6 =	vsel vm0, v6, v7  }
0x1f8: {  	v7 =	vperm.xlane v6, v1;
	_ =	sdelay $0x1  }
0x1f9: {  	vm0 =	vlt.s32 v6, v7  }
0x1fa: {  	v6 =	vsel vm0, v6, v7  }
0x1fb: {  	v7 =	vperm.xlane v6, v2;
	_ =	sdelay $0x1  }
0x1fc: {  	vm0 =	vlt.s32 v6, v7  }
0x1fd: {  	v6 =	vsel vm0, v6, v7  }
0x1fe: {  	v7 =	vperm.xlane v6, v3;
	_ =	sdelay $0x1  }
0x1ff: {  	vm0 =	vlt.s32 v6, v7  }
0x200: {  	v6 =	vsel vm0, v6, v7  }
0x201: {  	vm0 =	veq.s32 v6, v4  }
0x202: {  	v5 =	vnsel vm0, $0x0, v5  }
0x203: {  	[tilespmem:s23+$0xFFFFFF90] =	vst v5  }
0x204: {  	v5 =	vld [tilespmem:s26+$0xFFFFFFA0];
	_ =	sdelay $0x4  }
0x205: {  	v6 =	vand.u32 $0x7FFFFFFF, v5  }
0x206: {  	v7 =	vperm.xlane v6, v0;
	_ =	sdelay $0x1  }
0x207: {  	v7 =	vmax.f32 v6, v7  }
0x208: {  	v8 =	vperm.xlane v7, v1;
	_ =	sdelay $0x1  }
0x209: {  	v7 =	vmax.f32 v7, v8  }
0x20a: {  	v8 =	vperm.xlane v7, v2;
	_ =	sdelay $0x1  }
0x20b: {  	v7 =	vmax.f32 v7, v8  }
0x20c: {  	v8 =	vperm.xlane v7, v3;
	_ =	sdelay $0x1  }
0x20d: {  	v7 =	vmax.f32 v7, v8  }
0x20e: {  	vm0 =	vge.f32 v6, v7  }
0x20f: {  	v6 =	vnsel vm0, $0x10, v4  }
0x210: {  	v7 =	vperm.xlane v6, v0;
	_ =	sdelay $0x1  }
0x211: {  	vm0 =	vlt.s32 v6, v7  }
0x212: {  	v6 =	vsel vm0, v6, v7  }
0x213: {  	v7 =	vperm.xlane v6, v1;
	_ =	sdelay $0x1  }
0x214: {  	vm0 =	vlt.s32 v6, v7  }
0x215: {  	v6 =	vsel vm0, v6, v7  }
0x216: {  	v7 =	vperm.xlane v6, v2;
	_ =	sdelay $0x1  }
0x217: {  	vm0 =	vlt.s32 v6, v7  }
0x218: {  	v6 =	vsel vm0, v6, v7  }
0x219: {  	v7 =	vperm.xlane v6, v3;
	_ =	sdelay $0x1  }
0x21a: {  	vm0 =	vlt.s32 v6, v7  }
0x21b: {  	v6 =	vsel vm0, v6, v7  }
0x21c: {  	vm0 =	veq.s32 v6, v4  }
0x21d: {  	v5 =	vnsel vm0, $0x0, v5  }
0x21e: {  	[tilespmem:s23+$0xFFFFFFA0] =	vst v5  }
0x21f: {  	v5 =	vld [tilespmem:s26+$0xFFFFFFB0];
	_ =	sdelay $0x4  }
0x220: {  	v6 =	vand.u32 $0x7FFFFFFF, v5  }
0x221: {  	v7 =	vperm.xlane v6, v0;
	_ =	sdelay $0x1  }
0x222: {  	v7 =	vmax.f32 v6, v7  }
0x223: {  	v8 =	vperm.xlane v7, v1;
	_ =	sdelay $0x1  }
0x224: {  	v7 =	vmax.f32 v7, v8  }
0x225: {  	v8 =	vperm.xlane v7, v2;
	_ =	sdelay $0x1  }
0x226: {  	v7 =	vmax.f32 v7, v8  }
0x227: {  	v8 =	vperm.xlane v7, v3;
	_ =	sdelay $0x1  }
0x228: {  	v7 =	vmax.f32 v7, v8  }
0x229: {  	vm0 =	vge.f32 v6, v7  }
0x22a: {  	v6 =	vnsel vm0, $0x10, v4  }
0x22b: {  	v7 =	vperm.xlane v6, v0;
	_ =	sdelay $0x1  }
0x22c: {  	vm0 =	vlt.s32 v6, v7  }
0x22d: {  	v6 =	vsel vm0, v6, v7  }
0x22e: {  	v7 =	vperm.xlane v6, v1;
	_ =	sdelay $0x1  }
0x22f: {  	vm0 =	vlt.s32 v6, v7  }
0x230: {  	v6 =	vsel vm0, v6, v7  }
0x231: {  	v7 =	vperm.xlane v6, v2;
	_ =	sdelay $0x1  }
0x232: {  	vm0 =	vlt.s32 v6, v7  }
0x233: {  	v6 =	vsel vm0, v6, v7  }
0x234: {  	v7 =	vperm.xlane v6, v3;
	_ =	sdelay $0x1  }
0x235: {  	vm0 =	vlt.s32 v6, v7  }
0x236: {  	v6 =	vsel vm0, v6, v7  }
0x237: {  	vm0 =	veq.s32 v6, v4  }
0x238: {  	v5 =	vnsel vm0, $0x0, v5  }
0x239: {  	[tilespmem:s23+$0xFFFFFFB0] =	vst v5  }
0x23a: {  	v5 =	vld [tilespmem:s26+$0xFFFFFFC0];
	_ =	sdelay $0x4  }
0x23b: {  	v6 =	vand.u32 $0x7FFFFFFF, v5  }
0x23c: {  	v7 =	vperm.xlane v6, v0;
	_ =	sdelay $0x1  }
0x23d: {  	v7 =	vmax.f32 v6, v7  }
0x23e: {  	v8 =	vperm.xlane v7, v1;
	_ =	sdelay $0x1  }
0x23f: {  	v7 =	vmax.f32 v7, v8  }
0x240: {  	v8 =	vperm.xlane v7, v2;
	_ =	sdelay $0x1  }
0x241: {  	v7 =	vmax.f32 v7, v8  }
0x242: {  	v8 =	vperm.xlane v7, v3;
	_ =	sdelay $0x1  }
0x243: {  	v7 =	vmax.f32 v7, v8  }
0x244: {  	vm0 =	vge.f32 v6, v7  }
0x245: {  	v6 =	vnsel vm0, $0x10, v4  }
0x246: {  	v7 =	vperm.xlane v6, v0;
	_ =	sdelay $0x1  }
0x247: {  	vm0 =	vlt.s32 v6, v7  }
0x248: {  	v6 =	vsel vm0, v6, v7  }
0x249: {  	v7 =	vperm.xlane v6, v1;
	_ =	sdelay $0x1  }
0x24a: {  	vm0 =	vlt.s32 v6, v7  }
0x24b: {  	v6 =	vsel vm0, v6, v7  }
0x24c: {  	v7 =	vperm.xlane v6, v2;
	_ =	sdelay $0x1  }
0x24d: {  	vm0 =	vlt.s32 v6, v7  }
0x24e: {  	v6 =	vsel vm0, v6, v7  }
0x24f: {  	v7 =	vperm.xlane v6, v3;
	_ =	sdelay $0x1  }
0x250: {  	vm0 =	vlt.s32 v6, v7  }
0x251: {  	v6 =	vsel vm0, v6, v7  }
0x252: {  	vm0 =	veq.s32 v6, v4  }
0x253: {  	v5 =	vnsel vm0, $0x0, v5  }
0x254: {  	[tilespmem:s23+$0xFFFFFFC0] =	vst v5  }
0x255: {  	v5 =	vld [tilespmem:s26+$0xFFFFFFD0];
	_ =	sdelay $0x4  }
0x256: {  	v6 =	vand.u32 $0x7FFFFFFF, v5  }
0x257: {  	v7 =	vperm.xlane v6, v0;
	_ =	sdelay $0x1  }
0x258: {  	v7 =	vmax.f32 v6, v7  }
0x259: {  	v8 =	vperm.xlane v7, v1;
	_ =	sdelay $0x1  }
0x25a: {  	v7 =	vmax.f32 v7, v8  }
0x25b: {  	v8 =	vperm.xlane v7, v2;
	_ =	sdelay $0x1  }
0x25c: {  	v7 =	vmax.f32 v7, v8  }
0x25d: {  	v8 =	vperm.xlane v7, v3;
	_ =	sdelay $0x1  }
0x25e: {  	v7 =	vmax.f32 v7, v8  }
0x25f: {  	vm0 =	vge.f32 v6, v7  }
0x260: {  	v6 =	vnsel vm0, $0x10, v4  }
0x261: {  	v7 =	vperm.xlane v6, v0;
	_ =	sdelay $0x1  }
0x262: {  	vm0 =	vlt.s32 v6, v7  }
0x263: {  	v6 =	vsel vm0, v6, v7  }
0x264: {  	v7 =	vperm.xlane v6, v1;
	_ =	sdelay $0x1  }
0x265: {  	vm0 =	vlt.s32 v6, v7  }
0x266: {  	v6 =	vsel vm0, v6, v7  }
0x267: {  	v7 =	vperm.xlane v6, v2;
	_ =	sdelay $0x1  }
0x268: {  	vm0 =	vlt.s32 v6, v7  }
0x269: {  	v6 =	vsel vm0, v6, v7  }
0x26a: {  	v7 =	vperm.xlane v6, v3;
	_ =	sdelay $0x1  }
0x26b: {  	vm0 =	vlt.s32 v6, v7  }
0x26c: {  	v6 =	vsel vm0, v6, v7  }
0x26d: {  	vm0 =	veq.s32 v6, v4  }
0x26e: {  	v5 =	vnsel vm0, $0x0, v5  }
0x26f: {  	[tilespmem:s23+$0xFFFFFFD0] =	vst v5  }
0x270: {  	v5 =	vld [tilespmem:s26+$0xFFFFFFE0];
	_ =	sdelay $0x4  }
0x271: {  	v6 =	vand.u32 $0x7FFFFFFF, v5  }
0x272: {  	v7 =	vperm.xlane v6, v0;
	_ =	sdelay $0x1  }
0x273: {  	v7 =	vmax.f32 v6, v7  }
0x274: {  	v8 =	vperm.xlane v7, v1;
	_ =	sdelay $0x1  }
0x275: {  	v7 =	vmax.f32 v7, v8  }
0x276: {  	v8 =	vperm.xlane v7, v2;
	_ =	sdelay $0x1  }
0x277: {  	v7 =	vmax.f32 v7, v8  }
0x278: {  	v8 =	vperm.xlane v7, v3;
	_ =	sdelay $0x1  }
0x279: {  	v7 =	vmax.f32 v7, v8  }
0x27a: {  	vm0 =	vge.f32 v6, v7  }
0x27b: {  	v6 =	vnsel vm0, $0x10, v4  }
0x27c: {  	v7 =	vperm.xlane v6, v0;
	_ =	sdelay $0x1  }
0x27d: {  	vm0 =	vlt.s32 v6, v7  }
0x27e: {  	v6 =	vsel vm0, v6, v7  }
0x27f: {  	v7 =	vperm.xlane v6, v1;
	_ =	sdelay $0x1  }
0x280: {  	vm0 =	vlt.s32 v6, v7  }
0x281: {  	v6 =	vsel vm0, v6, v7  }
0x282: {  	v7 =	vperm.xlane v6, v2;
	_ =	sdelay $0x1  }
0x283: {  	vm0 =	vlt.s32 v6, v7  }
0x284: {  	v6 =	vsel vm0, v6, v7  }
0x285: {  	v7 =	vperm.xlane v6, v3;
	_ =	sdelay $0x1  }
0x286: {  	vm0 =	vlt.s32 v6, v7  }
0x287: {  	v6 =	vsel vm0, v6, v7  }
0x288: {  	vm0 =	veq.s32 v6, v4  }
0x289: {  	v5 =	vnsel vm0, $0x0, v5  }
0x28a: {  	[tilespmem:s23+$0xFFFFFFE0] =	vst v5  }
0x28b: {  	v5 =	vld [tilespmem:s26+$0xFFFFFFF0];
	_ =	sdelay $0x4  }
0x28c: {  	v6 =	vand.u32 $0x7FFFFFFF, v5  }
0x28d: {  	v7 =	vperm.xlane v6, v0;
	_ =	sdelay $0x1  }
0x28e: {  	v7 =	vmax.f32 v6, v7  }
0x28f: {  	v8 =	vperm.xlane v7, v1;
	_ =	sdelay $0x1  }
0x290: {  	v7 =	vmax.f32 v7, v8  }
0x291: {  	v8 =	vperm.xlane v7, v2;
	_ =	sdelay $0x1  }
0x292: {  	v7 =	vmax.f32 v7, v8  }
0x293: {  	v8 =	vperm.xlane v7, v3;
	_ =	sdelay $0x1  }
0x294: {  	v7 =	vmax.f32 v7, v8  }
0x295: {  	vm0 =	vge.f32 v6, v7  }
0x296: {  	v6 =	vnsel vm0, $0x10, v4  }
0x297: {  	v7 =	vperm.xlane v6, v0;
	_ =	sdelay $0x1  }
0x298: {  	vm0 =	vlt.s32 v6, v7  }
0x299: {  	v6 =	vsel vm0, v6, v7  }
0x29a: {  	v7 =	vperm.xlane v6, v1;
	_ =	sdelay $0x1  }
0x29b: {  	vm0 =	vlt.s32 v6, v7  }
0x29c: {  	v6 =	vsel vm0, v6, v7  }
0x29d: {  	v7 =	vperm.xlane v6, v2;
	_ =	sdelay $0x1  }
0x29e: {  	vm0 =	vlt.s32 v6, v7  }
0x29f: {  	v6 =	vsel vm0, v6, v7  }
0x2a0: {  	v7 =	vperm.xlane v6, v3;
	_ =	sdelay $0x1  }
0x2a1: {  	vm0 =	vlt.s32 v6, v7  }
0x2a2: {  	v6 =	vsel vm0, v6, v7  }
0x2a3: {  	vm0 =	veq.s32 v6, v4  }
0x2a4: {  	v5 =	vnsel vm0, $0x0, v5  }
0x2a5: {  	[tilespmem:s23+$0xFFFFFFF0] =	vst v5  }
0x2a6: {  	v5 =	vld [tilespmem:s26+$0x0];
	_ =	sdelay $0x4  }
0x2a7: {  	v6 =	vand.u32 $0x7FFFFFFF, v5  }
0x2a8: {  	v7 =	vperm.xlane v6, v0;
	_ =	sdelay $0x1  }
0x2a9: {  	v7 =	vmax.f32 v6, v7  }
0x2aa: {  	v8 =	vperm.xlane v7, v1;
	_ =	sdelay $0x1  }
0x2ab: {  	v7 =	vmax.f32 v7, v8  }
0x2ac: {  	v8 =	vperm.xlane v7, v2;
	_ =	sdelay $0x1  }
0x2ad: {  	v7 =	vmax.f32 v7, v8  }
0x2ae: {  	v8 =	vperm.xlane v7, v3;
	_ =	sdelay $0x1  }
0x2af: {  	v7 =	vmax.f32 v7, v8  }
0x2b0: {  	vm0 =	vge.f32 v6, v7  }
0x2b1: {  	v6 =	vnsel vm0, $0x10, v4  }
0x2b2: {  	v7 =	vperm.xlane v6, v0;
	_ =	sdelay $0x1  }
0x2b3: {  	vm0 =	vlt.s32 v6, v7  }
0x2b4: {  	v6 =	vsel vm0, v6, v7  }
0x2b5: {  	v7 =	vperm.xlane v6, v1;
	_ =	sdelay $0x1  }
0x2b6: {  	vm0 =	vlt.s32 v6, v7  }
0x2b7: {  	v6 =	vsel vm0, v6, v7  }
0x2b8: {  	v7 =	vperm.xlane v6, v2;
	_ =	sdelay $0x1  }
0x2b9: {  	vm0 =	vlt.s32 v6, v7  }
0x2ba: {  	v6 =	vsel vm0, v6, v7  }
0x2bb: {  	v7 =	vperm.xlane v6, v3;
	_ =	sdelay $0x1  }
0x2bc: {  	vm0 =	vlt.s32 v6, v7  }
0x2bd: {  	v6 =	vsel vm0, v6, v7  }
0x2be: {  	vm0 =	veq.s32 v6, v4  }
0x2bf: {  	v5 =	vnsel vm0, $0x0, v5  }
0x2c0: {  	[tilespmem:s23+$0x0] =	vst v5  }
0x2c1: {  	v5 =	vld [tilespmem:s26+$0x10];
	_ =	sdelay $0x4  }
0x2c2: {  	v6 =	vand.u32 $0x7FFFFFFF, v5  }
0x2c3: {  	v7 =	vperm.xlane v6, v0;
	_ =	sdelay $0x1  }
0x2c4: {  	v7 =	vmax.f32 v6, v7  }
0x2c5: {  	v8 =	vperm.xlane v7, v1;
	_ =	sdelay $0x1  }
0x2c6: {  	v7 =	vmax.f32 v7, v8  }
0x2c7: {  	v8 =	vperm.xlane v7, v2;
	_ =	sdelay $0x1  }
0x2c8: {  	v7 =	vmax.f32 v7, v8  }
0x2c9: {  	v8 =	vperm.xlane v7, v3;
	_ =	sdelay $0x1  }
0x2ca: {  	v7 =	vmax.f32 v7, v8  }
0x2cb: {  	vm0 =	vge.f32 v6, v7  }
0x2cc: {  	v6 =	vnsel vm0, $0x10, v4  }
0x2cd: {  	v7 =	vperm.xlane v6, v0;
	_ =	sdelay $0x1  }
0x2ce: {  	vm0 =	vlt.s32 v6, v7  }
0x2cf: {  	v6 =	vsel vm0, v6, v7  }
0x2d0: {  	v7 =	vperm.xlane v6, v1;
	_ =	sdelay $0x1  }
0x2d1: {  	vm0 =	vlt.s32 v6, v7  }
0x2d2: {  	v6 =	vsel vm0, v6, v7  }
0x2d3: {  	v7 =	vperm.xlane v6, v2;
	_ =	sdelay $0x1  }
0x2d4: {  	vm0 =	vlt.s32 v6, v7  }
0x2d5: {  	v6 =	vsel vm0, v6, v7  }
0x2d6: {  	v7 =	vperm.xlane v6, v3;
	_ =	sdelay $0x1  }
0x2d7: {  	vm0 =	vlt.s32 v6, v7  }
0x2d8: {  	v6 =	vsel vm0, v6, v7  }
0x2d9: {  	vm0 =	veq.s32 v6, v4  }
0x2da: {  	v5 =	vnsel vm0, $0x0, v5  }
0x2db: {  	[tilespmem:s23+$0x10] =	vst v5  }
0x2dc: {  	v5 =	vld [tilespmem:s26+$0x20];
	_ =	sdelay $0x4  }
0x2dd: {  	v6 =	vand.u32 $0x7FFFFFFF, v5  }
0x2de: {  	v7 =	vperm.xlane v6, v0;
	_ =	sdelay $0x1  }
0x2df: {  	v7 =	vmax.f32 v6, v7  }
0x2e0: {  	v8 =	vperm.xlane v7, v1;
	_ =	sdelay $0x1  }
0x2e1: {  	v7 =	vmax.f32 v7, v8  }
0x2e2: {  	v8 =	vperm.xlane v7, v2;
	_ =	sdelay $0x1  }
0x2e3: {  	v7 =	vmax.f32 v7, v8  }
0x2e4: {  	v8 =	vperm.xlane v7, v3;
	_ =	sdelay $0x1  }
0x2e5: {  	v7 =	vmax.f32 v7, v8  }
0x2e6: {  	vm0 =	vge.f32 v6, v7  }
0x2e7: {  	v6 =	vnsel vm0, $0x10, v4  }
0x2e8: {  	v7 =	vperm.xlane v6, v0;
	_ =	sdelay $0x1  }
0x2e9: {  	vm0 =	vlt.s32 v6, v7  }
0x2ea: {  	v6 =	vsel vm0, v6, v7  }
0x2eb: {  	v7 =	vperm.xlane v6, v1;
	_ =	sdelay $0x1  }
0x2ec: {  	vm0 =	vlt.s32 v6, v7  }
0x2ed: {  	v6 =	vsel vm0, v6, v7  }
0x2ee: {  	v7 =	vperm.xlane v6, v2;
	_ =	sdelay $0x1  }
0x2ef: {  	vm0 =	vlt.s32 v6, v7  }
0x2f0: {  	v6 =	vsel vm0, v6, v7  }
0x2f1: {  	v7 =	vperm.xlane v6, v3;
	_ =	sdelay $0x1  }
0x2f2: {  	vm0 =	vlt.s32 v6, v7  }
0x2f3: {  	v6 =	vsel vm0, v6, v7  }
0x2f4: {  	vm0 =	veq.s32 v6, v4  }
0x2f5: {  	v5 =	vnsel vm0, $0x0, v5  }
0x2f6: {  	[tilespmem:s23+$0x20] =	vst v5  }
0x2f7: {  	v5 =	vld [tilespmem:s26+$0x30];
	_ =	sdelay $0x4  }
0x2f8: {  	v6 =	vand.u32 $0x7FFFFFFF, v5  }
0x2f9: {  	v7 =	vperm.xlane v6, v0;
	_ =	sdelay $0x1  }
0x2fa: {  	v7 =	vmax.f32 v6, v7  }
0x2fb: {  	v8 =	vperm.xlane v7, v1;
	_ =	sdelay $0x1  }
0x2fc: {  	v7 =	vmax.f32 v7, v8  }
0x2fd: {  	v8 =	vperm.xlane v7, v2;
	_ =	sdelay $0x1  }
0x2fe: {  	v7 =	vmax.f32 v7, v8  }
0x2ff: {  	v8 =	vperm.xlane v7, v3;
	_ =	sdelay $0x1  }
0x300: {  	v7 =	vmax.f32 v7, v8  }
0x301: {  	vm0 =	vge.f32 v6, v7  }
0x302: {  	v6 =	vnsel vm0, $0x10, v4  }
0x303: {  	v7 =	vperm.xlane v6, v0;
	_ =	sdelay $0x1  }
0x304: {  	vm0 =	vlt.s32 v6, v7  }
0x305: {  	v6 =	vsel vm0, v6, v7  }
0x306: {  	v7 =	vperm.xlane v6, v1;
	_ =	sdelay $0x1  }
0x307: {  	vm0 =	vlt.s32 v6, v7  }
0x308: {  	v6 =	vsel vm0, v6, v7  }
0x309: {  	v7 =	vperm.xlane v6, v2;
	_ =	sdelay $0x1  }
0x30a: {  	vm0 =	vlt.s32 v6, v7  }
0x30b: {  	v6 =	vsel vm0, v6, v7  }
0x30c: {  	v7 =	vperm.xlane v6, v3;
	_ =	sdelay $0x1  }
0x30d: {  	vm0 =	vlt.s32 v6, v7  }
0x30e: {  	v6 =	vsel vm0, v6, v7  }
0x30f: {  	vm0 =	veq.s32 v6, v4  }
0x310: {  	v5 =	vnsel vm0, $0x0, v5  }
0x311: {  	[tilespmem:s23+$0x30] =	vst v5  }
0x312: {  	v5 =	vld [tilespmem:s26+$0x40];
	_ =	sdelay $0x4  }
0x313: {  	v6 =	vand.u32 $0x7FFFFFFF, v5  }
0x314: {  	v7 =	vperm.xlane v6, v0;
	_ =	sdelay $0x1  }
0x315: {  	v7 =	vmax.f32 v6, v7  }
0x316: {  	v8 =	vperm.xlane v7, v1;
	_ =	sdelay $0x1  }
0x317: {  	v7 =	vmax.f32 v7, v8  }
0x318: {  	v8 =	vperm.xlane v7, v2;
	_ =	sdelay $0x1  }
0x319: {  	v7 =	vmax.f32 v7, v8  }
0x31a: {  	v8 =	vperm.xlane v7, v3;
	_ =	sdelay $0x1  }
0x31b: {  	v7 =	vmax.f32 v7, v8  }
0x31c: {  	vm0 =	vge.f32 v6, v7  }
0x31d: {  	v6 =	vnsel vm0, $0x10, v4  }
0x31e: {  	v7 =	vperm.xlane v6, v0;
	_ =	sdelay $0x1  }
0x31f: {  	vm0 =	vlt.s32 v6, v7  }
0x320: {  	v6 =	vsel vm0, v6, v7  }
0x321: {  	v7 =	vperm.xlane v6, v1;
	_ =	sdelay $0x1  }
0x322: {  	vm0 =	vlt.s32 v6, v7  }
0x323: {  	v6 =	vsel vm0, v6, v7  }
0x324: {  	v7 =	vperm.xlane v6, v2;
	_ =	sdelay $0x1  }
0x325: {  	vm0 =	vlt.s32 v6, v7  }
0x326: {  	v6 =	vsel vm0, v6, v7  }
0x327: {  	v7 =	vperm.xlane v6, v3;
	_ =	sdelay $0x1  }
0x328: {  	vm0 =	vlt.s32 v6, v7  }
0x329: {  	v6 =	vsel vm0, v6, v7  }
0x32a: {  	vm0 =	veq.s32 v6, v4  }
0x32b: {  	v5 =	vnsel vm0, $0x0, v5  }
0x32c: {  	[tilespmem:s23+$0x40] =	vst v5  }
0x32d: {  	v5 =	vld [tilespmem:s26+$0x50];
	_ =	sdelay $0x4  }
0x32e: {  	v6 =	vand.u32 $0x7FFFFFFF, v5  }
0x32f: {  	v7 =	vperm.xlane v6, v0;
	_ =	sdelay $0x1  }
0x330: {  	v7 =	vmax.f32 v6, v7  }
0x331: {  	v8 =	vperm.xlane v7, v1;
	_ =	sdelay $0x1  }
0x332: {  	v7 =	vmax.f32 v7, v8  }
0x333: {  	v8 =	vperm.xlane v7, v2;
	_ =	sdelay $0x1  }
0x334: {  	v7 =	vmax.f32 v7, v8  }
0x335: {  	v8 =	vperm.xlane v7, v3;
	_ =	sdelay $0x1  }
0x336: {  	v7 =	vmax.f32 v7, v8  }
0x337: {  	vm0 =	vge.f32 v6, v7  }
0x338: {  	v6 =	vnsel vm0, $0x10, v4  }
0x339: {  	v7 =	vperm.xlane v6, v0;
	_ =	sdelay $0x1  }
0x33a: {  	vm0 =	vlt.s32 v6, v7  }
0x33b: {  	v6 =	vsel vm0, v6, v7  }
0x33c: {  	v7 =	vperm.xlane v6, v1;
	_ =	sdelay $0x1  }
0x33d: {  	vm0 =	vlt.s32 v6, v7  }
0x33e: {  	v6 =	vsel vm0, v6, v7  }
0x33f: {  	v7 =	vperm.xlane v6, v2;
	_ =	sdelay $0x1  }
0x340: {  	vm0 =	vlt.s32 v6, v7  }
0x341: {  	v6 =	vsel vm0, v6, v7  }
0x342: {  	v7 =	vperm.xlane v6, v3;
	_ =	sdelay $0x1  }
0x343: {  	vm0 =	vlt.s32 v6, v7  }
0x344: {  	v6 =	vsel vm0, v6, v7  }
0x345: {  	vm0 =	veq.s32 v6, v4  }
0x346: {  	v5 =	vnsel vm0, $0x0, v5  }
0x347: {  	[tilespmem:s23+$0x50] =	vst v5  }
0x348: {  	v5 =	vld [tilespmem:s26+$0x60];
	_ =	sdelay $0x4  }
0x349: {  	v6 =	vand.u32 $0x7FFFFFFF, v5  }
0x34a: {  	v7 =	vperm.xlane v6, v0;
	_ =	sdelay $0x1  }
0x34b: {  	v7 =	vmax.f32 v6, v7  }
0x34c: {  	v8 =	vperm.xlane v7, v1;
	_ =	sdelay $0x1  }
0x34d: {  	v7 =	vmax.f32 v7, v8  }
0x34e: {  	v8 =	vperm.xlane v7, v2;
	_ =	sdelay $0x1  }
0x34f: {  	v7 =	vmax.f32 v7, v8  }
0x350: {  	v8 =	vperm.xlane v7, v3;
	_ =	sdelay $0x1  }
0x351: {  	v7 =	vmax.f32 v7, v8  }
0x352: {  	vm0 =	vge.f32 v6, v7  }
0x353: {  	v6 =	vnsel vm0, $0x10, v4  }
0x354: {  	v7 =	vperm.xlane v6, v0;
	_ =	sdelay $0x1  }
0x355: {  	vm0 =	vlt.s32 v6, v7  }
0x356: {  	v6 =	vsel vm0, v6, v7  }
0x357: {  	v7 =	vperm.xlane v6, v1;
	_ =	sdelay $0x1  }
0x358: {  	vm0 =	vlt.s32 v6, v7  }
0x359: {  	v6 =	vsel vm0, v6, v7  }
0x35a: {  	v7 =	vperm.xlane v6, v2;
	_ =	sdelay $0x1  }
0x35b: {  	vm0 =	vlt.s32 v6, v7  }
0x35c: {  	v6 =	vsel vm0, v6, v7  }
0x35d: {  	v7 =	vperm.xlane v6, v3;
	_ =	sdelay $0x1  }
0x35e: {  	vm0 =	vlt.s32 v6, v7  }
0x35f: {  	v6 =	vsel vm0, v6, v7  }
0x360: {  	vm0 =	veq.s32 v6, v4  }
0x361: {  	v5 =	vnsel vm0, $0x0, v5  }
0x362: {  	[tilespmem:s23+$0x60] =	vst v5  }
0x363: {  	v5 =	vld [tilespmem:s26+$0x70];
	_ =	sdelay $0x4  }
0x364: {  	v6 =	vand.u32 $0x7FFFFFFF, v5  }
0x365: {  	v7 =	vperm.xlane v6, v0;
	_ =	sdelay $0x1  }
0x366: {  	v7 =	vmax.f32 v6, v7  }
0x367: {  	v8 =	vperm.xlane v7, v1;
	_ =	sdelay $0x1  }
0x368: {  	v7 =	vmax.f32 v7, v8  }
0x369: {  	v8 =	vperm.xlane v7, v2;
	_ =	sdelay $0x1  }
0x36a: {  	v7 =	vmax.f32 v7, v8  }
0x36b: {  	v8 =	vperm.xlane v7, v3;
	_ =	sdelay $0x1  }
0x36c: {  	v7 =	vmax.f32 v7, v8  }
0x36d: {  	vm0 =	vge.f32 v6, v7  }
0x36e: {  	v6 =	vnsel vm0, $0x10, v4  }
0x36f: {  	v7 =	vperm.xlane v6, v0;
	_ =	sdelay $0x1  }
0x370: {  	vm0 =	vlt.s32 v6, v7  }
0x371: {  	v6 =	vsel vm0, v6, v7  }
0x372: {  	v7 =	vperm.xlane v6, v1;
	_ =	sdelay $0x1  }
0x373: {  	vm0 =	vlt.s32 v6, v7  }
0x374: {  	v6 =	vsel vm0, v6, v7  }
0x375: {  	v7 =	vperm.xlane v6, v2;
	_ =	sdelay $0x1  }
0x376: {  	vm0 =	vlt.s32 v6, v7  }
0x377: {  	v6 =	vsel vm0, v6, v7  }
0x378: {  	v7 =	vperm.xlane v6, v3;
	_ =	sdelay $0x1  }
.Ltmp2:
0x379: {  	vm0 =	vlt.s32 v6, v7;
	(pc) =	sbr.rel @p1 .LBB2_3-.Ltmp2, $4  }
0x37a: {  	v6 =	vsel vm0, v6, v7  }
0x37b: {  	vm0 =	veq.s32 v6, v4  }
0x37c: {  	v5 =	vnsel vm0, $0x0, v5  }
0x37d: {  	s26 =	sadd.s32 $0x100, s26;
	[tilespmem:s23+$0x70] =	vst v5  }
0x37e: {  	p1 =	sne.s32 s21, $0x1F  }
.Ltmp3:
0x37f: {  	_ = 	snop;
	(pc) =	sbr.rel @p1 .LBB2_6-.Ltmp3, $3  }
0x380: {  	_ =	sdelay $0x1  }
0x381: {  	s23 =	sadd.s32 s2, s22  }
0x382: {  	[hbm4b:s23+s11] =	stream.strided.scatter [tilespmem:s15], [sflag:$0x3], $0x4000, s12, s11, $0x38;
	[tilespmem:$0x10000] =	vst v63  }
.Ltmp4:
0x383: {  	(pc) =	sbr.rel .LBB2_7-.Ltmp4, $4  }
0x384: {  	_ = 	snop  }
0x385: {  	_ =	swait.ge [sflag:s16], $0x4000  }
0x386: {  	[sflag:s16] =	ssyncset.done $0x0  }
0x387: {  	[sflag:s16] =	ssyncadd.s32 $0xFFFFC000  }
.LBB2_6:
0x388: {  	s23 =	sadd.s32 $0x2, s24  }
0x389: {  	s24 =	sshrl.u32 s23, $0x1  }
0x38a: {  	s23 =	sshll.u32 s23, $0x3;
	s24 =	sadd.s32 s5, s24  }
0x38b: {  	s23 =	sand.u32 $0x70, s23;
	s24 =	sshll.u32 s24, $0xC  }
0x38c: {  	s23 =	sadd.s32 s0, s23;
	s24 =	sand.u32 $0xFFF8000, s24  }
.Ltmp5:
0x38d: {  	s23 =	sadd.s32 s24, s23;
	(pc) =	sbr.rel @p0 .LBB2_8-.Ltmp5, $4  }
0x38e: {  	[tilespmem:s4], [sflag:$0x1] =	stream.strided.gather [hbm4b:s23+s11], $0x4000, s12, s11, $0x38;
	[tilespmem:$0x10000] =	vst v63  }
0x38f: {  	_ =	swait.ge [sflag:s16], $0x4000  }
0x390: {  	[sflag:s16] =	ssyncset.done $0x0  }
0x391: {  	[sflag:s16] =	ssyncadd.s32 $0xFFFFC000  }
.LBB2_7:
0x392: {  	_ =	swait.ge [sflag:s17], $0x4000  }
0x393: {  	[sflag:s17] =	ssyncset.done $0x0  }
0x394: {  	[sflag:s17] =	ssyncadd.s32 $0xFFFFC000  }
.LBB2_8:
0x395: {  	s24 =	simm.s32 $0x4080  }
0x396: {  	v5 =	vld [tilespmem:s24+$0xFFFFFF80];
	_ =	sdelay $0x4  }
0x397: {  	v6 =	vand.u32 $0x7FFFFFFF, v5  }
0x398: {  	v7 =	vperm.xlane v6, v0;
	_ =	sdelay $0x1  }
0x399: {  	v7 =	vmax.f32 v6, v7  }
0x39a: {  	v8 =	vperm.xlane v7, v1;
	_ =	sdelay $0x1  }
0x39b: {  	v7 =	vmax.f32 v7, v8  }
0x39c: {  	v8 =	vperm.xlane v7, v2;
	_ =	sdelay $0x1  }
0x39d: {  	v7 =	vmax.f32 v7, v8  }
0x39e: {  	v8 =	vperm.xlane v7, v3;
	_ =	sdelay $0x1  }
0x39f: {  	v7 =	vmax.f32 v7, v8  }
0x3a0: {  	vm0 =	vge.f32 v6, v7  }
0x3a1: {  	v6 =	vnsel vm0, $0x10, v4  }
0x3a2: {  	v7 =	vperm.xlane v6, v0;
	_ =	sdelay $0x1  }
0x3a3: {  	vm0 =	vlt.s32 v6, v7  }
0x3a4: {  	v6 =	vsel vm0, v6, v7  }
0x3a5: {  	v7 =	vperm.xlane v6, v1;
	_ =	sdelay $0x1  }
0x3a6: {  	vm0 =	vlt.s32 v6, v7  }
0x3a7: {  	v6 =	vsel vm0, v6, v7  }
0x3a8: {  	v7 =	vperm.xlane v6, v2;
	_ =	sdelay $0x1  }
0x3a9: {  	vm0 =	vlt.s32 v6, v7  }
0x3aa: {  	v6 =	vsel vm0, v6, v7  }
0x3ab: {  	v7 =	vperm.xlane v6, v3;
	_ =	sdelay $0x1  }
0x3ac: {  	vm0 =	vlt.s32 v6, v7  }
0x3ad: {  	v6 =	vsel vm0, v6, v7  }
0x3ae: {  	vm0 =	veq.s32 v6, v4  }
0x3af: {  	s23 =	simm.s32 $0xC080;
	v5 =	vnsel vm0, $0x0, v5  }
0x3b0: {  	[tilespmem:s23+$0xFFFFFF80] =	vst v5  }
0x3b1: {  	v5 =	vld [tilespmem:s24+$0xFFFFFF90];
	_ =	sdelay $0x4  }
0x3b2: {  	v6 =	vand.u32 $0x7FFFFFFF, v5  }
0x3b3: {  	v7 =	vperm.xlane v6, v0;
	_ =	sdelay $0x1  }
0x3b4: {  	v7 =	vmax.f32 v6, v7  }
0x3b5: {  	v49 =	vperm.xlane v7, v1;
	_ =	sdelay $0x1  }
0x3b6: {  	v7 =	vmax.f32 v7, v49  }
0x3b7: {  	v8 =	vperm.xlane v7, v2;
	_ =	sdelay $0x1  }
0x3b8: {  	v7 =	vmax.f32 v7, v8  }
0x3b9: {  	v8 =	vperm.xlane v7, v3;
	_ =	sdelay $0x1  }
0x3ba: {  	v7 =	vmax.f32 v7, v8  }
0x3bb: {  	vm13 =	vge.f32 v6, v7  }
0x3bc: {  	v6 =	vnsel vm13, $0x10, v4  }
0x3bd: {  	v7 =	vperm.xlane v6, v0;
	_ =	sdelay $0x1  }
0x3be: {  	vm0 =	vlt.s32 v6, v7  }
0x3bf: {  	v6 =	vsel vm0, v6, v7  }
0x3c0: {  	v7 =	vperm.xlane v6, v1;
	_ =	sdelay $0x1  }
0x3c1: {  	vm0 =	vlt.s32 v6, v7  }
0x3c2: {  	v6 =	vsel vm0, v6, v7  }
0x3c3: {  	v7 =	vperm.xlane v6, v2;
	_ =	sdelay $0x1  }
0x3c4: {  	vm0 =	vlt.s32 v6, v7  }
0x3c5: {  	v6 =	vsel vm0, v6, v7  }
0x3c6: {  	v7 =	vperm.xlane v6, v3;
	_ =	sdelay $0x1  }
0x3c7: {  	vm0 =	vlt.s32 v6, v7  }
0x3c8: {  	v6 =	vsel vm0, v6, v7  }
0x3c9: {  	vm0 =	veq.s32 v6, v4  }
0x3ca: {  	v5 =	vnsel vm0, $0x0, v5  }
0x3cb: {  	[tilespmem:s23+$0xFFFFFF90] =	vst v5  }
0x3cc: {  	v5 =	vld [tilespmem:s24+$0xFFFFFFA0];
	_ =	sdelay $0x4  }
0x3cd: {  	v6 =	vand.u32 $0x7FFFFFFF, v5  }
0x3ce: {  	v7 =	vperm.xlane v6, v0;
	_ =	sdelay $0x1  }
0x3cf: {  	v7 =	vmax.f32 v6, v7  }
0x3d0: {  	v50 =	vperm.xlane v7, v1;
	_ =	sdelay $0x1  }
0x3d1: {  	v7 =	vmax.f32 v7, v50  }
0x3d2: {  	v8 =	vperm.xlane v7, v2;
	_ =	sdelay $0x1  }
0x3d3: {  	v7 =	vmax.f32 v7, v8  }
0x3d4: {  	v8 =	vperm.xlane v7, v3;
	_ =	sdelay $0x1  }
0x3d5: {  	v7 =	vmax.f32 v7, v8  }
0x3d6: {  	vm14 =	vge.f32 v6, v7  }
0x3d7: {  	v6 =	vnsel vm14, $0x10, v4  }
0x3d8: {  	v7 =	vperm.xlane v6, v0;
	_ =	sdelay $0x1  }
0x3d9: {  	vm0 =	vlt.s32 v6, v7  }
0x3da: {  	v6 =	vsel vm0, v6, v7  }
0x3db: {  	v7 =	vperm.xlane v6, v1;
	_ =	sdelay $0x1  }
0x3dc: {  	vm0 =	vlt.s32 v6, v7  }
0x3dd: {  	v6 =	vsel vm0, v6, v7  }
0x3de: {  	v7 =	vperm.xlane v6, v2;
	_ =	sdelay $0x1  }
0x3df: {  	vm0 =	vlt.s32 v6, v7  }
0x3e0: {  	v6 =	vsel vm0, v6, v7  }
0x3e1: {  	v7 =	vperm.xlane v6, v3;
	_ =	sdelay $0x1  }
0x3e2: {  	vm0 =	vlt.s32 v6, v7  }
0x3e3: {  	v6 =	vsel vm0, v6, v7  }
0x3e4: {  	vm0 =	veq.s32 v6, v4  }
0x3e5: {  	v5 =	vnsel vm0, $0x0, v5  }
0x3e6: {  	[tilespmem:s23+$0xFFFFFFA0] =	vst v5  }
0x3e7: {  	v5 =	vld [tilespmem:s24+$0xFFFFFFB0];
	_ =	sdelay $0x4  }
0x3e8: {  	v6 =	vand.u32 $0x7FFFFFFF, v5  }
0x3e9: {  	v7 =	vperm.xlane v6, v0;
	_ =	sdelay $0x1  }
0x3ea: {  	v7 =	vmax.f32 v6, v7  }
0x3eb: {  	v51 =	vperm.xlane v7, v1;
	_ =	sdelay $0x1  }
0x3ec: {  	v7 =	vmax.f32 v7, v51  }
0x3ed: {  	v8 =	vperm.xlane v7, v2;
	_ =	sdelay $0x1  }
0x3ee: {  	v7 =	vmax.f32 v7, v8  }
0x3ef: {  	v8 =	vperm.xlane v7, v3;
	_ =	sdelay $0x1  }
0x3f0: {  	v7 =	vmax.f32 v7, v8  }
0x3f1: {  	vm15 =	vge.f32 v6, v7  }
0x3f2: {  	v6 =	vnsel vm15, $0x10, v4  }
0x3f3: {  	v7 =	vperm.xlane v6, v0;
	_ =	sdelay $0x1  }
0x3f4: {  	vm0 =	vlt.s32 v6, v7  }
0x3f5: {  	v6 =	vsel vm0, v6, v7  }
0x3f6: {  	v7 =	vperm.xlane v6, v1;
	_ =	sdelay $0x1  }
0x3f7: {  	vm0 =	vlt.s32 v6, v7  }
0x3f8: {  	v6 =	vsel vm0, v6, v7  }
0x3f9: {  	v7 =	vperm.xlane v6, v2;
	_ =	sdelay $0x1  }
0x3fa: {  	vm0 =	vlt.s32 v6, v7  }
0x3fb: {  	v6 =	vsel vm0, v6, v7  }
0x3fc: {  	v7 =	vperm.xlane v6, v3;
	_ =	sdelay $0x1  }
0x3fd: {  	vm0 =	vlt.s32 v6, v7  }
0x3fe: {  	v6 =	vsel vm0, v6, v7  }
0x3ff: {  	vm0 =	veq.s32 v6, v4  }
0x400: {  	v5 =	vnsel vm0, $0x0, v5  }
0x401: {  	[tilespmem:s23+$0xFFFFFFB0] =	vst v5  }
0x402: {  	v5 =	vld [tilespmem:s24+$0xFFFFFFC0];
	_ =	sdelay $0x4  }
0x403: {  	v6 =	vand.u32 $0x7FFFFFFF, v5  }
0x404: {  	v7 =	vperm.xlane v6, v0;
	_ =	sdelay $0x1  }
0x405: {  	v7 =	vmax.f32 v6, v7  }
0x406: {  	v52 =	vperm.xlane v7, v1;
	_ =	sdelay $0x1  }
0x407: {  	v7 =	vmax.f32 v7, v52  }
0x408: {  	v8 =	vperm.xlane v7, v2;
	_ =	sdelay $0x1  }
0x409: {  	v7 =	vmax.f32 v7, v8  }
0x40a: {  	v8 =	vperm.xlane v7, v3;
	_ =	sdelay $0x1  }
0x40b: {  	v7 =	vmax.f32 v7, v8  }
0x40c: {  	vm4 =	vge.f32 v6, v7  }
0x40d: {  	v6 =	vnsel vm4, $0x10, v4  }
0x40e: {  	v7 =	vperm.xlane v6, v0;
	_ =	sdelay $0x1  }
0x40f: {  	vm0 =	vlt.s32 v6, v7  }
0x410: {  	v6 =	vsel vm0, v6, v7  }
0x411: {  	v7 =	vperm.xlane v6, v1;
	_ =	sdelay $0x1  }
0x412: {  	vm0 =	vlt.s32 v6, v7  }
0x413: {  	v6 =	vsel vm0, v6, v7  }
0x414: {  	v7 =	vperm.xlane v6, v2;
	_ =	sdelay $0x1  }
0x415: {  	vm0 =	vlt.s32 v6, v7  }
0x416: {  	v6 =	vsel vm0, v6, v7  }
0x417: {  	v7 =	vperm.xlane v6, v3;
	_ =	sdelay $0x1  }
0x418: {  	vm0 =	vlt.s32 v6, v7  }
0x419: {  	v6 =	vsel vm0, v6, v7  }
0x41a: {  	vm0 =	veq.s32 v6, v4  }
0x41b: {  	v5 =	vnsel vm0, $0x0, v5  }
0x41c: {  	[tilespmem:s23+$0xFFFFFFC0] =	vst v5  }
0x41d: {  	v5 =	vld [tilespmem:s24+$0xFFFFFFD0];
	_ =	sdelay $0x4  }
0x41e: {  	v6 =	vand.u32 $0x7FFFFFFF, v5  }
0x41f: {  	v7 =	vperm.xlane v6, v0;
	_ =	sdelay $0x1  }
0x420: {  	v7 =	vmax.f32 v6, v7  }
0x421: {  	v53 =	vperm.xlane v7, v1;
	_ =	sdelay $0x1  }
0x422: {  	v7 =	vmax.f32 v7, v53  }
0x423: {  	v8 =	vperm.xlane v7, v2;
	_ =	sdelay $0x1  }
0x424: {  	v7 =	vmax.f32 v7, v8  }
0x425: {  	v8 =	vperm.xlane v7, v3;
	_ =	sdelay $0x1  }
0x426: {  	v7 =	vmax.f32 v7, v8  }
0x427: {  	vm5 =	vge.f32 v6, v7  }
0x428: {  	v6 =	vnsel vm5, $0x10, v4  }
0x429: {  	v7 =	vperm.xlane v6, v0;
	_ =	sdelay $0x1  }
0x42a: {  	vm0 =	vlt.s32 v6, v7  }
0x42b: {  	v6 =	vsel vm0, v6, v7  }
0x42c: {  	v7 =	vperm.xlane v6, v1;
	_ =	sdelay $0x1  }
0x42d: {  	vm0 =	vlt.s32 v6, v7  }
0x42e: {  	v6 =	vsel vm0, v6, v7  }
0x42f: {  	v7 =	vperm.xlane v6, v2;
	_ =	sdelay $0x1  }
0x430: {  	vm0 =	vlt.s32 v6, v7  }
0x431: {  	v6 =	vsel vm0, v6, v7  }
0x432: {  	v7 =	vperm.xlane v6, v3;
	_ =	sdelay $0x1  }
0x433: {  	vm0 =	vlt.s32 v6, v7  }
0x434: {  	v6 =	vsel vm0, v6, v7  }
0x435: {  	vm0 =	veq.s32 v6, v4  }
0x436: {  	v5 =	vnsel vm0, $0x0, v5  }
0x437: {  	[tilespmem:s23+$0xFFFFFFD0] =	vst v5  }
0x438: {  	v5 =	vld [tilespmem:s24+$0xFFFFFFE0];
	_ =	sdelay $0x4  }
0x439: {  	v6 =	vand.u32 $0x7FFFFFFF, v5  }
0x43a: {  	v7 =	vperm.xlane v6, v0;
	_ =	sdelay $0x1  }
0x43b: {  	v7 =	vmax.f32 v6, v7  }
0x43c: {  	v54 =	vperm.xlane v7, v1;
	_ =	sdelay $0x1  }
0x43d: {  	v7 =	vmax.f32 v7, v54  }
0x43e: {  	v8 =	vperm.xlane v7, v2;
	_ =	sdelay $0x1  }
0x43f: {  	v7 =	vmax.f32 v7, v8  }
0x440: {  	v8 =	vperm.xlane v7, v3;
	_ =	sdelay $0x1  }
0x441: {  	v7 =	vmax.f32 v7, v8  }
0x442: {  	vm6 =	vge.f32 v6, v7  }
0x443: {  	v6 =	vnsel vm6, $0x10, v4  }
0x444: {  	v7 =	vperm.xlane v6, v0;
	_ =	sdelay $0x1  }
0x445: {  	vm0 =	vlt.s32 v6, v7  }
0x446: {  	v6 =	vsel vm0, v6, v7  }
0x447: {  	v7 =	vperm.xlane v6, v1;
	_ =	sdelay $0x1  }
0x448: {  	vm0 =	vlt.s32 v6, v7  }
0x449: {  	v6 =	vsel vm0, v6, v7  }
0x44a: {  	v7 =	vperm.xlane v6, v2;
	_ =	sdelay $0x1  }
0x44b: {  	vm0 =	vlt.s32 v6, v7  }
0x44c: {  	v6 =	vsel vm0, v6, v7  }
0x44d: {  	v7 =	vperm.xlane v6, v3;
	_ =	sdelay $0x1  }
0x44e: {  	vm0 =	vlt.s32 v6, v7  }
0x44f: {  	v6 =	vsel vm0, v6, v7  }
0x450: {  	vm0 =	veq.s32 v6, v4  }
0x451: {  	v5 =	vnsel vm0, $0x0, v5  }
0x452: {  	[tilespmem:s23+$0xFFFFFFE0] =	vst v5  }
0x453: {  	v5 =	vld [tilespmem:s24+$0xFFFFFFF0];
	_ =	sdelay $0x4  }
0x454: {  	v6 =	vand.u32 $0x7FFFFFFF, v5  }
0x455: {  	v7 =	vperm.xlane v6, v0;
	_ =	sdelay $0x1  }
0x456: {  	v7 =	vmax.f32 v6, v7  }
0x457: {  	v55 =	vperm.xlane v7, v1;
	_ =	sdelay $0x1  }
0x458: {  	v7 =	vmax.f32 v7, v55  }
0x459: {  	v8 =	vperm.xlane v7, v2;
	_ =	sdelay $0x1  }
0x45a: {  	v7 =	vmax.f32 v7, v8  }
0x45b: {  	v8 =	vperm.xlane v7, v3;
	_ =	sdelay $0x1  }
0x45c: {  	v7 =	vmax.f32 v7, v8  }
0x45d: {  	vm7 =	vge.f32 v6, v7  }
0x45e: {  	v6 =	vnsel vm7, $0x10, v4  }
0x45f: {  	v7 =	vperm.xlane v6, v0;
	_ =	sdelay $0x1  }
0x460: {  	vm0 =	vlt.s32 v6, v7  }
0x461: {  	v6 =	vsel vm0, v6, v7  }
0x462: {  	v7 =	vperm.xlane v6, v1;
	_ =	sdelay $0x1  }
0x463: {  	vm0 =	vlt.s32 v6, v7  }
0x464: {  	v6 =	vsel vm0, v6, v7  }
0x465: {  	v7 =	vperm.xlane v6, v2;
	_ =	sdelay $0x1  }
0x466: {  	vm0 =	vlt.s32 v6, v7  }
0x467: {  	v6 =	vsel vm0, v6, v7  }
0x468: {  	v7 =	vperm.xlane v6, v3;
	_ =	sdelay $0x1  }
0x469: {  	vm0 =	vlt.s32 v6, v7  }
0x46a: {  	v6 =	vsel vm0, v6, v7  }
0x46b: {  	vm0 =	veq.s32 v6, v4  }
0x46c: {  	v5 =	vnsel vm0, $0x0, v5  }
0x46d: {  	[tilespmem:s23+$0xFFFFFFF0] =	vst v5  }
0x46e: {  	v5 =	vld [tilespmem:s24+$0x0];
	_ =	sdelay $0x4  }
0x46f: {  	v6 =	vand.u32 $0x7FFFFFFF, v5  }
0x470: {  	v7 =	vperm.xlane v6, v0;
	_ =	sdelay $0x1  }
0x471: {  	v7 =	vmax.f32 v6, v7  }
0x472: {  	v56 =	vperm.xlane v7, v1;
	_ =	sdelay $0x1  }
0x473: {  	v7 =	vmax.f32 v7, v56  }
0x474: {  	v8 =	vperm.xlane v7, v2;
	_ =	sdelay $0x1  }
0x475: {  	v7 =	vmax.f32 v7, v8  }
0x476: {  	v8 =	vperm.xlane v7, v3;
	_ =	sdelay $0x1  }
0x477: {  	v7 =	vmax.f32 v7, v8  }
0x478: {  	vm8 =	vge.f32 v6, v7  }
0x479: {  	v6 =	vnsel vm8, $0x10, v4  }
0x47a: {  	v7 =	vperm.xlane v6, v0;
	_ =	sdelay $0x1  }
0x47b: {  	vm0 =	vlt.s32 v6, v7  }
0x47c: {  	v6 =	vsel vm0, v6, v7  }
0x47d: {  	v7 =	vperm.xlane v6, v1;
	_ =	sdelay $0x1  }
0x47e: {  	vm0 =	vlt.s32 v6, v7  }
0x47f: {  	v6 =	vsel vm0, v6, v7  }
0x480: {  	v7 =	vperm.xlane v6, v2;
	_ =	sdelay $0x1  }
0x481: {  	vm0 =	vlt.s32 v6, v7  }
0x482: {  	v6 =	vsel vm0, v6, v7  }
0x483: {  	v7 =	vperm.xlane v6, v3;
	_ =	sdelay $0x1  }
0x484: {  	vm0 =	vlt.s32 v6, v7  }
0x485: {  	v6 =	vsel vm0, v6, v7  }
0x486: {  	vm0 =	veq.s32 v6, v4  }
0x487: {  	v5 =	vnsel vm0, $0x0, v5  }
0x488: {  	[tilespmem:s23+$0x0] =	vst v5  }
0x489: {  	v5 =	vld [tilespmem:s24+$0x10];
	_ =	sdelay $0x4  }
0x48a: {  	v6 =	vand.u32 $0x7FFFFFFF, v5  }
0x48b: {  	v7 =	vperm.xlane v6, v0;
	_ =	sdelay $0x1  }
0x48c: {  	v7 =	vmax.f32 v6, v7  }
0x48d: {  	v57 =	vperm.xlane v7, v1;
	_ =	sdelay $0x1  }
0x48e: {  	v7 =	vmax.f32 v7, v57  }
0x48f: {  	v8 =	vperm.xlane v7, v2;
	_ =	sdelay $0x1  }
0x490: {  	v7 =	vmax.f32 v7, v8  }
0x491: {  	v8 =	vperm.xlane v7, v3;
	_ =	sdelay $0x1  }
0x492: {  	v7 =	vmax.f32 v7, v8  }
0x493: {  	vm9 =	vge.f32 v6, v7  }
0x494: {  	v6 =	vnsel vm9, $0x10, v4  }
0x495: {  	v7 =	vperm.xlane v6, v0;
	_ =	sdelay $0x1  }
0x496: {  	vm0 =	vlt.s32 v6, v7  }
0x497: {  	v6 =	vsel vm0, v6, v7  }
0x498: {  	v7 =	vperm.xlane v6, v1;
	_ =	sdelay $0x1  }
0x499: {  	vm0 =	vlt.s32 v6, v7  }
0x49a: {  	v6 =	vsel vm0, v6, v7  }
0x49b: {  	v7 =	vperm.xlane v6, v2;
	_ =	sdelay $0x1  }
0x49c: {  	vm0 =	vlt.s32 v6, v7  }
0x49d: {  	v6 =	vsel vm0, v6, v7  }
0x49e: {  	v7 =	vperm.xlane v6, v3;
	_ =	sdelay $0x1  }
0x49f: {  	vm0 =	vlt.s32 v6, v7  }
0x4a0: {  	v6 =	vsel vm0, v6, v7  }
0x4a1: {  	vm0 =	veq.s32 v6, v4  }
0x4a2: {  	v5 =	vnsel vm0, $0x0, v5  }
0x4a3: {  	[tilespmem:s23+$0x10] =	vst v5  }
0x4a4: {  	v5 =	vld [tilespmem:s24+$0x20];
	_ =	sdelay $0x4  }
0x4a5: {  	v6 =	vand.u32 $0x7FFFFFFF, v5  }
0x4a6: {  	v7 =	vperm.xlane v6, v0;
	_ =	sdelay $0x1  }
0x4a7: {  	v7 =	vmax.f32 v6, v7  }
0x4a8: {  	v58 =	vperm.xlane v7, v1;
	_ =	sdelay $0x1  }
0x4a9: {  	v7 =	vmax.f32 v7, v58  }
0x4aa: {  	v8 =	vperm.xlane v7, v2;
	_ =	sdelay $0x1  }
0x4ab: {  	v7 =	vmax.f32 v7, v8  }
0x4ac: {  	v8 =	vperm.xlane v7, v3;
	_ =	sdelay $0x1  }
0x4ad: {  	v7 =	vmax.f32 v7, v8  }
0x4ae: {  	vm10 =	vge.f32 v6, v7  }
0x4af: {  	v6 =	vnsel vm10, $0x10, v4  }
0x4b0: {  	v7 =	vperm.xlane v6, v0;
	_ =	sdelay $0x1  }
0x4b1: {  	vm0 =	vlt.s32 v6, v7  }
0x4b2: {  	v6 =	vsel vm0, v6, v7  }
0x4b3: {  	v7 =	vperm.xlane v6, v1;
	_ =	sdelay $0x1  }
0x4b4: {  	vm0 =	vlt.s32 v6, v7  }
0x4b5: {  	v6 =	vsel vm0, v6, v7  }
0x4b6: {  	v7 =	vperm.xlane v6, v2;
	_ =	sdelay $0x1  }
0x4b7: {  	vm0 =	vlt.s32 v6, v7  }
0x4b8: {  	v6 =	vsel vm0, v6, v7  }
0x4b9: {  	v7 =	vperm.xlane v6, v3;
	_ =	sdelay $0x1  }
0x4ba: {  	vm0 =	vlt.s32 v6, v7  }
0x4bb: {  	v6 =	vsel vm0, v6, v7  }
0x4bc: {  	vm0 =	veq.s32 v6, v4  }
0x4bd: {  	v5 =	vnsel vm0, $0x0, v5  }
0x4be: {  	[tilespmem:s23+$0x20] =	vst v5  }
0x4bf: {  	v5 =	vld [tilespmem:s24+$0x30];
	_ =	sdelay $0x4  }
0x4c0: {  	v6 =	vand.u32 $0x7FFFFFFF, v5  }
0x4c1: {  	v7 =	vperm.xlane v6, v0;
	_ =	sdelay $0x1  }
0x4c2: {  	v7 =	vmax.f32 v6, v7  }
0x4c3: {  	v59 =	vperm.xlane v7, v1;
	_ =	sdelay $0x1  }
0x4c4: {  	v7 =	vmax.f32 v7, v59  }
0x4c5: {  	v8 =	vperm.xlane v7, v2;
	_ =	sdelay $0x1  }
0x4c6: {  	v7 =	vmax.f32 v7, v8  }
0x4c7: {  	v8 =	vperm.xlane v7, v3;
	_ =	sdelay $0x1  }
0x4c8: {  	v7 =	vmax.f32 v7, v8  }
0x4c9: {  	vm11 =	vge.f32 v6, v7  }
0x4ca: {  	v6 =	vnsel vm11, $0x10, v4  }
0x4cb: {  	v7 =	vperm.xlane v6, v0;
	_ =	sdelay $0x1  }
0x4cc: {  	vm0 =	vlt.s32 v6, v7  }
0x4cd: {  	v6 =	vsel vm0, v6, v7  }
0x4ce: {  	v7 =	vperm.xlane v6, v1;
	_ =	sdelay $0x1  }
0x4cf: {  	vm0 =	vlt.s32 v6, v7  }
0x4d0: {  	v6 =	vsel vm0, v6, v7  }
0x4d1: {  	v7 =	vperm.xlane v6, v2;
	_ =	sdelay $0x1  }
0x4d2: {  	vm0 =	vlt.s32 v6, v7  }
0x4d3: {  	v6 =	vsel vm0, v6, v7  }
0x4d4: {  	v7 =	vperm.xlane v6, v3;
	_ =	sdelay $0x1  }
0x4d5: {  	vm0 =	vlt.s32 v6, v7  }
0x4d6: {  	v6 =	vsel vm0, v6, v7  }
0x4d7: {  	vm0 =	veq.s32 v6, v4  }
0x4d8: {  	v5 =	vnsel vm0, $0x0, v5  }
0x4d9: {  	[tilespmem:s23+$0x30] =	vst v5  }
0x4da: {  	v5 =	vld [tilespmem:s24+$0x40];
	_ =	sdelay $0x4  }
0x4db: {  	v6 =	vand.u32 $0x7FFFFFFF, v5  }
0x4dc: {  	v7 =	vperm.xlane v6, v0;
	_ =	sdelay $0x1  }
0x4dd: {  	v7 =	vmax.f32 v6, v7  }
0x4de: {  	v60 =	vperm.xlane v7, v1;
	_ =	sdelay $0x1  }
0x4df: {  	v7 =	vmax.f32 v7, v60  }
0x4e0: {  	v8 =	vperm.xlane v7, v2;
	_ =	sdelay $0x1  }
0x4e1: {  	v7 =	vmax.f32 v7, v8  }
0x4e2: {  	v8 =	vperm.xlane v7, v3;
	_ =	sdelay $0x1  }
0x4e3: {  	v7 =	vmax.f32 v7, v8  }
0x4e4: {  	vm12 =	vge.f32 v6, v7  }
0x4e5: {  	v6 =	vnsel vm12, $0x10, v4  }
0x4e6: {  	v7 =	vperm.xlane v6, v0;
	_ =	sdelay $0x1  }
0x4e7: {  	vm0 =	vlt.s32 v6, v7  }
0x4e8: {  	v6 =	vsel vm0, v6, v7  }
0x4e9: {  	v7 =	vperm.xlane v6, v1;
	_ =	sdelay $0x1  }
0x4ea: {  	vm0 =	vlt.s32 v6, v7  }
0x4eb: {  	v6 =	vsel vm0, v6, v7  }
0x4ec: {  	v7 =	vperm.xlane v6, v2;
	_ =	sdelay $0x1  }
0x4ed: {  	vm0 =	vlt.s32 v6, v7  }
0x4ee: {  	v6 =	vsel vm0, v6, v7  }
0x4ef: {  	v7 =	vperm.xlane v6, v3;
	_ =	sdelay $0x1  }
0x4f0: {  	vm0 =	vlt.s32 v6, v7  }
0x4f1: {  	v6 =	vsel vm0, v6, v7  }
0x4f2: {  	vm0 =	veq.s32 v6, v4  }
0x4f3: {  	v5 =	vnsel vm0, $0x0, v5  }
0x4f4: {  	[tilespmem:s23+$0x40] =	vst v5  }
0x4f5: {  	v5 =	vld [tilespmem:s24+$0x50];
	_ =	sdelay $0x4  }
0x4f6: {  	v6 =	vand.u32 $0x7FFFFFFF, v5  }
0x4f7: {  	v7 =	vperm.xlane v6, v0;
	_ =	sdelay $0x1  }
0x4f8: {  	v7 =	vmax.f32 v6, v7  }
0x4f9: {  	v61 =	vperm.xlane v7, v1;
	_ =	sdelay $0x1  }
0x4fa: {  	v7 =	vmax.f32 v7, v61  }
0x4fb: {  	v8 =	vperm.xlane v7, v2;
	_ =	sdelay $0x1  }
0x4fc: {  	v7 =	vmax.f32 v7, v8  }
0x4fd: {  	v8 =	vperm.xlane v7, v3;
	_ =	sdelay $0x1  }
0x4fe: {  	v7 =	vmax.f32 v7, v8  }
0x4ff: {  	vm13 =	vge.f32 v6, v7  }
0x500: {  	v6 =	vnsel vm13, $0x10, v4  }
0x501: {  	v7 =	vperm.xlane v6, v0;
	_ =	sdelay $0x1  }
0x502: {  	vm0 =	vlt.s32 v6, v7  }
0x503: {  	v6 =	vsel vm0, v6, v7  }
0x504: {  	v7 =	vperm.xlane v6, v1;
	_ =	sdelay $0x1  }
0x505: {  	vm0 =	vlt.s32 v6, v7  }
0x506: {  	v6 =	vsel vm0, v6, v7  }
0x507: {  	v7 =	vperm.xlane v6, v2;
	_ =	sdelay $0x1  }
0x508: {  	vm0 =	vlt.s32 v6, v7  }
0x509: {  	v6 =	vsel vm0, v6, v7  }
0x50a: {  	v7 =	vperm.xlane v6, v3;
	_ =	sdelay $0x1  }
0x50b: {  	vm0 =	vlt.s32 v6, v7  }
0x50c: {  	v6 =	vsel vm0, v6, v7  }
0x50d: {  	vm0 =	veq.s32 v6, v4  }
0x50e: {  	v5 =	vnsel vm0, $0x0, v5  }
0x50f: {  	[tilespmem:s23+$0x50] =	vst v5  }
0x510: {  	v5 =	vld [tilespmem:s24+$0x60];
	_ =	sdelay $0x4  }
0x511: {  	v6 =	vand.u32 $0x7FFFFFFF, v5  }
0x512: {  	v7 =	vperm.xlane v6, v0;
	_ =	sdelay $0x1  }
0x513: {  	v7 =	vmax.f32 v6, v7  }
0x514: {  	v62 =	vperm.xlane v7, v1;
	_ =	sdelay $0x1  }
0x515: {  	v7 =	vmax.f32 v7, v62  }
0x516: {  	v8 =	vperm.xlane v7, v2;
	_ =	sdelay $0x1  }
0x517: {  	v7 =	vmax.f32 v7, v8  }
0x518: {  	v8 =	vperm.xlane v7, v3;
	_ =	sdelay $0x1  }
0x519: {  	v7 =	vmax.f32 v7, v8  }
0x51a: {  	vm14 =	vge.f32 v6, v7  }
0x51b: {  	v6 =	vnsel vm14, $0x10, v4  }
0x51c: {  	v7 =	vperm.xlane v6, v0;
	_ =	sdelay $0x1  }
0x51d: {  	vm0 =	vlt.s32 v6, v7  }
0x51e: {  	v6 =	vsel vm0, v6, v7  }
0x51f: {  	v7 =	vperm.xlane v6, v1;
	_ =	sdelay $0x1  }
0x520: {  	vm0 =	vlt.s32 v6, v7  }
0x521: {  	v6 =	vsel vm0, v6, v7  }
0x522: {  	v7 =	vperm.xlane v6, v2;
	_ =	sdelay $0x1  }
0x523: {  	vm0 =	vlt.s32 v6, v7  }
0x524: {  	v6 =	vsel vm0, v6, v7  }
0x525: {  	v7 =	vperm.xlane v6, v3;
	_ =	sdelay $0x1  }
0x526: {  	vm0 =	vlt.s32 v6, v7  }
0x527: {  	v6 =	vsel vm0, v6, v7  }
0x528: {  	vm0 =	veq.s32 v6, v4  }
0x529: {  	v5 =	vnsel vm0, $0x0, v5  }
0x52a: {  	[tilespmem:s23+$0x60] =	vst v5  }
0x52b: {  	v5 =	vld [tilespmem:s24+$0x70];
	_ =	sdelay $0x4  }
0x52c: {  	v6 =	vand.u32 $0x7FFFFFFF, v5  }
0x52d: {  	v7 =	vperm.xlane v6, v0;
	_ =	sdelay $0x1  }
0x52e: {  	v7 =	vmax.f32 v6, v7  }
0x52f: {  	v63 =	vperm.xlane v7, v1;
	_ =	sdelay $0x1  }
0x530: {  	v7 =	vmax.f32 v7, v63  }
0x531: {  	v8 =	vperm.xlane v7, v2;
	_ =	sdelay $0x1  }
0x532: {  	v7 =	vmax.f32 v7, v8  }
0x533: {  	v8 =	vperm.xlane v7, v3;
	_ =	sdelay $0x1  }
0x534: {  	v7 =	vmax.f32 v7, v8  }
0x535: {  	vm15 =	vge.f32 v6, v7  }
0x536: {  	v6 =	vnsel vm15, $0x10, v4  }
0x537: {  	v7 =	vperm.xlane v6, v0;
	_ =	sdelay $0x1  }
0x538: {  	vm0 =	vlt.s32 v6, v7  }
0x539: {  	v6 =	vsel vm0, v6, v7  }
0x53a: {  	v7 =	vperm.xlane v6, v1;
	_ =	sdelay $0x1  }
0x53b: {  	vm0 =	vlt.s32 v6, v7  }
0x53c: {  	v6 =	vsel vm0, v6, v7  }
0x53d: {  	v7 =	vperm.xlane v6, v2;
	_ =	sdelay $0x1  }
0x53e: {  	vm0 =	vlt.s32 v6, v7  }
0x53f: {  	v6 =	vsel vm0, v6, v7  }
0x540: {  	v7 =	vperm.xlane v6, v3;
	_ =	sdelay $0x1  }
0x541: {  	vm0 =	vlt.s32 v6, v7  }
0x542: {  	v6 =	vsel vm0, v6, v7  }
0x543: {  	vm0 =	veq.s32 v6, v4  }
0x544: {  	v5 =	vnsel vm0, $0x0, v5  }
0x545: {  	s25 =	simm.s32 $0x4180;
	s24 =	simm.s32 $0x0;
	[tilespmem:s23+$0x70] =	vst v5  }
.LBB2_9:
0x546: {  	v5 =	vld [tilespmem:s25+$0xFFFFFF80];
	s24 =	sadd.s32 $0x10, s24  }
0x547: {  	p0 =	slt.u32 s24, $0x3F0;
	_ =	sdelay $0x3  }
0x548: {  	v6 =	vand.u32 $0x7FFFFFFF, v5  }
0x549: {  	v7 =	vperm.xlane v6, v0;
	_ =	sdelay $0x1  }
0x54a: {  	v7 =	vmax.f32 v6, v7  }
0x54b: {  	v8 =	vperm.xlane v7, v1;
	_ =	sdelay $0x1  }
0x54c: {  	v7 =	vmax.f32 v7, v8  }
0x54d: {  	v8 =	vperm.xlane v7, v2;
	_ =	sdelay $0x1  }
0x54e: {  	v7 =	vmax.f32 v7, v8  }
0x54f: {  	v8 =	vperm.xlane v7, v3;
	_ =	sdelay $0x1  }
0x550: {  	v7 =	vmax.f32 v7, v8  }
0x551: {  	vm0 =	vge.f32 v6, v7  }
0x552: {  	v6 =	vnsel vm0, $0x10, v4  }
0x553: {  	v7 =	vperm.xlane v6, v0;
	_ =	sdelay $0x1  }
0x554: {  	vm0 =	vlt.s32 v6, v7  }
0x555: {  	v6 =	vsel vm0, v6, v7  }
0x556: {  	v7 =	vperm.xlane v6, v1;
	_ =	sdelay $0x1  }
0x557: {  	vm0 =	vlt.s32 v6, v7  }
0x558: {  	v6 =	vsel vm0, v6, v7  }
0x559: {  	v7 =	vperm.xlane v6, v2;
	_ =	sdelay $0x1  }
0x55a: {  	vm0 =	vlt.s32 v6, v7  }
0x55b: {  	v6 =	vsel vm0, v6, v7  }
0x55c: {  	v7 =	vperm.xlane v6, v3;
	_ =	sdelay $0x1  }
0x55d: {  	vm0 =	vlt.s32 v6, v7  }
0x55e: {  	v6 =	vsel vm0, v6, v7  }
0x55f: {  	vm0 =	veq.s32 v6, v4  }
0x560: {  	s23 =	sadd.s32 $0x100, s23;
	v5 =	vnsel vm0, $0x0, v5  }
0x561: {  	[tilespmem:s23+$0xFFFFFF80] =	vst v5  }
0x562: {  	v5 =	vld [tilespmem:s25+$0xFFFFFF90];
	_ =	sdelay $0x4  }
0x563: {  	v6 =	vand.u32 $0x7FFFFFFF, v5  }
0x564: {  	v7 =	vperm.xlane v6, v0;
	_ =	sdelay $0x1  }
0x565: {  	v7 =	vmax.f32 v6, v7  }
0x566: {  	v8 =	vperm.xlane v7, v1;
	_ =	sdelay $0x1  }
0x567: {  	v7 =	vmax.f32 v7, v8  }
0x568: {  	v8 =	vperm.xlane v7, v2;
	_ =	sdelay $0x1  }
0x569: {  	v7 =	vmax.f32 v7, v8  }
0x56a: {  	v8 =	vperm.xlane v7, v3;
	_ =	sdelay $0x1  }
0x56b: {  	v7 =	vmax.f32 v7, v8  }
0x56c: {  	vm0 =	vge.f32 v6, v7  }
0x56d: {  	v6 =	vnsel vm0, $0x10, v4  }
0x56e: {  	v7 =	vperm.xlane v6, v0;
	_ =	sdelay $0x1  }
0x56f: {  	vm0 =	vlt.s32 v6, v7  }
0x570: {  	v6 =	vsel vm0, v6, v7  }
0x571: {  	v7 =	vperm.xlane v6, v1;
	_ =	sdelay $0x1  }
0x572: {  	vm0 =	vlt.s32 v6, v7  }
0x573: {  	v6 =	vsel vm0, v6, v7  }
0x574: {  	v7 =	vperm.xlane v6, v2;
	_ =	sdelay $0x1  }
0x575: {  	vm0 =	vlt.s32 v6, v7  }
0x576: {  	v6 =	vsel vm0, v6, v7  }
0x577: {  	v7 =	vperm.xlane v6, v3;
	_ =	sdelay $0x1  }
0x578: {  	vm0 =	vlt.s32 v6, v7  }
0x579: {  	v6 =	vsel vm0, v6, v7  }
0x57a: {  	vm0 =	veq.s32 v6, v4  }
0x57b: {  	v5 =	vnsel vm0, $0x0, v5  }
0x57c: {  	[tilespmem:s23+$0xFFFFFF90] =	vst v5  }
0x57d: {  	v5 =	vld [tilespmem:s25+$0xFFFFFFA0];
	_ =	sdelay $0x4  }
0x57e: {  	v6 =	vand.u32 $0x7FFFFFFF, v5  }
0x57f: {  	v7 =	vperm.xlane v6, v0;
	_ =	sdelay $0x1  }
0x580: {  	v7 =	vmax.f32 v6, v7  }
0x581: {  	v8 =	vperm.xlane v7, v1;
	_ =	sdelay $0x1  }
0x582: {  	v7 =	vmax.f32 v7, v8  }
0x583: {  	v8 =	vperm.xlane v7, v2;
	_ =	sdelay $0x1  }
0x584: {  	v7 =	vmax.f32 v7, v8  }
0x585: {  	v8 =	vperm.xlane v7, v3;
	_ =	sdelay $0x1  }
0x586: {  	v7 =	vmax.f32 v7, v8  }
0x587: {  	vm0 =	vge.f32 v6, v7  }
0x588: {  	v6 =	vnsel vm0, $0x10, v4  }
0x589: {  	v7 =	vperm.xlane v6, v0;
	_ =	sdelay $0x1  }
0x58a: {  	vm0 =	vlt.s32 v6, v7  }
0x58b: {  	v6 =	vsel vm0, v6, v7  }
0x58c: {  	v7 =	vperm.xlane v6, v1;
	_ =	sdelay $0x1  }
0x58d: {  	vm0 =	vlt.s32 v6, v7  }
0x58e: {  	v6 =	vsel vm0, v6, v7  }
0x58f: {  	v7 =	vperm.xlane v6, v2;
	_ =	sdelay $0x1  }
0x590: {  	vm0 =	vlt.s32 v6, v7  }
0x591: {  	v6 =	vsel vm0, v6, v7  }
0x592: {  	v7 =	vperm.xlane v6, v3;
	_ =	sdelay $0x1  }
0x593: {  	vm0 =	vlt.s32 v6, v7  }
0x594: {  	v6 =	vsel vm0, v6, v7  }
0x595: {  	vm0 =	veq.s32 v6, v4  }
0x596: {  	v5 =	vnsel vm0, $0x0, v5  }
0x597: {  	[tilespmem:s23+$0xFFFFFFA0] =	vst v5  }
0x598: {  	v5 =	vld [tilespmem:s25+$0xFFFFFFB0];
	_ =	sdelay $0x4  }
0x599: {  	v6 =	vand.u32 $0x7FFFFFFF, v5  }
0x59a: {  	v7 =	vperm.xlane v6, v0;
	_ =	sdelay $0x1  }
0x59b: {  	v7 =	vmax.f32 v6, v7  }
0x59c: {  	v8 =	vperm.xlane v7, v1;
	_ =	sdelay $0x1  }
0x59d: {  	v7 =	vmax.f32 v7, v8  }
0x59e: {  	v8 =	vperm.xlane v7, v2;
	_ =	sdelay $0x1  }
0x59f: {  	v7 =	vmax.f32 v7, v8  }
0x5a0: {  	v8 =	vperm.xlane v7, v3;
	_ =	sdelay $0x1  }
0x5a1: {  	v7 =	vmax.f32 v7, v8  }
0x5a2: {  	vm0 =	vge.f32 v6, v7  }
0x5a3: {  	v6 =	vnsel vm0, $0x10, v4  }
0x5a4: {  	v7 =	vperm.xlane v6, v0;
	_ =	sdelay $0x1  }
0x5a5: {  	vm0 =	vlt.s32 v6, v7  }
0x5a6: {  	v6 =	vsel vm0, v6, v7  }
0x5a7: {  	v7 =	vperm.xlane v6, v1;
	_ =	sdelay $0x1  }
0x5a8: {  	vm0 =	vlt.s32 v6, v7  }
0x5a9: {  	v6 =	vsel vm0, v6, v7  }
0x5aa: {  	v7 =	vperm.xlane v6, v2;
	_ =	sdelay $0x1  }
0x5ab: {  	vm0 =	vlt.s32 v6, v7  }
0x5ac: {  	v6 =	vsel vm0, v6, v7  }
0x5ad: {  	v7 =	vperm.xlane v6, v3;
	_ =	sdelay $0x1  }
0x5ae: {  	vm0 =	vlt.s32 v6, v7  }
0x5af: {  	v6 =	vsel vm0, v6, v7  }
0x5b0: {  	vm0 =	veq.s32 v6, v4  }
0x5b1: {  	v5 =	vnsel vm0, $0x0, v5  }
0x5b2: {  	[tilespmem:s23+$0xFFFFFFB0] =	vst v5  }
0x5b3: {  	v5 =	vld [tilespmem:s25+$0xFFFFFFC0];
	_ =	sdelay $0x4  }
0x5b4: {  	v6 =	vand.u32 $0x7FFFFFFF, v5  }
0x5b5: {  	v7 =	vperm.xlane v6, v0;
	_ =	sdelay $0x1  }
0x5b6: {  	v7 =	vmax.f32 v6, v7  }
0x5b7: {  	v8 =	vperm.xlane v7, v1;
	_ =	sdelay $0x1  }
0x5b8: {  	v7 =	vmax.f32 v7, v8  }
0x5b9: {  	v8 =	vperm.xlane v7, v2;
	_ =	sdelay $0x1  }
0x5ba: {  	v7 =	vmax.f32 v7, v8  }
0x5bb: {  	v8 =	vperm.xlane v7, v3;
	_ =	sdelay $0x1  }
0x5bc: {  	v7 =	vmax.f32 v7, v8  }
0x5bd: {  	vm0 =	vge.f32 v6, v7  }
0x5be: {  	v6 =	vnsel vm0, $0x10, v4  }
0x5bf: {  	v7 =	vperm.xlane v6, v0;
	_ =	sdelay $0x1  }
0x5c0: {  	vm0 =	vlt.s32 v6, v7  }
0x5c1: {  	v6 =	vsel vm0, v6, v7  }
0x5c2: {  	v7 =	vperm.xlane v6, v1;
	_ =	sdelay $0x1  }
0x5c3: {  	vm0 =	vlt.s32 v6, v7  }
0x5c4: {  	v6 =	vsel vm0, v6, v7  }
0x5c5: {  	v7 =	vperm.xlane v6, v2;
	_ =	sdelay $0x1  }
0x5c6: {  	vm0 =	vlt.s32 v6, v7  }
0x5c7: {  	v6 =	vsel vm0, v6, v7  }
0x5c8: {  	v7 =	vperm.xlane v6, v3;
	_ =	sdelay $0x1  }
0x5c9: {  	vm0 =	vlt.s32 v6, v7  }
0x5ca: {  	v6 =	vsel vm0, v6, v7  }
0x5cb: {  	vm0 =	veq.s32 v6, v4  }
0x5cc: {  	v5 =	vnsel vm0, $0x0, v5  }
0x5cd: {  	[tilespmem:s23+$0xFFFFFFC0] =	vst v5  }
0x5ce: {  	v5 =	vld [tilespmem:s25+$0xFFFFFFD0];
	_ =	sdelay $0x4  }
0x5cf: {  	v6 =	vand.u32 $0x7FFFFFFF, v5  }
0x5d0: {  	v7 =	vperm.xlane v6, v0;
	_ =	sdelay $0x1  }
0x5d1: {  	v7 =	vmax.f32 v6, v7  }
0x5d2: {  	v8 =	vperm.xlane v7, v1;
	_ =	sdelay $0x1  }
0x5d3: {  	v7 =	vmax.f32 v7, v8  }
0x5d4: {  	v8 =	vperm.xlane v7, v2;
	_ =	sdelay $0x1  }
0x5d5: {  	v7 =	vmax.f32 v7, v8  }
0x5d6: {  	v8 =	vperm.xlane v7, v3;
	_ =	sdelay $0x1  }
0x5d7: {  	v7 =	vmax.f32 v7, v8  }
0x5d8: {  	vm0 =	vge.f32 v6, v7  }
0x5d9: {  	v6 =	vnsel vm0, $0x10, v4  }
0x5da: {  	v7 =	vperm.xlane v6, v0;
	_ =	sdelay $0x1  }
0x5db: {  	vm0 =	vlt.s32 v6, v7  }
0x5dc: {  	v6 =	vsel vm0, v6, v7  }
0x5dd: {  	v7 =	vperm.xlane v6, v1;
	_ =	sdelay $0x1  }
0x5de: {  	vm0 =	vlt.s32 v6, v7  }
0x5df: {  	v6 =	vsel vm0, v6, v7  }
0x5e0: {  	v7 =	vperm.xlane v6, v2;
	_ =	sdelay $0x1  }
0x5e1: {  	vm0 =	vlt.s32 v6, v7  }
0x5e2: {  	v6 =	vsel vm0, v6, v7  }
0x5e3: {  	v7 =	vperm.xlane v6, v3;
	_ =	sdelay $0x1  }
0x5e4: {  	vm0 =	vlt.s32 v6, v7  }
0x5e5: {  	v6 =	vsel vm0, v6, v7  }
0x5e6: {  	vm0 =	veq.s32 v6, v4  }
0x5e7: {  	v5 =	vnsel vm0, $0x0, v5  }
0x5e8: {  	[tilespmem:s23+$0xFFFFFFD0] =	vst v5  }
0x5e9: {  	v5 =	vld [tilespmem:s25+$0xFFFFFFE0];
	_ =	sdelay $0x4  }
0x5ea: {  	v6 =	vand.u32 $0x7FFFFFFF, v5  }
0x5eb: {  	v7 =	vperm.xlane v6, v0;
	_ =	sdelay $0x1  }
0x5ec: {  	v7 =	vmax.f32 v6, v7  }
0x5ed: {  	v8 =	vperm.xlane v7, v1;
	_ =	sdelay $0x1  }
0x5ee: {  	v7 =	vmax.f32 v7, v8  }
0x5ef: {  	v8 =	vperm.xlane v7, v2;
	_ =	sdelay $0x1  }
0x5f0: {  	v7 =	vmax.f32 v7, v8  }
0x5f1: {  	v8 =	vperm.xlane v7, v3;
	_ =	sdelay $0x1  }
0x5f2: {  	v7 =	vmax.f32 v7, v8  }
0x5f3: {  	vm0 =	vge.f32 v6, v7  }
0x5f4: {  	v6 =	vnsel vm0, $0x10, v4  }
0x5f5: {  	v7 =	vperm.xlane v6, v0;
	_ =	sdelay $0x1  }
0x5f6: {  	vm0 =	vlt.s32 v6, v7  }
0x5f7: {  	v6 =	vsel vm0, v6, v7  }
0x5f8: {  	v7 =	vperm.xlane v6, v1;
	_ =	sdelay $0x1  }
0x5f9: {  	vm0 =	vlt.s32 v6, v7  }
0x5fa: {  	v6 =	vsel vm0, v6, v7  }
0x5fb: {  	v7 =	vperm.xlane v6, v2;
	_ =	sdelay $0x1  }
0x5fc: {  	vm0 =	vlt.s32 v6, v7  }
0x5fd: {  	v6 =	vsel vm0, v6, v7  }
0x5fe: {  	v7 =	vperm.xlane v6, v3;
	_ =	sdelay $0x1  }
0x5ff: {  	vm0 =	vlt.s32 v6, v7  }
0x600: {  	v6 =	vsel vm0, v6, v7  }
0x601: {  	vm0 =	veq.s32 v6, v4  }
0x602: {  	v5 =	vnsel vm0, $0x0, v5  }
0x603: {  	[tilespmem:s23+$0xFFFFFFE0] =	vst v5  }
0x604: {  	v5 =	vld [tilespmem:s25+$0xFFFFFFF0];
	_ =	sdelay $0x4  }
0x605: {  	v6 =	vand.u32 $0x7FFFFFFF, v5  }
0x606: {  	v7 =	vperm.xlane v6, v0;
	_ =	sdelay $0x1  }
0x607: {  	v7 =	vmax.f32 v6, v7  }
0x608: {  	v8 =	vperm.xlane v7, v1;
	_ =	sdelay $0x1  }
0x609: {  	v7 =	vmax.f32 v7, v8  }
0x60a: {  	v8 =	vperm.xlane v7, v2;
	_ =	sdelay $0x1  }
0x60b: {  	v7 =	vmax.f32 v7, v8  }
0x60c: {  	v8 =	vperm.xlane v7, v3;
	_ =	sdelay $0x1  }
0x60d: {  	v7 =	vmax.f32 v7, v8  }
0x60e: {  	vm0 =	vge.f32 v6, v7  }
0x60f: {  	v6 =	vnsel vm0, $0x10, v4  }
0x610: {  	v7 =	vperm.xlane v6, v0;
	_ =	sdelay $0x1  }
0x611: {  	vm0 =	vlt.s32 v6, v7  }
0x612: {  	v6 =	vsel vm0, v6, v7  }
0x613: {  	v7 =	vperm.xlane v6, v1;
	_ =	sdelay $0x1  }
0x614: {  	vm0 =	vlt.s32 v6, v7  }
0x615: {  	v6 =	vsel vm0, v6, v7  }
0x616: {  	v7 =	vperm.xlane v6, v2;
	_ =	sdelay $0x1  }
0x617: {  	vm0 =	vlt.s32 v6, v7  }
0x618: {  	v6 =	vsel vm0, v6, v7  }
0x619: {  	v7 =	vperm.xlane v6, v3;
	_ =	sdelay $0x1  }
0x61a: {  	vm0 =	vlt.s32 v6, v7  }
0x61b: {  	v6 =	vsel vm0, v6, v7  }
0x61c: {  	vm0 =	veq.s32 v6, v4  }
0x61d: {  	v5 =	vnsel vm0, $0x0, v5  }
0x61e: {  	[tilespmem:s23+$0xFFFFFFF0] =	vst v5  }
0x61f: {  	v5 =	vld [tilespmem:s25+$0x0];
	_ =	sdelay $0x4  }
0x620: {  	v6 =	vand.u32 $0x7FFFFFFF, v5  }
0x621: {  	v7 =	vperm.xlane v6, v0;
	_ =	sdelay $0x1  }
0x622: {  	v7 =	vmax.f32 v6, v7  }
0x623: {  	v8 =	vperm.xlane v7, v1;
	_ =	sdelay $0x1  }
0x624: {  	v7 =	vmax.f32 v7, v8  }
0x625: {  	v8 =	vperm.xlane v7, v2;
	_ =	sdelay $0x1  }
0x626: {  	v7 =	vmax.f32 v7, v8  }
0x627: {  	v8 =	vperm.xlane v7, v3;
	_ =	sdelay $0x1  }
0x628: {  	v7 =	vmax.f32 v7, v8  }
0x629: {  	vm0 =	vge.f32 v6, v7  }
0x62a: {  	v6 =	vnsel vm0, $0x10, v4  }
0x62b: {  	v7 =	vperm.xlane v6, v0;
	_ =	sdelay $0x1  }
0x62c: {  	vm0 =	vlt.s32 v6, v7  }
0x62d: {  	v6 =	vsel vm0, v6, v7  }
0x62e: {  	v7 =	vperm.xlane v6, v1;
	_ =	sdelay $0x1  }
0x62f: {  	vm0 =	vlt.s32 v6, v7  }
0x630: {  	v6 =	vsel vm0, v6, v7  }
0x631: {  	v7 =	vperm.xlane v6, v2;
	_ =	sdelay $0x1  }
0x632: {  	vm0 =	vlt.s32 v6, v7  }
0x633: {  	v6 =	vsel vm0, v6, v7  }
0x634: {  	v7 =	vperm.xlane v6, v3;
	_ =	sdelay $0x1  }
0x635: {  	vm0 =	vlt.s32 v6, v7  }
0x636: {  	v6 =	vsel vm0, v6, v7  }
0x637: {  	vm0 =	veq.s32 v6, v4  }
0x638: {  	v5 =	vnsel vm0, $0x0, v5  }
0x639: {  	[tilespmem:s23+$0x0] =	vst v5  }
0x63a: {  	v5 =	vld [tilespmem:s25+$0x10];
	_ =	sdelay $0x4  }
0x63b: {  	v6 =	vand.u32 $0x7FFFFFFF, v5  }
0x63c: {  	v7 =	vperm.xlane v6, v0;
	_ =	sdelay $0x1  }
0x63d: {  	v7 =	vmax.f32 v6, v7  }
0x63e: {  	v8 =	vperm.xlane v7, v1;
	_ =	sdelay $0x1  }
0x63f: {  	v7 =	vmax.f32 v7, v8  }
0x640: {  	v8 =	vperm.xlane v7, v2;
	_ =	sdelay $0x1  }
0x641: {  	v7 =	vmax.f32 v7, v8  }
0x642: {  	v8 =	vperm.xlane v7, v3;
	_ =	sdelay $0x1  }
0x643: {  	v7 =	vmax.f32 v7, v8  }
0x644: {  	vm0 =	vge.f32 v6, v7  }
0x645: {  	v6 =	vnsel vm0, $0x10, v4  }
0x646: {  	v7 =	vperm.xlane v6, v0;
	_ =	sdelay $0x1  }
0x647: {  	vm0 =	vlt.s32 v6, v7  }
0x648: {  	v6 =	vsel vm0, v6, v7  }
0x649: {  	v7 =	vperm.xlane v6, v1;
	_ =	sdelay $0x1  }
0x64a: {  	vm0 =	vlt.s32 v6, v7  }
0x64b: {  	v6 =	vsel vm0, v6, v7  }
0x64c: {  	v7 =	vperm.xlane v6, v2;
	_ =	sdelay $0x1  }
0x64d: {  	vm0 =	vlt.s32 v6, v7  }
0x64e: {  	v6 =	vsel vm0, v6, v7  }
0x64f: {  	v7 =	vperm.xlane v6, v3;
	_ =	sdelay $0x1  }
0x650: {  	vm0 =	vlt.s32 v6, v7  }
0x651: {  	v6 =	vsel vm0, v6, v7  }
0x652: {  	vm0 =	veq.s32 v6, v4  }
0x653: {  	v5 =	vnsel vm0, $0x0, v5  }
0x654: {  	[tilespmem:s23+$0x10] =	vst v5  }
0x655: {  	v5 =	vld [tilespmem:s25+$0x20];
	_ =	sdelay $0x4  }
0x656: {  	v6 =	vand.u32 $0x7FFFFFFF, v5  }
0x657: {  	v7 =	vperm.xlane v6, v0;
	_ =	sdelay $0x1  }
0x658: {  	v7 =	vmax.f32 v6, v7  }
0x659: {  	v8 =	vperm.xlane v7, v1;
	_ =	sdelay $0x1  }
0x65a: {  	v7 =	vmax.f32 v7, v8  }
0x65b: {  	v8 =	vperm.xlane v7, v2;
	_ =	sdelay $0x1  }
0x65c: {  	v7 =	vmax.f32 v7, v8  }
0x65d: {  	v8 =	vperm.xlane v7, v3;
	_ =	sdelay $0x1  }
0x65e: {  	v7 =	vmax.f32 v7, v8  }
0x65f: {  	vm0 =	vge.f32 v6, v7  }
0x660: {  	v6 =	vnsel vm0, $0x10, v4  }
0x661: {  	v7 =	vperm.xlane v6, v0;
	_ =	sdelay $0x1  }
0x662: {  	vm0 =	vlt.s32 v6, v7  }
0x663: {  	v6 =	vsel vm0, v6, v7  }
0x664: {  	v7 =	vperm.xlane v6, v1;
	_ =	sdelay $0x1  }
0x665: {  	vm0 =	vlt.s32 v6, v7  }
0x666: {  	v6 =	vsel vm0, v6, v7  }
0x667: {  	v7 =	vperm.xlane v6, v2;
	_ =	sdelay $0x1  }
0x668: {  	vm0 =	vlt.s32 v6, v7  }
0x669: {  	v6 =	vsel vm0, v6, v7  }
0x66a: {  	v7 =	vperm.xlane v6, v3;
	_ =	sdelay $0x1  }
0x66b: {  	vm0 =	vlt.s32 v6, v7  }
0x66c: {  	v6 =	vsel vm0, v6, v7  }
0x66d: {  	vm0 =	veq.s32 v6, v4  }
0x66e: {  	v5 =	vnsel vm0, $0x0, v5  }
0x66f: {  	[tilespmem:s23+$0x20] =	vst v5  }
0x670: {  	v5 =	vld [tilespmem:s25+$0x30];
	_ =	sdelay $0x4  }
0x671: {  	v6 =	vand.u32 $0x7FFFFFFF, v5  }
0x672: {  	v7 =	vperm.xlane v6, v0;
	_ =	sdelay $0x1  }
0x673: {  	v7 =	vmax.f32 v6, v7  }
0x674: {  	v8 =	vperm.xlane v7, v1;
	_ =	sdelay $0x1  }
0x675: {  	v7 =	vmax.f32 v7, v8  }
0x676: {  	v8 =	vperm.xlane v7, v2;
	_ =	sdelay $0x1  }
0x677: {  	v7 =	vmax.f32 v7, v8  }
0x678: {  	v8 =	vperm.xlane v7, v3;
	_ =	sdelay $0x1  }
0x679: {  	v7 =	vmax.f32 v7, v8  }
0x67a: {  	vm0 =	vge.f32 v6, v7  }
0x67b: {  	v6 =	vnsel vm0, $0x10, v4  }
0x67c: {  	v7 =	vperm.xlane v6, v0;
	_ =	sdelay $0x1  }
0x67d: {  	vm0 =	vlt.s32 v6, v7  }
0x67e: {  	v6 =	vsel vm0, v6, v7  }
0x67f: {  	v7 =	vperm.xlane v6, v1;
	_ =	sdelay $0x1  }
0x680: {  	vm0 =	vlt.s32 v6, v7  }
0x681: {  	v6 =	vsel vm0, v6, v7  }
0x682: {  	v7 =	vperm.xlane v6, v2;
	_ =	sdelay $0x1  }
0x683: {  	vm0 =	vlt.s32 v6, v7  }
0x684: {  	v6 =	vsel vm0, v6, v7  }
0x685: {  	v7 =	vperm.xlane v6, v3;
	_ =	sdelay $0x1  }
0x686: {  	vm0 =	vlt.s32 v6, v7  }
0x687: {  	v6 =	vsel vm0, v6, v7  }
0x688: {  	vm0 =	veq.s32 v6, v4  }
0x689: {  	v5 =	vnsel vm0, $0x0, v5  }
0x68a: {  	[tilespmem:s23+$0x30] =	vst v5  }
0x68b: {  	v5 =	vld [tilespmem:s25+$0x40];
	_ =	sdelay $0x4  }
0x68c: {  	v6 =	vand.u32 $0x7FFFFFFF, v5  }
0x68d: {  	v7 =	vperm.xlane v6, v0;
	_ =	sdelay $0x1  }
0x68e: {  	v7 =	vmax.f32 v6, v7  }
0x68f: {  	v8 =	vperm.xlane v7, v1;
	_ =	sdelay $0x1  }
0x690: {  	v7 =	vmax.f32 v7, v8  }
0x691: {  	v8 =	vperm.xlane v7, v2;
	_ =	sdelay $0x1  }
0x692: {  	v7 =	vmax.f32 v7, v8  }
0x693: {  	v8 =	vperm.xlane v7, v3;
	_ =	sdelay $0x1  }
0x694: {  	v7 =	vmax.f32 v7, v8  }
0x695: {  	vm0 =	vge.f32 v6, v7  }
0x696: {  	v6 =	vnsel vm0, $0x10, v4  }
0x697: {  	v7 =	vperm.xlane v6, v0;
	_ =	sdelay $0x1  }
0x698: {  	vm0 =	vlt.s32 v6, v7  }
0x699: {  	v6 =	vsel vm0, v6, v7  }
0x69a: {  	v7 =	vperm.xlane v6, v1;
	_ =	sdelay $0x1  }
0x69b: {  	vm0 =	vlt.s32 v6, v7  }
0x69c: {  	v6 =	vsel vm0, v6, v7  }
0x69d: {  	v7 =	vperm.xlane v6, v2;
	_ =	sdelay $0x1  }
0x69e: {  	vm0 =	vlt.s32 v6, v7  }
0x69f: {  	v6 =	vsel vm0, v6, v7  }
0x6a0: {  	v7 =	vperm.xlane v6, v3;
	_ =	sdelay $0x1  }
0x6a1: {  	vm0 =	vlt.s32 v6, v7  }
0x6a2: {  	v6 =	vsel vm0, v6, v7  }
0x6a3: {  	vm0 =	veq.s32 v6, v4  }
0x6a4: {  	v5 =	vnsel vm0, $0x0, v5  }
0x6a5: {  	[tilespmem:s23+$0x40] =	vst v5  }
0x6a6: {  	v5 =	vld [tilespmem:s25+$0x50];
	_ =	sdelay $0x4  }
0x6a7: {  	v6 =	vand.u32 $0x7FFFFFFF, v5  }
0x6a8: {  	v7 =	vperm.xlane v6, v0;
	_ =	sdelay $0x1  }
0x6a9: {  	v7 =	vmax.f32 v6, v7  }
0x6aa: {  	v8 =	vperm.xlane v7, v1;
	_ =	sdelay $0x1  }
0x6ab: {  	v7 =	vmax.f32 v7, v8  }
0x6ac: {  	v8 =	vperm.xlane v7, v2;
	_ =	sdelay $0x1  }
0x6ad: {  	v7 =	vmax.f32 v7, v8  }
0x6ae: {  	v8 =	vperm.xlane v7, v3;
	_ =	sdelay $0x1  }
0x6af: {  	v7 =	vmax.f32 v7, v8  }
0x6b0: {  	vm0 =	vge.f32 v6, v7  }
0x6b1: {  	v6 =	vnsel vm0, $0x10, v4  }
0x6b2: {  	v7 =	vperm.xlane v6, v0;
	_ =	sdelay $0x1  }
0x6b3: {  	vm0 =	vlt.s32 v6, v7  }
0x6b4: {  	v6 =	vsel vm0, v6, v7  }
0x6b5: {  	v7 =	vperm.xlane v6, v1;
	_ =	sdelay $0x1  }
0x6b6: {  	vm0 =	vlt.s32 v6, v7  }
0x6b7: {  	v6 =	vsel vm0, v6, v7  }
0x6b8: {  	v7 =	vperm.xlane v6, v2;
	_ =	sdelay $0x1  }
0x6b9: {  	vm0 =	vlt.s32 v6, v7  }
0x6ba: {  	v6 =	vsel vm0, v6, v7  }
0x6bb: {  	v7 =	vperm.xlane v6, v3;
	_ =	sdelay $0x1  }
0x6bc: {  	vm0 =	vlt.s32 v6, v7  }
0x6bd: {  	v6 =	vsel vm0, v6, v7  }
0x6be: {  	vm0 =	veq.s32 v6, v4  }
0x6bf: {  	v5 =	vnsel vm0, $0x0, v5  }
0x6c0: {  	[tilespmem:s23+$0x50] =	vst v5  }
0x6c1: {  	v5 =	vld [tilespmem:s25+$0x60];
	_ =	sdelay $0x4  }
0x6c2: {  	v6 =	vand.u32 $0x7FFFFFFF, v5  }
0x6c3: {  	v7 =	vperm.xlane v6, v0;
	_ =	sdelay $0x1  }
0x6c4: {  	v7 =	vmax.f32 v6, v7  }
0x6c5: {  	v8 =	vperm.xlane v7, v1;
	_ =	sdelay $0x1  }
0x6c6: {  	v7 =	vmax.f32 v7, v8  }
0x6c7: {  	v8 =	vperm.xlane v7, v2;
	_ =	sdelay $0x1  }
0x6c8: {  	v7 =	vmax.f32 v7, v8  }
0x6c9: {  	v8 =	vperm.xlane v7, v3;
	_ =	sdelay $0x1  }
0x6ca: {  	v7 =	vmax.f32 v7, v8  }
0x6cb: {  	vm0 =	vge.f32 v6, v7  }
0x6cc: {  	v6 =	vnsel vm0, $0x10, v4  }
0x6cd: {  	v7 =	vperm.xlane v6, v0;
	_ =	sdelay $0x1  }
0x6ce: {  	vm0 =	vlt.s32 v6, v7  }
0x6cf: {  	v6 =	vsel vm0, v6, v7  }
0x6d0: {  	v7 =	vperm.xlane v6, v1;
	_ =	sdelay $0x1  }
0x6d1: {  	vm0 =	vlt.s32 v6, v7  }
0x6d2: {  	v6 =	vsel vm0, v6, v7  }
0x6d3: {  	v7 =	vperm.xlane v6, v2;
	_ =	sdelay $0x1  }
0x6d4: {  	vm0 =	vlt.s32 v6, v7  }
0x6d5: {  	v6 =	vsel vm0, v6, v7  }
0x6d6: {  	v7 =	vperm.xlane v6, v3;
	_ =	sdelay $0x1  }
0x6d7: {  	vm0 =	vlt.s32 v6, v7  }
0x6d8: {  	v6 =	vsel vm0, v6, v7  }
0x6d9: {  	vm0 =	veq.s32 v6, v4  }
0x6da: {  	v5 =	vnsel vm0, $0x0, v5  }
0x6db: {  	[tilespmem:s23+$0x60] =	vst v5  }
0x6dc: {  	v5 =	vld [tilespmem:s25+$0x70];
	_ =	sdelay $0x4  }
0x6dd: {  	v6 =	vand.u32 $0x7FFFFFFF, v5  }
0x6de: {  	v7 =	vperm.xlane v6, v0;
	_ =	sdelay $0x1  }
0x6df: {  	v7 =	vmax.f32 v6, v7  }
0x6e0: {  	v8 =	vperm.xlane v7, v1;
	_ =	sdelay $0x1  }
0x6e1: {  	v7 =	vmax.f32 v7, v8  }
0x6e2: {  	v8 =	vperm.xlane v7, v2;
	_ =	sdelay $0x1  }
0x6e3: {  	v7 =	vmax.f32 v7, v8  }
0x6e4: {  	v8 =	vperm.xlane v7, v3;
	_ =	sdelay $0x1  }
0x6e5: {  	v7 =	vmax.f32 v7, v8  }
0x6e6: {  	vm0 =	vge.f32 v6, v7  }
0x6e7: {  	v6 =	vnsel vm0, $0x10, v4  }
0x6e8: {  	v7 =	vperm.xlane v6, v0;
	_ =	sdelay $0x1  }
0x6e9: {  	vm0 =	vlt.s32 v6, v7  }
0x6ea: {  	v6 =	vsel vm0, v6, v7  }
0x6eb: {  	v7 =	vperm.xlane v6, v1;
	_ =	sdelay $0x1  }
0x6ec: {  	vm0 =	vlt.s32 v6, v7  }
0x6ed: {  	v6 =	vsel vm0, v6, v7  }
0x6ee: {  	v7 =	vperm.xlane v6, v2;
	_ =	sdelay $0x1  }
0x6ef: {  	vm0 =	vlt.s32 v6, v7  }
0x6f0: {  	v6 =	vsel vm0, v6, v7  }
0x6f1: {  	v7 =	vperm.xlane v6, v3;
	_ =	sdelay $0x1  }
.Ltmp6:
0x6f2: {  	vm0 =	vlt.s32 v6, v7;
	(pc) =	sbr.rel @p0 .LBB2_9-.Ltmp6, $4  }
0x6f3: {  	v6 =	vsel vm0, v6, v7  }
0x6f4: {  	vm0 =	veq.s32 v6, v4  }
0x6f5: {  	v5 =	vnsel vm0, $0x0, v5  }
0x6f6: {  	s25 =	sadd.s32 $0x100, s25;
	[tilespmem:s23+$0x70] =	vst v5  }
0x6f7: {  	p0 =	seq.s32 s21, $0x1F  }
.Ltmp7:
0x6f8: {  	_ = 	snop;
	(pc) =	sbr.rel @p0 .LBB2_12-.Ltmp7, $3  }
0x6f9: {  	_ =	sdelay $0x1  }
0x6fa: {  	s22 =	sadd.s32 s22, s9  }
0x6fb: {  	[hbm4b:s22+s11] =	stream.strided.scatter [tilespmem:s18], [sflag:$0x4], $0x4000, s12, s11, $0x38;
	[tilespmem:$0x10000] =	vst v63  }
0x6fc: {  	s21 =	sadd.s32 $0x1, s21  }
.Ltmp8:
0x6fd: {  	s22 =	sadd.s32 s5, s21;
	(pc) =	sbr.rel .LBB2_2-.Ltmp8, $4  }
0x6fe: {  	s23 =	sshll.u32 s21, $0x4;
	s22 =	sshll.u32 s22, $0xC  }
0x6ff: {  	s23 =	sand.u32 $0x70, s23;
	s22 =	sand.u32 $0x7F8000, s22  }
0x700: {  	s22 =	sor.u32 s22, s23  }
0x701: {  	s22 =	sadd.s32 s22, s6  }
.LBB2_13:
0x702: {  	_ =	sfence.sel $0x180000  }
0x703: {  	[bflag:$0x0] =	sbarrier.arrive $0xFFFF  }
0x704: {  	p0 =	sne.s32 s3, $0x0;
	_ =	strace $0x90000047  }
0x705: {  	s0 =	sadd.s32 @!p0 $0x100000, s1;
	[bflag:$0x2] =	sbarrier.arrive $0xFFFF  }
0x706: {  	[sflag:s0] =	ssyncadd.tile.s32 @!p0 $0x1;
	_ =	shalt  }
.Lfunc_end2:
_tile_overlayer_lowered:
.L_overlay_start_2:
0x707: {  	(tag) =	ssettag $0x2  }
0x708: {  	s0 =	rddreg [dreg:$0x0];
	s2 =	stileid.u32  }
0x709: {  	s1 =	rddreg [dreg:$0x1];
	p0 =	sne.s32 s2, $0x0  }
0x70a: {  	s3 =	rddreg [dreg:$0x2];
	[bflag:$0x3] =	sbarrier.arrive $0xFFFF;
	s2 =	simm.s32 @!p0 $0x1C05  }
0x70b: {  	[timem:s3], [sflag:s2] =	dma.local @!p0 [hbm:s0], s1  }
0x70c: {  	s0 =	simm.s32 @!p0 $0x5  }
0x70d: {  	_ =	swait.ge @!p0 [sflag:s0], s1  }
0x70e: {  	s1 =	ssub.s32 @!p0 $0x0, s1;
	[sflag:s0] =	ssyncset.done @!p0 $0x0  }
0x70f: {  	[sflag:s0] =	ssyncadd.s32 @!p0 s1  }
0x710: {  	[bflag:$0x3] =	sbarrier.arrive $0xFFFF  }
0x711: {  	_ =	shalt  }

</sc_bundles>
